<compile_context>
chip_gen: v7x
topology: tpu7x:2x2x1
jax: 0.10.2.dev20260603
libtpu: 0.0.44.dev20260713+nightly
codegen_flags: <defaults>
</compile_context>

<pallas_src>
import functools

import jax
import jax.numpy as jnp
from jax import lax
from jax.experimental import pallas as pl
from jax.experimental.pallas import tpu as pltpu
from jax.experimental.pallas import tpu_sc as plsc

B = 4
S = 2048
D = 1024
SCALE = 32.0

_INFO = plsc.get_sparse_core_info()
NC = _INFO.num_cores
NS = _INFO.num_subcores
NW = NC * NS
POS_PER_W = S // NW
PCHUNK = 8
ROWS = B * PCHUNK
NCHUNK = POS_PER_W // PCHUNK
NSLOT = 3
LANES = 16
JSTEPS = D // LANES


def _body(ids_hbm, tok_hbm, pos_hbm, out_hbm, idx_v, pos0, pos1, pos2,
          tok0, tok1, tok2, g0, g1, g2, p0s, p1s, p2s, s0s, s1s, s2s):
    wid = lax.axis_index("s") * NC + lax.axis_index("c")
    base = wid * POS_PER_W

    toks = (tok0, tok1, tok2)
    poss = (pos0, pos1, pos2)
    gsems = (g0, g1, g2)
    psems = (p0s, p1s, p2s)
    ssems = (s0s, s1s, s2s)

    for b in range(B):
        pltpu.sync_copy(ids_hbm.at[b, pl.ds(base, POS_PER_W)],
                        idx_v.at[b])

    def start_chunk(k):
        slot = k % NSLOT
        pcp = pltpu.async_copy(
            pos_hbm.at[pl.ds(base + k * PCHUNK, PCHUNK), :],
            poss[slot], psems[slot])
        gcps = []
        for b in range(B):
            gcps.append(pltpu.async_copy(
                tok_hbm.at[idx_v.at[b, pl.ds(k * PCHUNK, PCHUNK)]],
                toks[slot].at[pl.ds(b * PCHUNK, PCHUNK), :],
                gsems[slot]))
        return gcps + [pcp]

    def store_chunk(k):
        slot = k % NSLOT
        scps = []
        for b in range(B):
            scps.append(pltpu.async_copy(
                toks[slot].at[pl.ds(b * PCHUNK, PCHUNK), :],
                out_hbm.at[b, pl.ds(base + k * PCHUNK, PCHUNK), :],
                ssems[slot]))
        return scps

    def compute(k):
        slot = k % NSLOT
        tok = toks[slot]
        pos = poss[slot]

        def rloop(r, carry):
            @plsc.parallel_loop(0, JSTEPS, 1, unroll=4)
            def jbody(j):
                sl = pl.ds(j * LANES, LANES)
                p = pos[r, sl]
                for b in range(B):
                    tok[b * PCHUNK + r, sl] = tok[b * PCHUNK + r, sl] * SCALE + p

            return carry

        lax.fori_loop(0, PCHUNK, rloop, 0)

    inflight = [None] * NSLOT
    stores = [None] * NSLOT
    inflight[0] = start_chunk(0)
    inflight[1] = start_chunk(1)
    for k in range(NCHUNK):
        slot = k % NSLOT
        for cp in inflight[slot]:
            cp.wait()
        if k + 2 < NCHUNK:
            nslot = (k + 2) % NSLOT
            if stores[nslot] is not None:
                for cp in stores[nslot]:
                    cp.wait()
            inflight[nslot] = start_chunk(k + 2)
        compute(k)
        stores[slot] = store_chunk(k)
    for scps in stores:
        if scps is not None:
            for cp in scps:
                cp.wait()


@functools.partial(jax.jit, static_argnames=())
def kernel(input_ids, token_table, pos_table):
    mesh = plsc.VectorSubcoreMesh(core_axis_name="c", subcore_axis_name="s")
    run = pl.kernel(
        _body,
        mesh=mesh,
        out_type=jax.ShapeDtypeStruct((B, S, D), jnp.float32),
        scratch_types=[
            pltpu.VMEM((B, POS_PER_W), jnp.int32),
            pltpu.VMEM((PCHUNK, D), jnp.float32),
            pltpu.VMEM((PCHUNK, D), jnp.float32),
            pltpu.VMEM((PCHUNK, D), jnp.float32),
            pltpu.VMEM((ROWS, D), jnp.float32),
            pltpu.VMEM((ROWS, D), jnp.float32),
            pltpu.VMEM((ROWS, D), jnp.float32),
            pltpu.SemaphoreType.DMA,
            pltpu.SemaphoreType.DMA,
            pltpu.SemaphoreType.DMA,
            pltpu.SemaphoreType.DMA,
            pltpu.SemaphoreType.DMA,
            pltpu.SemaphoreType.DMA,
            pltpu.SemaphoreType.DMA,
            pltpu.SemaphoreType.DMA,
            pltpu.SemaphoreType.DMA,
        ],
    )
    return run(input_ids.astype(jnp.int32), token_table, pos_table)

# --- scband reference (transcript-rebuilt; emitter-appended) ---
"""Pipeline reference for scband-combined-embedding-34540126994739 (READ-ONLY COPY).

The authoritative reference and input builder live on the scoring server;
editing this copy changes nothing except your own understanding.
"""

import jax, jax.numpy as jnp
import numpy as np

VOCAB = 100000
D_MODEL = 1024
MAX_LEN = 8192
B = 4
S = 2048

def setup_inputs(seed: int = 0) -> dict:
    key = jax.random.key(seed)
    k1, k2, k3 = jax.random.split(key, 3)
    input_ids = jax.random.randint(k1, (B, S), 0, VOCAB)
    # TokenEmbedding weight (nn.Embedding init ~ N(0,1); scaled lookup by sqrt(d_model) in forward)
    token_table = jax.random.normal(k2, (VOCAB, D_MODEL), dtype=jnp.float32) * 0.02
    # LearnedPositionalEncoding weight, init N(0, 0.02)
    pos_table = jax.random.normal(k3, (MAX_LEN, D_MODEL), dtype=jnp.float32) * 0.02
    return {"input_ids": input_ids, "token_table": token_table, "pos_table": pos_table}

def reference(input_ids, token_table, pos_table):
    # CombinedEmbedding.forward: token embedding lookup (scaled by sqrt(d_model))
    # followed by additive learned positional encoding; dropout p=0.0 (identity).
    d_model = token_table.shape[1]
    tok = jnp.take(token_table, input_ids, axis=0) * jnp.sqrt(jnp.float32(d_model))
    seq_len = input_ids.shape[1]
    positions = jnp.arange(seq_len)
    pos_emb = jnp.take(pos_table, positions, axis=0)
    return tok + pos_emb[None, :, :]

if __name__ == "__main__":
    import jax
    _d = setup_inputs()
    print(jax.jit(kernel)(*tuple(_d.values())))

</pallas_src>

<mosaic_0001>
#map = affine_map<(d0, d1) -> (0, 0)>
#map1 = affine_map<(d0, d1) -> (0, 0, 0)>
module attributes {stable_mosaic.version = 14 : i64} {
  func.func @_body(%arg0: i32, %arg1: i32, %arg2: memref<4x2048xi32, #tpu.memory_space<hbm>>, %arg3: memref<100000x1024xf32, #tpu.memory_space<hbm>>, %arg4: memref<8192x1024xf32, #tpu.memory_space<hbm>>, %arg5: memref<4x2048x1024xf32, #tpu.memory_space<hbm>>, %arg6: memref<4x64xi32, #tpu.memory_space<vmem>>, %arg7: memref<8x1024xf32, #tpu.memory_space<vmem>>, %arg8: memref<8x1024xf32, #tpu.memory_space<vmem>>, %arg9: memref<8x1024xf32, #tpu.memory_space<vmem>>, %arg10: memref<32x1024xf32, #tpu.memory_space<vmem>>, %arg11: memref<32x1024xf32, #tpu.memory_space<vmem>>, %arg12: memref<32x1024xf32, #tpu.memory_space<vmem>>, %arg13: memref<!tpu.dma_semaphore, #tpu.memory_space<semaphore_mem>>, %arg14: memref<!tpu.dma_semaphore, #tpu.memory_space<semaphore_mem>>, %arg15: memref<!tpu.dma_semaphore, #tpu.memory_space<semaphore_mem>>, %arg16: memref<!tpu.dma_semaphore, #tpu.memory_space<semaphore_mem>>, %arg17: memref<!tpu.dma_semaphore, #tpu.memory_space<semaphore_mem>>, %arg18: memref<!tpu.dma_semaphore, #tpu.memory_space<semaphore_mem>>, %arg19: memref<!tpu.dma_semaphore, #tpu.memory_space<semaphore_mem>>, %arg20: memref<!tpu.dma_semaphore, #tpu.memory_space<semaphore_mem>>, %arg21: memref<!tpu.dma_semaphore, #tpu.memory_space<semaphore_mem>>) attributes {dimension_semantics = [#tpu.dimension_semantics<core_parallel>, #tpu.dimension_semantics<subcore_parallel>], iteration_bounds = array<i64: 2, 16>, scalar_prefetch = 0 : i64, scratch_operands = 16 : i64, tpu.core_type = #tpu.core_type<sc_vector_subcore>, window_params = [{transform_indices = #map}, {transform_indices = #map}, {transform_indices = #map}, {transform_indices = #map1}]} {
    %mul3A = arith.constant 2 : i32
    %mul3A_0 = arith.muli %arg1, %mul3A : i32
    %add3A = arith.addi %mul3A_0, %arg0 : i32
    %mul3A_1 = arith.constant 64 : i32
    %mul3A_2 = arith.muli %add3A, %mul3A_1 : i32
    %run_scoped3A = arith.constant 0 : i32
    %run_scoped3A_3 = arith.constant 0 : i32
    "tpu.region"() ({
      %run_scoped3A_1671 = tpu.sem_alloc : memref<!tpu.dma_semaphore, #tpu.memory_space<semaphore_mem>>
      %dma_start3A_1672 = arith.constant 0 : i32
      %dma_start3A_1673 = tpu.memref_slice %arg6[%run_scoped3A_3, %dma_start3A_1672] : memref<4x64xi32, #tpu.memory_space<vmem>> -> memref<1x64xi32, #tpu.memory_space<vmem>>
      %dma_start3A_1674 = tpu.memref_squeeze %dma_start3A_1673 : memref<1x64xi32, #tpu.memory_space<vmem>> -> memref<64xi32, #tpu.memory_space<vmem>>
      %dma_start3A_1675 = tpu.memref_slice %arg2[%run_scoped3A, %mul3A_2] : memref<4x2048xi32, #tpu.memory_space<hbm>> -> memref<1x64xi32, #tpu.memory_space<hbm>>
      %dma_start3A_1676 = tpu.memref_squeeze %dma_start3A_1675 : memref<1x64xi32, #tpu.memory_space<hbm>> -> memref<64xi32, #tpu.memory_space<hbm>>
      %dma_start3A_1677 = arith.constant 0 : i32
      %dma_start3A_1678 = tpu.memref_slice %arg6[%run_scoped3A_3, %dma_start3A_1677] : memref<4x64xi32, #tpu.memory_space<vmem>> -> memref<1x64xi32, #tpu.memory_space<vmem>>
      %dma_start3A_1679 = tpu.memref_squeeze %dma_start3A_1678 : memref<1x64xi32, #tpu.memory_space<vmem>> -> memref<64xi32, #tpu.memory_space<vmem>>
      %dma_start3A_1680 = tpu.memref_slice %arg2[%run_scoped3A, %mul3A_2] : memref<4x2048xi32, #tpu.memory_space<hbm>> -> memref<1x64xi32, #tpu.memory_space<hbm>>
      %dma_start3A_1681 = tpu.memref_squeeze %dma_start3A_1680 : memref<1x64xi32, #tpu.memory_space<hbm>> -> memref<64xi32, #tpu.memory_space<hbm>>
      tpu.enqueue_dma source(%dma_start3A_1681 : memref<64xi32, #tpu.memory_space<hbm>>) target(%dma_start3A_1679 : memref<64xi32, #tpu.memory_space<vmem>>) target_semaphore(%run_scoped3A_1671 : memref<!tpu.dma_semaphore, #tpu.memory_space<semaphore_mem>>)
      %dma_wait3A_1682 = arith.constant 0 : i32
      %dma_wait3A_1683 = tpu.memref_slice %arg6[%run_scoped3A_3, %dma_wait3A_1682] : memref<4x64xi32, #tpu.memory_space<vmem>> -> memref<1x64xi32, #tpu.memory_space<vmem>>
      %dma_wait3A_1684 = tpu.memref_squeeze %dma_wait3A_1683 : memref<1x64xi32, #tpu.memory_space<vmem>> -> memref<64xi32, #tpu.memory_space<vmem>>
      %dma_wait3A_1685 = tpu.memref_slice %arg2[%run_scoped3A, %mul3A_2] : memref<4x2048xi32, #tpu.memory_space<hbm>> -> memref<1x64xi32, #tpu.memory_space<hbm>>
      %dma_wait3A_1686 = tpu.memref_squeeze %dma_wait3A_1685 : memref<1x64xi32, #tpu.memory_space<hbm>> -> memref<64xi32, #tpu.memory_space<hbm>>
      %dma_wait3A_1687 = arith.constant 0 : i32
      %dma_wait3A_1688 = tpu.memref_slice %arg6[%run_scoped3A_3, %dma_wait3A_1687] : memref<4x64xi32, #tpu.memory_space<vmem>> -> memref<1x64xi32, #tpu.memory_space<vmem>>
      %dma_wait3A_1689 = tpu.memref_squeeze %dma_wait3A_1688 : memref<1x64xi32, #tpu.memory_space<vmem>> -> memref<64xi32, #tpu.memory_space<vmem>>
      %dma_wait3A_1690 = tpu.memref_slice %arg2[%run_scoped3A, %mul3A_2] : memref<4x2048xi32, #tpu.memory_space<hbm>> -> memref<1x64xi32, #tpu.memory_space<hbm>>
      %dma_wait3A_1691 = tpu.memref_squeeze %dma_wait3A_1690 : memref<1x64xi32, #tpu.memory_space<hbm>> -> memref<64xi32, #tpu.memory_space<hbm>>
      tpu.wait_dma2 semaphore(%run_scoped3A_1671 : memref<!tpu.dma_semaphore, #tpu.memory_space<semaphore_mem>>) src(%dma_wait3A_1691 : memref<64xi32, #tpu.memory_space<hbm>>) dst(%dma_wait3A_1689 : memref<64xi32, #tpu.memory_space<vmem>>)
      tpu.yield
    }) : () -> ()
    %run_scoped3A_4 = arith.constant 1 : i32
    %run_scoped3A_5 = arith.constant 1 : i32
    "tpu.region"() ({
      %run_scoped3A_1671 = tpu.sem_alloc : memref<!tpu.dma_semaphore, #tpu.memory_space<semaphore_mem>>
      %dma_start3A_1672 = arith.constant 0 : i32
      %dma_start3A_1673 = tpu.memref_slice %arg6[%run_scoped3A_5, %dma_start3A_1672] : memref<4x64xi32, #tpu.memory_space<vmem>> -> memref<1x64xi32, #tpu.memory_space<vmem>>
      %dma_start3A_1674 = tpu.memref_squeeze %dma_start3A_1673 : memref<1x64xi32, #tpu.memory_space<vmem>> -> memref<64xi32, #tpu.memory_space<vmem>>
      %dma_start3A_1675 = tpu.memref_slice %arg2[%run_scoped3A_4, %mul3A_2] : memref<4x2048xi32, #tpu.memory_space<hbm>> -> memref<1x64xi32, #tpu.memory_space<hbm>>
      %dma_start3A_1676 = tpu.memref_squeeze %dma_start3A_1675 : memref<1x64xi32, #tpu.memory_space<hbm>> -> memref<64xi32, #tpu.memory_space<hbm>>
      %dma_start3A_1677 = arith.constant 0 : i32
      %dma_start3A_1678 = tpu.memref_slice %arg6[%run_scoped3A_5, %dma_start3A_1677] : memref<4x64xi32, #tpu.memory_space<vmem>> -> memref<1x64xi32, #tpu.memory_space<vmem>>
      %dma_start3A_1679 = tpu.memref_squeeze %dma_start3A_1678 : memref<1x64xi32, #tpu.memory_space<vmem>> -> memref<64xi32, #tpu.memory_space<vmem>>
      %dma_start3A_1680 = tpu.memref_slice %arg2[%run_scoped3A_4, %mul3A_2] : memref<4x2048xi32, #tpu.memory_space<hbm>> -> memref<1x64xi32, #tpu.memory_space<hbm>>
      %dma_start3A_1681 = tpu.memref_squeeze %dma_start3A_1680 : memref<1x64xi32, #tpu.memory_space<hbm>> -> memref<64xi32, #tpu.memory_space<hbm>>
      tpu.enqueue_dma source(%dma_start3A_1681 : memref<64xi32, #tpu.memory_space<hbm>>) target(%dma_start3A_1679 : memref<64xi32, #tpu.memory_space<vmem>>) target_semaphore(%run_scoped3A_1671 : memref<!tpu.dma_semaphore, #tpu.memory_space<semaphore_mem>>)
      %dma_wait3A_1682 = arith.constant 0 : i32
      %dma_wait3A_1683 = tpu.memref_slice %arg6[%run_scoped3A_5, %dma_wait3A_1682] : memref<4x64xi32, #tpu.memory_space<vmem>> -> memref<1x64xi32, #tpu.memory_space<vmem>>
      %dma_wait3A_1684 = tpu.memref_squeeze %dma_wait3A_1683 : memref<1x64xi32, #tpu.memory_space<vmem>> -> memref<64xi32, #tpu.memory_space<vmem>>
      %dma_wait3A_1685 = tpu.memref_slice %arg2[%run_scoped3A_4, %mul3A_2] : memref<4x2048xi32, #tpu.memory_space<hbm>> -> memref<1x64xi32, #tpu.memory_space<hbm>>
      %dma_wait3A_1686 = tpu.memref_squeeze %dma_wait3A_1685 : memref<1x64xi32, #tpu.memory_space<hbm>> -> memref<64xi32, #tpu.memory_space<hbm>>
      %dma_wait3A_1687 = arith.constant 0 : i32
      %dma_wait3A_1688 = tpu.memref_slice %arg6[%run_scoped3A_5, %dma_wait3A_1687] : memref<4x64xi32, #tpu.memory_space<vmem>> -> memref<1x64xi32, #tpu.memory_space<vmem>>
      %dma_wait3A_1689 = tpu.memref_squeeze %dma_wait3A_1688 : memref<1x64xi32, #tpu.memory_space<vmem>> -> memref<64xi32, #tpu.memory_space<vmem>>
      %dma_wait3A_1690 = tpu.memref_slice %arg2[%run_scoped3A_4, %mul3A_2] : memref<4x2048xi32, #tpu.memory_space<hbm>> -> memref<1x64xi32, #tpu.memory_space<hbm>>
      %dma_wait3A_1691 = tpu.memref_squeeze %dma_wait3A_1690 : memref<1x64xi32, #tpu.memory_space<hbm>> -> memref<64xi32, #tpu.memory_space<hbm>>
      tpu.wait_dma2 semaphore(%run_scoped3A_1671 : memref<!tpu.dma_semaphore, #tpu.memory_space<semaphore_mem>>) src(%dma_wait3A_1691 : memref<64xi32, #tpu.memory_space<hbm>>) dst(%dma_wait3A_1689 : memref<64xi32, #tpu.memory_space<vmem>>)
      tpu.yield
    }) : () -> ()
    %run_scoped3A_6 = arith.constant 2 : i32
    %run_scoped3A_7 = arith.constant 2 : i32
    "tpu.region"() ({
      %run_scoped3A_1671 = tpu.sem_alloc : memref<!tpu.dma_semaphore, #tpu.memory_space<semaphore_mem>>
      %dma_start3A_1672 = arith.constant 0 : i32
      %dma_start3A_1673 = tpu.memref_slice %arg6[%run_scoped3A_7, %dma_start3A_1672] : memref<4x64xi32, #tpu.memory_space<vmem>> -> memref<1x64xi32, #tpu.memory_space<vmem>>
      %dma_start3A_1674 = tpu.memref_squeeze %dma_start3A_1673 : memref<1x64xi32, #tpu.memory_space<vmem>> -> memref<64xi32, #tpu.memory_space<vmem>>
      %dma_start3A_1675 = tpu.memref_slice %arg2[%run_scoped3A_6, %mul3A_2] : memref<4x2048xi32, #tpu.memory_space<hbm>> -> memref<1x64xi32, #tpu.memory_space<hbm>>
      %dma_start3A_1676 = tpu.memref_squeeze %dma_start3A_1675 : memref<1x64xi32, #tpu.memory_space<hbm>> -> memref<64xi32, #tpu.memory_space<hbm>>
      %dma_start3A_1677 = arith.constant 0 : i32
      %dma_start3A_1678 = tpu.memref_slice %arg6[%run_scoped3A_7, %dma_start3A_1677] : memref<4x64xi32, #tpu.memory_space<vmem>> -> memref<1x64xi32, #tpu.memory_space<vmem>>
      %dma_start3A_1679 = tpu.memref_squeeze %dma_start3A_1678 : memref<1x64xi32, #tpu.memory_space<vmem>> -> memref<64xi32, #tpu.memory_space<vmem>>
      %dma_start3A_1680 = tpu.memref_slice %arg2[%run_scoped3A_6, %mul3A_2] : memref<4x2048xi32, #tpu.memory_space<hbm>> -> memref<1x64xi32, #tpu.memory_space<hbm>>
      %dma_start3A_1681 = tpu.memref_squeeze %dma_start3A_1680 : memref<1x64xi32, #tpu.memory_space<hbm>> -> memref<64xi32, #tpu.memory_space<hbm>>
      tpu.enqueue_dma source(%dma_start3A_1681 : memref<64xi32, #tpu.memory_space<hbm>>) target(%dma_start3A_1679 : memref<64xi32, #tpu.memory_space<vmem>>) target_semaphore(%run_scoped3A_1671 : memref<!tpu.dma_semaphore, #tpu.memory_space<semaphore_mem>>)
      %dma_wait3A_1682 = arith.constant 0 : i32
      %dma_wait3A_1683 = tpu.memref_slice %arg6[%run_scoped3A_7, %dma_wait3A_1682] : memref<4x64xi32, #tpu.memory_space<vmem>> -> memref<1x64xi32, #tpu.memory_space<vmem>>
      %dma_wait3A_1684 = tpu.memref_squeeze %dma_wait3A_1683 : memref<1x64xi32, #tpu.memory_space<vmem>> -> memref<64xi32, #tpu.memory_space<vmem>>
      %dma_wait3A_1685 = tpu.memref_slice %arg2[%run_scoped3A_6, %mul3A_2] : memref<4x2048xi32, #tpu.memory_space<hbm>> -> memref<1x64xi32, #tpu.memory_space<hbm>>
      %dma_wait3A_1686 = tpu.memref_squeeze %dma_wait3A_1685 : memref<1x64xi32, #tpu.memory_space<hbm>> -> memref<64xi32, #tpu.memory_space<hbm>>
      %dma_wait3A_1687 = arith.constant 0 : i32
      %dma_wait3A_1688 = tpu.memref_slice %arg6[%run_scoped3A_7, %dma_wait3A_1687] : memref<4x64xi32, #tpu.memory_space<vmem>> -> memref<1x64xi32, #tpu.memory_space<vmem>>
      %dma_wait3A_1689 = tpu.memref_squeeze %dma_wait3A_1688 : memref<1x64xi32, #tpu.memory_space<vmem>> -> memref<64xi32, #tpu.memory_space<vmem>>
      %dma_wait3A_1690 = tpu.memref_slice %arg2[%run_scoped3A_6, %mul3A_2] : memref<4x2048xi32, #tpu.memory_space<hbm>> -> memref<1x64xi32, #tpu.memory_space<hbm>>
      %dma_wait3A_1691 = tpu.memref_squeeze %dma_wait3A_1690 : memref<1x64xi32, #tpu.memory_space<hbm>> -> memref<64xi32, #tpu.memory_space<hbm>>
      tpu.wait_dma2 semaphore(%run_scoped3A_1671 : memref<!tpu.dma_semaphore, #tpu.memory_space<semaphore_mem>>) src(%dma_wait3A_1691 : memref<64xi32, #tpu.memory_space<hbm>>) dst(%dma_wait3A_1689 : memref<64xi32, #tpu.memory_space<vmem>>)
      tpu.yield
    }) : () -> ()
    %run_scoped3A_8 = arith.constant 3 : i32
    %run_scoped3A_9 = arith.constant 3 : i32
    "tpu.region"() ({
      %run_scoped3A_1671 = tpu.sem_alloc : memref<!tpu.dma_semaphore, #tpu.memory_space<semaphore_mem>>
      %dma_start3A_1672 = arith.constant 0 : i32
      %dma_start3A_1673 = tpu.memref_slice %arg6[%run_scoped3A_9, %dma_start3A_1672] : memref<4x64xi32, #tpu.memory_space<vmem>> -> memref<1x64xi32, #tpu.memory_space<vmem>>
      %dma_start3A_1674 = tpu.memref_squeeze %dma_start3A_1673 : memref<1x64xi32, #tpu.memory_space<vmem>> -> memref<64xi32, #tpu.memory_space<vmem>>
      %dma_start3A_1675 = tpu.memref_slice %arg2[%run_scoped3A_8, %mul3A_2] : memref<4x2048xi32, #tpu.memory_space<hbm>> -> memref<1x64xi32, #tpu.memory_space<hbm>>
      %dma_start3A_1676 = tpu.memref_squeeze %dma_start3A_1675 : memref<1x64xi32, #tpu.memory_space<hbm>> -> memref<64xi32, #tpu.memory_space<hbm>>
      %dma_start3A_1677 = arith.constant 0 : i32
      %dma_start3A_1678 = tpu.memref_slice %arg6[%run_scoped3A_9, %dma_start3A_1677] : memref<4x64xi32, #tpu.memory_space<vmem>> -> memref<1x64xi32, #tpu.memory_space<vmem>>
      %dma_start3A_1679 = tpu.memref_squeeze %dma_start3A_1678 : memref<1x64xi32, #tpu.memory_space<vmem>> -> memref<64xi32, #tpu.memory_space<vmem>>
      %dma_start3A_1680 = tpu.memref_slice %arg2[%run_scoped3A_8, %mul3A_2] : memref<4x2048xi32, #tpu.memory_space<hbm>> -> memref<1x64xi32, #tpu.memory_space<hbm>>
      %dma_start3A_1681 = tpu.memref_squeeze %dma_start3A_1680 : memref<1x64xi32, #tpu.memory_space<hbm>> -> memref<64xi32, #tpu.memory_space<hbm>>
      tpu.enqueue_dma source(%dma_start3A_1681 : memref<64xi32, #tpu.memory_space<hbm>>) target(%dma_start3A_1679 : memref<64xi32, #tpu.memory_space<vmem>>) target_semaphore(%run_scoped3A_1671 : memref<!tpu.dma_semaphore, #tpu.memory_space<semaphore_mem>>)
      %dma_wait3A_1682 = arith.constant 0 : i32
      %dma_wait3A_1683 = tpu.memref_slice %arg6[%run_scoped3A_9, %dma_wait3A_1682] : memref<4x64xi32, #tpu.memory_space<vmem>> -> memref<1x64xi32, #tpu.memory_space<vmem>>
      %dma_wait3A_1684 = tpu.memref_squeeze %dma_wait3A_1683 : memref<1x64xi32, #tpu.memory_space<vmem>> -> memref<64xi32, #tpu.memory_space<vmem>>
      %dma_wait3A_1685 = tpu.memref_slice %arg2[%run_scoped3A_8, %mul3A_2] : memref<4x2048xi32, #tpu.memory_space<hbm>> -> memref<1x64xi32, #tpu.memory_space<hbm>>
      %dma_wait3A_1686 = tpu.memref_squeeze %dma_wait3A_1685 : memref<1x64xi32, #tpu.memory_space<hbm>> -> memref<64xi32, #tpu.memory_space<hbm>>
      %dma_wait3A_1687 = arith.constant 0 : i32
      %dma_wait3A_1688 = tpu.memref_slice %arg6[%run_scoped3A_9, %dma_wait3A_1687] : memref<4x64xi32, #tpu.memory_space<vmem>> -> memref<1x64xi32, #tpu.memory_space<vmem>>
      %dma_wait3A_1689 = tpu.memref_squeeze %dma_wait3A_1688 : memref<1x64xi32, #tpu.memory_space<vmem>> -> memref<64xi32, #tpu.memory_space<vmem>>
      %dma_wait3A_1690 = tpu.memref_slice %arg2[%run_scoped3A_8, %mul3A_2] : memref<4x2048xi32, #tpu.memory_space<hbm>> -> memref<1x64xi32, #tpu.memory_space<hbm>>
      %dma_wait3A_1691 = tpu.memref_squeeze %dma_wait3A_1690 : memref<1x64xi32, #tpu.memory_space<hbm>> -> memref<64xi32, #tpu.memory_space<hbm>>
      tpu.wait_dma2 semaphore(%run_scoped3A_1671 : memref<!tpu.dma_semaphore, #tpu.memory_space<semaphore_mem>>) src(%dma_wait3A_1691 : memref<64xi32, #tpu.memory_space<hbm>>) dst(%dma_wait3A_1689 : memref<64xi32, #tpu.memory_space<vmem>>)
      tpu.yield
    }) : () -> ()
    %add3A_10 = arith.constant 0 : i32
    %add3A_11 = arith.addi %mul3A_2, %add3A_10 : i32
    %dma_start3A = arith.constant 0 : i32
    %dma_start3A_12 = tpu.memref_slice %arg4[%add3A_11, %dma_start3A] : memref<8192x1024xf32, #tpu.memory_space<hbm>> -> memref<8x1024xf32, #tpu.memory_space<hbm>>
    %dma_start3A_13 = arith.constant 0 : i32
    %dma_start3A_14 = tpu.memref_slice %arg4[%add3A_11, %dma_start3A_13] : memref<8192x1024xf32, #tpu.memory_space<hbm>> -> memref<8x1024xf32, #tpu.memory_space<hbm>>
    tpu.enqueue_dma source(%dma_start3A_14 : memref<8x1024xf32, #tpu.memory_space<hbm>>) target(%arg7 : memref<8x1024xf32, #tpu.memory_space<vmem>>) target_semaphore(%arg16 : memref<!tpu.dma_semaphore, #tpu.memory_space<semaphore_mem>>)
    %dma_start3A_15 = arith.constant 0 : i32
    %dma_start3A_16 = arith.constant 0 : i32
    %dma_start3A_17 = arith.constant 0 : i32
    %dma_start3A_18 = tpu.memref_slice %arg10[%dma_start3A_16, %dma_start3A_17] : memref<32x1024xf32, #tpu.memory_space<vmem>> -> memref<8x1024xf32, #tpu.memory_space<vmem>>
    %dma_start3A_19 = arith.constant 0 : i32
    %dma_start3A_20 = tpu.memref_slice %arg6[%dma_start3A_15, %dma_start3A_19] : memref<4x64xi32, #tpu.memory_space<vmem>> -> memref<1x8xi32, #tpu.memory_space<vmem>>
    %dma_start3A_21 = tpu.memref_squeeze %dma_start3A_20 : memref<1x8xi32, #tpu.memory_space<vmem>> -> memref<8xi32, #tpu.memory_space<vmem>>
    %dma_start3A_22 = arith.constant 0 : i32
    %dma_start3A_23 = arith.constant 0 : i32
    %dma_start3A_24 = tpu.memref_slice %arg3[%dma_start3A_22, %dma_start3A_23] : memref<100000x1024xf32, #tpu.memory_space<hbm>> -> memref<100000x1024xf32, #tpu.memory_space<hbm>>
    tpu.enqueue_indirect_dma source(%dma_start3A_24 : memref<100000x1024xf32, #tpu.memory_space<hbm>>) target(%dma_start3A_18 : memref<8x1024xf32, #tpu.memory_space<vmem>>) offsets(%dma_start3A_21 : memref<8xi32, #tpu.memory_space<vmem>>) semaphore(%arg13 : memref<!tpu.dma_semaphore, #tpu.memory_space<semaphore_mem>>)
    %dma_start3A_25 = arith.constant 1 : i32
    %dma_start3A_26 = arith.constant 8 : i32
    %dma_start3A_27 = arith.constant 0 : i32
    %dma_start3A_28 = tpu.memref_slice %arg10[%dma_start3A_26, %dma_start3A_27] : memref<32x1024xf32, #tpu.memory_space<vmem>> -> memref<8x1024xf32, #tpu.memory_space<vmem>>
    %dma_start3A_29 = arith.constant 0 : i32
    %dma_start3A_30 = tpu.memref_slice %arg6[%dma_start3A_25, %dma_start3A_29] : memref<4x64xi32, #tpu.memory_space<vmem>> -> memref<1x8xi32, #tpu.memory_space<vmem>>
    %dma_start3A_31 = tpu.memref_squeeze %dma_start3A_30 : memref<1x8xi32, #tpu.memory_space<vmem>> -> memref<8xi32, #tpu.memory_space<vmem>>
    %dma_start3A_32 = arith.constant 0 : i32
    %dma_start3A_33 = arith.constant 0 : i32
    %dma_start3A_34 = tpu.memref_slice %arg3[%dma_start3A_32, %dma_start3A_33] : memref<100000x1024xf32, #tpu.memory_space<hbm>> -> memref<100000x1024xf32, #tpu.memory_space<hbm>>
    tpu.enqueue_indirect_dma source(%dma_start3A_34 : memref<100000x1024xf32, #tpu.memory_space<hbm>>) target(%dma_start3A_28 : memref<8x1024xf32, #tpu.memory_space<vmem>>) offsets(%dma_start3A_31 : memref<8xi32, #tpu.memory_space<vmem>>) semaphore(%arg13 : memref<!tpu.dma_semaphore, #tpu.memory_space<semaphore_mem>>)
    %dma_start3A_35 = arith.constant 2 : i32
    %dma_start3A_36 = arith.constant 16 : i32
    %dma_start3A_37 = arith.constant 0 : i32
    %dma_start3A_38 = tpu.memref_slice %arg10[%dma_start3A_36, %dma_start3A_37] : memref<32x1024xf32, #tpu.memory_space<vmem>> -> memref<8x1024xf32, #tpu.memory_space<vmem>>
    %dma_start3A_39 = arith.constant 0 : i32
    %dma_start3A_40 = tpu.memref_slice %arg6[%dma_start3A_35, %dma_start3A_39] : memref<4x64xi32, #tpu.memory_space<vmem>> -> memref<1x8xi32, #tpu.memory_space<vmem>>
    %dma_start3A_41 = tpu.memref_squeeze %dma_start3A_40 : memref<1x8xi32, #tpu.memory_space<vmem>> -> memref<8xi32, #tpu.memory_space<vmem>>
    %dma_start3A_42 = arith.constant 0 : i32
    %dma_start3A_43 = arith.constant 0 : i32
    %dma_start3A_44 = tpu.memref_slice %arg3[%dma_start3A_42, %dma_start3A_43] : memref<100000x1024xf32, #tpu.memory_space<hbm>> -> memref<100000x1024xf32, #tpu.memory_space<hbm>>
    tpu.enqueue_indirect_dma source(%dma_start3A_44 : memref<100000x1024xf32, #tpu.memory_space<hbm>>) target(%dma_start3A_38 : memref<8x1024xf32, #tpu.memory_space<vmem>>) offsets(%dma_start3A_41 : memref<8xi32, #tpu.memory_space<vmem>>) semaphore(%arg13 : memref<!tpu.dma_semaphore, #tpu.memory_space<semaphore_mem>>)
    %dma_start3A_45 = arith.constant 3 : i32
    %dma_start3A_46 = arith.constant 24 : i32
    %dma_start3A_47 = arith.constant 0 : i32
    %dma_start3A_48 = tpu.memref_slice %arg10[%dma_start3A_46, %dma_start3A_47] : memref<32x1024xf32, #tpu.memory_space<vmem>> -> memref<8x1024xf32, #tpu.memory_space<vmem>>
    %dma_start3A_49 = arith.constant 0 : i32
    %dma_start3A_50 = tpu.memref_slice %arg6[%dma_start3A_45, %dma_start3A_49] : memref<4x64xi32, #tpu.memory_space<vmem>> -> memref<1x8xi32, #tpu.memory_space<vmem>>
    %dma_start3A_51 = tpu.memref_squeeze %dma_start3A_50 : memref<1x8xi32, #tpu.memory_space<vmem>> -> memref<8xi32, #tpu.memory_space<vmem>>
    %dma_start3A_52 = arith.constant 0 : i32
    %dma_start3A_53 = arith.constant 0 : i32
    %dma_start3A_54 = tpu.memref_slice %arg3[%dma_start3A_52, %dma_start3A_53] : memref<100000x1024xf32, #tpu.memory_space<hbm>> -> memref<100000x1024xf32, #tpu.memory_space<hbm>>
    tpu.enqueue_indirect_dma source(%dma_start3A_54 : memref<100000x1024xf32, #tpu.memory_space<hbm>>) target(%dma_start3A_48 : memref<8x1024xf32, #tpu.memory_space<vmem>>) offsets(%dma_start3A_51 : memref<8xi32, #tpu.memory_space<vmem>>) semaphore(%arg13 : memref<!tpu.dma_semaphore, #tpu.memory_space<semaphore_mem>>)
    %add3A_55 = arith.constant 8 : i32
    %add3A_56 = arith.addi %mul3A_2, %add3A_55 : i32
    %dma_start3A_57 = arith.constant 0 : i32
    %dma_start3A_58 = tpu.memref_slice %arg4[%add3A_56, %dma_start3A_57] : memref<8192x1024xf32, #tpu.memory_space<hbm>> -> memref<8x1024xf32, #tpu.memory_space<hbm>>
    %dma_start3A_59 = arith.constant 0 : i32
    %dma_start3A_60 = tpu.memref_slice %arg4[%add3A_56, %dma_start3A_59] : memref<8192x1024xf32, #tpu.memory_space<hbm>> -> memref<8x1024xf32, #tpu.memory_space<hbm>>
    tpu.enqueue_dma source(%dma_start3A_60 : memref<8x1024xf32, #tpu.memory_space<hbm>>) target(%arg8 : memref<8x1024xf32, #tpu.memory_space<vmem>>) target_semaphore(%arg17 : memref<!tpu.dma_semaphore, #tpu.memory_space<semaphore_mem>>)
    %dma_start3A_61 = arith.constant 0 : i32
    %dma_start3A_62 = arith.constant 0 : i32
    %dma_start3A_63 = arith.constant 0 : i32
    %dma_start3A_64 = tpu.memref_slice %arg11[%dma_start3A_62, %dma_start3A_63] : memref<32x1024xf32, #tpu.memory_space<vmem>> -> memref<8x1024xf32, #tpu.memory_space<vmem>>
    %dma_start3A_65 = arith.constant 8 : i32
    %dma_start3A_66 = tpu.memref_slice %arg6[%dma_start3A_61, %dma_start3A_65] : memref<4x64xi32, #tpu.memory_space<vmem>> -> memref<1x8xi32, #tpu.memory_space<vmem>>
    %dma_start3A_67 = tpu.memref_squeeze %dma_start3A_66 : memref<1x8xi32, #tpu.memory_space<vmem>> -> memref<8xi32, #tpu.memory_space<vmem>>
    %dma_start3A_68 = arith.constant 0 : i32
    %dma_start3A_69 = arith.constant 0 : i32
    %dma_start3A_70 = tpu.memref_slice %arg3[%dma_start3A_68, %dma_start3A_69] : memref<100000x1024xf32, #tpu.memory_space<hbm>> -> memref<100000x1024xf32, #tpu.memory_space<hbm>>
    tpu.enqueue_indirect_dma source(%dma_start3A_70 : memref<100000x1024xf32, #tpu.memory_space<hbm>>) target(%dma_start3A_64 : memref<8x1024xf32, #tpu.memory_space<vmem>>) offsets(%dma_start3A_67 : memref<8xi32, #tpu.memory_space<vmem>>) semaphore(%arg14 : memref<!tpu.dma_semaphore, #tpu.memory_space<semaphore_mem>>)
    %dma_start3A_71 = arith.constant 1 : i32
    %dma_start3A_72 = arith.constant 8 : i32
    %dma_start3A_73 = arith.constant 0 : i32
    %dma_start3A_74 = tpu.memref_slice %arg11[%dma_start3A_72, %dma_start3A_73] : memref<32x1024xf32, #tpu.memory_space<vmem>> -> memref<8x1024xf32, #tpu.memory_space<vmem>>
    %dma_start3A_75 = arith.constant 8 : i32
    %dma_start3A_76 = tpu.memref_slice %arg6[%dma_start3A_71, %dma_start3A_75] : memref<4x64xi32, #tpu.memory_space<vmem>> -> memref<1x8xi32, #tpu.memory_space<vmem>>
    %dma_start3A_77 = tpu.memref_squeeze %dma_start3A_76 : memref<1x8xi32, #tpu.memory_space<vmem>> -> memref<8xi32, #tpu.memory_space<vmem>>
    %dma_start3A_78 = arith.constant 0 : i32
    %dma_start3A_79 = arith.constant 0 : i32
    %dma_start3A_80 = tpu.memref_slice %arg3[%dma_start3A_78, %dma_start3A_79] : memref<100000x1024xf32, #tpu.memory_space<hbm>> -> memref<100000x1024xf32, #tpu.memory_space<hbm>>
    tpu.enqueue_indirect_dma source(%dma_start3A_80 : memref<100000x1024xf32, #tpu.memory_space<hbm>>) target(%dma_start3A_74 : memref<8x1024xf32, #tpu.memory_space<vmem>>) offsets(%dma_start3A_77 : memref<8xi32, #tpu.memory_space<vmem>>) semaphore(%arg14 : memref<!tpu.dma_semaphore, #tpu.memory_space<semaphore_mem>>)
    %dma_start3A_81 = arith.constant 2 : i32
    %dma_start3A_82 = arith.constant 16 : i32
    %dma_start3A_83 = arith.constant 0 : i32
    %dma_start3A_84 = tpu.memref_slice %arg11[%dma_start3A_82, %dma_start3A_83] : memref<32x1024xf32, #tpu.memory_space<vmem>> -> memref<8x1024xf32, #tpu.memory_space<vmem>>
    %dma_start3A_85 = arith.constant 8 : i32
    %dma_start3A_86 = tpu.memref_slice %arg6[%dma_start3A_81, %dma_start3A_85] : memref<4x64xi32, #tpu.memory_space<vmem>> -> memref<1x8xi32, #tpu.memory_space<vmem>>
    %dma_start3A_87 = tpu.memref_squeeze %dma_start3A_86 : memref<1x8xi32, #tpu.memory_space<vmem>> -> memref<8xi32, #tpu.memory_space<vmem>>
    %dma_start3A_88 = arith.constant 0 : i32
    %dma_start3A_89 = arith.constant 0 : i32
    %dma_start3A_90 = tpu.memref_slice %arg3[%dma_start3A_88, %dma_start3A_89] : memref<100000x1024xf32, #tpu.memory_space<hbm>> -> memref<100000x1024xf32, #tpu.memory_space<hbm>>
    tpu.enqueue_indirect_dma source(%dma_start3A_90 : memref<100000x1024xf32, #tpu.memory_space<hbm>>) target(%dma_start3A_84 : memref<8x1024xf32, #tpu.memory_space<vmem>>) offsets(%dma_start3A_87 : memref<8xi32, #tpu.memory_space<vmem>>) semaphore(%arg14 : memref<!tpu.dma_semaphore, #tpu.memory_space<semaphore_mem>>)
    %dma_start3A_91 = arith.constant 3 : i32
    %dma_start3A_92 = arith.constant 24 : i32
    %dma_start3A_93 = arith.constant 0 : i32
    %dma_start3A_94 = tpu.memref_slice %arg11[%dma_start3A_92, %dma_start3A_93] : memref<32x1024xf32, #tpu.memory_space<vmem>> -> memref<8x1024xf32, #tpu.memory_space<vmem>>
    %dma_start3A_95 = arith.constant 8 : i32
    %dma_start3A_96 = tpu.memref_slice %arg6[%dma_start3A_91, %dma_start3A_95] : memref<4x64xi32, #tpu.memory_space<vmem>> -> memref<1x8xi32, #tpu.memory_space<vmem>>
    %dma_start3A_97 = tpu.memref_squeeze %dma_start3A_96 : memref<1x8xi32, #tpu.memory_space<vmem>> -> memref<8xi32, #tpu.memory_space<vmem>>
    %dma_start3A_98 = arith.constant 0 : i32
    %dma_start3A_99 = arith.constant 0 : i32
    %dma_start3A_100 = tpu.memref_slice %arg3[%dma_start3A_98, %dma_start3A_99] : memref<100000x1024xf32, #tpu.memory_space<hbm>> -> memref<100000x1024xf32, #tpu.memory_space<hbm>>
    tpu.enqueue_indirect_dma source(%dma_start3A_100 : memref<100000x1024xf32, #tpu.memory_space<hbm>>) target(%dma_start3A_94 : memref<8x1024xf32, #tpu.memory_space<vmem>>) offsets(%dma_start3A_97 : memref<8xi32, #tpu.memory_space<vmem>>) semaphore(%arg14 : memref<!tpu.dma_semaphore, #tpu.memory_space<semaphore_mem>>)
    %dma_wait3A = arith.constant 0 : i32
    %dma_wait3A_101 = arith.constant 0 : i32
    %dma_wait3A_102 = arith.constant 0 : i32
    %dma_wait3A_103 = tpu.memref_slice %arg10[%dma_wait3A_101, %dma_wait3A_102] : memref<32x1024xf32, #tpu.memory_space<vmem>> -> memref<8x1024xf32, #tpu.memory_space<vmem>>
    %dma_wait3A_104 = arith.constant 0 : i32
    %dma_wait3A_105 = tpu.memref_slice %arg6[%dma_wait3A, %dma_wait3A_104] : memref<4x64xi32, #tpu.memory_space<vmem>> -> memref<1x8xi32, #tpu.memory_space<vmem>>
    %dma_wait3A_106 = tpu.memref_squeeze %dma_wait3A_105 : memref<1x8xi32, #tpu.memory_space<vmem>> -> memref<8xi32, #tpu.memory_space<vmem>>
    %dma_wait3A_107 = arith.constant 0 : i32
    %dma_wait3A_108 = arith.constant 0 : i32
    %dma_wait3A_109 = tpu.memref_slice %arg3[%dma_wait3A_107, %dma_wait3A_108] : memref<100000x1024xf32, #tpu.memory_space<hbm>> -> memref<100000x1024xf32, #tpu.memory_space<hbm>>
    tpu.wait_indirect_dma semaphore(%arg13 : memref<!tpu.dma_semaphore, #tpu.memory_space<semaphore_mem>>) src(%dma_wait3A_109 : memref<100000x1024xf32, #tpu.memory_space<hbm>>) dst(%dma_wait3A_103 : memref<8x1024xf32, #tpu.memory_space<vmem>>)
    %dma_wait3A_110 = arith.constant 1 : i32
    %dma_wait3A_111 = arith.constant 8 : i32
    %dma_wait3A_112 = arith.constant 0 : i32
    %dma_wait3A_113 = tpu.memref_slice %arg10[%dma_wait3A_111, %dma_wait3A_112] : memref<32x1024xf32, #tpu.memory_space<vmem>> -> memref<8x1024xf32, #tpu.memory_space<vmem>>
    %dma_wait3A_114 = arith.constant 0 : i32
    %dma_wait3A_115 = tpu.memref_slice %arg6[%dma_wait3A_110, %dma_wait3A_114] : memref<4x64xi32, #tpu.memory_space<vmem>> -> memref<1x8xi32, #tpu.memory_space<vmem>>
    %dma_wait3A_116 = tpu.memref_squeeze %dma_wait3A_115 : memref<1x8xi32, #tpu.memory_space<vmem>> -> memref<8xi32, #tpu.memory_space<vmem>>
    %dma_wait3A_117 = arith.constant 0 : i32
    %dma_wait3A_118 = arith.constant 0 : i32
    %dma_wait3A_119 = tpu.memref_slice %arg3[%dma_wait3A_117, %dma_wait3A_118] : memref<100000x1024xf32, #tpu.memory_space<hbm>> -> memref<100000x1024xf32, #tpu.memory_space<hbm>>
    tpu.wait_indirect_dma semaphore(%arg13 : memref<!tpu.dma_semaphore, #tpu.memory_space<semaphore_mem>>) src(%dma_wait3A_119 : memref<100000x1024xf32, #tpu.memory_space<hbm>>) dst(%dma_wait3A_113 : memref<8x1024xf32, #tpu.memory_space<vmem>>)
    %dma_wait3A_120 = arith.constant 2 : i32
    %dma_wait3A_121 = arith.constant 16 : i32
    %dma_wait3A_122 = arith.constant 0 : i32
    %dma_wait3A_123 = tpu.memref_slice %arg10[%dma_wait3A_121, %dma_wait3A_122] : memref<32x1024xf32, #tpu.memory_space<vmem>> -> memref<8x1024xf32, #tpu.memory_space<vmem>>
    %dma_wait3A_124 = arith.constant 0 : i32
    %dma_wait3A_125 = tpu.memref_slice %arg6[%dma_wait3A_120, %dma_wait3A_124] : memref<4x64xi32, #tpu.memory_space<vmem>> -> memref<1x8xi32, #tpu.memory_space<vmem>>
    %dma_wait3A_126 = tpu.memref_squeeze %dma_wait3A_125 : memref<1x8xi32, #tpu.memory_space<vmem>> -> memref<8xi32, #tpu.memory_space<vmem>>
    %dma_wait3A_127 = arith.constant 0 : i32
    %dma_wait3A_128 = arith.constant 0 : i32
    %dma_wait3A_129 = tpu.memref_slice %arg3[%dma_wait3A_127, %dma_wait3A_128] : memref<100000x1024xf32, #tpu.memory_space<hbm>> -> memref<100000x1024xf32, #tpu.memory_space<hbm>>
    tpu.wait_indirect_dma semaphore(%arg13 : memref<!tpu.dma_semaphore, #tpu.memory_space<semaphore_mem>>) src(%dma_wait3A_129 : memref<100000x1024xf32, #tpu.memory_space<hbm>>) dst(%dma_wait3A_123 : memref<8x1024xf32, #tpu.memory_space<vmem>>)
    %dma_wait3A_130 = arith.constant 3 : i32
    %dma_wait3A_131 = arith.constant 24 : i32
    %dma_wait3A_132 = arith.constant 0 : i32
    %dma_wait3A_133 = tpu.memref_slice %arg10[%dma_wait3A_131, %dma_wait3A_132] : memref<32x1024xf32, #tpu.memory_space<vmem>> -> memref<8x1024xf32, #tpu.memory_space<vmem>>
    %dma_wait3A_134 = arith.constant 0 : i32
    %dma_wait3A_135 = tpu.memref_slice %arg6[%dma_wait3A_130, %dma_wait3A_134] : memref<4x64xi32, #tpu.memory_space<vmem>> -> memref<1x8xi32, #tpu.memory_space<vmem>>
    %dma_wait3A_136 = tpu.memref_squeeze %dma_wait3A_135 : memref<1x8xi32, #tpu.memory_space<vmem>> -> memref<8xi32, #tpu.memory_space<vmem>>
    %dma_wait3A_137 = arith.constant 0 : i32
    %dma_wait3A_138 = arith.constant 0 : i32
    %dma_wait3A_139 = tpu.memref_slice %arg3[%dma_wait3A_137, %dma_wait3A_138] : memref<100000x1024xf32, #tpu.memory_space<hbm>> -> memref<100000x1024xf32, #tpu.memory_space<hbm>>
    tpu.wait_indirect_dma semaphore(%arg13 : memref<!tpu.dma_semaphore, #tpu.memory_space<semaphore_mem>>) src(%dma_wait3A_139 : memref<100000x1024xf32, #tpu.memory_space<hbm>>) dst(%dma_wait3A_133 : memref<8x1024xf32, #tpu.memory_space<vmem>>)
    %dma_wait3A_140 = arith.constant 0 : i32
    %dma_wait3A_141 = tpu.memref_slice %arg4[%add3A_11, %dma_wait3A_140] : memref<8192x1024xf32, #tpu.memory_space<hbm>> -> memref<8x1024xf32, #tpu.memory_space<hbm>>
    %dma_wait3A_142 = arith.constant 0 : i32
    %dma_wait3A_143 = tpu.memref_slice %arg4[%add3A_11, %dma_wait3A_142] : memref<8192x1024xf32, #tpu.memory_space<hbm>> -> memref<8x1024xf32, #tpu.memory_space<hbm>>
    tpu.wait_dma2 semaphore(%arg16 : memref<!tpu.dma_semaphore, #tpu.memory_space<semaphore_mem>>) src(%dma_wait3A_143 : memref<8x1024xf32, #tpu.memory_space<hbm>>) dst(%arg7 : memref<8x1024xf32, #tpu.memory_space<vmem>>)
    %add3A_144 = arith.constant 16 : i32
    %add3A_145 = arith.addi %mul3A_2, %add3A_144 : i32
    %dma_start3A_146 = arith.constant 0 : i32
    %dma_start3A_147 = tpu.memref_slice %arg4[%add3A_145, %dma_start3A_146] : memref<8192x1024xf32, #tpu.memory_space<hbm>> -> memref<8x1024xf32, #tpu.memory_space<hbm>>
    %dma_start3A_148 = arith.constant 0 : i32
    %dma_start3A_149 = tpu.memref_slice %arg4[%add3A_145, %dma_start3A_148] : memref<8192x1024xf32, #tpu.memory_space<hbm>> -> memref<8x1024xf32, #tpu.memory_space<hbm>>
    tpu.enqueue_dma source(%dma_start3A_149 : memref<8x1024xf32, #tpu.memory_space<hbm>>) target(%arg9 : memref<8x1024xf32, #tpu.memory_space<vmem>>) target_semaphore(%arg18 : memref<!tpu.dma_semaphore, #tpu.memory_space<semaphore_mem>>)
    %dma_start3A_150 = arith.constant 0 : i32
    %dma_start3A_151 = arith.constant 0 : i32
    %dma_start3A_152 = arith.constant 0 : i32
    %dma_start3A_153 = tpu.memref_slice %arg12[%dma_start3A_151, %dma_start3A_152] : memref<32x1024xf32, #tpu.memory_space<vmem>> -> memref<8x1024xf32, #tpu.memory_space<vmem>>
    %dma_start3A_154 = arith.constant 16 : i32
    %dma_start3A_155 = tpu.memref_slice %arg6[%dma_start3A_150, %dma_start3A_154] : memref<4x64xi32, #tpu.memory_space<vmem>> -> memref<1x8xi32, #tpu.memory_space<vmem>>
    %dma_start3A_156 = tpu.memref_squeeze %dma_start3A_155 : memref<1x8xi32, #tpu.memory_space<vmem>> -> memref<8xi32, #tpu.memory_space<vmem>>
    %dma_start3A_157 = arith.constant 0 : i32
    %dma_start3A_158 = arith.constant 0 : i32
    %dma_start3A_159 = tpu.memref_slice %arg3[%dma_start3A_157, %dma_start3A_158] : memref<100000x1024xf32, #tpu.memory_space<hbm>> -> memref<100000x1024xf32, #tpu.memory_space<hbm>>
    tpu.enqueue_indirect_dma source(%dma_start3A_159 : memref<100000x1024xf32, #tpu.memory_space<hbm>>) target(%dma_start3A_153 : memref<8x1024xf32, #tpu.memory_space<vmem>>) offsets(%dma_start3A_156 : memref<8xi32, #tpu.memory_space<vmem>>) semaphore(%arg15 : memref<!tpu.dma_semaphore, #tpu.memory_space<semaphore_mem>>)
    %dma_start3A_160 = arith.constant 1 : i32
    %dma_start3A_161 = arith.constant 8 : i32
    %dma_start3A_162 = arith.constant 0 : i32
    %dma_start3A_163 = tpu.memref_slice %arg12[%dma_start3A_161, %dma_start3A_162] : memref<32x1024xf32, #tpu.memory_space<vmem>> -> memref<8x1024xf32, #tpu.memory_space<vmem>>
    %dma_start3A_164 = arith.constant 16 : i32
    %dma_start3A_165 = tpu.memref_slice %arg6[%dma_start3A_160, %dma_start3A_164] : memref<4x64xi32, #tpu.memory_space<vmem>> -> memref<1x8xi32, #tpu.memory_space<vmem>>
    %dma_start3A_166 = tpu.memref_squeeze %dma_start3A_165 : memref<1x8xi32, #tpu.memory_space<vmem>> -> memref<8xi32, #tpu.memory_space<vmem>>
    %dma_start3A_167 = arith.constant 0 : i32
    %dma_start3A_168 = arith.constant 0 : i32
    %dma_start3A_169 = tpu.memref_slice %arg3[%dma_start3A_167, %dma_start3A_168] : memref<100000x1024xf32, #tpu.memory_space<hbm>> -> memref<100000x1024xf32, #tpu.memory_space<hbm>>
    tpu.enqueue_indirect_dma source(%dma_start3A_169 : memref<100000x1024xf32, #tpu.memory_space<hbm>>) target(%dma_start3A_163 : memref<8x1024xf32, #tpu.memory_space<vmem>>) offsets(%dma_start3A_166 : memref<8xi32, #tpu.memory_space<vmem>>) semaphore(%arg15 : memref<!tpu.dma_semaphore, #tpu.memory_space<semaphore_mem>>)
    %dma_start3A_170 = arith.constant 2 : i32
    %dma_start3A_171 = arith.constant 16 : i32
    %dma_start3A_172 = arith.constant 0 : i32
    %dma_start3A_173 = tpu.memref_slice %arg12[%dma_start3A_171, %dma_start3A_172] : memref<32x1024xf32, #tpu.memory_space<vmem>> -> memref<8x1024xf32, #tpu.memory_space<vmem>>
    %dma_start3A_174 = arith.constant 16 : i32
    %dma_start3A_175 = tpu.memref_slice %arg6[%dma_start3A_170, %dma_start3A_174] : memref<4x64xi32, #tpu.memory_space<vmem>> -> memref<1x8xi32, #tpu.memory_space<vmem>>
    %dma_start3A_176 = tpu.memref_squeeze %dma_start3A_175 : memref<1x8xi32, #tpu.memory_space<vmem>> -> memref<8xi32, #tpu.memory_space<vmem>>
    %dma_start3A_177 = arith.constant 0 : i32
    %dma_start3A_178 = arith.constant 0 : i32
    %dma_start3A_179 = tpu.memref_slice %arg3[%dma_start3A_177, %dma_start3A_178] : memref<100000x1024xf32, #tpu.memory_space<hbm>> -> memref<100000x1024xf32, #tpu.memory_space<hbm>>
    tpu.enqueue_indirect_dma source(%dma_start3A_179 : memref<100000x1024xf32, #tpu.memory_space<hbm>>) target(%dma_start3A_173 : memref<8x1024xf32, #tpu.memory_space<vmem>>) offsets(%dma_start3A_176 : memref<8xi32, #tpu.memory_space<vmem>>) semaphore(%arg15 : memref<!tpu.dma_semaphore, #tpu.memory_space<semaphore_mem>>)
    %dma_start3A_180 = arith.constant 3 : i32
    %dma_start3A_181 = arith.constant 24 : i32
    %dma_start3A_182 = arith.constant 0 : i32
    %dma_start3A_183 = tpu.memref_slice %arg12[%dma_start3A_181, %dma_start3A_182] : memref<32x1024xf32, #tpu.memory_space<vmem>> -> memref<8x1024xf32, #tpu.memory_space<vmem>>
    %dma_start3A_184 = arith.constant 16 : i32
    %dma_start3A_185 = tpu.memref_slice %arg6[%dma_start3A_180, %dma_start3A_184] : memref<4x64xi32, #tpu.memory_space<vmem>> -> memref<1x8xi32, #tpu.memory_space<vmem>>
    %dma_start3A_186 = tpu.memref_squeeze %dma_start3A_185 : memref<1x8xi32, #tpu.memory_space<vmem>> -> memref<8xi32, #tpu.memory_space<vmem>>
    %dma_start3A_187 = arith.constant 0 : i32
    %dma_start3A_188 = arith.constant 0 : i32
    %dma_start3A_189 = tpu.memref_slice %arg3[%dma_start3A_187, %dma_start3A_188] : memref<100000x1024xf32, #tpu.memory_space<hbm>> -> memref<100000x1024xf32, #tpu.memory_space<hbm>>
    tpu.enqueue_indirect_dma source(%dma_start3A_189 : memref<100000x1024xf32, #tpu.memory_space<hbm>>) target(%dma_start3A_183 : memref<8x1024xf32, #tpu.memory_space<vmem>>) offsets(%dma_start3A_186 : memref<8xi32, #tpu.memory_space<vmem>>) semaphore(%arg15 : memref<!tpu.dma_semaphore, #tpu.memory_space<semaphore_mem>>)
    %scan3A = arith.constant 0 : i32
    %scan3A_190 = arith.constant 0 : i32
    %scan3A_191 = arith.constant 8 : i32
    %scan3A_192 = arith.addi %scan3A_190, %scan3A_191 : i32
    %scan3A_193 = arith.constant 1 : i32
    scf.for %scan3A_1671 = %scan3A_190 to %scan3A_192 step %scan3A_193  : i32 {
      %parallel_loop3A = arith.constant 0 : i32
      %parallel_loop3A_1672 = arith.constant 64 : i32
      %parallel_loop3A_1673 = arith.constant 1 : i32
      scf.for %parallel_loop3A_1674 = %parallel_loop3A to %parallel_loop3A_1672 step %parallel_loop3A_1673  : i32 {
        %parallel_loop3A_1675 = arith.constant 16 : i32
        %parallel_loop3A_1676 = arith.muli %parallel_loop3A_1674, %parallel_loop3A_1675 : i32
        %parallel_loop3A_1677 = arith.index_cast %scan3A_1671 : i32 to index
        %parallel_loop3A_1678 = arith.index_cast %parallel_loop3A_1676 : i32 to index
        %parallel_loop3A_1679 = tpu.vector_load %arg7[%parallel_loop3A_1677, %parallel_loop3A_1678] {strides = array<i32>} : memref<8x1024xf32, #tpu.memory_space<vmem>>, vector<1x16xf32>,
        %parallel_loop3A_1680 = vector.shape_cast %parallel_loop3A_1679 : vector<1x16xf32> to vector<16xf32>
        %parallel_loop3A_1681 = arith.constant 0 : i32
        %parallel_loop3A_1682 = arith.addi %parallel_loop3A_1681, %scan3A_1671 : i32
        %parallel_loop3A_1683 = arith.index_cast %parallel_loop3A_1682 : i32 to index
        %parallel_loop3A_1684 = arith.index_cast %parallel_loop3A_1676 : i32 to index
        %parallel_loop3A_1685 = tpu.vector_load %arg10[%parallel_loop3A_1683, %parallel_loop3A_1684] {strides = array<i32>} : memref<32x1024xf32, #tpu.memory_space<vmem>>, vector<1x16xf32>,
        %parallel_loop3A_1686 = vector.shape_cast %parallel_loop3A_1685 : vector<1x16xf32> to vector<16xf32>
        %parallel_loop3A_1687 = arith.constant 3.200000e+01 : f32
        %parallel_loop3A_1688 = vector.broadcast %parallel_loop3A_1687 : f32 to vector<16xf32>
        %parallel_loop3A_1689 = arith.mulf %parallel_loop3A_1686, %parallel_loop3A_1688 : vector<16xf32>
        %parallel_loop3A_1690 = arith.addf %parallel_loop3A_1689, %parallel_loop3A_1680 : vector<16xf32>
        %parallel_loop3A_1691 = arith.constant 0 : i32
        %parallel_loop3A_1692 = arith.addi %parallel_loop3A_1691, %scan3A_1671 : i32
        %parallel_loop3A_1693 = arith.index_cast %parallel_loop3A_1692 : i32 to index
        %parallel_loop3A_1694 = arith.index_cast %parallel_loop3A_1676 : i32 to index
        %parallel_loop3A_1695 = tpu.vector_load %arg10[%parallel_loop3A_1693, %parallel_loop3A_1694] {strides = array<i32>} : memref<32x1024xf32, #tpu.memory_space<vmem>>, vector<1x16xf32>,
        %parallel_loop3A_1696 = vector.shape_cast %parallel_loop3A_1695 : vector<1x16xf32> to vector<16xf32>
        %parallel_loop3A_1697 = vector.shape_cast %parallel_loop3A_1690 : vector<16xf32> to vector<1x16xf32>
        tpu.vector_store %arg10[%parallel_loop3A_1693, %parallel_loop3A_1694], %parallel_loop3A_1697 {strides = array<i32>} : memref<32x1024xf32, #tpu.memory_space<vmem>>, vector<1x16xf32>,
        %parallel_loop3A_1698 = arith.constant 8 : i32
        %parallel_loop3A_1699 = arith.addi %parallel_loop3A_1698, %scan3A_1671 : i32
        %parallel_loop3A_1700 = arith.index_cast %parallel_loop3A_1699 : i32 to index
        %parallel_loop3A_1701 = arith.index_cast %parallel_loop3A_1676 : i32 to index
        %parallel_loop3A_1702 = tpu.vector_load %arg10[%parallel_loop3A_1700, %parallel_loop3A_1701] {strides = array<i32>} : memref<32x1024xf32, #tpu.memory_space<vmem>>, vector<1x16xf32>,
        %parallel_loop3A_1703 = vector.shape_cast %parallel_loop3A_1702 : vector<1x16xf32> to vector<16xf32>
        %parallel_loop3A_1704 = arith.constant 3.200000e+01 : f32
        %parallel_loop3A_1705 = vector.broadcast %parallel_loop3A_1704 : f32 to vector<16xf32>
        %parallel_loop3A_1706 = arith.mulf %parallel_loop3A_1703, %parallel_loop3A_1705 : vector<16xf32>
        %parallel_loop3A_1707 = arith.addf %parallel_loop3A_1706, %parallel_loop3A_1680 : vector<16xf32>
        %parallel_loop3A_1708 = arith.constant 8 : i32
        %parallel_loop3A_1709 = arith.addi %parallel_loop3A_1708, %scan3A_1671 : i32
        %parallel_loop3A_1710 = arith.index_cast %parallel_loop3A_1709 : i32 to index
        %parallel_loop3A_1711 = arith.index_cast %parallel_loop3A_1676 : i32 to index
        %parallel_loop3A_1712 = tpu.vector_load %arg10[%parallel_loop3A_1710, %parallel_loop3A_1711] {strides = array<i32>} : memref<32x1024xf32, #tpu.memory_space<vmem>>, vector<1x16xf32>,
        %parallel_loop3A_1713 = vector.shape_cast %parallel_loop3A_1712 : vector<1x16xf32> to vector<16xf32>
        %parallel_loop3A_1714 = vector.shape_cast %parallel_loop3A_1707 : vector<16xf32> to vector<1x16xf32>
        tpu.vector_store %arg10[%parallel_loop3A_1710, %parallel_loop3A_1711], %parallel_loop3A_1714 {strides = array<i32>} : memref<32x1024xf32, #tpu.memory_space<vmem>>, vector<1x16xf32>,
        %parallel_loop3A_1715 = arith.constant 16 : i32
        %parallel_loop3A_1716 = arith.addi %parallel_loop3A_1715, %scan3A_1671 : i32
        %parallel_loop3A_1717 = arith.index_cast %parallel_loop3A_1716 : i32 to index
        %parallel_loop3A_1718 = arith.index_cast %parallel_loop3A_1676 : i32 to index
        %parallel_loop3A_1719 = tpu.vector_load %arg10[%parallel_loop3A_1717, %parallel_loop3A_1718] {strides = array<i32>} : memref<32x1024xf32, #tpu.memory_space<vmem>>, vector<1x16xf32>,
        %parallel_loop3A_1720 = vector.shape_cast %parallel_loop3A_1719 : vector<1x16xf32> to vector<16xf32>
        %parallel_loop3A_1721 = arith.constant 3.200000e+01 : f32
        %parallel_loop3A_1722 = vector.broadcast %parallel_loop3A_1721 : f32 to vector<16xf32>
        %parallel_loop3A_1723 = arith.mulf %parallel_loop3A_1720, %parallel_loop3A_1722 : vector<16xf32>
        %parallel_loop3A_1724 = arith.addf %parallel_loop3A_1723, %parallel_loop3A_1680 : vector<16xf32>
        %parallel_loop3A_1725 = arith.constant 16 : i32
        %parallel_loop3A_1726 = arith.addi %parallel_loop3A_1725, %scan3A_1671 : i32
        %parallel_loop3A_1727 = arith.index_cast %parallel_loop3A_1726 : i32 to index
        %parallel_loop3A_1728 = arith.index_cast %parallel_loop3A_1676 : i32 to index
        %parallel_loop3A_1729 = tpu.vector_load %arg10[%parallel_loop3A_1727, %parallel_loop3A_1728] {strides = array<i32>} : memref<32x1024xf32, #tpu.memory_space<vmem>>, vector<1x16xf32>,
        %parallel_loop3A_1730 = vector.shape_cast %parallel_loop3A_1729 : vector<1x16xf32> to vector<16xf32>
        %parallel_loop3A_1731 = vector.shape_cast %parallel_loop3A_1724 : vector<16xf32> to vector<1x16xf32>
        tpu.vector_store %arg10[%parallel_loop3A_1727, %parallel_loop3A_1728], %parallel_loop3A_1731 {strides = array<i32>} : memref<32x1024xf32, #tpu.memory_space<vmem>>, vector<1x16xf32>,
        %parallel_loop3A_1732 = arith.constant 24 : i32
        %parallel_loop3A_1733 = arith.addi %parallel_loop3A_1732, %scan3A_1671 : i32
        %parallel_loop3A_1734 = arith.index_cast %parallel_loop3A_1733 : i32 to index
        %parallel_loop3A_1735 = arith.index_cast %parallel_loop3A_1676 : i32 to index
        %parallel_loop3A_1736 = tpu.vector_load %arg10[%parallel_loop3A_1734, %parallel_loop3A_1735] {strides = array<i32>} : memref<32x1024xf32, #tpu.memory_space<vmem>>, vector<1x16xf32>,
        %parallel_loop3A_1737 = vector.shape_cast %parallel_loop3A_1736 : vector<1x16xf32> to vector<16xf32>
        %parallel_loop3A_1738 = arith.constant 3.200000e+01 : f32
        %parallel_loop3A_1739 = vector.broadcast %parallel_loop3A_1738 : f32 to vector<16xf32>
        %parallel_loop3A_1740 = arith.mulf %parallel_loop3A_1737, %parallel_loop3A_1739 : vector<16xf32>
        %parallel_loop3A_1741 = arith.addf %parallel_loop3A_1740, %parallel_loop3A_1680 : vector<16xf32>
        %parallel_loop3A_1742 = arith.constant 24 : i32
        %parallel_loop3A_1743 = arith.addi %parallel_loop3A_1742, %scan3A_1671 : i32
        %parallel_loop3A_1744 = arith.index_cast %parallel_loop3A_1743 : i32 to index
        %parallel_loop3A_1745 = arith.index_cast %parallel_loop3A_1676 : i32 to index
        %parallel_loop3A_1746 = tpu.vector_load %arg10[%parallel_loop3A_1744, %parallel_loop3A_1745] {strides = array<i32>} : memref<32x1024xf32, #tpu.memory_space<vmem>>, vector<1x16xf32>,
        %parallel_loop3A_1747 = vector.shape_cast %parallel_loop3A_1746 : vector<1x16xf32> to vector<16xf32>
        %parallel_loop3A_1748 = vector.shape_cast %parallel_loop3A_1741 : vector<16xf32> to vector<1x16xf32>
        tpu.vector_store %arg10[%parallel_loop3A_1744, %parallel_loop3A_1745], %parallel_loop3A_1748 {strides = array<i32>} : memref<32x1024xf32, #tpu.memory_space<vmem>>, vector<1x16xf32>,
      } {sc.loop_unroll_factor = 4 : i64, sc.parallel_access}
    }
    %scan3A_194 = arith.constant 8 : i32
    %add3A_195 = arith.constant 0 : i32
    %add3A_196 = arith.addi %mul3A_2, %add3A_195 : i32
    %dma_start3A_197 = arith.constant 0 : i32
    %dma_start3A_198 = arith.constant 0 : i32
    %dma_start3A_199 = arith.constant 0 : i32
    %dma_start3A_200 = tpu.memref_slice %arg10[%dma_start3A_198, %dma_start3A_199] : memref<32x1024xf32, #tpu.memory_space<vmem>> -> memref<8x1024xf32, #tpu.memory_space<vmem>>
    %dma_start3A_201 = arith.constant 0 : i32
    %dma_start3A_202 = tpu.memref_slice %arg5[%dma_start3A_197, %add3A_196, %dma_start3A_201] : memref<4x2048x1024xf32, #tpu.memory_space<hbm>> -> memref<1x8x1024xf32, #tpu.memory_space<hbm>>
    %dma_start3A_203 = tpu.memref_squeeze %dma_start3A_202 : memref<1x8x1024xf32, #tpu.memory_space<hbm>> -> memref<8x1024xf32, #tpu.memory_space<hbm>>
    %dma_start3A_204 = arith.constant 0 : i32
    %dma_start3A_205 = tpu.memref_slice %arg5[%dma_start3A_197, %add3A_196, %dma_start3A_204] : memref<4x2048x1024xf32, #tpu.memory_space<hbm>> -> memref<1x8x1024xf32, #tpu.memory_space<hbm>>
    %dma_start3A_206 = tpu.memref_squeeze %dma_start3A_205 : memref<1x8x1024xf32, #tpu.memory_space<hbm>> -> memref<8x1024xf32, #tpu.memory_space<hbm>>
    %dma_start3A_207 = arith.constant 0 : i32
    %dma_start3A_208 = arith.constant 0 : i32
    %dma_start3A_209 = tpu.memref_slice %arg10[%dma_start3A_207, %dma_start3A_208] : memref<32x1024xf32, #tpu.memory_space<vmem>> -> memref<8x1024xf32, #tpu.memory_space<vmem>>
    tpu.enqueue_dma source(%dma_start3A_209 : memref<8x1024xf32, #tpu.memory_space<vmem>>) target(%dma_start3A_206 : memref<8x1024xf32, #tpu.memory_space<hbm>>) target_semaphore(%arg19 : memref<!tpu.dma_semaphore, #tpu.memory_space<semaphore_mem>>)
    %add3A_210 = arith.constant 0 : i32
    %add3A_211 = arith.addi %mul3A_2, %add3A_210 : i32
    %dma_start3A_212 = arith.constant 1 : i32
    %dma_start3A_213 = arith.constant 8 : i32
    %dma_start3A_214 = arith.constant 0 : i32
    %dma_start3A_215 = tpu.memref_slice %arg10[%dma_start3A_213, %dma_start3A_214] : memref<32x1024xf32, #tpu.memory_space<vmem>> -> memref<8x1024xf32, #tpu.memory_space<vmem>>
    %dma_start3A_216 = arith.constant 0 : i32
    %dma_start3A_217 = tpu.memref_slice %arg5[%dma_start3A_212, %add3A_211, %dma_start3A_216] : memref<4x2048x1024xf32, #tpu.memory_space<hbm>> -> memref<1x8x1024xf32, #tpu.memory_space<hbm>>
    %dma_start3A_218 = tpu.memref_squeeze %dma_start3A_217 : memref<1x8x1024xf32, #tpu.memory_space<hbm>> -> memref<8x1024xf32, #tpu.memory_space<hbm>>
    %dma_start3A_219 = arith.constant 0 : i32
    %dma_start3A_220 = tpu.memref_slice %arg5[%dma_start3A_212, %add3A_211, %dma_start3A_219] : memref<4x2048x1024xf32, #tpu.memory_space<hbm>> -> memref<1x8x1024xf32, #tpu.memory_space<hbm>>
    %dma_start3A_221 = tpu.memref_squeeze %dma_start3A_220 : memref<1x8x1024xf32, #tpu.memory_space<hbm>> -> memref<8x1024xf32, #tpu.memory_space<hbm>>
    %dma_start3A_222 = arith.constant 8 : i32
    %dma_start3A_223 = arith.constant 0 : i32
    %dma_start3A_224 = tpu.memref_slice %arg10[%dma_start3A_222, %dma_start3A_223] : memref<32x1024xf32, #tpu.memory_space<vmem>> -> memref<8x1024xf32, #tpu.memory_space<vmem>>
    tpu.enqueue_dma source(%dma_start3A_224 : memref<8x1024xf32, #tpu.memory_space<vmem>>) target(%dma_start3A_221 : memref<8x1024xf32, #tpu.memory_space<hbm>>) target_semaphore(%arg19 : memref<!tpu.dma_semaphore, #tpu.memory_space<semaphore_mem>>)
    %add3A_225 = arith.constant 0 : i32
    %add3A_226 = arith.addi %mul3A_2, %add3A_225 : i32
    %dma_start3A_227 = arith.constant 2 : i32
    %dma_start3A_228 = arith.constant 16 : i32
    %dma_start3A_229 = arith.constant 0 : i32
    %dma_start3A_230 = tpu.memref_slice %arg10[%dma_start3A_228, %dma_start3A_229] : memref<32x1024xf32, #tpu.memory_space<vmem>> -> memref<8x1024xf32, #tpu.memory_space<vmem>>
    %dma_start3A_231 = arith.constant 0 : i32
    %dma_start3A_232 = tpu.memref_slice %arg5[%dma_start3A_227, %add3A_226, %dma_start3A_231] : memref<4x2048x1024xf32, #tpu.memory_space<hbm>> -> memref<1x8x1024xf32, #tpu.memory_space<hbm>>
    %dma_start3A_233 = tpu.memref_squeeze %dma_start3A_232 : memref<1x8x1024xf32, #tpu.memory_space<hbm>> -> memref<8x1024xf32, #tpu.memory_space<hbm>>
    %dma_start3A_234 = arith.constant 0 : i32
    %dma_start3A_235 = tpu.memref_slice %arg5[%dma_start3A_227, %add3A_226, %dma_start3A_234] : memref<4x2048x1024xf32, #tpu.memory_space<hbm>> -> memref<1x8x1024xf32, #tpu.memory_space<hbm>>
    %dma_start3A_236 = tpu.memref_squeeze %dma_start3A_235 : memref<1x8x1024xf32, #tpu.memory_space<hbm>> -> memref<8x1024xf32, #tpu.memory_space<hbm>>
    %dma_start3A_237 = arith.constant 16 : i32
    %dma_start3A_238 = arith.constant 0 : i32
    %dma_start3A_239 = tpu.memref_slice %arg10[%dma_start3A_237, %dma_start3A_238] : memref<32x1024xf32, #tpu.memory_space<vmem>> -> memref<8x1024xf32, #tpu.memory_space<vmem>>
    tpu.enqueue_dma source(%dma_start3A_239 : memref<8x1024xf32, #tpu.memory_space<vmem>>) target(%dma_start3A_236 : memref<8x1024xf32, #tpu.memory_space<hbm>>) target_semaphore(%arg19 : memref<!tpu.dma_semaphore, #tpu.memory_space<semaphore_mem>>)
    %add3A_240 = arith.constant 0 : i32
    %add3A_241 = arith.addi %mul3A_2, %add3A_240 : i32
    %dma_start3A_242 = arith.constant 3 : i32
    %dma_start3A_243 = arith.constant 24 : i32
    %dma_start3A_244 = arith.constant 0 : i32
    %dma_start3A_245 = tpu.memref_slice %arg10[%dma_start3A_243, %dma_start3A_244] : memref<32x1024xf32, #tpu.memory_space<vmem>> -> memref<8x1024xf32, #tpu.memory_space<vmem>>
    %dma_start3A_246 = arith.constant 0 : i32
    %dma_start3A_247 = tpu.memref_slice %arg5[%dma_start3A_242, %add3A_241, %dma_start3A_246] : memref<4x2048x1024xf32, #tpu.memory_space<hbm>> -> memref<1x8x1024xf32, #tpu.memory_space<hbm>>
    %dma_start3A_248 = tpu.memref_squeeze %dma_start3A_247 : memref<1x8x1024xf32, #tpu.memory_space<hbm>> -> memref<8x1024xf32, #tpu.memory_space<hbm>>
    %dma_start3A_249 = arith.constant 0 : i32
    %dma_start3A_250 = tpu.memref_slice %arg5[%dma_start3A_242, %add3A_241, %dma_start3A_249] : memref<4x2048x1024xf32, #tpu.memory_space<hbm>> -> memref<1x8x1024xf32, #tpu.memory_space<hbm>>
    %dma_start3A_251 = tpu.memref_squeeze %dma_start3A_250 : memref<1x8x1024xf32, #tpu.memory_space<hbm>> -> memref<8x1024xf32, #tpu.memory_space<hbm>>
    %dma_start3A_252 = arith.constant 24 : i32
    %dma_start3A_253 = arith.constant 0 : i32
    %dma_start3A_254 = tpu.memref_slice %arg10[%dma_start3A_252, %dma_start3A_253] : memref<32x1024xf32, #tpu.memory_space<vmem>> -> memref<8x1024xf32, #tpu.memory_space<vmem>>
    tpu.enqueue_dma source(%dma_start3A_254 : memref<8x1024xf32, #tpu.memory_space<vmem>>) target(%dma_start3A_251 : memref<8x1024xf32, #tpu.memory_space<hbm>>) target_semaphore(%arg19 : memref<!tpu.dma_semaphore, #tpu.memory_space<semaphore_mem>>)
    %dma_wait3A_255 = arith.constant 0 : i32
    %dma_wait3A_256 = arith.constant 0 : i32
    %dma_wait3A_257 = arith.constant 0 : i32
    %dma_wait3A_258 = tpu.memref_slice %arg11[%dma_wait3A_256, %dma_wait3A_257] : memref<32x1024xf32, #tpu.memory_space<vmem>> -> memref<8x1024xf32, #tpu.memory_space<vmem>>
    %dma_wait3A_259 = arith.constant 8 : i32
    %dma_wait3A_260 = tpu.memref_slice %arg6[%dma_wait3A_255, %dma_wait3A_259] : memref<4x64xi32, #tpu.memory_space<vmem>> -> memref<1x8xi32, #tpu.memory_space<vmem>>
    %dma_wait3A_261 = tpu.memref_squeeze %dma_wait3A_260 : memref<1x8xi32, #tpu.memory_space<vmem>> -> memref<8xi32, #tpu.memory_space<vmem>>
    %dma_wait3A_262 = arith.constant 0 : i32
    %dma_wait3A_263 = arith.constant 0 : i32
    %dma_wait3A_264 = tpu.memref_slice %arg3[%dma_wait3A_262, %dma_wait3A_263] : memref<100000x1024xf32, #tpu.memory_space<hbm>> -> memref<100000x1024xf32, #tpu.memory_space<hbm>>
    tpu.wait_indirect_dma semaphore(%arg14 : memref<!tpu.dma_semaphore, #tpu.memory_space<semaphore_mem>>) src(%dma_wait3A_264 : memref<100000x1024xf32, #tpu.memory_space<hbm>>) dst(%dma_wait3A_258 : memref<8x1024xf32, #tpu.memory_space<vmem>>)
    %dma_wait3A_265 = arith.constant 1 : i32
    %dma_wait3A_266 = arith.constant 8 : i32
    %dma_wait3A_267 = arith.constant 0 : i32
    %dma_wait3A_268 = tpu.memref_slice %arg11[%dma_wait3A_266, %dma_wait3A_267] : memref<32x1024xf32, #tpu.memory_space<vmem>> -> memref<8x1024xf32, #tpu.memory_space<vmem>>
    %dma_wait3A_269 = arith.constant 8 : i32
    %dma_wait3A_270 = tpu.memref_slice %arg6[%dma_wait3A_265, %dma_wait3A_269] : memref<4x64xi32, #tpu.memory_space<vmem>> -> memref<1x8xi32, #tpu.memory_space<vmem>>
    %dma_wait3A_271 = tpu.memref_squeeze %dma_wait3A_270 : memref<1x8xi32, #tpu.memory_space<vmem>> -> memref<8xi32, #tpu.memory_space<vmem>>
    %dma_wait3A_272 = arith.constant 0 : i32
    %dma_wait3A_273 = arith.constant 0 : i32
    %dma_wait3A_274 = tpu.memref_slice %arg3[%dma_wait3A_272, %dma_wait3A_273] : memref<100000x1024xf32, #tpu.memory_space<hbm>> -> memref<100000x1024xf32, #tpu.memory_space<hbm>>
    tpu.wait_indirect_dma semaphore(%arg14 : memref<!tpu.dma_semaphore, #tpu.memory_space<semaphore_mem>>) src(%dma_wait3A_274 : memref<100000x1024xf32, #tpu.memory_space<hbm>>) dst(%dma_wait3A_268 : memref<8x1024xf32, #tpu.memory_space<vmem>>)
    %dma_wait3A_275 = arith.constant 2 : i32
    %dma_wait3A_276 = arith.constant 16 : i32
    %dma_wait3A_277 = arith.constant 0 : i32
    %dma_wait3A_278 = tpu.memref_slice %arg11[%dma_wait3A_276, %dma_wait3A_277] : memref<32x1024xf32, #tpu.memory_space<vmem>> -> memref<8x1024xf32, #tpu.memory_space<vmem>>
    %dma_wait3A_279 = arith.constant 8 : i32
    %dma_wait3A_280 = tpu.memref_slice %arg6[%dma_wait3A_275, %dma_wait3A_279] : memref<4x64xi32, #tpu.memory_space<vmem>> -> memref<1x8xi32, #tpu.memory_space<vmem>>
    %dma_wait3A_281 = tpu.memref_squeeze %dma_wait3A_280 : memref<1x8xi32, #tpu.memory_space<vmem>> -> memref<8xi32, #tpu.memory_space<vmem>>
    %dma_wait3A_282 = arith.constant 0 : i32
    %dma_wait3A_283 = arith.constant 0 : i32
    %dma_wait3A_284 = tpu.memref_slice %arg3[%dma_wait3A_282, %dma_wait3A_283] : memref<100000x1024xf32, #tpu.memory_space<hbm>> -> memref<100000x1024xf32, #tpu.memory_space<hbm>>
    tpu.wait_indirect_dma semaphore(%arg14 : memref<!tpu.dma_semaphore, #tpu.memory_space<semaphore_mem>>) src(%dma_wait3A_284 : memref<100000x1024xf32, #tpu.memory_space<hbm>>) dst(%dma_wait3A_278 : memref<8x1024xf32, #tpu.memory_space<vmem>>)
    %dma_wait3A_285 = arith.constant 3 : i32
    %dma_wait3A_286 = arith.constant 24 : i32
    %dma_wait3A_287 = arith.constant 0 : i32
    %dma_wait3A_288 = tpu.memref_slice %arg11[%dma_wait3A_286, %dma_wait3A_287] : memref<32x1024xf32, #tpu.memory_space<vmem>> -> memref<8x1024xf32, #tpu.memory_space<vmem>>
    %dma_wait3A_289 = arith.constant 8 : i32
    %dma_wait3A_290 = tpu.memref_slice %arg6[%dma_wait3A_285, %dma_wait3A_289] : memref<4x64xi32, #tpu.memory_space<vmem>> -> memref<1x8xi32, #tpu.memory_space<vmem>>
    %dma_wait3A_291 = tpu.memref_squeeze %dma_wait3A_290 : memref<1x8xi32, #tpu.memory_space<vmem>> -> memref<8xi32, #tpu.memory_space<vmem>>
    %dma_wait3A_292 = arith.constant 0 : i32
    %dma_wait3A_293 = arith.constant 0 : i32
    %dma_wait3A_294 = tpu.memref_slice %arg3[%dma_wait3A_292, %dma_wait3A_293] : memref<100000x1024xf32, #tpu.memory_space<hbm>> -> memref<100000x1024xf32, #tpu.memory_space<hbm>>
    tpu.wait_indirect_dma semaphore(%arg14 : memref<!tpu.dma_semaphore, #tpu.memory_space<semaphore_mem>>) src(%dma_wait3A_294 : memref<100000x1024xf32, #tpu.memory_space<hbm>>) dst(%dma_wait3A_288 : memref<8x1024xf32, #tpu.memory_space<vmem>>)
    %dma_wait3A_295 = arith.constant 0 : i32
    %dma_wait3A_296 = tpu.memref_slice %arg4[%add3A_56, %dma_wait3A_295] : memref<8192x1024xf32, #tpu.memory_space<hbm>> -> memref<8x1024xf32, #tpu.memory_space<hbm>>
    %dma_wait3A_297 = arith.constant 0 : i32
    %dma_wait3A_298 = tpu.memref_slice %arg4[%add3A_56, %dma_wait3A_297] : memref<8192x1024xf32, #tpu.memory_space<hbm>> -> memref<8x1024xf32, #tpu.memory_space<hbm>>
    tpu.wait_dma2 semaphore(%arg17 : memref<!tpu.dma_semaphore, #tpu.memory_space<semaphore_mem>>) src(%dma_wait3A_298 : memref<8x1024xf32, #tpu.memory_space<hbm>>) dst(%arg8 : memref<8x1024xf32, #tpu.memory_space<vmem>>)
    %dma_wait3A_299 = arith.constant 0 : i32
    %dma_wait3A_300 = arith.constant 0 : i32
    %dma_wait3A_301 = arith.constant 0 : i32
    %dma_wait3A_302 = tpu.memref_slice %arg10[%dma_wait3A_300, %dma_wait3A_301] : memref<32x1024xf32, #tpu.memory_space<vmem>> -> memref<8x1024xf32, #tpu.memory_space<vmem>>
    %dma_wait3A_303 = arith.constant 0 : i32
    %dma_wait3A_304 = tpu.memref_slice %arg5[%dma_wait3A_299, %add3A_196, %dma_wait3A_303] : memref<4x2048x1024xf32, #tpu.memory_space<hbm>> -> memref<1x8x1024xf32, #tpu.memory_space<hbm>>
    %dma_wait3A_305 = tpu.memref_squeeze %dma_wait3A_304 : memref<1x8x1024xf32, #tpu.memory_space<hbm>> -> memref<8x1024xf32, #tpu.memory_space<hbm>>
    %dma_wait3A_306 = arith.constant 0 : i32
    %dma_wait3A_307 = tpu.memref_slice %arg5[%dma_wait3A_299, %add3A_196, %dma_wait3A_306] : memref<4x2048x1024xf32, #tpu.memory_space<hbm>> -> memref<1x8x1024xf32, #tpu.memory_space<hbm>>
    %dma_wait3A_308 = tpu.memref_squeeze %dma_wait3A_307 : memref<1x8x1024xf32, #tpu.memory_space<hbm>> -> memref<8x1024xf32, #tpu.memory_space<hbm>>
    %dma_wait3A_309 = arith.constant 0 : i32
    %dma_wait3A_310 = arith.constant 0 : i32
    %dma_wait3A_311 = tpu.memref_slice %arg10[%dma_wait3A_309, %dma_wait3A_310] : memref<32x1024xf32, #tpu.memory_space<vmem>> -> memref<8x1024xf32, #tpu.memory_space<vmem>>
    tpu.wait_dma2 semaphore(%arg19 : memref<!tpu.dma_semaphore, #tpu.memory_space<semaphore_mem>>) src(%dma_wait3A_311 : memref<8x1024xf32, #tpu.memory_space<vmem>>) dst(%dma_wait3A_308 : memref<8x1024xf32, #tpu.memory_space<hbm>>)
    %dma_wait3A_312 = arith.constant 1 : i32
    %dma_wait3A_313 = arith.constant 8 : i32
    %dma_wait3A_314 = arith.constant 0 : i32
    %dma_wait3A_315 = tpu.memref_slice %arg10[%dma_wait3A_313, %dma_wait3A_314] : memref<32x1024xf32, #tpu.memory_space<vmem>> -> memref<8x1024xf32, #tpu.memory_space<vmem>>
    %dma_wait3A_316 = arith.constant 0 : i32
    %dma_wait3A_317 = tpu.memref_slice %arg5[%dma_wait3A_312, %add3A_211, %dma_wait3A_316] : memref<4x2048x1024xf32, #tpu.memory_space<hbm>> -> memref<1x8x1024xf32, #tpu.memory_space<hbm>>
    %dma_wait3A_318 = tpu.memref_squeeze %dma_wait3A_317 : memref<1x8x1024xf32, #tpu.memory_space<hbm>> -> memref<8x1024xf32, #tpu.memory_space<hbm>>
    %dma_wait3A_319 = arith.constant 0 : i32
    %dma_wait3A_320 = tpu.memref_slice %arg5[%dma_wait3A_312, %add3A_211, %dma_wait3A_319] : memref<4x2048x1024xf32, #tpu.memory_space<hbm>> -> memref<1x8x1024xf32, #tpu.memory_space<hbm>>
    %dma_wait3A_321 = tpu.memref_squeeze %dma_wait3A_320 : memref<1x8x1024xf32, #tpu.memory_space<hbm>> -> memref<8x1024xf32, #tpu.memory_space<hbm>>
    %dma_wait3A_322 = arith.constant 8 : i32
    %dma_wait3A_323 = arith.constant 0 : i32
    %dma_wait3A_324 = tpu.memref_slice %arg10[%dma_wait3A_322, %dma_wait3A_323] : memref<32x1024xf32, #tpu.memory_space<vmem>> -> memref<8x1024xf32, #tpu.memory_space<vmem>>
    tpu.wait_dma2 semaphore(%arg19 : memref<!tpu.dma_semaphore, #tpu.memory_space<semaphore_mem>>) src(%dma_wait3A_324 : memref<8x1024xf32, #tpu.memory_space<vmem>>) dst(%dma_wait3A_321 : memref<8x1024xf32, #tpu.memory_space<hbm>>)
    %dma_wait3A_325 = arith.constant 2 : i32
    %dma_wait3A_326 = arith.constant 16 : i32
    %dma_wait3A_327 = arith.constant 0 : i32
    %dma_wait3A_328 = tpu.memref_slice %arg10[%dma_wait3A_326, %dma_wait3A_327] : memref<32x1024xf32, #tpu.memory_space<vmem>> -> memref<8x1024xf32, #tpu.memory_space<vmem>>
    %dma_wait3A_329 = arith.constant 0 : i32
    %dma_wait3A_330 = tpu.memref_slice %arg5[%dma_wait3A_325, %add3A_226, %dma_wait3A_329] : memref<4x2048x1024xf32, #tpu.memory_space<hbm>> -> memref<1x8x1024xf32, #tpu.memory_space<hbm>>
    %dma_wait3A_331 = tpu.memref_squeeze %dma_wait3A_330 : memref<1x8x1024xf32, #tpu.memory_space<hbm>> -> memref<8x1024xf32, #tpu.memory_space<hbm>>
    %dma_wait3A_332 = arith.constant 0 : i32
    %dma_wait3A_333 = tpu.memref_slice %arg5[%dma_wait3A_325, %add3A_226, %dma_wait3A_332] : memref<4x2048x1024xf32, #tpu.memory_space<hbm>> -> memref<1x8x1024xf32, #tpu.memory_space<hbm>>
    %dma_wait3A_334 = tpu.memref_squeeze %dma_wait3A_333 : memref<1x8x1024xf32, #tpu.memory_space<hbm>> -> memref<8x1024xf32, #tpu.memory_space<hbm>>
    %dma_wait3A_335 = arith.constant 16 : i32
    %dma_wait3A_336 = arith.constant 0 : i32
    %dma_wait3A_337 = tpu.memref_slice %arg10[%dma_wait3A_335, %dma_wait3A_336] : memref<32x1024xf32, #tpu.memory_space<vmem>> -> memref<8x1024xf32, #tpu.memory_space<vmem>>
    tpu.wait_dma2 semaphore(%arg19 : memref<!tpu.dma_semaphore, #tpu.memory_space<semaphore_mem>>) src(%dma_wait3A_337 : memref<8x1024xf32, #tpu.memory_space<vmem>>) dst(%dma_wait3A_334 : memref<8x1024xf32, #tpu.memory_space<hbm>>)
    %dma_wait3A_338 = arith.constant 3 : i32
    %dma_wait3A_339 = arith.constant 24 : i32
    %dma_wait3A_340 = arith.constant 0 : i32
    %dma_wait3A_341 = tpu.memref_slice %arg10[%dma_wait3A_339, %dma_wait3A_340] : memref<32x1024xf32, #tpu.memory_space<vmem>> -> memref<8x1024xf32, #tpu.memory_space<vmem>>
    %dma_wait3A_342 = arith.constant 0 : i32
    %dma_wait3A_343 = tpu.memref_slice %arg5[%dma_wait3A_338, %add3A_241, %dma_wait3A_342] : memref<4x2048x1024xf32, #tpu.memory_space<hbm>> -> memref<1x8x1024xf32, #tpu.memory_space<hbm>>
    %dma_wait3A_344 = tpu.memref_squeeze %dma_wait3A_343 : memref<1x8x1024xf32, #tpu.memory_space<hbm>> -> memref<8x1024xf32, #tpu.memory_space<hbm>>
    %dma_wait3A_345 = arith.constant 0 : i32
    %dma_wait3A_346 = tpu.memref_slice %arg5[%dma_wait3A_338, %add3A_241, %dma_wait3A_345] : memref<4x2048x1024xf32, #tpu.memory_space<hbm>> -> memref<1x8x1024xf32, #tpu.memory_space<hbm>>
    %dma_wait3A_347 = tpu.memref_squeeze %dma_wait3A_346 : memref<1x8x1024xf32, #tpu.memory_space<hbm>> -> memref<8x1024xf32, #tpu.memory_space<hbm>>
    %dma_wait3A_348 = arith.constant 24 : i32
    %dma_wait3A_349 = arith.constant 0 : i32
    %dma_wait3A_350 = tpu.memref_slice %arg10[%dma_wait3A_348, %dma_wait3A_349] : memref<32x1024xf32, #tpu.memory_space<vmem>> -> memref<8x1024xf32, #tpu.memory_space<vmem>>
    tpu.wait_dma2 semaphore(%arg19 : memref<!tpu.dma_semaphore, #tpu.memory_space<semaphore_mem>>) src(%dma_wait3A_350 : memref<8x1024xf32, #tpu.memory_space<vmem>>) dst(%dma_wait3A_347 : memref<8x1024xf32, #tpu.memory_space<hbm>>)
    %add3A_351 = arith.constant 24 : i32
    %add3A_352 = arith.addi %mul3A_2, %add3A_351 : i32
    %dma_start3A_353 = arith.constant 0 : i32
    %dma_start3A_354 = tpu.memref_slice %arg4[%add3A_352, %dma_start3A_353] : memref<8192x1024xf32, #tpu.memory_space<hbm>> -> memref<8x1024xf32, #tpu.memory_space<hbm>>
    %dma_start3A_355 = arith.constant 0 : i32
    %dma_start3A_356 = tpu.memref_slice %arg4[%add3A_352, %dma_start3A_355] : memref<8192x1024xf32, #tpu.memory_space<hbm>> -> memref<8x1024xf32, #tpu.memory_space<hbm>>
    tpu.enqueue_dma source(%dma_start3A_356 : memref<8x1024xf32, #tpu.memory_space<hbm>>) target(%arg7 : memref<8x1024xf32, #tpu.memory_space<vmem>>) target_semaphore(%arg16 : memref<!tpu.dma_semaphore, #tpu.memory_space<semaphore_mem>>)
    %dma_start3A_357 = arith.constant 0 : i32
    %dma_start3A_358 = arith.constant 0 : i32
    %dma_start3A_359 = arith.constant 0 : i32
    %dma_start3A_360 = tpu.memref_slice %arg10[%dma_start3A_358, %dma_start3A_359] : memref<32x1024xf32, #tpu.memory_space<vmem>> -> memref<8x1024xf32, #tpu.memory_space<vmem>>
    %dma_start3A_361 = arith.constant 24 : i32
    %dma_start3A_362 = tpu.memref_slice %arg6[%dma_start3A_357, %dma_start3A_361] : memref<4x64xi32, #tpu.memory_space<vmem>> -> memref<1x8xi32, #tpu.memory_space<vmem>>
    %dma_start3A_363 = tpu.memref_squeeze %dma_start3A_362 : memref<1x8xi32, #tpu.memory_space<vmem>> -> memref<8xi32, #tpu.memory_space<vmem>>
    %dma_start3A_364 = arith.constant 0 : i32
    %dma_start3A_365 = arith.constant 0 : i32
    %dma_start3A_366 = tpu.memref_slice %arg3[%dma_start3A_364, %dma_start3A_365] : memref<100000x1024xf32, #tpu.memory_space<hbm>> -> memref<100000x1024xf32, #tpu.memory_space<hbm>>
    tpu.enqueue_indirect_dma source(%dma_start3A_366 : memref<100000x1024xf32, #tpu.memory_space<hbm>>) target(%dma_start3A_360 : memref<8x1024xf32, #tpu.memory_space<vmem>>) offsets(%dma_start3A_363 : memref<8xi32, #tpu.memory_space<vmem>>) semaphore(%arg13 : memref<!tpu.dma_semaphore, #tpu.memory_space<semaphore_mem>>)
    %dma_start3A_367 = arith.constant 1 : i32
    %dma_start3A_368 = arith.constant 8 : i32
    %dma_start3A_369 = arith.constant 0 : i32
    %dma_start3A_370 = tpu.memref_slice %arg10[%dma_start3A_368, %dma_start3A_369] : memref<32x1024xf32, #tpu.memory_space<vmem>> -> memref<8x1024xf32, #tpu.memory_space<vmem>>
    %dma_start3A_371 = arith.constant 24 : i32
    %dma_start3A_372 = tpu.memref_slice %arg6[%dma_start3A_367, %dma_start3A_371] : memref<4x64xi32, #tpu.memory_space<vmem>> -> memref<1x8xi32, #tpu.memory_space<vmem>>
    %dma_start3A_373 = tpu.memref_squeeze %dma_start3A_372 : memref<1x8xi32, #tpu.memory_space<vmem>> -> memref<8xi32, #tpu.memory_space<vmem>>
    %dma_start3A_374 = arith.constant 0 : i32
    %dma_start3A_375 = arith.constant 0 : i32
    %dma_start3A_376 = tpu.memref_slice %arg3[%dma_start3A_374, %dma_start3A_375] : memref<100000x1024xf32, #tpu.memory_space<hbm>> -> memref<100000x1024xf32, #tpu.memory_space<hbm>>
    tpu.enqueue_indirect_dma source(%dma_start3A_376 : memref<100000x1024xf32, #tpu.memory_space<hbm>>) target(%dma_start3A_370 : memref<8x1024xf32, #tpu.memory_space<vmem>>) offsets(%dma_start3A_373 : memref<8xi32, #tpu.memory_space<vmem>>) semaphore(%arg13 : memref<!tpu.dma_semaphore, #tpu.memory_space<semaphore_mem>>)
    %dma_start3A_377 = arith.constant 2 : i32
    %dma_start3A_378 = arith.constant 16 : i32
    %dma_start3A_379 = arith.constant 0 : i32
    %dma_start3A_380 = tpu.memref_slice %arg10[%dma_start3A_378, %dma_start3A_379] : memref<32x1024xf32, #tpu.memory_space<vmem>> -> memref<8x1024xf32, #tpu.memory_space<vmem>>
    %dma_start3A_381 = arith.constant 24 : i32
    %dma_start3A_382 = tpu.memref_slice %arg6[%dma_start3A_377, %dma_start3A_381] : memref<4x64xi32, #tpu.memory_space<vmem>> -> memref<1x8xi32, #tpu.memory_space<vmem>>
    %dma_start3A_383 = tpu.memref_squeeze %dma_start3A_382 : memref<1x8xi32, #tpu.memory_space<vmem>> -> memref<8xi32, #tpu.memory_space<vmem>>
    %dma_start3A_384 = arith.constant 0 : i32
    %dma_start3A_385 = arith.constant 0 : i32
    %dma_start3A_386 = tpu.memref_slice %arg3[%dma_start3A_384, %dma_start3A_385] : memref<100000x1024xf32, #tpu.memory_space<hbm>> -> memref<100000x1024xf32, #tpu.memory_space<hbm>>
    tpu.enqueue_indirect_dma source(%dma_start3A_386 : memref<100000x1024xf32, #tpu.memory_space<hbm>>) target(%dma_start3A_380 : memref<8x1024xf32, #tpu.memory_space<vmem>>) offsets(%dma_start3A_383 : memref<8xi32, #tpu.memory_space<vmem>>) semaphore(%arg13 : memref<!tpu.dma_semaphore, #tpu.memory_space<semaphore_mem>>)
    %dma_start3A_387 = arith.constant 3 : i32
    %dma_start3A_388 = arith.constant 24 : i32
    %dma_start3A_389 = arith.constant 0 : i32
    %dma_start3A_390 = tpu.memref_slice %arg10[%dma_start3A_388, %dma_start3A_389] : memref<32x1024xf32, #tpu.memory_space<vmem>> -> memref<8x1024xf32, #tpu.memory_space<vmem>>
    %dma_start3A_391 = arith.constant 24 : i32
    %dma_start3A_392 = tpu.memref_slice %arg6[%dma_start3A_387, %dma_start3A_391] : memref<4x64xi32, #tpu.memory_space<vmem>> -> memref<1x8xi32, #tpu.memory_space<vmem>>
    %dma_start3A_393 = tpu.memref_squeeze %dma_start3A_392 : memref<1x8xi32, #tpu.memory_space<vmem>> -> memref<8xi32, #tpu.memory_space<vmem>>
    %dma_start3A_394 = arith.constant 0 : i32
    %dma_start3A_395 = arith.constant 0 : i32
    %dma_start3A_396 = tpu.memref_slice %arg3[%dma_start3A_394, %dma_start3A_395] : memref<100000x1024xf32, #tpu.memory_space<hbm>> -> memref<100000x1024xf32, #tpu.memory_space<hbm>>
    tpu.enqueue_indirect_dma source(%dma_start3A_396 : memref<100000x1024xf32, #tpu.memory_space<hbm>>) target(%dma_start3A_390 : memref<8x1024xf32, #tpu.memory_space<vmem>>) offsets(%dma_start3A_393 : memref<8xi32, #tpu.memory_space<vmem>>) semaphore(%arg13 : memref<!tpu.dma_semaphore, #tpu.memory_space<semaphore_mem>>)
    %scan3A_397 = arith.constant 0 : i32
    %scan3A_398 = arith.constant 0 : i32
    %scan3A_399 = arith.constant 8 : i32
    %scan3A_400 = arith.addi %scan3A_398, %scan3A_399 : i32
    %scan3A_401 = arith.constant 1 : i32
    scf.for %scan3A_1671 = %scan3A_398 to %scan3A_400 step %scan3A_401  : i32 {
      %parallel_loop3A = arith.constant 0 : i32
      %parallel_loop3A_1672 = arith.constant 64 : i32
      %parallel_loop3A_1673 = arith.constant 1 : i32
      scf.for %parallel_loop3A_1674 = %parallel_loop3A to %parallel_loop3A_1672 step %parallel_loop3A_1673  : i32 {
        %parallel_loop3A_1675 = arith.constant 16 : i32
        %parallel_loop3A_1676 = arith.muli %parallel_loop3A_1674, %parallel_loop3A_1675 : i32
        %parallel_loop3A_1677 = arith.index_cast %scan3A_1671 : i32 to index
        %parallel_loop3A_1678 = arith.index_cast %parallel_loop3A_1676 : i32 to index
        %parallel_loop3A_1679 = tpu.vector_load %arg8[%parallel_loop3A_1677, %parallel_loop3A_1678] {strides = array<i32>} : memref<8x1024xf32, #tpu.memory_space<vmem>>, vector<1x16xf32>,
        %parallel_loop3A_1680 = vector.shape_cast %parallel_loop3A_1679 : vector<1x16xf32> to vector<16xf32>
        %parallel_loop3A_1681 = arith.constant 0 : i32
        %parallel_loop3A_1682 = arith.addi %parallel_loop3A_1681, %scan3A_1671 : i32
        %parallel_loop3A_1683 = arith.index_cast %parallel_loop3A_1682 : i32 to index
        %parallel_loop3A_1684 = arith.index_cast %parallel_loop3A_1676 : i32 to index
        %parallel_loop3A_1685 = tpu.vector_load %arg11[%parallel_loop3A_1683, %parallel_loop3A_1684] {strides = array<i32>} : memref<32x1024xf32, #tpu.memory_space<vmem>>, vector<1x16xf32>,
        %parallel_loop3A_1686 = vector.shape_cast %parallel_loop3A_1685 : vector<1x16xf32> to vector<16xf32>
        %parallel_loop3A_1687 = arith.constant 3.200000e+01 : f32
        %parallel_loop3A_1688 = vector.broadcast %parallel_loop3A_1687 : f32 to vector<16xf32>
        %parallel_loop3A_1689 = arith.mulf %parallel_loop3A_1686, %parallel_loop3A_1688 : vector<16xf32>
        %parallel_loop3A_1690 = arith.addf %parallel_loop3A_1689, %parallel_loop3A_1680 : vector<16xf32>
        %parallel_loop3A_1691 = arith.constant 0 : i32
        %parallel_loop3A_1692 = arith.addi %parallel_loop3A_1691, %scan3A_1671 : i32
        %parallel_loop3A_1693 = arith.index_cast %parallel_loop3A_1692 : i32 to index
        %parallel_loop3A_1694 = arith.index_cast %parallel_loop3A_1676 : i32 to index
        %parallel_loop3A_1695 = tpu.vector_load %arg11[%parallel_loop3A_1693, %parallel_loop3A_1694] {strides = array<i32>} : memref<32x1024xf32, #tpu.memory_space<vmem>>, vector<1x16xf32>,
        %parallel_loop3A_1696 = vector.shape_cast %parallel_loop3A_1695 : vector<1x16xf32> to vector<16xf32>
        %parallel_loop3A_1697 = vector.shape_cast %parallel_loop3A_1690 : vector<16xf32> to vector<1x16xf32>
        tpu.vector_store %arg11[%parallel_loop3A_1693, %parallel_loop3A_1694], %parallel_loop3A_1697 {strides = array<i32>} : memref<32x1024xf32, #tpu.memory_space<vmem>>, vector<1x16xf32>,
        %parallel_loop3A_1698 = arith.constant 8 : i32
        %parallel_loop3A_1699 = arith.addi %parallel_loop3A_1698, %scan3A_1671 : i32
        %parallel_loop3A_1700 = arith.index_cast %parallel_loop3A_1699 : i32 to index
        %parallel_loop3A_1701 = arith.index_cast %parallel_loop3A_1676 : i32 to index
        %parallel_loop3A_1702 = tpu.vector_load %arg11[%parallel_loop3A_1700, %parallel_loop3A_1701] {strides = array<i32>} : memref<32x1024xf32, #tpu.memory_space<vmem>>, vector<1x16xf32>,
        %parallel_loop3A_1703 = vector.shape_cast %parallel_loop3A_1702 : vector<1x16xf32> to vector<16xf32>
        %parallel_loop3A_1704 = arith.constant 3.200000e+01 : f32
        %parallel_loop3A_1705 = vector.broadcast %parallel_loop3A_1704 : f32 to vector<16xf32>
        %parallel_loop3A_1706 = arith.mulf %parallel_loop3A_1703, %parallel_loop3A_1705 : vector<16xf32>
        %parallel_loop3A_1707 = arith.addf %parallel_loop3A_1706, %parallel_loop3A_1680 : vector<16xf32>
        %parallel_loop3A_1708 = arith.constant 8 : i32
        %parallel_loop3A_1709 = arith.addi %parallel_loop3A_1708, %scan3A_1671 : i32
        %parallel_loop3A_1710 = arith.index_cast %parallel_loop3A_1709 : i32 to index
        %parallel_loop3A_1711 = arith.index_cast %parallel_loop3A_1676 : i32 to index
        %parallel_loop3A_1712 = tpu.vector_load %arg11[%parallel_loop3A_1710, %parallel_loop3A_1711] {strides = array<i32>} : memref<32x1024xf32, #tpu.memory_space<vmem>>, vector<1x16xf32>,
        %parallel_loop3A_1713 = vector.shape_cast %parallel_loop3A_1712 : vector<1x16xf32> to vector<16xf32>
        %parallel_loop3A_1714 = vector.shape_cast %parallel_loop3A_1707 : vector<16xf32> to vector<1x16xf32>
        tpu.vector_store %arg11[%parallel_loop3A_1710, %parallel_loop3A_1711], %parallel_loop3A_1714 {strides = array<i32>} : memref<32x1024xf32, #tpu.memory_space<vmem>>, vector<1x16xf32>,
        %parallel_loop3A_1715 = arith.constant 16 : i32
        %parallel_loop3A_1716 = arith.addi %parallel_loop3A_1715, %scan3A_1671 : i32
        %parallel_loop3A_1717 = arith.index_cast %parallel_loop3A_1716 : i32 to index
        %parallel_loop3A_1718 = arith.index_cast %parallel_loop3A_1676 : i32 to index
        %parallel_loop3A_1719 = tpu.vector_load %arg11[%parallel_loop3A_1717, %parallel_loop3A_1718] {strides = array<i32>} : memref<32x1024xf32, #tpu.memory_space<vmem>>, vector<1x16xf32>,
        %parallel_loop3A_1720 = vector.shape_cast %parallel_loop3A_1719 : vector<1x16xf32> to vector<16xf32>
        %parallel_loop3A_1721 = arith.constant 3.200000e+01 : f32
        %parallel_loop3A_1722 = vector.broadcast %parallel_loop3A_1721 : f32 to vector<16xf32>
        %parallel_loop3A_1723 = arith.mulf %parallel_loop3A_1720, %parallel_loop3A_1722 : vector<16xf32>
        %parallel_loop3A_1724 = arith.addf %parallel_loop3A_1723, %parallel_loop3A_1680 : vector<16xf32>
        %parallel_loop3A_1725 = arith.constant 16 : i32
        %parallel_loop3A_1726 = arith.addi %parallel_loop3A_1725, %scan3A_1671 : i32
        %parallel_loop3A_1727 = arith.index_cast %parallel_loop3A_1726 : i32 to index
        %parallel_loop3A_1728 = arith.index_cast %parallel_loop3A_1676 : i32 to index
        %parallel_loop3A_1729 = tpu.vector_load %arg11[%parallel_loop3A_1727, %parallel_loop3A_1728] {strides = array<i32>} : memref<32x1024xf32, #tpu.memory_space<vmem>>, vector<1x16xf32>,
        %parallel_loop3A_1730 = vector.shape_cast %parallel_loop3A_1729 : vector<1x16xf32> to vector<16xf32>
        %parallel_loop3A_1731 = vector.shape_cast %parallel_loop3A_1724 : vector<16xf32> to vector<1x16xf32>
        tpu.vector_store %arg11[%parallel_loop3A_1727, %parallel_loop3A_1728], %parallel_loop3A_1731 {strides = array<i32>} : memref<32x1024xf32, #tpu.memory_space<vmem>>, vector<1x16xf32>,
        %parallel_loop3A_1732 = arith.constant 24 : i32
        %parallel_loop3A_1733 = arith.addi %parallel_loop3A_1732, %scan3A_1671 : i32
        %parallel_loop3A_1734 = arith.index_cast %parallel_loop3A_1733 : i32 to index
        %parallel_loop3A_1735 = arith.index_cast %parallel_loop3A_1676 : i32 to index
        %parallel_loop3A_1736 = tpu.vector_load %arg11[%parallel_loop3A_1734, %parallel_loop3A_1735] {strides = array<i32>} : memref<32x1024xf32, #tpu.memory_space<vmem>>, vector<1x16xf32>,
        %parallel_loop3A_1737 = vector.shape_cast %parallel_loop3A_1736 : vector<1x16xf32> to vector<16xf32>
        %parallel_loop3A_1738 = arith.constant 3.200000e+01 : f32
        %parallel_loop3A_1739 = vector.broadcast %parallel_loop3A_1738 : f32 to vector<16xf32>
        %parallel_loop3A_1740 = arith.mulf %parallel_loop3A_1737, %parallel_loop3A_1739 : vector<16xf32>
        %parallel_loop3A_1741 = arith.addf %parallel_loop3A_1740, %parallel_loop3A_1680 : vector<16xf32>
        %parallel_loop3A_1742 = arith.constant 24 : i32
        %parallel_loop3A_1743 = arith.addi %parallel_loop3A_1742, %scan3A_1671 : i32
        %parallel_loop3A_1744 = arith.index_cast %parallel_loop3A_1743 : i32 to index
        %parallel_loop3A_1745 = arith.index_cast %parallel_loop3A_1676 : i32 to index
        %parallel_loop3A_1746 = tpu.vector_load %arg11[%parallel_loop3A_1744, %parallel_loop3A_1745] {strides = array<i32>} : memref<32x1024xf32, #tpu.memory_space<vmem>>, vector<1x16xf32>,
        %parallel_loop3A_1747 = vector.shape_cast %parallel_loop3A_1746 : vector<1x16xf32> to vector<16xf32>
        %parallel_loop3A_1748 = vector.shape_cast %parallel_loop3A_1741 : vector<16xf32> to vector<1x16xf32>
        tpu.vector_store %arg11[%parallel_loop3A_1744, %parallel_loop3A_1745], %parallel_loop3A_1748 {strides = array<i32>} : memref<32x1024xf32, #tpu.memory_space<vmem>>, vector<1x16xf32>,
      } {sc.loop_unroll_factor = 4 : i64, sc.parallel_access}
    }
    %scan3A_402 = arith.constant 8 : i32
    %add3A_403 = arith.constant 8 : i32
    %add3A_404 = arith.addi %mul3A_2, %add3A_403 : i32
    %dma_start3A_405 = arith.constant 0 : i32
    %dma_start3A_406 = arith.constant 0 : i32
    %dma_start3A_407 = arith.constant 0 : i32
    %dma_start3A_408 = tpu.memref_slice %arg11[%dma_start3A_406, %dma_start3A_407] : memref<32x1024xf32, #tpu.memory_space<vmem>> -> memref<8x1024xf32, #tpu.memory_space<vmem>>
    %dma_start3A_409 = arith.constant 0 : i32
    %dma_start3A_410 = tpu.memref_slice %arg5[%dma_start3A_405, %add3A_404, %dma_start3A_409] : memref<4x2048x1024xf32, #tpu.memory_space<hbm>> -> memref<1x8x1024xf32, #tpu.memory_space<hbm>>
    %dma_start3A_411 = tpu.memref_squeeze %dma_start3A_410 : memref<1x8x1024xf32, #tpu.memory_space<hbm>> -> memref<8x1024xf32, #tpu.memory_space<hbm>>
    %dma_start3A_412 = arith.constant 0 : i32
    %dma_start3A_413 = tpu.memref_slice %arg5[%dma_start3A_405, %add3A_404, %dma_start3A_412] : memref<4x2048x1024xf32, #tpu.memory_space<hbm>> -> memref<1x8x1024xf32, #tpu.memory_space<hbm>>
    %dma_start3A_414 = tpu.memref_squeeze %dma_start3A_413 : memref<1x8x1024xf32, #tpu.memory_space<hbm>> -> memref<8x1024xf32, #tpu.memory_space<hbm>>
    %dma_start3A_415 = arith.constant 0 : i32
    %dma_start3A_416 = arith.constant 0 : i32
    %dma_start3A_417 = tpu.memref_slice %arg11[%dma_start3A_415, %dma_start3A_416] : memref<32x1024xf32, #tpu.memory_space<vmem>> -> memref<8x1024xf32, #tpu.memory_space<vmem>>
    tpu.enqueue_dma source(%dma_start3A_417 : memref<8x1024xf32, #tpu.memory_space<vmem>>) target(%dma_start3A_414 : memref<8x1024xf32, #tpu.memory_space<hbm>>) target_semaphore(%arg20 : memref<!tpu.dma_semaphore, #tpu.memory_space<semaphore_mem>>)
    %add3A_418 = arith.constant 8 : i32
    %add3A_419 = arith.addi %mul3A_2, %add3A_418 : i32
    %dma_start3A_420 = arith.constant 1 : i32
    %dma_start3A_421 = arith.constant 8 : i32
    %dma_start3A_422 = arith.constant 0 : i32
    %dma_start3A_423 = tpu.memref_slice %arg11[%dma_start3A_421, %dma_start3A_422] : memref<32x1024xf32, #tpu.memory_space<vmem>> -> memref<8x1024xf32, #tpu.memory_space<vmem>>
    %dma_start3A_424 = arith.constant 0 : i32
    %dma_start3A_425 = tpu.memref_slice %arg5[%dma_start3A_420, %add3A_419, %dma_start3A_424] : memref<4x2048x1024xf32, #tpu.memory_space<hbm>> -> memref<1x8x1024xf32, #tpu.memory_space<hbm>>
    %dma_start3A_426 = tpu.memref_squeeze %dma_start3A_425 : memref<1x8x1024xf32, #tpu.memory_space<hbm>> -> memref<8x1024xf32, #tpu.memory_space<hbm>>
    %dma_start3A_427 = arith.constant 0 : i32
    %dma_start3A_428 = tpu.memref_slice %arg5[%dma_start3A_420, %add3A_419, %dma_start3A_427] : memref<4x2048x1024xf32, #tpu.memory_space<hbm>> -> memref<1x8x1024xf32, #tpu.memory_space<hbm>>
    %dma_start3A_429 = tpu.memref_squeeze %dma_start3A_428 : memref<1x8x1024xf32, #tpu.memory_space<hbm>> -> memref<8x1024xf32, #tpu.memory_space<hbm>>
    %dma_start3A_430 = arith.constant 8 : i32
    %dma_start3A_431 = arith.constant 0 : i32
    %dma_start3A_432 = tpu.memref_slice %arg11[%dma_start3A_430, %dma_start3A_431] : memref<32x1024xf32, #tpu.memory_space<vmem>> -> memref<8x1024xf32, #tpu.memory_space<vmem>>
    tpu.enqueue_dma source(%dma_start3A_432 : memref<8x1024xf32, #tpu.memory_space<vmem>>) target(%dma_start3A_429 : memref<8x1024xf32, #tpu.memory_space<hbm>>) target_semaphore(%arg20 : memref<!tpu.dma_semaphore, #tpu.memory_space<semaphore_mem>>)
    %add3A_433 = arith.constant 8 : i32
    %add3A_434 = arith.addi %mul3A_2, %add3A_433 : i32
    %dma_start3A_435 = arith.constant 2 : i32
    %dma_start3A_436 = arith.constant 16 : i32
    %dma_start3A_437 = arith.constant 0 : i32
    %dma_start3A_438 = tpu.memref_slice %arg11[%dma_start3A_436, %dma_start3A_437] : memref<32x1024xf32, #tpu.memory_space<vmem>> -> memref<8x1024xf32, #tpu.memory_space<vmem>>
    %dma_start3A_439 = arith.constant 0 : i32
    %dma_start3A_440 = tpu.memref_slice %arg5[%dma_start3A_435, %add3A_434, %dma_start3A_439] : memref<4x2048x1024xf32, #tpu.memory_space<hbm>> -> memref<1x8x1024xf32, #tpu.memory_space<hbm>>
    %dma_start3A_441 = tpu.memref_squeeze %dma_start3A_440 : memref<1x8x1024xf32, #tpu.memory_space<hbm>> -> memref<8x1024xf32, #tpu.memory_space<hbm>>
    %dma_start3A_442 = arith.constant 0 : i32
    %dma_start3A_443 = tpu.memref_slice %arg5[%dma_start3A_435, %add3A_434, %dma_start3A_442] : memref<4x2048x1024xf32, #tpu.memory_space<hbm>> -> memref<1x8x1024xf32, #tpu.memory_space<hbm>>
    %dma_start3A_444 = tpu.memref_squeeze %dma_start3A_443 : memref<1x8x1024xf32, #tpu.memory_space<hbm>> -> memref<8x1024xf32, #tpu.memory_space<hbm>>
    %dma_start3A_445 = arith.constant 16 : i32
    %dma_start3A_446 = arith.constant 0 : i32
    %dma_start3A_447 = tpu.memref_slice %arg11[%dma_start3A_445, %dma_start3A_446] : memref<32x1024xf32, #tpu.memory_space<vmem>> -> memref<8x1024xf32, #tpu.memory_space<vmem>>
    tpu.enqueue_dma source(%dma_start3A_447 : memref<8x1024xf32, #tpu.memory_space<vmem>>) target(%dma_start3A_444 : memref<8x1024xf32, #tpu.memory_space<hbm>>) target_semaphore(%arg20 : memref<!tpu.dma_semaphore, #tpu.memory_space<semaphore_mem>>)
    %add3A_448 = arith.constant 8 : i32
    %add3A_449 = arith.addi %mul3A_2, %add3A_448 : i32
    %dma_start3A_450 = arith.constant 3 : i32
    %dma_start3A_451 = arith.constant 24 : i32
    %dma_start3A_452 = arith.constant 0 : i32
    %dma_start3A_453 = tpu.memref_slice %arg11[%dma_start3A_451, %dma_start3A_452] : memref<32x1024xf32, #tpu.memory_space<vmem>> -> memref<8x1024xf32, #tpu.memory_space<vmem>>
    %dma_start3A_454 = arith.constant 0 : i32
    %dma_start3A_455 = tpu.memref_slice %arg5[%dma_start3A_450, %add3A_449, %dma_start3A_454] : memref<4x2048x1024xf32, #tpu.memory_space<hbm>> -> memref<1x8x1024xf32, #tpu.memory_space<hbm>>
    %dma_start3A_456 = tpu.memref_squeeze %dma_start3A_455 : memref<1x8x1024xf32, #tpu.memory_space<hbm>> -> memref<8x1024xf32, #tpu.memory_space<hbm>>
    %dma_start3A_457 = arith.constant 0 : i32
    %dma_start3A_458 = tpu.memref_slice %arg5[%dma_start3A_450, %add3A_449, %dma_start3A_457] : memref<4x2048x1024xf32, #tpu.memory_space<hbm>> -> memref<1x8x1024xf32, #tpu.memory_space<hbm>>
    %dma_start3A_459 = tpu.memref_squeeze %dma_start3A_458 : memref<1x8x1024xf32, #tpu.memory_space<hbm>> -> memref<8x1024xf32, #tpu.memory_space<hbm>>
    %dma_start3A_460 = arith.constant 24 : i32
    %dma_start3A_461 = arith.constant 0 : i32
    %dma_start3A_462 = tpu.memref_slice %arg11[%dma_start3A_460, %dma_start3A_461] : memref<32x1024xf32, #tpu.memory_space<vmem>> -> memref<8x1024xf32, #tpu.memory_space<vmem>>
    tpu.enqueue_dma source(%dma_start3A_462 : memref<8x1024xf32, #tpu.memory_space<vmem>>) target(%dma_start3A_459 : memref<8x1024xf32, #tpu.memory_space<hbm>>) target_semaphore(%arg20 : memref<!tpu.dma_semaphore, #tpu.memory_space<semaphore_mem>>)
    %dma_wait3A_463 = arith.constant 0 : i32
    %dma_wait3A_464 = arith.constant 0 : i32
    %dma_wait3A_465 = arith.constant 0 : i32
    %dma_wait3A_466 = tpu.memref_slice %arg12[%dma_wait3A_464, %dma_wait3A_465] : memref<32x1024xf32, #tpu.memory_space<vmem>> -> memref<8x1024xf32, #tpu.memory_space<vmem>>
    %dma_wait3A_467 = arith.constant 16 : i32
    %dma_wait3A_468 = tpu.memref_slice %arg6[%dma_wait3A_463, %dma_wait3A_467] : memref<4x64xi32, #tpu.memory_space<vmem>> -> memref<1x8xi32, #tpu.memory_space<vmem>>
    %dma_wait3A_469 = tpu.memref_squeeze %dma_wait3A_468 : memref<1x8xi32, #tpu.memory_space<vmem>> -> memref<8xi32, #tpu.memory_space<vmem>>
    %dma_wait3A_470 = arith.constant 0 : i32
    %dma_wait3A_471 = arith.constant 0 : i32
    %dma_wait3A_472 = tpu.memref_slice %arg3[%dma_wait3A_470, %dma_wait3A_471] : memref<100000x1024xf32, #tpu.memory_space<hbm>> -> memref<100000x1024xf32, #tpu.memory_space<hbm>>
    tpu.wait_indirect_dma semaphore(%arg15 : memref<!tpu.dma_semaphore, #tpu.memory_space<semaphore_mem>>) src(%dma_wait3A_472 : memref<100000x1024xf32, #tpu.memory_space<hbm>>) dst(%dma_wait3A_466 : memref<8x1024xf32, #tpu.memory_space<vmem>>)
    %dma_wait3A_473 = arith.constant 1 : i32
    %dma_wait3A_474 = arith.constant 8 : i32
    %dma_wait3A_475 = arith.constant 0 : i32
    %dma_wait3A_476 = tpu.memref_slice %arg12[%dma_wait3A_474, %dma_wait3A_475] : memref<32x1024xf32, #tpu.memory_space<vmem>> -> memref<8x1024xf32, #tpu.memory_space<vmem>>
    %dma_wait3A_477 = arith.constant 16 : i32
    %dma_wait3A_478 = tpu.memref_slice %arg6[%dma_wait3A_473, %dma_wait3A_477] : memref<4x64xi32, #tpu.memory_space<vmem>> -> memref<1x8xi32, #tpu.memory_space<vmem>>
    %dma_wait3A_479 = tpu.memref_squeeze %dma_wait3A_478 : memref<1x8xi32, #tpu.memory_space<vmem>> -> memref<8xi32, #tpu.memory_space<vmem>>
    %dma_wait3A_480 = arith.constant 0 : i32
    %dma_wait3A_481 = arith.constant 0 : i32
    %dma_wait3A_482 = tpu.memref_slice %arg3[%dma_wait3A_480, %dma_wait3A_481] : memref<100000x1024xf32, #tpu.memory_space<hbm>> -> memref<100000x1024xf32, #tpu.memory_space<hbm>>
    tpu.wait_indirect_dma semaphore(%arg15 : memref<!tpu.dma_semaphore, #tpu.memory_space<semaphore_mem>>) src(%dma_wait3A_482 : memref<100000x1024xf32, #tpu.memory_space<hbm>>) dst(%dma_wait3A_476 : memref<8x1024xf32, #tpu.memory_space<vmem>>)
    %dma_wait3A_483 = arith.constant 2 : i32
    %dma_wait3A_484 = arith.constant 16 : i32
    %dma_wait3A_485 = arith.constant 0 : i32
    %dma_wait3A_486 = tpu.memref_slice %arg12[%dma_wait3A_484, %dma_wait3A_485] : memref<32x1024xf32, #tpu.memory_space<vmem>> -> memref<8x1024xf32, #tpu.memory_space<vmem>>
    %dma_wait3A_487 = arith.constant 16 : i32
    %dma_wait3A_488 = tpu.memref_slice %arg6[%dma_wait3A_483, %dma_wait3A_487] : memref<4x64xi32, #tpu.memory_space<vmem>> -> memref<1x8xi32, #tpu.memory_space<vmem>>
    %dma_wait3A_489 = tpu.memref_squeeze %dma_wait3A_488 : memref<1x8xi32, #tpu.memory_space<vmem>> -> memref<8xi32, #tpu.memory_space<vmem>>
    %dma_wait3A_490 = arith.constant 0 : i32
    %dma_wait3A_491 = arith.constant 0 : i32
    %dma_wait3A_492 = tpu.memref_slice %arg3[%dma_wait3A_490, %dma_wait3A_491] : memref<100000x1024xf32, #tpu.memory_space<hbm>> -> memref<100000x1024xf32, #tpu.memory_space<hbm>>
    tpu.wait_indirect_dma semaphore(%arg15 : memref<!tpu.dma_semaphore, #tpu.memory_space<semaphore_mem>>) src(%dma_wait3A_492 : memref<100000x1024xf32, #tpu.memory_space<hbm>>) dst(%dma_wait3A_486 : memref<8x1024xf32, #tpu.memory_space<vmem>>)
    %dma_wait3A_493 = arith.constant 3 : i32
    %dma_wait3A_494 = arith.constant 24 : i32
    %dma_wait3A_495 = arith.constant 0 : i32
    %dma_wait3A_496 = tpu.memref_slice %arg12[%dma_wait3A_494, %dma_wait3A_495] : memref<32x1024xf32, #tpu.memory_space<vmem>> -> memref<8x1024xf32, #tpu.memory_space<vmem>>
    %dma_wait3A_497 = arith.constant 16 : i32
    %dma_wait3A_498 = tpu.memref_slice %arg6[%dma_wait3A_493, %dma_wait3A_497] : memref<4x64xi32, #tpu.memory_space<vmem>> -> memref<1x8xi32, #tpu.memory_space<vmem>>
    %dma_wait3A_499 = tpu.memref_squeeze %dma_wait3A_498 : memref<1x8xi32, #tpu.memory_space<vmem>> -> memref<8xi32, #tpu.memory_space<vmem>>
    %dma_wait3A_500 = arith.constant 0 : i32
    %dma_wait3A_501 = arith.constant 0 : i32
    %dma_wait3A_502 = tpu.memref_slice %arg3[%dma_wait3A_500, %dma_wait3A_501] : memref<100000x1024xf32, #tpu.memory_space<hbm>> -> memref<100000x1024xf32, #tpu.memory_space<hbm>>
    tpu.wait_indirect_dma semaphore(%arg15 : memref<!tpu.dma_semaphore, #tpu.memory_space<semaphore_mem>>) src(%dma_wait3A_502 : memref<100000x1024xf32, #tpu.memory_space<hbm>>) dst(%dma_wait3A_496 : memref<8x1024xf32, #tpu.memory_space<vmem>>)
    %dma_wait3A_503 = arith.constant 0 : i32
    %dma_wait3A_504 = tpu.memref_slice %arg4[%add3A_145, %dma_wait3A_503] : memref<8192x1024xf32, #tpu.memory_space<hbm>> -> memref<8x1024xf32, #tpu.memory_space<hbm>>
    %dma_wait3A_505 = arith.constant 0 : i32
    %dma_wait3A_506 = tpu.memref_slice %arg4[%add3A_145, %dma_wait3A_505] : memref<8192x1024xf32, #tpu.memory_space<hbm>> -> memref<8x1024xf32, #tpu.memory_space<hbm>>
    tpu.wait_dma2 semaphore(%arg18 : memref<!tpu.dma_semaphore, #tpu.memory_space<semaphore_mem>>) src(%dma_wait3A_506 : memref<8x1024xf32, #tpu.memory_space<hbm>>) dst(%arg9 : memref<8x1024xf32, #tpu.memory_space<vmem>>)
    %dma_wait3A_507 = arith.constant 0 : i32
    %dma_wait3A_508 = arith.constant 0 : i32
    %dma_wait3A_509 = arith.constant 0 : i32
    %dma_wait3A_510 = tpu.memref_slice %arg11[%dma_wait3A_508, %dma_wait3A_509] : memref<32x1024xf32, #tpu.memory_space<vmem>> -> memref<8x1024xf32, #tpu.memory_space<vmem>>
    %dma_wait3A_511 = arith.constant 0 : i32
    %dma_wait3A_512 = tpu.memref_slice %arg5[%dma_wait3A_507, %add3A_404, %dma_wait3A_511] : memref<4x2048x1024xf32, #tpu.memory_space<hbm>> -> memref<1x8x1024xf32, #tpu.memory_space<hbm>>
    %dma_wait3A_513 = tpu.memref_squeeze %dma_wait3A_512 : memref<1x8x1024xf32, #tpu.memory_space<hbm>> -> memref<8x1024xf32, #tpu.memory_space<hbm>>
    %dma_wait3A_514 = arith.constant 0 : i32
    %dma_wait3A_515 = tpu.memref_slice %arg5[%dma_wait3A_507, %add3A_404, %dma_wait3A_514] : memref<4x2048x1024xf32, #tpu.memory_space<hbm>> -> memref<1x8x1024xf32, #tpu.memory_space<hbm>>
    %dma_wait3A_516 = tpu.memref_squeeze %dma_wait3A_515 : memref<1x8x1024xf32, #tpu.memory_space<hbm>> -> memref<8x1024xf32, #tpu.memory_space<hbm>>
    %dma_wait3A_517 = arith.constant 0 : i32
    %dma_wait3A_518 = arith.constant 0 : i32
    %dma_wait3A_519 = tpu.memref_slice %arg11[%dma_wait3A_517, %dma_wait3A_518] : memref<32x1024xf32, #tpu.memory_space<vmem>> -> memref<8x1024xf32, #tpu.memory_space<vmem>>
    tpu.wait_dma2 semaphore(%arg20 : memref<!tpu.dma_semaphore, #tpu.memory_space<semaphore_mem>>) src(%dma_wait3A_519 : memref<8x1024xf32, #tpu.memory_space<vmem>>) dst(%dma_wait3A_516 : memref<8x1024xf32, #tpu.memory_space<hbm>>)
    %dma_wait3A_520 = arith.constant 1 : i32
    %dma_wait3A_521 = arith.constant 8 : i32
    %dma_wait3A_522 = arith.constant 0 : i32
    %dma_wait3A_523 = tpu.memref_slice %arg11[%dma_wait3A_521, %dma_wait3A_522] : memref<32x1024xf32, #tpu.memory_space<vmem>> -> memref<8x1024xf32, #tpu.memory_space<vmem>>
    %dma_wait3A_524 = arith.constant 0 : i32
    %dma_wait3A_525 = tpu.memref_slice %arg5[%dma_wait3A_520, %add3A_419, %dma_wait3A_524] : memref<4x2048x1024xf32, #tpu.memory_space<hbm>> -> memref<1x8x1024xf32, #tpu.memory_space<hbm>>
    %dma_wait3A_526 = tpu.memref_squeeze %dma_wait3A_525 : memref<1x8x1024xf32, #tpu.memory_space<hbm>> -> memref<8x1024xf32, #tpu.memory_space<hbm>>
    %dma_wait3A_527 = arith.constant 0 : i32
    %dma_wait3A_528 = tpu.memref_slice %arg5[%dma_wait3A_520, %add3A_419, %dma_wait3A_527] : memref<4x2048x1024xf32, #tpu.memory_space<hbm>> -> memref<1x8x1024xf32, #tpu.memory_space<hbm>>
    %dma_wait3A_529 = tpu.memref_squeeze %dma_wait3A_528 : memref<1x8x1024xf32, #tpu.memory_space<hbm>> -> memref<8x1024xf32, #tpu.memory_space<hbm>>
    %dma_wait3A_530 = arith.constant 8 : i32
    %dma_wait3A_531 = arith.constant 0 : i32
    %dma_wait3A_532 = tpu.memref_slice %arg11[%dma_wait3A_530, %dma_wait3A_531] : memref<32x1024xf32, #tpu.memory_space<vmem>> -> memref<8x1024xf32, #tpu.memory_space<vmem>>
    tpu.wait_dma2 semaphore(%arg20 : memref<!tpu.dma_semaphore, #tpu.memory_space<semaphore_mem>>) src(%dma_wait3A_532 : memref<8x1024xf32, #tpu.memory_space<vmem>>) dst(%dma_wait3A_529 : memref<8x1024xf32, #tpu.memory_space<hbm>>)
    %dma_wait3A_533 = arith.constant 2 : i32
    %dma_wait3A_534 = arith.constant 16 : i32
    %dma_wait3A_535 = arith.constant 0 : i32
    %dma_wait3A_536 = tpu.memref_slice %arg11[%dma_wait3A_534, %dma_wait3A_535] : memref<32x1024xf32, #tpu.memory_space<vmem>> -> memref<8x1024xf32, #tpu.memory_space<vmem>>
    %dma_wait3A_537 = arith.constant 0 : i32
    %dma_wait3A_538 = tpu.memref_slice %arg5[%dma_wait3A_533, %add3A_434, %dma_wait3A_537] : memref<4x2048x1024xf32, #tpu.memory_space<hbm>> -> memref<1x8x1024xf32, #tpu.memory_space<hbm>>
    %dma_wait3A_539 = tpu.memref_squeeze %dma_wait3A_538 : memref<1x8x1024xf32, #tpu.memory_space<hbm>> -> memref<8x1024xf32, #tpu.memory_space<hbm>>
    %dma_wait3A_540 = arith.constant 0 : i32
    %dma_wait3A_541 = tpu.memref_slice %arg5[%dma_wait3A_533, %add3A_434, %dma_wait3A_540] : memref<4x2048x1024xf32, #tpu.memory_space<hbm>> -> memref<1x8x1024xf32, #tpu.memory_space<hbm>>
    %dma_wait3A_542 = tpu.memref_squeeze %dma_wait3A_541 : memref<1x8x1024xf32, #tpu.memory_space<hbm>> -> memref<8x1024xf32, #tpu.memory_space<hbm>>
    %dma_wait3A_543 = arith.constant 16 : i32
    %dma_wait3A_544 = arith.constant 0 : i32
    %dma_wait3A_545 = tpu.memref_slice %arg11[%dma_wait3A_543, %dma_wait3A_544] : memref<32x1024xf32, #tpu.memory_space<vmem>> -> memref<8x1024xf32, #tpu.memory_space<vmem>>
    tpu.wait_dma2 semaphore(%arg20 : memref<!tpu.dma_semaphore, #tpu.memory_space<semaphore_mem>>) src(%dma_wait3A_545 : memref<8x1024xf32, #tpu.memory_space<vmem>>) dst(%dma_wait3A_542 : memref<8x1024xf32, #tpu.memory_space<hbm>>)
    %dma_wait3A_546 = arith.constant 3 : i32
    %dma_wait3A_547 = arith.constant 24 : i32
    %dma_wait3A_548 = arith.constant 0 : i32
    %dma_wait3A_549 = tpu.memref_slice %arg11[%dma_wait3A_547, %dma_wait3A_548] : memref<32x1024xf32, #tpu.memory_space<vmem>> -> memref<8x1024xf32, #tpu.memory_space<vmem>>
    %dma_wait3A_550 = arith.constant 0 : i32
    %dma_wait3A_551 = tpu.memref_slice %arg5[%dma_wait3A_546, %add3A_449, %dma_wait3A_550] : memref<4x2048x1024xf32, #tpu.memory_space<hbm>> -> memref<1x8x1024xf32, #tpu.memory_space<hbm>>
    %dma_wait3A_552 = tpu.memref_squeeze %dma_wait3A_551 : memref<1x8x1024xf32, #tpu.memory_space<hbm>> -> memref<8x1024xf32, #tpu.memory_space<hbm>>
    %dma_wait3A_553 = arith.constant 0 : i32
    %dma_wait3A_554 = tpu.memref_slice %arg5[%dma_wait3A_546, %add3A_449, %dma_wait3A_553] : memref<4x2048x1024xf32, #tpu.memory_space<hbm>> -> memref<1x8x1024xf32, #tpu.memory_space<hbm>>
    %dma_wait3A_555 = tpu.memref_squeeze %dma_wait3A_554 : memref<1x8x1024xf32, #tpu.memory_space<hbm>> -> memref<8x1024xf32, #tpu.memory_space<hbm>>
    %dma_wait3A_556 = arith.constant 24 : i32
    %dma_wait3A_557 = arith.constant 0 : i32
    %dma_wait3A_558 = tpu.memref_slice %arg11[%dma_wait3A_556, %dma_wait3A_557] : memref<32x1024xf32, #tpu.memory_space<vmem>> -> memref<8x1024xf32, #tpu.memory_space<vmem>>
    tpu.wait_dma2 semaphore(%arg20 : memref<!tpu.dma_semaphore, #tpu.memory_space<semaphore_mem>>) src(%dma_wait3A_558 : memref<8x1024xf32, #tpu.memory_space<vmem>>) dst(%dma_wait3A_555 : memref<8x1024xf32, #tpu.memory_space<hbm>>)
    %add3A_559 = arith.constant 32 : i32
    %add3A_560 = arith.addi %mul3A_2, %add3A_559 : i32
    %dma_start3A_561 = arith.constant 0 : i32
    %dma_start3A_562 = tpu.memref_slice %arg4[%add3A_560, %dma_start3A_561] : memref<8192x1024xf32, #tpu.memory_space<hbm>> -> memref<8x1024xf32, #tpu.memory_space<hbm>>
    %dma_start3A_563 = arith.constant 0 : i32
    %dma_start3A_564 = tpu.memref_slice %arg4[%add3A_560, %dma_start3A_563] : memref<8192x1024xf32, #tpu.memory_space<hbm>> -> memref<8x1024xf32, #tpu.memory_space<hbm>>
    tpu.enqueue_dma source(%dma_start3A_564 : memref<8x1024xf32, #tpu.memory_space<hbm>>) target(%arg8 : memref<8x1024xf32, #tpu.memory_space<vmem>>) target_semaphore(%arg17 : memref<!tpu.dma_semaphore, #tpu.memory_space<semaphore_mem>>)
    %dma_start3A_565 = arith.constant 0 : i32
    %dma_start3A_566 = arith.constant 0 : i32
    %dma_start3A_567 = arith.constant 0 : i32
    %dma_start3A_568 = tpu.memref_slice %arg11[%dma_start3A_566, %dma_start3A_567] : memref<32x1024xf32, #tpu.memory_space<vmem>> -> memref<8x1024xf32, #tpu.memory_space<vmem>>
    %dma_start3A_569 = arith.constant 32 : i32
    %dma_start3A_570 = tpu.memref_slice %arg6[%dma_start3A_565, %dma_start3A_569] : memref<4x64xi32, #tpu.memory_space<vmem>> -> memref<1x8xi32, #tpu.memory_space<vmem>>
    %dma_start3A_571 = tpu.memref_squeeze %dma_start3A_570 : memref<1x8xi32, #tpu.memory_space<vmem>> -> memref<8xi32, #tpu.memory_space<vmem>>
    %dma_start3A_572 = arith.constant 0 : i32
    %dma_start3A_573 = arith.constant 0 : i32
    %dma_start3A_574 = tpu.memref_slice %arg3[%dma_start3A_572, %dma_start3A_573] : memref<100000x1024xf32, #tpu.memory_space<hbm>> -> memref<100000x1024xf32, #tpu.memory_space<hbm>>
    tpu.enqueue_indirect_dma source(%dma_start3A_574 : memref<100000x1024xf32, #tpu.memory_space<hbm>>) target(%dma_start3A_568 : memref<8x1024xf32, #tpu.memory_space<vmem>>) offsets(%dma_start3A_571 : memref<8xi32, #tpu.memory_space<vmem>>) semaphore(%arg14 : memref<!tpu.dma_semaphore, #tpu.memory_space<semaphore_mem>>)
    %dma_start3A_575 = arith.constant 1 : i32
    %dma_start3A_576 = arith.constant 8 : i32
    %dma_start3A_577 = arith.constant 0 : i32
    %dma_start3A_578 = tpu.memref_slice %arg11[%dma_start3A_576, %dma_start3A_577] : memref<32x1024xf32, #tpu.memory_space<vmem>> -> memref<8x1024xf32, #tpu.memory_space<vmem>>
    %dma_start3A_579 = arith.constant 32 : i32
    %dma_start3A_580 = tpu.memref_slice %arg6[%dma_start3A_575, %dma_start3A_579] : memref<4x64xi32, #tpu.memory_space<vmem>> -> memref<1x8xi32, #tpu.memory_space<vmem>>
    %dma_start3A_581 = tpu.memref_squeeze %dma_start3A_580 : memref<1x8xi32, #tpu.memory_space<vmem>> -> memref<8xi32, #tpu.memory_space<vmem>>
    %dma_start3A_582 = arith.constant 0 : i32
    %dma_start3A_583 = arith.constant 0 : i32
    %dma_start3A_584 = tpu.memref_slice %arg3[%dma_start3A_582, %dma_start3A_583] : memref<100000x1024xf32, #tpu.memory_space<hbm>> -> memref<100000x1024xf32, #tpu.memory_space<hbm>>
    tpu.enqueue_indirect_dma source(%dma_start3A_584 : memref<100000x1024xf32, #tpu.memory_space<hbm>>) target(%dma_start3A_578 : memref<8x1024xf32, #tpu.memory_space<vmem>>) offsets(%dma_start3A_581 : memref<8xi32, #tpu.memory_space<vmem>>) semaphore(%arg14 : memref<!tpu.dma_semaphore, #tpu.memory_space<semaphore_mem>>)
    %dma_start3A_585 = arith.constant 2 : i32
    %dma_start3A_586 = arith.constant 16 : i32
    %dma_start3A_587 = arith.constant 0 : i32
    %dma_start3A_588 = tpu.memref_slice %arg11[%dma_start3A_586, %dma_start3A_587] : memref<32x1024xf32, #tpu.memory_space<vmem>> -> memref<8x1024xf32, #tpu.memory_space<vmem>>
    %dma_start3A_589 = arith.constant 32 : i32
    %dma_start3A_590 = tpu.memref_slice %arg6[%dma_start3A_585, %dma_start3A_589] : memref<4x64xi32, #tpu.memory_space<vmem>> -> memref<1x8xi32, #tpu.memory_space<vmem>>
    %dma_start3A_591 = tpu.memref_squeeze %dma_start3A_590 : memref<1x8xi32, #tpu.memory_space<vmem>> -> memref<8xi32, #tpu.memory_space<vmem>>
    %dma_start3A_592 = arith.constant 0 : i32
    %dma_start3A_593 = arith.constant 0 : i32
    %dma_start3A_594 = tpu.memref_slice %arg3[%dma_start3A_592, %dma_start3A_593] : memref<100000x1024xf32, #tpu.memory_space<hbm>> -> memref<100000x1024xf32, #tpu.memory_space<hbm>>
    tpu.enqueue_indirect_dma source(%dma_start3A_594 : memref<100000x1024xf32, #tpu.memory_space<hbm>>) target(%dma_start3A_588 : memref<8x1024xf32, #tpu.memory_space<vmem>>) offsets(%dma_start3A_591 : memref<8xi32, #tpu.memory_space<vmem>>) semaphore(%arg14 : memref<!tpu.dma_semaphore, #tpu.memory_space<semaphore_mem>>)
    %dma_start3A_595 = arith.constant 3 : i32
    %dma_start3A_596 = arith.constant 24 : i32
    %dma_start3A_597 = arith.constant 0 : i32
    %dma_start3A_598 = tpu.memref_slice %arg11[%dma_start3A_596, %dma_start3A_597] : memref<32x1024xf32, #tpu.memory_space<vmem>> -> memref<8x1024xf32, #tpu.memory_space<vmem>>
    %dma_start3A_599 = arith.constant 32 : i32
    %dma_start3A_600 = tpu.memref_slice %arg6[%dma_start3A_595, %dma_start3A_599] : memref<4x64xi32, #tpu.memory_space<vmem>> -> memref<1x8xi32, #tpu.memory_space<vmem>>
    %dma_start3A_601 = tpu.memref_squeeze %dma_start3A_600 : memref<1x8xi32, #tpu.memory_space<vmem>> -> memref<8xi32, #tpu.memory_space<vmem>>
    %dma_start3A_602 = arith.constant 0 : i32
    %dma_start3A_603 = arith.constant 0 : i32
    %dma_start3A_604 = tpu.memref_slice %arg3[%dma_start3A_602, %dma_start3A_603] : memref<100000x1024xf32, #tpu.memory_space<hbm>> -> memref<100000x1024xf32, #tpu.memory_space<hbm>>
    tpu.enqueue_indirect_dma source(%dma_start3A_604 : memref<100000x1024xf32, #tpu.memory_space<hbm>>) target(%dma_start3A_598 : memref<8x1024xf32, #tpu.memory_space<vmem>>) offsets(%dma_start3A_601 : memref<8xi32, #tpu.memory_space<vmem>>) semaphore(%arg14 : memref<!tpu.dma_semaphore, #tpu.memory_space<semaphore_mem>>)
    %scan3A_605 = arith.constant 0 : i32
    %scan3A_606 = arith.constant 0 : i32
    %scan3A_607 = arith.constant 8 : i32
    %scan3A_608 = arith.addi %scan3A_606, %scan3A_607 : i32
    %scan3A_609 = arith.constant 1 : i32
    scf.for %scan3A_1671 = %scan3A_606 to %scan3A_608 step %scan3A_609  : i32 {
      %parallel_loop3A = arith.constant 0 : i32
      %parallel_loop3A_1672 = arith.constant 64 : i32
      %parallel_loop3A_1673 = arith.constant 1 : i32
      scf.for %parallel_loop3A_1674 = %parallel_loop3A to %parallel_loop3A_1672 step %parallel_loop3A_1673  : i32 {
        %parallel_loop3A_1675 = arith.constant 16 : i32
        %parallel_loop3A_1676 = arith.muli %parallel_loop3A_1674, %parallel_loop3A_1675 : i32
        %parallel_loop3A_1677 = arith.index_cast %scan3A_1671 : i32 to index
        %parallel_loop3A_1678 = arith.index_cast %parallel_loop3A_1676 : i32 to index
        %parallel_loop3A_1679 = tpu.vector_load %arg9[%parallel_loop3A_1677, %parallel_loop3A_1678] {strides = array<i32>} : memref<8x1024xf32, #tpu.memory_space<vmem>>, vector<1x16xf32>,
        %parallel_loop3A_1680 = vector.shape_cast %parallel_loop3A_1679 : vector<1x16xf32> to vector<16xf32>
        %parallel_loop3A_1681 = arith.constant 0 : i32
        %parallel_loop3A_1682 = arith.addi %parallel_loop3A_1681, %scan3A_1671 : i32
        %parallel_loop3A_1683 = arith.index_cast %parallel_loop3A_1682 : i32 to index
        %parallel_loop3A_1684 = arith.index_cast %parallel_loop3A_1676 : i32 to index
        %parallel_loop3A_1685 = tpu.vector_load %arg12[%parallel_loop3A_1683, %parallel_loop3A_1684] {strides = array<i32>} : memref<32x1024xf32, #tpu.memory_space<vmem>>, vector<1x16xf32>,
        %parallel_loop3A_1686 = vector.shape_cast %parallel_loop3A_1685 : vector<1x16xf32> to vector<16xf32>
        %parallel_loop3A_1687 = arith.constant 3.200000e+01 : f32
        %parallel_loop3A_1688 = vector.broadcast %parallel_loop3A_1687 : f32 to vector<16xf32>
        %parallel_loop3A_1689 = arith.mulf %parallel_loop3A_1686, %parallel_loop3A_1688 : vector<16xf32>
        %parallel_loop3A_1690 = arith.addf %parallel_loop3A_1689, %parallel_loop3A_1680 : vector<16xf32>
        %parallel_loop3A_1691 = arith.constant 0 : i32
        %parallel_loop3A_1692 = arith.addi %parallel_loop3A_1691, %scan3A_1671 : i32
        %parallel_loop3A_1693 = arith.index_cast %parallel_loop3A_1692 : i32 to index
        %parallel_loop3A_1694 = arith.index_cast %parallel_loop3A_1676 : i32 to index
        %parallel_loop3A_1695 = tpu.vector_load %arg12[%parallel_loop3A_1693, %parallel_loop3A_1694] {strides = array<i32>} : memref<32x1024xf32, #tpu.memory_space<vmem>>, vector<1x16xf32>,
        %parallel_loop3A_1696 = vector.shape_cast %parallel_loop3A_1695 : vector<1x16xf32> to vector<16xf32>
        %parallel_loop3A_1697 = vector.shape_cast %parallel_loop3A_1690 : vector<16xf32> to vector<1x16xf32>
        tpu.vector_store %arg12[%parallel_loop3A_1693, %parallel_loop3A_1694], %parallel_loop3A_1697 {strides = array<i32>} : memref<32x1024xf32, #tpu.memory_space<vmem>>, vector<1x16xf32>,
        %parallel_loop3A_1698 = arith.constant 8 : i32
        %parallel_loop3A_1699 = arith.addi %parallel_loop3A_1698, %scan3A_1671 : i32
        %parallel_loop3A_1700 = arith.index_cast %parallel_loop3A_1699 : i32 to index
        %parallel_loop3A_1701 = arith.index_cast %parallel_loop3A_1676 : i32 to index
        %parallel_loop3A_1702 = tpu.vector_load %arg12[%parallel_loop3A_1700, %parallel_loop3A_1701] {strides = array<i32>} : memref<32x1024xf32, #tpu.memory_space<vmem>>, vector<1x16xf32>,
        %parallel_loop3A_1703 = vector.shape_cast %parallel_loop3A_1702 : vector<1x16xf32> to vector<16xf32>
        %parallel_loop3A_1704 = arith.constant 3.200000e+01 : f32
        %parallel_loop3A_1705 = vector.broadcast %parallel_loop3A_1704 : f32 to vector<16xf32>
        %parallel_loop3A_1706 = arith.mulf %parallel_loop3A_1703, %parallel_loop3A_1705 : vector<16xf32>
        %parallel_loop3A_1707 = arith.addf %parallel_loop3A_1706, %parallel_loop3A_1680 : vector<16xf32>
        %parallel_loop3A_1708 = arith.constant 8 : i32
        %parallel_loop3A_1709 = arith.addi %parallel_loop3A_1708, %scan3A_1671 : i32
        %parallel_loop3A_1710 = arith.index_cast %parallel_loop3A_1709 : i32 to index
        %parallel_loop3A_1711 = arith.index_cast %parallel_loop3A_1676 : i32 to index
        %parallel_loop3A_1712 = tpu.vector_load %arg12[%parallel_loop3A_1710, %parallel_loop3A_1711] {strides = array<i32>} : memref<32x1024xf32, #tpu.memory_space<vmem>>, vector<1x16xf32>,
        %parallel_loop3A_1713 = vector.shape_cast %parallel_loop3A_1712 : vector<1x16xf32> to vector<16xf32>
        %parallel_loop3A_1714 = vector.shape_cast %parallel_loop3A_1707 : vector<16xf32> to vector<1x16xf32>
        tpu.vector_store %arg12[%parallel_loop3A_1710, %parallel_loop3A_1711], %parallel_loop3A_1714 {strides = array<i32>} : memref<32x1024xf32, #tpu.memory_space<vmem>>, vector<1x16xf32>,
        %parallel_loop3A_1715 = arith.constant 16 : i32
        %parallel_loop3A_1716 = arith.addi %parallel_loop3A_1715, %scan3A_1671 : i32
        %parallel_loop3A_1717 = arith.index_cast %parallel_loop3A_1716 : i32 to index
        %parallel_loop3A_1718 = arith.index_cast %parallel_loop3A_1676 : i32 to index
        %parallel_loop3A_1719 = tpu.vector_load %arg12[%parallel_loop3A_1717, %parallel_loop3A_1718] {strides = array<i32>} : memref<32x1024xf32, #tpu.memory_space<vmem>>, vector<1x16xf32>,
        %parallel_loop3A_1720 = vector.shape_cast %parallel_loop3A_1719 : vector<1x16xf32> to vector<16xf32>
        %parallel_loop3A_1721 = arith.constant 3.200000e+01 : f32
        %parallel_loop3A_1722 = vector.broadcast %parallel_loop3A_1721 : f32 to vector<16xf32>
        %parallel_loop3A_1723 = arith.mulf %parallel_loop3A_1720, %parallel_loop3A_1722 : vector<16xf32>
        %parallel_loop3A_1724 = arith.addf %parallel_loop3A_1723, %parallel_loop3A_1680 : vector<16xf32>
        %parallel_loop3A_1725 = arith.constant 16 : i32
        %parallel_loop3A_1726 = arith.addi %parallel_loop3A_1725, %scan3A_1671 : i32
        %parallel_loop3A_1727 = arith.index_cast %parallel_loop3A_1726 : i32 to index
        %parallel_loop3A_1728 = arith.index_cast %parallel_loop3A_1676 : i32 to index
        %parallel_loop3A_1729 = tpu.vector_load %arg12[%parallel_loop3A_1727, %parallel_loop3A_1728] {strides = array<i32>} : memref<32x1024xf32, #tpu.memory_space<vmem>>, vector<1x16xf32>,
        %parallel_loop3A_1730 = vector.shape_cast %parallel_loop3A_1729 : vector<1x16xf32> to vector<16xf32>
        %parallel_loop3A_1731 = vector.shape_cast %parallel_loop3A_1724 : vector<16xf32> to vector<1x16xf32>
        tpu.vector_store %arg12[%parallel_loop3A_1727, %parallel_loop3A_1728], %parallel_loop3A_1731 {strides = array<i32>} : memref<32x1024xf32, #tpu.memory_space<vmem>>, vector<1x16xf32>,
        %parallel_loop3A_1732 = arith.constant 24 : i32
        %parallel_loop3A_1733 = arith.addi %parallel_loop3A_1732, %scan3A_1671 : i32
        %parallel_loop3A_1734 = arith.index_cast %parallel_loop3A_1733 : i32 to index
        %parallel_loop3A_1735 = arith.index_cast %parallel_loop3A_1676 : i32 to index
        %parallel_loop3A_1736 = tpu.vector_load %arg12[%parallel_loop3A_1734, %parallel_loop3A_1735] {strides = array<i32>} : memref<32x1024xf32, #tpu.memory_space<vmem>>, vector<1x16xf32>,
        %parallel_loop3A_1737 = vector.shape_cast %parallel_loop3A_1736 : vector<1x16xf32> to vector<16xf32>
        %parallel_loop3A_1738 = arith.constant 3.200000e+01 : f32
        %parallel_loop3A_1739 = vector.broadcast %parallel_loop3A_1738 : f32 to vector<16xf32>
        %parallel_loop3A_1740 = arith.mulf %parallel_loop3A_1737, %parallel_loop3A_1739 : vector<16xf32>
        %parallel_loop3A_1741 = arith.addf %parallel_loop3A_1740, %parallel_loop3A_1680 : vector<16xf32>
        %parallel_loop3A_1742 = arith.constant 24 : i32
        %parallel_loop3A_1743 = arith.addi %parallel_loop3A_1742, %scan3A_1671 : i32
        %parallel_loop3A_1744 = arith.index_cast %parallel_loop3A_1743 : i32 to index
        %parallel_loop3A_1745 = arith.index_cast %parallel_loop3A_1676 : i32 to index
        %parallel_loop3A_1746 = tpu.vector_load %arg12[%parallel_loop3A_1744, %parallel_loop3A_1745] {strides = array<i32>} : memref<32x1024xf32, #tpu.memory_space<vmem>>, vector<1x16xf32>,
        %parallel_loop3A_1747 = vector.shape_cast %parallel_loop3A_1746 : vector<1x16xf32> to vector<16xf32>
        %parallel_loop3A_1748 = vector.shape_cast %parallel_loop3A_1741 : vector<16xf32> to vector<1x16xf32>
        tpu.vector_store %arg12[%parallel_loop3A_1744, %parallel_loop3A_1745], %parallel_loop3A_1748 {strides = array<i32>} : memref<32x1024xf32, #tpu.memory_space<vmem>>, vector<1x16xf32>,
      } {sc.loop_unroll_factor = 4 : i64, sc.parallel_access}
    }
    %scan3A_610 = arith.constant 8 : i32
    %add3A_611 = arith.constant 16 : i32
    %add3A_612 = arith.addi %mul3A_2, %add3A_611 : i32
    %dma_start3A_613 = arith.constant 0 : i32
    %dma_start3A_614 = arith.constant 0 : i32
    %dma_start3A_615 = arith.constant 0 : i32
    %dma_start3A_616 = tpu.memref_slice %arg12[%dma_start3A_614, %dma_start3A_615] : memref<32x1024xf32, #tpu.memory_space<vmem>> -> memref<8x1024xf32, #tpu.memory_space<vmem>>
    %dma_start3A_617 = arith.constant 0 : i32
    %dma_start3A_618 = tpu.memref_slice %arg5[%dma_start3A_613, %add3A_612, %dma_start3A_617] : memref<4x2048x1024xf32, #tpu.memory_space<hbm>> -> memref<1x8x1024xf32, #tpu.memory_space<hbm>>
    %dma_start3A_619 = tpu.memref_squeeze %dma_start3A_618 : memref<1x8x1024xf32, #tpu.memory_space<hbm>> -> memref<8x1024xf32, #tpu.memory_space<hbm>>
    %dma_start3A_620 = arith.constant 0 : i32
    %dma_start3A_621 = tpu.memref_slice %arg5[%dma_start3A_613, %add3A_612, %dma_start3A_620] : memref<4x2048x1024xf32, #tpu.memory_space<hbm>> -> memref<1x8x1024xf32, #tpu.memory_space<hbm>>
    %dma_start3A_622 = tpu.memref_squeeze %dma_start3A_621 : memref<1x8x1024xf32, #tpu.memory_space<hbm>> -> memref<8x1024xf32, #tpu.memory_space<hbm>>
    %dma_start3A_623 = arith.constant 0 : i32
    %dma_start3A_624 = arith.constant 0 : i32
    %dma_start3A_625 = tpu.memref_slice %arg12[%dma_start3A_623, %dma_start3A_624] : memref<32x1024xf32, #tpu.memory_space<vmem>> -> memref<8x1024xf32, #tpu.memory_space<vmem>>
    tpu.enqueue_dma source(%dma_start3A_625 : memref<8x1024xf32, #tpu.memory_space<vmem>>) target(%dma_start3A_622 : memref<8x1024xf32, #tpu.memory_space<hbm>>) target_semaphore(%arg21 : memref<!tpu.dma_semaphore, #tpu.memory_space<semaphore_mem>>)
    %add3A_626 = arith.constant 16 : i32
    %add3A_627 = arith.addi %mul3A_2, %add3A_626 : i32
    %dma_start3A_628 = arith.constant 1 : i32
    %dma_start3A_629 = arith.constant 8 : i32
    %dma_start3A_630 = arith.constant 0 : i32
    %dma_start3A_631 = tpu.memref_slice %arg12[%dma_start3A_629, %dma_start3A_630] : memref<32x1024xf32, #tpu.memory_space<vmem>> -> memref<8x1024xf32, #tpu.memory_space<vmem>>
    %dma_start3A_632 = arith.constant 0 : i32
    %dma_start3A_633 = tpu.memref_slice %arg5[%dma_start3A_628, %add3A_627, %dma_start3A_632] : memref<4x2048x1024xf32, #tpu.memory_space<hbm>> -> memref<1x8x1024xf32, #tpu.memory_space<hbm>>
    %dma_start3A_634 = tpu.memref_squeeze %dma_start3A_633 : memref<1x8x1024xf32, #tpu.memory_space<hbm>> -> memref<8x1024xf32, #tpu.memory_space<hbm>>
    %dma_start3A_635 = arith.constant 0 : i32
    %dma_start3A_636 = tpu.memref_slice %arg5[%dma_start3A_628, %add3A_627, %dma_start3A_635] : memref<4x2048x1024xf32, #tpu.memory_space<hbm>> -> memref<1x8x1024xf32, #tpu.memory_space<hbm>>
    %dma_start3A_637 = tpu.memref_squeeze %dma_start3A_636 : memref<1x8x1024xf32, #tpu.memory_space<hbm>> -> memref<8x1024xf32, #tpu.memory_space<hbm>>
    %dma_start3A_638 = arith.constant 8 : i32
    %dma_start3A_639 = arith.constant 0 : i32
    %dma_start3A_640 = tpu.memref_slice %arg12[%dma_start3A_638, %dma_start3A_639] : memref<32x1024xf32, #tpu.memory_space<vmem>> -> memref<8x1024xf32, #tpu.memory_space<vmem>>
    tpu.enqueue_dma source(%dma_start3A_640 : memref<8x1024xf32, #tpu.memory_space<vmem>>) target(%dma_start3A_637 : memref<8x1024xf32, #tpu.memory_space<hbm>>) target_semaphore(%arg21 : memref<!tpu.dma_semaphore, #tpu.memory_space<semaphore_mem>>)
    %add3A_641 = arith.constant 16 : i32
    %add3A_642 = arith.addi %mul3A_2, %add3A_641 : i32
    %dma_start3A_643 = arith.constant 2 : i32
    %dma_start3A_644 = arith.constant 16 : i32
    %dma_start3A_645 = arith.constant 0 : i32
    %dma_start3A_646 = tpu.memref_slice %arg12[%dma_start3A_644, %dma_start3A_645] : memref<32x1024xf32, #tpu.memory_space<vmem>> -> memref<8x1024xf32, #tpu.memory_space<vmem>>
    %dma_start3A_647 = arith.constant 0 : i32
    %dma_start3A_648 = tpu.memref_slice %arg5[%dma_start3A_643, %add3A_642, %dma_start3A_647] : memref<4x2048x1024xf32, #tpu.memory_space<hbm>> -> memref<1x8x1024xf32, #tpu.memory_space<hbm>>
    %dma_start3A_649 = tpu.memref_squeeze %dma_start3A_648 : memref<1x8x1024xf32, #tpu.memory_space<hbm>> -> memref<8x1024xf32, #tpu.memory_space<hbm>>
    %dma_start3A_650 = arith.constant 0 : i32
    %dma_start3A_651 = tpu.memref_slice %arg5[%dma_start3A_643, %add3A_642, %dma_start3A_650] : memref<4x2048x1024xf32, #tpu.memory_space<hbm>> -> memref<1x8x1024xf32, #tpu.memory_space<hbm>>
    %dma_start3A_652 = tpu.memref_squeeze %dma_start3A_651 : memref<1x8x1024xf32, #tpu.memory_space<hbm>> -> memref<8x1024xf32, #tpu.memory_space<hbm>>
    %dma_start3A_653 = arith.constant 16 : i32
    %dma_start3A_654 = arith.constant 0 : i32
    %dma_start3A_655 = tpu.memref_slice %arg12[%dma_start3A_653, %dma_start3A_654] : memref<32x1024xf32, #tpu.memory_space<vmem>> -> memref<8x1024xf32, #tpu.memory_space<vmem>>
    tpu.enqueue_dma source(%dma_start3A_655 : memref<8x1024xf32, #tpu.memory_space<vmem>>) target(%dma_start3A_652 : memref<8x1024xf32, #tpu.memory_space<hbm>>) target_semaphore(%arg21 : memref<!tpu.dma_semaphore, #tpu.memory_space<semaphore_mem>>)
    %add3A_656 = arith.constant 16 : i32
    %add3A_657 = arith.addi %mul3A_2, %add3A_656 : i32
    %dma_start3A_658 = arith.constant 3 : i32
    %dma_start3A_659 = arith.constant 24 : i32
    %dma_start3A_660 = arith.constant 0 : i32
    %dma_start3A_661 = tpu.memref_slice %arg12[%dma_start3A_659, %dma_start3A_660] : memref<32x1024xf32, #tpu.memory_space<vmem>> -> memref<8x1024xf32, #tpu.memory_space<vmem>>
    %dma_start3A_662 = arith.constant 0 : i32
    %dma_start3A_663 = tpu.memref_slice %arg5[%dma_start3A_658, %add3A_657, %dma_start3A_662] : memref<4x2048x1024xf32, #tpu.memory_space<hbm>> -> memref<1x8x1024xf32, #tpu.memory_space<hbm>>
    %dma_start3A_664 = tpu.memref_squeeze %dma_start3A_663 : memref<1x8x1024xf32, #tpu.memory_space<hbm>> -> memref<8x1024xf32, #tpu.memory_space<hbm>>
    %dma_start3A_665 = arith.constant 0 : i32
    %dma_start3A_666 = tpu.memref_slice %arg5[%dma_start3A_658, %add3A_657, %dma_start3A_665] : memref<4x2048x1024xf32, #tpu.memory_space<hbm>> -> memref<1x8x1024xf32, #tpu.memory_space<hbm>>
    %dma_start3A_667 = tpu.memref_squeeze %dma_start3A_666 : memref<1x8x1024xf32, #tpu.memory_space<hbm>> -> memref<8x1024xf32, #tpu.memory_space<hbm>>
    %dma_start3A_668 = arith.constant 24 : i32
    %dma_start3A_669 = arith.constant 0 : i32
    %dma_start3A_670 = tpu.memref_slice %arg12[%dma_start3A_668, %dma_start3A_669] : memref<32x1024xf32, #tpu.memory_space<vmem>> -> memref<8x1024xf32, #tpu.memory_space<vmem>>
    tpu.enqueue_dma source(%dma_start3A_670 : memref<8x1024xf32, #tpu.memory_space<vmem>>) target(%dma_start3A_667 : memref<8x1024xf32, #tpu.memory_space<hbm>>) target_semaphore(%arg21 : memref<!tpu.dma_semaphore, #tpu.memory_space<semaphore_mem>>)
    %dma_wait3A_671 = arith.constant 0 : i32
    %dma_wait3A_672 = arith.constant 0 : i32
    %dma_wait3A_673 = arith.constant 0 : i32
    %dma_wait3A_674 = tpu.memref_slice %arg10[%dma_wait3A_672, %dma_wait3A_673] : memref<32x1024xf32, #tpu.memory_space<vmem>> -> memref<8x1024xf32, #tpu.memory_space<vmem>>
    %dma_wait3A_675 = arith.constant 24 : i32
    %dma_wait3A_676 = tpu.memref_slice %arg6[%dma_wait3A_671, %dma_wait3A_675] : memref<4x64xi32, #tpu.memory_space<vmem>> -> memref<1x8xi32, #tpu.memory_space<vmem>>
    %dma_wait3A_677 = tpu.memref_squeeze %dma_wait3A_676 : memref<1x8xi32, #tpu.memory_space<vmem>> -> memref<8xi32, #tpu.memory_space<vmem>>
    %dma_wait3A_678 = arith.constant 0 : i32
    %dma_wait3A_679 = arith.constant 0 : i32
    %dma_wait3A_680 = tpu.memref_slice %arg3[%dma_wait3A_678, %dma_wait3A_679] : memref<100000x1024xf32, #tpu.memory_space<hbm>> -> memref<100000x1024xf32, #tpu.memory_space<hbm>>
    tpu.wait_indirect_dma semaphore(%arg13 : memref<!tpu.dma_semaphore, #tpu.memory_space<semaphore_mem>>) src(%dma_wait3A_680 : memref<100000x1024xf32, #tpu.memory_space<hbm>>) dst(%dma_wait3A_674 : memref<8x1024xf32, #tpu.memory_space<vmem>>)
    %dma_wait3A_681 = arith.constant 1 : i32
    %dma_wait3A_682 = arith.constant 8 : i32
    %dma_wait3A_683 = arith.constant 0 : i32
    %dma_wait3A_684 = tpu.memref_slice %arg10[%dma_wait3A_682, %dma_wait3A_683] : memref<32x1024xf32, #tpu.memory_space<vmem>> -> memref<8x1024xf32, #tpu.memory_space<vmem>>
    %dma_wait3A_685 = arith.constant 24 : i32
    %dma_wait3A_686 = tpu.memref_slice %arg6[%dma_wait3A_681, %dma_wait3A_685] : memref<4x64xi32, #tpu.memory_space<vmem>> -> memref<1x8xi32, #tpu.memory_space<vmem>>
    %dma_wait3A_687 = tpu.memref_squeeze %dma_wait3A_686 : memref<1x8xi32, #tpu.memory_space<vmem>> -> memref<8xi32, #tpu.memory_space<vmem>>
    %dma_wait3A_688 = arith.constant 0 : i32
    %dma_wait3A_689 = arith.constant 0 : i32
    %dma_wait3A_690 = tpu.memref_slice %arg3[%dma_wait3A_688, %dma_wait3A_689] : memref<100000x1024xf32, #tpu.memory_space<hbm>> -> memref<100000x1024xf32, #tpu.memory_space<hbm>>
    tpu.wait_indirect_dma semaphore(%arg13 : memref<!tpu.dma_semaphore, #tpu.memory_space<semaphore_mem>>) src(%dma_wait3A_690 : memref<100000x1024xf32, #tpu.memory_space<hbm>>) dst(%dma_wait3A_684 : memref<8x1024xf32, #tpu.memory_space<vmem>>)
    %dma_wait3A_691 = arith.constant 2 : i32
    %dma_wait3A_692 = arith.constant 16 : i32
    %dma_wait3A_693 = arith.constant 0 : i32
    %dma_wait3A_694 = tpu.memref_slice %arg10[%dma_wait3A_692, %dma_wait3A_693] : memref<32x1024xf32, #tpu.memory_space<vmem>> -> memref<8x1024xf32, #tpu.memory_space<vmem>>
    %dma_wait3A_695 = arith.constant 24 : i32
    %dma_wait3A_696 = tpu.memref_slice %arg6[%dma_wait3A_691, %dma_wait3A_695] : memref<4x64xi32, #tpu.memory_space<vmem>> -> memref<1x8xi32, #tpu.memory_space<vmem>>
    %dma_wait3A_697 = tpu.memref_squeeze %dma_wait3A_696 : memref<1x8xi32, #tpu.memory_space<vmem>> -> memref<8xi32, #tpu.memory_space<vmem>>
    %dma_wait3A_698 = arith.constant 0 : i32
    %dma_wait3A_699 = arith.constant 0 : i32
    %dma_wait3A_700 = tpu.memref_slice %arg3[%dma_wait3A_698, %dma_wait3A_699] : memref<100000x1024xf32, #tpu.memory_space<hbm>> -> memref<100000x1024xf32, #tpu.memory_space<hbm>>
    tpu.wait_indirect_dma semaphore(%arg13 : memref<!tpu.dma_semaphore, #tpu.memory_space<semaphore_mem>>) src(%dma_wait3A_700 : memref<100000x1024xf32, #tpu.memory_space<hbm>>) dst(%dma_wait3A_694 : memref<8x1024xf32, #tpu.memory_space<vmem>>)
    %dma_wait3A_701 = arith.constant 3 : i32
    %dma_wait3A_702 = arith.constant 24 : i32
    %dma_wait3A_703 = arith.constant 0 : i32
    %dma_wait3A_704 = tpu.memref_slice %arg10[%dma_wait3A_702, %dma_wait3A_703] : memref<32x1024xf32, #tpu.memory_space<vmem>> -> memref<8x1024xf32, #tpu.memory_space<vmem>>
    %dma_wait3A_705 = arith.constant 24 : i32
    %dma_wait3A_706 = tpu.memref_slice %arg6[%dma_wait3A_701, %dma_wait3A_705] : memref<4x64xi32, #tpu.memory_space<vmem>> -> memref<1x8xi32, #tpu.memory_space<vmem>>
    %dma_wait3A_707 = tpu.memref_squeeze %dma_wait3A_706 : memref<1x8xi32, #tpu.memory_space<vmem>> -> memref<8xi32, #tpu.memory_space<vmem>>
    %dma_wait3A_708 = arith.constant 0 : i32
    %dma_wait3A_709 = arith.constant 0 : i32
    %dma_wait3A_710 = tpu.memref_slice %arg3[%dma_wait3A_708, %dma_wait3A_709] : memref<100000x1024xf32, #tpu.memory_space<hbm>> -> memref<100000x1024xf32, #tpu.memory_space<hbm>>
    tpu.wait_indirect_dma semaphore(%arg13 : memref<!tpu.dma_semaphore, #tpu.memory_space<semaphore_mem>>) src(%dma_wait3A_710 : memref<100000x1024xf32, #tpu.memory_space<hbm>>) dst(%dma_wait3A_704 : memref<8x1024xf32, #tpu.memory_space<vmem>>)
    %dma_wait3A_711 = arith.constant 0 : i32
    %dma_wait3A_712 = tpu.memref_slice %arg4[%add3A_352, %dma_wait3A_711] : memref<8192x1024xf32, #tpu.memory_space<hbm>> -> memref<8x1024xf32, #tpu.memory_space<hbm>>
    %dma_wait3A_713 = arith.constant 0 : i32
    %dma_wait3A_714 = tpu.memref_slice %arg4[%add3A_352, %dma_wait3A_713] : memref<8192x1024xf32, #tpu.memory_space<hbm>> -> memref<8x1024xf32, #tpu.memory_space<hbm>>
    tpu.wait_dma2 semaphore(%arg16 : memref<!tpu.dma_semaphore, #tpu.memory_space<semaphore_mem>>) src(%dma_wait3A_714 : memref<8x1024xf32, #tpu.memory_space<hbm>>) dst(%arg7 : memref<8x1024xf32, #tpu.memory_space<vmem>>)
    %dma_wait3A_715 = arith.constant 0 : i32
    %dma_wait3A_716 = arith.constant 0 : i32
    %dma_wait3A_717 = arith.constant 0 : i32
    %dma_wait3A_718 = tpu.memref_slice %arg12[%dma_wait3A_716, %dma_wait3A_717] : memref<32x1024xf32, #tpu.memory_space<vmem>> -> memref<8x1024xf32, #tpu.memory_space<vmem>>
    %dma_wait3A_719 = arith.constant 0 : i32
    %dma_wait3A_720 = tpu.memref_slice %arg5[%dma_wait3A_715, %add3A_612, %dma_wait3A_719] : memref<4x2048x1024xf32, #tpu.memory_space<hbm>> -> memref<1x8x1024xf32, #tpu.memory_space<hbm>>
    %dma_wait3A_721 = tpu.memref_squeeze %dma_wait3A_720 : memref<1x8x1024xf32, #tpu.memory_space<hbm>> -> memref<8x1024xf32, #tpu.memory_space<hbm>>
    %dma_wait3A_722 = arith.constant 0 : i32
    %dma_wait3A_723 = tpu.memref_slice %arg5[%dma_wait3A_715, %add3A_612, %dma_wait3A_722] : memref<4x2048x1024xf32, #tpu.memory_space<hbm>> -> memref<1x8x1024xf32, #tpu.memory_space<hbm>>
    %dma_wait3A_724 = tpu.memref_squeeze %dma_wait3A_723 : memref<1x8x1024xf32, #tpu.memory_space<hbm>> -> memref<8x1024xf32, #tpu.memory_space<hbm>>
    %dma_wait3A_725 = arith.constant 0 : i32
    %dma_wait3A_726 = arith.constant 0 : i32
    %dma_wait3A_727 = tpu.memref_slice %arg12[%dma_wait3A_725, %dma_wait3A_726] : memref<32x1024xf32, #tpu.memory_space<vmem>> -> memref<8x1024xf32, #tpu.memory_space<vmem>>
    tpu.wait_dma2 semaphore(%arg21 : memref<!tpu.dma_semaphore, #tpu.memory_space<semaphore_mem>>) src(%dma_wait3A_727 : memref<8x1024xf32, #tpu.memory_space<vmem>>) dst(%dma_wait3A_724 : memref<8x1024xf32, #tpu.memory_space<hbm>>)
    %dma_wait3A_728 = arith.constant 1 : i32
    %dma_wait3A_729 = arith.constant 8 : i32
    %dma_wait3A_730 = arith.constant 0 : i32
    %dma_wait3A_731 = tpu.memref_slice %arg12[%dma_wait3A_729, %dma_wait3A_730] : memref<32x1024xf32, #tpu.memory_space<vmem>> -> memref<8x1024xf32, #tpu.memory_space<vmem>>
    %dma_wait3A_732 = arith.constant 0 : i32
    %dma_wait3A_733 = tpu.memref_slice %arg5[%dma_wait3A_728, %add3A_627, %dma_wait3A_732] : memref<4x2048x1024xf32, #tpu.memory_space<hbm>> -> memref<1x8x1024xf32, #tpu.memory_space<hbm>>
    %dma_wait3A_734 = tpu.memref_squeeze %dma_wait3A_733 : memref<1x8x1024xf32, #tpu.memory_space<hbm>> -> memref<8x1024xf32, #tpu.memory_space<hbm>>
    %dma_wait3A_735 = arith.constant 0 : i32
    %dma_wait3A_736 = tpu.memref_slice %arg5[%dma_wait3A_728, %add3A_627, %dma_wait3A_735] : memref<4x2048x1024xf32, #tpu.memory_space<hbm>> -> memref<1x8x1024xf32, #tpu.memory_space<hbm>>
    %dma_wait3A_737 = tpu.memref_squeeze %dma_wait3A_736 : memref<1x8x1024xf32, #tpu.memory_space<hbm>> -> memref<8x1024xf32, #tpu.memory_space<hbm>>
    %dma_wait3A_738 = arith.constant 8 : i32
    %dma_wait3A_739 = arith.constant 0 : i32
    %dma_wait3A_740 = tpu.memref_slice %arg12[%dma_wait3A_738, %dma_wait3A_739] : memref<32x1024xf32, #tpu.memory_space<vmem>> -> memref<8x1024xf32, #tpu.memory_space<vmem>>
    tpu.wait_dma2 semaphore(%arg21 : memref<!tpu.dma_semaphore, #tpu.memory_space<semaphore_mem>>) src(%dma_wait3A_740 : memref<8x1024xf32, #tpu.memory_space<vmem>>) dst(%dma_wait3A_737 : memref<8x1024xf32, #tpu.memory_space<hbm>>)
    %dma_wait3A_741 = arith.constant 2 : i32
    %dma_wait3A_742 = arith.constant 16 : i32
    %dma_wait3A_743 = arith.constant 0 : i32
    %dma_wait3A_744 = tpu.memref_slice %arg12[%dma_wait3A_742, %dma_wait3A_743] : memref<32x1024xf32, #tpu.memory_space<vmem>> -> memref<8x1024xf32, #tpu.memory_space<vmem>>
    %dma_wait3A_745 = arith.constant 0 : i32
    %dma_wait3A_746 = tpu.memref_slice %arg5[%dma_wait3A_741, %add3A_642, %dma_wait3A_745] : memref<4x2048x1024xf32, #tpu.memory_space<hbm>> -> memref<1x8x1024xf32, #tpu.memory_space<hbm>>
    %dma_wait3A_747 = tpu.memref_squeeze %dma_wait3A_746 : memref<1x8x1024xf32, #tpu.memory_space<hbm>> -> memref<8x1024xf32, #tpu.memory_space<hbm>>
    %dma_wait3A_748 = arith.constant 0 : i32
    %dma_wait3A_749 = tpu.memref_slice %arg5[%dma_wait3A_741, %add3A_642, %dma_wait3A_748] : memref<4x2048x1024xf32, #tpu.memory_space<hbm>> -> memref<1x8x1024xf32, #tpu.memory_space<hbm>>
    %dma_wait3A_750 = tpu.memref_squeeze %dma_wait3A_749 : memref<1x8x1024xf32, #tpu.memory_space<hbm>> -> memref<8x1024xf32, #tpu.memory_space<hbm>>
    %dma_wait3A_751 = arith.constant 16 : i32
    %dma_wait3A_752 = arith.constant 0 : i32
    %dma_wait3A_753 = tpu.memref_slice %arg12[%dma_wait3A_751, %dma_wait3A_752] : memref<32x1024xf32, #tpu.memory_space<vmem>> -> memref<8x1024xf32, #tpu.memory_space<vmem>>
    tpu.wait_dma2 semaphore(%arg21 : memref<!tpu.dma_semaphore, #tpu.memory_space<semaphore_mem>>) src(%dma_wait3A_753 : memref<8x1024xf32, #tpu.memory_space<vmem>>) dst(%dma_wait3A_750 : memref<8x1024xf32, #tpu.memory_space<hbm>>)
    %dma_wait3A_754 = arith.constant 3 : i32
    %dma_wait3A_755 = arith.constant 24 : i32
    %dma_wait3A_756 = arith.constant 0 : i32
    %dma_wait3A_757 = tpu.memref_slice %arg12[%dma_wait3A_755, %dma_wait3A_756] : memref<32x1024xf32, #tpu.memory_space<vmem>> -> memref<8x1024xf32, #tpu.memory_space<vmem>>
    %dma_wait3A_758 = arith.constant 0 : i32
    %dma_wait3A_759 = tpu.memref_slice %arg5[%dma_wait3A_754, %add3A_657, %dma_wait3A_758] : memref<4x2048x1024xf32, #tpu.memory_space<hbm>> -> memref<1x8x1024xf32, #tpu.memory_space<hbm>>
    %dma_wait3A_760 = tpu.memref_squeeze %dma_wait3A_759 : memref<1x8x1024xf32, #tpu.memory_space<hbm>> -> memref<8x1024xf32, #tpu.memory_space<hbm>>
    %dma_wait3A_761 = arith.constant 0 : i32
    %dma_wait3A_762 = tpu.memref_slice %arg5[%dma_wait3A_754, %add3A_657, %dma_wait3A_761] : memref<4x2048x1024xf32, #tpu.memory_space<hbm>> -> memref<1x8x1024xf32, #tpu.memory_space<hbm>>
    %dma_wait3A_763 = tpu.memref_squeeze %dma_wait3A_762 : memref<1x8x1024xf32, #tpu.memory_space<hbm>> -> memref<8x1024xf32, #tpu.memory_space<hbm>>
    %dma_wait3A_764 = arith.constant 24 : i32
    %dma_wait3A_765 = arith.constant 0 : i32
    %dma_wait3A_766 = tpu.memref_slice %arg12[%dma_wait3A_764, %dma_wait3A_765] : memref<32x1024xf32, #tpu.memory_space<vmem>> -> memref<8x1024xf32, #tpu.memory_space<vmem>>
    tpu.wait_dma2 semaphore(%arg21 : memref<!tpu.dma_semaphore, #tpu.memory_space<semaphore_mem>>) src(%dma_wait3A_766 : memref<8x1024xf32, #tpu.memory_space<vmem>>) dst(%dma_wait3A_763 : memref<8x1024xf32, #tpu.memory_space<hbm>>)
    %add3A_767 = arith.constant 40 : i32
    %add3A_768 = arith.addi %mul3A_2, %add3A_767 : i32
    %dma_start3A_769 = arith.constant 0 : i32
    %dma_start3A_770 = tpu.memref_slice %arg4[%add3A_768, %dma_start3A_769] : memref<8192x1024xf32, #tpu.memory_space<hbm>> -> memref<8x1024xf32, #tpu.memory_space<hbm>>
    %dma_start3A_771 = arith.constant 0 : i32
    %dma_start3A_772 = tpu.memref_slice %arg4[%add3A_768, %dma_start3A_771] : memref<8192x1024xf32, #tpu.memory_space<hbm>> -> memref<8x1024xf32, #tpu.memory_space<hbm>>
    tpu.enqueue_dma source(%dma_start3A_772 : memref<8x1024xf32, #tpu.memory_space<hbm>>) target(%arg9 : memref<8x1024xf32, #tpu.memory_space<vmem>>) target_semaphore(%arg18 : memref<!tpu.dma_semaphore, #tpu.memory_space<semaphore_mem>>)
    %dma_start3A_773 = arith.constant 0 : i32
    %dma_start3A_774 = arith.constant 0 : i32
    %dma_start3A_775 = arith.constant 0 : i32
    %dma_start3A_776 = tpu.memref_slice %arg12[%dma_start3A_774, %dma_start3A_775] : memref<32x1024xf32, #tpu.memory_space<vmem>> -> memref<8x1024xf32, #tpu.memory_space<vmem>>
    %dma_start3A_777 = arith.constant 40 : i32
    %dma_start3A_778 = tpu.memref_slice %arg6[%dma_start3A_773, %dma_start3A_777] : memref<4x64xi32, #tpu.memory_space<vmem>> -> memref<1x8xi32, #tpu.memory_space<vmem>>
    %dma_start3A_779 = tpu.memref_squeeze %dma_start3A_778 : memref<1x8xi32, #tpu.memory_space<vmem>> -> memref<8xi32, #tpu.memory_space<vmem>>
    %dma_start3A_780 = arith.constant 0 : i32
    %dma_start3A_781 = arith.constant 0 : i32
    %dma_start3A_782 = tpu.memref_slice %arg3[%dma_start3A_780, %dma_start3A_781] : memref<100000x1024xf32, #tpu.memory_space<hbm>> -> memref<100000x1024xf32, #tpu.memory_space<hbm>>
    tpu.enqueue_indirect_dma source(%dma_start3A_782 : memref<100000x1024xf32, #tpu.memory_space<hbm>>) target(%dma_start3A_776 : memref<8x1024xf32, #tpu.memory_space<vmem>>) offsets(%dma_start3A_779 : memref<8xi32, #tpu.memory_space<vmem>>) semaphore(%arg15 : memref<!tpu.dma_semaphore, #tpu.memory_space<semaphore_mem>>)
    %dma_start3A_783 = arith.constant 1 : i32
    %dma_start3A_784 = arith.constant 8 : i32
    %dma_start3A_785 = arith.constant 0 : i32
    %dma_start3A_786 = tpu.memref_slice %arg12[%dma_start3A_784, %dma_start3A_785] : memref<32x1024xf32, #tpu.memory_space<vmem>> -> memref<8x1024xf32, #tpu.memory_space<vmem>>
    %dma_start3A_787 = arith.constant 40 : i32
    %dma_start3A_788 = tpu.memref_slice %arg6[%dma_start3A_783, %dma_start3A_787] : memref<4x64xi32, #tpu.memory_space<vmem>> -> memref<1x8xi32, #tpu.memory_space<vmem>>
    %dma_start3A_789 = tpu.memref_squeeze %dma_start3A_788 : memref<1x8xi32, #tpu.memory_space<vmem>> -> memref<8xi32, #tpu.memory_space<vmem>>
    %dma_start3A_790 = arith.constant 0 : i32
    %dma_start3A_791 = arith.constant 0 : i32
    %dma_start3A_792 = tpu.memref_slice %arg3[%dma_start3A_790, %dma_start3A_791] : memref<100000x1024xf32, #tpu.memory_space<hbm>> -> memref<100000x1024xf32, #tpu.memory_space<hbm>>
    tpu.enqueue_indirect_dma source(%dma_start3A_792 : memref<100000x1024xf32, #tpu.memory_space<hbm>>) target(%dma_start3A_786 : memref<8x1024xf32, #tpu.memory_space<vmem>>) offsets(%dma_start3A_789 : memref<8xi32, #tpu.memory_space<vmem>>) semaphore(%arg15 : memref<!tpu.dma_semaphore, #tpu.memory_space<semaphore_mem>>)
    %dma_start3A_793 = arith.constant 2 : i32
    %dma_start3A_794 = arith.constant 16 : i32
    %dma_start3A_795 = arith.constant 0 : i32
    %dma_start3A_796 = tpu.memref_slice %arg12[%dma_start3A_794, %dma_start3A_795] : memref<32x1024xf32, #tpu.memory_space<vmem>> -> memref<8x1024xf32, #tpu.memory_space<vmem>>
    %dma_start3A_797 = arith.constant 40 : i32
    %dma_start3A_798 = tpu.memref_slice %arg6[%dma_start3A_793, %dma_start3A_797] : memref<4x64xi32, #tpu.memory_space<vmem>> -> memref<1x8xi32, #tpu.memory_space<vmem>>
    %dma_start3A_799 = tpu.memref_squeeze %dma_start3A_798 : memref<1x8xi32, #tpu.memory_space<vmem>> -> memref<8xi32, #tpu.memory_space<vmem>>
    %dma_start3A_800 = arith.constant 0 : i32
    %dma_start3A_801 = arith.constant 0 : i32
    %dma_start3A_802 = tpu.memref_slice %arg3[%dma_start3A_800, %dma_start3A_801] : memref<100000x1024xf32, #tpu.memory_space<hbm>> -> memref<100000x1024xf32, #tpu.memory_space<hbm>>
    tpu.enqueue_indirect_dma source(%dma_start3A_802 : memref<100000x1024xf32, #tpu.memory_space<hbm>>) target(%dma_start3A_796 : memref<8x1024xf32, #tpu.memory_space<vmem>>) offsets(%dma_start3A_799 : memref<8xi32, #tpu.memory_space<vmem>>) semaphore(%arg15 : memref<!tpu.dma_semaphore, #tpu.memory_space<semaphore_mem>>)
    %dma_start3A_803 = arith.constant 3 : i32
    %dma_start3A_804 = arith.constant 24 : i32
    %dma_start3A_805 = arith.constant 0 : i32
    %dma_start3A_806 = tpu.memref_slice %arg12[%dma_start3A_804, %dma_start3A_805] : memref<32x1024xf32, #tpu.memory_space<vmem>> -> memref<8x1024xf32, #tpu.memory_space<vmem>>
    %dma_start3A_807 = arith.constant 40 : i32
    %dma_start3A_808 = tpu.memref_slice %arg6[%dma_start3A_803, %dma_start3A_807] : memref<4x64xi32, #tpu.memory_space<vmem>> -> memref<1x8xi32, #tpu.memory_space<vmem>>
    %dma_start3A_809 = tpu.memref_squeeze %dma_start3A_808 : memref<1x8xi32, #tpu.memory_space<vmem>> -> memref<8xi32, #tpu.memory_space<vmem>>
    %dma_start3A_810 = arith.constant 0 : i32
    %dma_start3A_811 = arith.constant 0 : i32
    %dma_start3A_812 = tpu.memref_slice %arg3[%dma_start3A_810, %dma_start3A_811] : memref<100000x1024xf32, #tpu.memory_space<hbm>> -> memref<100000x1024xf32, #tpu.memory_space<hbm>>
    tpu.enqueue_indirect_dma source(%dma_start3A_812 : memref<100000x1024xf32, #tpu.memory_space<hbm>>) target(%dma_start3A_806 : memref<8x1024xf32, #tpu.memory_space<vmem>>) offsets(%dma_start3A_809 : memref<8xi32, #tpu.memory_space<vmem>>) semaphore(%arg15 : memref<!tpu.dma_semaphore, #tpu.memory_space<semaphore_mem>>)
    %scan3A_813 = arith.constant 0 : i32
    %scan3A_814 = arith.constant 0 : i32
    %scan3A_815 = arith.constant 8 : i32
    %scan3A_816 = arith.addi %scan3A_814, %scan3A_815 : i32
    %scan3A_817 = arith.constant 1 : i32
    scf.for %scan3A_1671 = %scan3A_814 to %scan3A_816 step %scan3A_817  : i32 {
      %parallel_loop3A = arith.constant 0 : i32
      %parallel_loop3A_1672 = arith.constant 64 : i32
      %parallel_loop3A_1673 = arith.constant 1 : i32
      scf.for %parallel_loop3A_1674 = %parallel_loop3A to %parallel_loop3A_1672 step %parallel_loop3A_1673  : i32 {
        %parallel_loop3A_1675 = arith.constant 16 : i32
        %parallel_loop3A_1676 = arith.muli %parallel_loop3A_1674, %parallel_loop3A_1675 : i32
        %parallel_loop3A_1677 = arith.index_cast %scan3A_1671 : i32 to index
        %parallel_loop3A_1678 = arith.index_cast %parallel_loop3A_1676 : i32 to index
        %parallel_loop3A_1679 = tpu.vector_load %arg7[%parallel_loop3A_1677, %parallel_loop3A_1678] {strides = array<i32>} : memref<8x1024xf32, #tpu.memory_space<vmem>>, vector<1x16xf32>,
        %parallel_loop3A_1680 = vector.shape_cast %parallel_loop3A_1679 : vector<1x16xf32> to vector<16xf32>
        %parallel_loop3A_1681 = arith.constant 0 : i32
        %parallel_loop3A_1682 = arith.addi %parallel_loop3A_1681, %scan3A_1671 : i32
        %parallel_loop3A_1683 = arith.index_cast %parallel_loop3A_1682 : i32 to index
        %parallel_loop3A_1684 = arith.index_cast %parallel_loop3A_1676 : i32 to index
        %parallel_loop3A_1685 = tpu.vector_load %arg10[%parallel_loop3A_1683, %parallel_loop3A_1684] {strides = array<i32>} : memref<32x1024xf32, #tpu.memory_space<vmem>>, vector<1x16xf32>,
        %parallel_loop3A_1686 = vector.shape_cast %parallel_loop3A_1685 : vector<1x16xf32> to vector<16xf32>
        %parallel_loop3A_1687 = arith.constant 3.200000e+01 : f32
        %parallel_loop3A_1688 = vector.broadcast %parallel_loop3A_1687 : f32 to vector<16xf32>
        %parallel_loop3A_1689 = arith.mulf %parallel_loop3A_1686, %parallel_loop3A_1688 : vector<16xf32>
        %parallel_loop3A_1690 = arith.addf %parallel_loop3A_1689, %parallel_loop3A_1680 : vector<16xf32>
        %parallel_loop3A_1691 = arith.constant 0 : i32
        %parallel_loop3A_1692 = arith.addi %parallel_loop3A_1691, %scan3A_1671 : i32
        %parallel_loop3A_1693 = arith.index_cast %parallel_loop3A_1692 : i32 to index
        %parallel_loop3A_1694 = arith.index_cast %parallel_loop3A_1676 : i32 to index
        %parallel_loop3A_1695 = tpu.vector_load %arg10[%parallel_loop3A_1693, %parallel_loop3A_1694] {strides = array<i32>} : memref<32x1024xf32, #tpu.memory_space<vmem>>, vector<1x16xf32>,
        %parallel_loop3A_1696 = vector.shape_cast %parallel_loop3A_1695 : vector<1x16xf32> to vector<16xf32>
        %parallel_loop3A_1697 = vector.shape_cast %parallel_loop3A_1690 : vector<16xf32> to vector<1x16xf32>
        tpu.vector_store %arg10[%parallel_loop3A_1693, %parallel_loop3A_1694], %parallel_loop3A_1697 {strides = array<i32>} : memref<32x1024xf32, #tpu.memory_space<vmem>>, vector<1x16xf32>,
        %parallel_loop3A_1698 = arith.constant 8 : i32
        %parallel_loop3A_1699 = arith.addi %parallel_loop3A_1698, %scan3A_1671 : i32
        %parallel_loop3A_1700 = arith.index_cast %parallel_loop3A_1699 : i32 to index
        %parallel_loop3A_1701 = arith.index_cast %parallel_loop3A_1676 : i32 to index
        %parallel_loop3A_1702 = tpu.vector_load %arg10[%parallel_loop3A_1700, %parallel_loop3A_1701] {strides = array<i32>} : memref<32x1024xf32, #tpu.memory_space<vmem>>, vector<1x16xf32>,
        %parallel_loop3A_1703 = vector.shape_cast %parallel_loop3A_1702 : vector<1x16xf32> to vector<16xf32>
        %parallel_loop3A_1704 = arith.constant 3.200000e+01 : f32
        %parallel_loop3A_1705 = vector.broadcast %parallel_loop3A_1704 : f32 to vector<16xf32>
        %parallel_loop3A_1706 = arith.mulf %parallel_loop3A_1703, %parallel_loop3A_1705 : vector<16xf32>
        %parallel_loop3A_1707 = arith.addf %parallel_loop3A_1706, %parallel_loop3A_1680 : vector<16xf32>
        %parallel_loop3A_1708 = arith.constant 8 : i32
        %parallel_loop3A_1709 = arith.addi %parallel_loop3A_1708, %scan3A_1671 : i32
        %parallel_loop3A_1710 = arith.index_cast %parallel_loop3A_1709 : i32 to index
        %parallel_loop3A_1711 = arith.index_cast %parallel_loop3A_1676 : i32 to index
        %parallel_loop3A_1712 = tpu.vector_load %arg10[%parallel_loop3A_1710, %parallel_loop3A_1711] {strides = array<i32>} : memref<32x1024xf32, #tpu.memory_space<vmem>>, vector<1x16xf32>,
        %parallel_loop3A_1713 = vector.shape_cast %parallel_loop3A_1712 : vector<1x16xf32> to vector<16xf32>
        %parallel_loop3A_1714 = vector.shape_cast %parallel_loop3A_1707 : vector<16xf32> to vector<1x16xf32>
        tpu.vector_store %arg10[%parallel_loop3A_1710, %parallel_loop3A_1711], %parallel_loop3A_1714 {strides = array<i32>} : memref<32x1024xf32, #tpu.memory_space<vmem>>, vector<1x16xf32>,
        %parallel_loop3A_1715 = arith.constant 16 : i32
        %parallel_loop3A_1716 = arith.addi %parallel_loop3A_1715, %scan3A_1671 : i32
        %parallel_loop3A_1717 = arith.index_cast %parallel_loop3A_1716 : i32 to index
        %parallel_loop3A_1718 = arith.index_cast %parallel_loop3A_1676 : i32 to index
        %parallel_loop3A_1719 = tpu.vector_load %arg10[%parallel_loop3A_1717, %parallel_loop3A_1718] {strides = array<i32>} : memref<32x1024xf32, #tpu.memory_space<vmem>>, vector<1x16xf32>,
        %parallel_loop3A_1720 = vector.shape_cast %parallel_loop3A_1719 : vector<1x16xf32> to vector<16xf32>
        %parallel_loop3A_1721 = arith.constant 3.200000e+01 : f32
        %parallel_loop3A_1722 = vector.broadcast %parallel_loop3A_1721 : f32 to vector<16xf32>
        %parallel_loop3A_1723 = arith.mulf %parallel_loop3A_1720, %parallel_loop3A_1722 : vector<16xf32>
        %parallel_loop3A_1724 = arith.addf %parallel_loop3A_1723, %parallel_loop3A_1680 : vector<16xf32>
        %parallel_loop3A_1725 = arith.constant 16 : i32
        %parallel_loop3A_1726 = arith.addi %parallel_loop3A_1725, %scan3A_1671 : i32
        %parallel_loop3A_1727 = arith.index_cast %parallel_loop3A_1726 : i32 to index
        %parallel_loop3A_1728 = arith.index_cast %parallel_loop3A_1676 : i32 to index
        %parallel_loop3A_1729 = tpu.vector_load %arg10[%parallel_loop3A_1727, %parallel_loop3A_1728] {strides = array<i32>} : memref<32x1024xf32, #tpu.memory_space<vmem>>, vector<1x16xf32>,
        %parallel_loop3A_1730 = vector.shape_cast %parallel_loop3A_1729 : vector<1x16xf32> to vector<16xf32>
        %parallel_loop3A_1731 = vector.shape_cast %parallel_loop3A_1724 : vector<16xf32> to vector<1x16xf32>
        tpu.vector_store %arg10[%parallel_loop3A_1727, %parallel_loop3A_1728], %parallel_loop3A_1731 {strides = array<i32>} : memref<32x1024xf32, #tpu.memory_space<vmem>>, vector<1x16xf32>,
        %parallel_loop3A_1732 = arith.constant 24 : i32
        %parallel_loop3A_1733 = arith.addi %parallel_loop3A_1732, %scan3A_1671 : i32
        %parallel_loop3A_1734 = arith.index_cast %parallel_loop3A_1733 : i32 to index
        %parallel_loop3A_1735 = arith.index_cast %parallel_loop3A_1676 : i32 to index
        %parallel_loop3A_1736 = tpu.vector_load %arg10[%parallel_loop3A_1734, %parallel_loop3A_1735] {strides = array<i32>} : memref<32x1024xf32, #tpu.memory_space<vmem>>, vector<1x16xf32>,
        %parallel_loop3A_1737 = vector.shape_cast %parallel_loop3A_1736 : vector<1x16xf32> to vector<16xf32>
        %parallel_loop3A_1738 = arith.constant 3.200000e+01 : f32
        %parallel_loop3A_1739 = vector.broadcast %parallel_loop3A_1738 : f32 to vector<16xf32>
        %parallel_loop3A_1740 = arith.mulf %parallel_loop3A_1737, %parallel_loop3A_1739 : vector<16xf32>
        %parallel_loop3A_1741 = arith.addf %parallel_loop3A_1740, %parallel_loop3A_1680 : vector<16xf32>
        %parallel_loop3A_1742 = arith.constant 24 : i32
        %parallel_loop3A_1743 = arith.addi %parallel_loop3A_1742, %scan3A_1671 : i32
        %parallel_loop3A_1744 = arith.index_cast %parallel_loop3A_1743 : i32 to index
        %parallel_loop3A_1745 = arith.index_cast %parallel_loop3A_1676 : i32 to index
        %parallel_loop3A_1746 = tpu.vector_load %arg10[%parallel_loop3A_1744, %parallel_loop3A_1745] {strides = array<i32>} : memref<32x1024xf32, #tpu.memory_space<vmem>>, vector<1x16xf32>,
        %parallel_loop3A_1747 = vector.shape_cast %parallel_loop3A_1746 : vector<1x16xf32> to vector<16xf32>
        %parallel_loop3A_1748 = vector.shape_cast %parallel_loop3A_1741 : vector<16xf32> to vector<1x16xf32>
        tpu.vector_store %arg10[%parallel_loop3A_1744, %parallel_loop3A_1745], %parallel_loop3A_1748 {strides = array<i32>} : memref<32x1024xf32, #tpu.memory_space<vmem>>, vector<1x16xf32>,
      } {sc.loop_unroll_factor = 4 : i64, sc.parallel_access}
    }
    %scan3A_818 = arith.constant 8 : i32
    %add3A_819 = arith.constant 24 : i32
    %add3A_820 = arith.addi %mul3A_2, %add3A_819 : i32
    %dma_start3A_821 = arith.constant 0 : i32
    %dma_start3A_822 = arith.constant 0 : i32
    %dma_start3A_823 = arith.constant 0 : i32
    %dma_start3A_824 = tpu.memref_slice %arg10[%dma_start3A_822, %dma_start3A_823] : memref<32x1024xf32, #tpu.memory_space<vmem>> -> memref<8x1024xf32, #tpu.memory_space<vmem>>
    %dma_start3A_825 = arith.constant 0 : i32
    %dma_start3A_826 = tpu.memref_slice %arg5[%dma_start3A_821, %add3A_820, %dma_start3A_825] : memref<4x2048x1024xf32, #tpu.memory_space<hbm>> -> memref<1x8x1024xf32, #tpu.memory_space<hbm>>
    %dma_start3A_827 = tpu.memref_squeeze %dma_start3A_826 : memref<1x8x1024xf32, #tpu.memory_space<hbm>> -> memref<8x1024xf32, #tpu.memory_space<hbm>>
    %dma_start3A_828 = arith.constant 0 : i32
    %dma_start3A_829 = tpu.memref_slice %arg5[%dma_start3A_821, %add3A_820, %dma_start3A_828] : memref<4x2048x1024xf32, #tpu.memory_space<hbm>> -> memref<1x8x1024xf32, #tpu.memory_space<hbm>>
    %dma_start3A_830 = tpu.memref_squeeze %dma_start3A_829 : memref<1x8x1024xf32, #tpu.memory_space<hbm>> -> memref<8x1024xf32, #tpu.memory_space<hbm>>
    %dma_start3A_831 = arith.constant 0 : i32
    %dma_start3A_832 = arith.constant 0 : i32
    %dma_start3A_833 = tpu.memref_slice %arg10[%dma_start3A_831, %dma_start3A_832] : memref<32x1024xf32, #tpu.memory_space<vmem>> -> memref<8x1024xf32, #tpu.memory_space<vmem>>
    tpu.enqueue_dma source(%dma_start3A_833 : memref<8x1024xf32, #tpu.memory_space<vmem>>) target(%dma_start3A_830 : memref<8x1024xf32, #tpu.memory_space<hbm>>) target_semaphore(%arg19 : memref<!tpu.dma_semaphore, #tpu.memory_space<semaphore_mem>>)
    %add3A_834 = arith.constant 24 : i32
    %add3A_835 = arith.addi %mul3A_2, %add3A_834 : i32
    %dma_start3A_836 = arith.constant 1 : i32
    %dma_start3A_837 = arith.constant 8 : i32
    %dma_start3A_838 = arith.constant 0 : i32
    %dma_start3A_839 = tpu.memref_slice %arg10[%dma_start3A_837, %dma_start3A_838] : memref<32x1024xf32, #tpu.memory_space<vmem>> -> memref<8x1024xf32, #tpu.memory_space<vmem>>
    %dma_start3A_840 = arith.constant 0 : i32
    %dma_start3A_841 = tpu.memref_slice %arg5[%dma_start3A_836, %add3A_835, %dma_start3A_840] : memref<4x2048x1024xf32, #tpu.memory_space<hbm>> -> memref<1x8x1024xf32, #tpu.memory_space<hbm>>
    %dma_start3A_842 = tpu.memref_squeeze %dma_start3A_841 : memref<1x8x1024xf32, #tpu.memory_space<hbm>> -> memref<8x1024xf32, #tpu.memory_space<hbm>>
    %dma_start3A_843 = arith.constant 0 : i32
    %dma_start3A_844 = tpu.memref_slice %arg5[%dma_start3A_836, %add3A_835, %dma_start3A_843] : memref<4x2048x1024xf32, #tpu.memory_space<hbm>> -> memref<1x8x1024xf32, #tpu.memory_space<hbm>>
    %dma_start3A_845 = tpu.memref_squeeze %dma_start3A_844 : memref<1x8x1024xf32, #tpu.memory_space<hbm>> -> memref<8x1024xf32, #tpu.memory_space<hbm>>
    %dma_start3A_846 = arith.constant 8 : i32
    %dma_start3A_847 = arith.constant 0 : i32
    %dma_start3A_848 = tpu.memref_slice %arg10[%dma_start3A_846, %dma_start3A_847] : memref<32x1024xf32, #tpu.memory_space<vmem>> -> memref<8x1024xf32, #tpu.memory_space<vmem>>
    tpu.enqueue_dma source(%dma_start3A_848 : memref<8x1024xf32, #tpu.memory_space<vmem>>) target(%dma_start3A_845 : memref<8x1024xf32, #tpu.memory_space<hbm>>) target_semaphore(%arg19 : memref<!tpu.dma_semaphore, #tpu.memory_space<semaphore_mem>>)
    %add3A_849 = arith.constant 24 : i32
    %add3A_850 = arith.addi %mul3A_2, %add3A_849 : i32
    %dma_start3A_851 = arith.constant 2 : i32
    %dma_start3A_852 = arith.constant 16 : i32
    %dma_start3A_853 = arith.constant 0 : i32
    %dma_start3A_854 = tpu.memref_slice %arg10[%dma_start3A_852, %dma_start3A_853] : memref<32x1024xf32, #tpu.memory_space<vmem>> -> memref<8x1024xf32, #tpu.memory_space<vmem>>
    %dma_start3A_855 = arith.constant 0 : i32
    %dma_start3A_856 = tpu.memref_slice %arg5[%dma_start3A_851, %add3A_850, %dma_start3A_855] : memref<4x2048x1024xf32, #tpu.memory_space<hbm>> -> memref<1x8x1024xf32, #tpu.memory_space<hbm>>
    %dma_start3A_857 = tpu.memref_squeeze %dma_start3A_856 : memref<1x8x1024xf32, #tpu.memory_space<hbm>> -> memref<8x1024xf32, #tpu.memory_space<hbm>>
    %dma_start3A_858 = arith.constant 0 : i32
    %dma_start3A_859 = tpu.memref_slice %arg5[%dma_start3A_851, %add3A_850, %dma_start3A_858] : memref<4x2048x1024xf32, #tpu.memory_space<hbm>> -> memref<1x8x1024xf32, #tpu.memory_space<hbm>>
    %dma_start3A_860 = tpu.memref_squeeze %dma_start3A_859 : memref<1x8x1024xf32, #tpu.memory_space<hbm>> -> memref<8x1024xf32, #tpu.memory_space<hbm>>
    %dma_start3A_861 = arith.constant 16 : i32
    %dma_start3A_862 = arith.constant 0 : i32
    %dma_start3A_863 = tpu.memref_slice %arg10[%dma_start3A_861, %dma_start3A_862] : memref<32x1024xf32, #tpu.memory_space<vmem>> -> memref<8x1024xf32, #tpu.memory_space<vmem>>
    tpu.enqueue_dma source(%dma_start3A_863 : memref<8x1024xf32, #tpu.memory_space<vmem>>) target(%dma_start3A_860 : memref<8x1024xf32, #tpu.memory_space<hbm>>) target_semaphore(%arg19 : memref<!tpu.dma_semaphore, #tpu.memory_space<semaphore_mem>>)
    %add3A_864 = arith.constant 24 : i32
    %add3A_865 = arith.addi %mul3A_2, %add3A_864 : i32
    %dma_start3A_866 = arith.constant 3 : i32
    %dma_start3A_867 = arith.constant 24 : i32
    %dma_start3A_868 = arith.constant 0 : i32
    %dma_start3A_869 = tpu.memref_slice %arg10[%dma_start3A_867, %dma_start3A_868] : memref<32x1024xf32, #tpu.memory_space<vmem>> -> memref<8x1024xf32, #tpu.memory_space<vmem>>
    %dma_start3A_870 = arith.constant 0 : i32
    %dma_start3A_871 = tpu.memref_slice %arg5[%dma_start3A_866, %add3A_865, %dma_start3A_870] : memref<4x2048x1024xf32, #tpu.memory_space<hbm>> -> memref<1x8x1024xf32, #tpu.memory_space<hbm>>
    %dma_start3A_872 = tpu.memref_squeeze %dma_start3A_871 : memref<1x8x1024xf32, #tpu.memory_space<hbm>> -> memref<8x1024xf32, #tpu.memory_space<hbm>>
    %dma_start3A_873 = arith.constant 0 : i32
    %dma_start3A_874 = tpu.memref_slice %arg5[%dma_start3A_866, %add3A_865, %dma_start3A_873] : memref<4x2048x1024xf32, #tpu.memory_space<hbm>> -> memref<1x8x1024xf32, #tpu.memory_space<hbm>>
    %dma_start3A_875 = tpu.memref_squeeze %dma_start3A_874 : memref<1x8x1024xf32, #tpu.memory_space<hbm>> -> memref<8x1024xf32, #tpu.memory_space<hbm>>
    %dma_start3A_876 = arith.constant 24 : i32
    %dma_start3A_877 = arith.constant 0 : i32
    %dma_start3A_878 = tpu.memref_slice %arg10[%dma_start3A_876, %dma_start3A_877] : memref<32x1024xf32, #tpu.memory_space<vmem>> -> memref<8x1024xf32, #tpu.memory_space<vmem>>
    tpu.enqueue_dma source(%dma_start3A_878 : memref<8x1024xf32, #tpu.memory_space<vmem>>) target(%dma_start3A_875 : memref<8x1024xf32, #tpu.memory_space<hbm>>) target_semaphore(%arg19 : memref<!tpu.dma_semaphore, #tpu.memory_space<semaphore_mem>>)
    %dma_wait3A_879 = arith.constant 0 : i32
    %dma_wait3A_880 = arith.constant 0 : i32
    %dma_wait3A_881 = arith.constant 0 : i32
    %dma_wait3A_882 = tpu.memref_slice %arg11[%dma_wait3A_880, %dma_wait3A_881] : memref<32x1024xf32, #tpu.memory_space<vmem>> -> memref<8x1024xf32, #tpu.memory_space<vmem>>
    %dma_wait3A_883 = arith.constant 32 : i32
    %dma_wait3A_884 = tpu.memref_slice %arg6[%dma_wait3A_879, %dma_wait3A_883] : memref<4x64xi32, #tpu.memory_space<vmem>> -> memref<1x8xi32, #tpu.memory_space<vmem>>
    %dma_wait3A_885 = tpu.memref_squeeze %dma_wait3A_884 : memref<1x8xi32, #tpu.memory_space<vmem>> -> memref<8xi32, #tpu.memory_space<vmem>>
    %dma_wait3A_886 = arith.constant 0 : i32
    %dma_wait3A_887 = arith.constant 0 : i32
    %dma_wait3A_888 = tpu.memref_slice %arg3[%dma_wait3A_886, %dma_wait3A_887] : memref<100000x1024xf32, #tpu.memory_space<hbm>> -> memref<100000x1024xf32, #tpu.memory_space<hbm>>
    tpu.wait_indirect_dma semaphore(%arg14 : memref<!tpu.dma_semaphore, #tpu.memory_space<semaphore_mem>>) src(%dma_wait3A_888 : memref<100000x1024xf32, #tpu.memory_space<hbm>>) dst(%dma_wait3A_882 : memref<8x1024xf32, #tpu.memory_space<vmem>>)
    %dma_wait3A_889 = arith.constant 1 : i32
    %dma_wait3A_890 = arith.constant 8 : i32
    %dma_wait3A_891 = arith.constant 0 : i32
    %dma_wait3A_892 = tpu.memref_slice %arg11[%dma_wait3A_890, %dma_wait3A_891] : memref<32x1024xf32, #tpu.memory_space<vmem>> -> memref<8x1024xf32, #tpu.memory_space<vmem>>
    %dma_wait3A_893 = arith.constant 32 : i32
    %dma_wait3A_894 = tpu.memref_slice %arg6[%dma_wait3A_889, %dma_wait3A_893] : memref<4x64xi32, #tpu.memory_space<vmem>> -> memref<1x8xi32, #tpu.memory_space<vmem>>
    %dma_wait3A_895 = tpu.memref_squeeze %dma_wait3A_894 : memref<1x8xi32, #tpu.memory_space<vmem>> -> memref<8xi32, #tpu.memory_space<vmem>>
    %dma_wait3A_896 = arith.constant 0 : i32
    %dma_wait3A_897 = arith.constant 0 : i32
    %dma_wait3A_898 = tpu.memref_slice %arg3[%dma_wait3A_896, %dma_wait3A_897] : memref<100000x1024xf32, #tpu.memory_space<hbm>> -> memref<100000x1024xf32, #tpu.memory_space<hbm>>
    tpu.wait_indirect_dma semaphore(%arg14 : memref<!tpu.dma_semaphore, #tpu.memory_space<semaphore_mem>>) src(%dma_wait3A_898 : memref<100000x1024xf32, #tpu.memory_space<hbm>>) dst(%dma_wait3A_892 : memref<8x1024xf32, #tpu.memory_space<vmem>>)
    %dma_wait3A_899 = arith.constant 2 : i32
    %dma_wait3A_900 = arith.constant 16 : i32
    %dma_wait3A_901 = arith.constant 0 : i32
    %dma_wait3A_902 = tpu.memref_slice %arg11[%dma_wait3A_900, %dma_wait3A_901] : memref<32x1024xf32, #tpu.memory_space<vmem>> -> memref<8x1024xf32, #tpu.memory_space<vmem>>
    %dma_wait3A_903 = arith.constant 32 : i32
    %dma_wait3A_904 = tpu.memref_slice %arg6[%dma_wait3A_899, %dma_wait3A_903] : memref<4x64xi32, #tpu.memory_space<vmem>> -> memref<1x8xi32, #tpu.memory_space<vmem>>
    %dma_wait3A_905 = tpu.memref_squeeze %dma_wait3A_904 : memref<1x8xi32, #tpu.memory_space<vmem>> -> memref<8xi32, #tpu.memory_space<vmem>>
    %dma_wait3A_906 = arith.constant 0 : i32
    %dma_wait3A_907 = arith.constant 0 : i32
    %dma_wait3A_908 = tpu.memref_slice %arg3[%dma_wait3A_906, %dma_wait3A_907] : memref<100000x1024xf32, #tpu.memory_space<hbm>> -> memref<100000x1024xf32, #tpu.memory_space<hbm>>
    tpu.wait_indirect_dma semaphore(%arg14 : memref<!tpu.dma_semaphore, #tpu.memory_space<semaphore_mem>>) src(%dma_wait3A_908 : memref<100000x1024xf32, #tpu.memory_space<hbm>>) dst(%dma_wait3A_902 : memref<8x1024xf32, #tpu.memory_space<vmem>>)
    %dma_wait3A_909 = arith.constant 3 : i32
    %dma_wait3A_910 = arith.constant 24 : i32
    %dma_wait3A_911 = arith.constant 0 : i32
    %dma_wait3A_912 = tpu.memref_slice %arg11[%dma_wait3A_910, %dma_wait3A_911] : memref<32x1024xf32, #tpu.memory_space<vmem>> -> memref<8x1024xf32, #tpu.memory_space<vmem>>
    %dma_wait3A_913 = arith.constant 32 : i32
    %dma_wait3A_914 = tpu.memref_slice %arg6[%dma_wait3A_909, %dma_wait3A_913] : memref<4x64xi32, #tpu.memory_space<vmem>> -> memref<1x8xi32, #tpu.memory_space<vmem>>
    %dma_wait3A_915 = tpu.memref_squeeze %dma_wait3A_914 : memref<1x8xi32, #tpu.memory_space<vmem>> -> memref<8xi32, #tpu.memory_space<vmem>>
    %dma_wait3A_916 = arith.constant 0 : i32
    %dma_wait3A_917 = arith.constant 0 : i32
    %dma_wait3A_918 = tpu.memref_slice %arg3[%dma_wait3A_916, %dma_wait3A_917] : memref<100000x1024xf32, #tpu.memory_space<hbm>> -> memref<100000x1024xf32, #tpu.memory_space<hbm>>
    tpu.wait_indirect_dma semaphore(%arg14 : memref<!tpu.dma_semaphore, #tpu.memory_space<semaphore_mem>>) src(%dma_wait3A_918 : memref<100000x1024xf32, #tpu.memory_space<hbm>>) dst(%dma_wait3A_912 : memref<8x1024xf32, #tpu.memory_space<vmem>>)
    %dma_wait3A_919 = arith.constant 0 : i32
    %dma_wait3A_920 = tpu.memref_slice %arg4[%add3A_560, %dma_wait3A_919] : memref<8192x1024xf32, #tpu.memory_space<hbm>> -> memref<8x1024xf32, #tpu.memory_space<hbm>>
    %dma_wait3A_921 = arith.constant 0 : i32
    %dma_wait3A_922 = tpu.memref_slice %arg4[%add3A_560, %dma_wait3A_921] : memref<8192x1024xf32, #tpu.memory_space<hbm>> -> memref<8x1024xf32, #tpu.memory_space<hbm>>
    tpu.wait_dma2 semaphore(%arg17 : memref<!tpu.dma_semaphore, #tpu.memory_space<semaphore_mem>>) src(%dma_wait3A_922 : memref<8x1024xf32, #tpu.memory_space<hbm>>) dst(%arg8 : memref<8x1024xf32, #tpu.memory_space<vmem>>)
    %dma_wait3A_923 = arith.constant 0 : i32
    %dma_wait3A_924 = arith.constant 0 : i32
    %dma_wait3A_925 = arith.constant 0 : i32
    %dma_wait3A_926 = tpu.memref_slice %arg10[%dma_wait3A_924, %dma_wait3A_925] : memref<32x1024xf32, #tpu.memory_space<vmem>> -> memref<8x1024xf32, #tpu.memory_space<vmem>>
    %dma_wait3A_927 = arith.constant 0 : i32
    %dma_wait3A_928 = tpu.memref_slice %arg5[%dma_wait3A_923, %add3A_820, %dma_wait3A_927] : memref<4x2048x1024xf32, #tpu.memory_space<hbm>> -> memref<1x8x1024xf32, #tpu.memory_space<hbm>>
    %dma_wait3A_929 = tpu.memref_squeeze %dma_wait3A_928 : memref<1x8x1024xf32, #tpu.memory_space<hbm>> -> memref<8x1024xf32, #tpu.memory_space<hbm>>
    %dma_wait3A_930 = arith.constant 0 : i32
    %dma_wait3A_931 = tpu.memref_slice %arg5[%dma_wait3A_923, %add3A_820, %dma_wait3A_930] : memref<4x2048x1024xf32, #tpu.memory_space<hbm>> -> memref<1x8x1024xf32, #tpu.memory_space<hbm>>
    %dma_wait3A_932 = tpu.memref_squeeze %dma_wait3A_931 : memref<1x8x1024xf32, #tpu.memory_space<hbm>> -> memref<8x1024xf32, #tpu.memory_space<hbm>>
    %dma_wait3A_933 = arith.constant 0 : i32
    %dma_wait3A_934 = arith.constant 0 : i32
    %dma_wait3A_935 = tpu.memref_slice %arg10[%dma_wait3A_933, %dma_wait3A_934] : memref<32x1024xf32, #tpu.memory_space<vmem>> -> memref<8x1024xf32, #tpu.memory_space<vmem>>
    tpu.wait_dma2 semaphore(%arg19 : memref<!tpu.dma_semaphore, #tpu.memory_space<semaphore_mem>>) src(%dma_wait3A_935 : memref<8x1024xf32, #tpu.memory_space<vmem>>) dst(%dma_wait3A_932 : memref<8x1024xf32, #tpu.memory_space<hbm>>)
    %dma_wait3A_936 = arith.constant 1 : i32
    %dma_wait3A_937 = arith.constant 8 : i32
    %dma_wait3A_938 = arith.constant 0 : i32
    %dma_wait3A_939 = tpu.memref_slice %arg10[%dma_wait3A_937, %dma_wait3A_938] : memref<32x1024xf32, #tpu.memory_space<vmem>> -> memref<8x1024xf32, #tpu.memory_space<vmem>>
    %dma_wait3A_940 = arith.constant 0 : i32
    %dma_wait3A_941 = tpu.memref_slice %arg5[%dma_wait3A_936, %add3A_835, %dma_wait3A_940] : memref<4x2048x1024xf32, #tpu.memory_space<hbm>> -> memref<1x8x1024xf32, #tpu.memory_space<hbm>>
    %dma_wait3A_942 = tpu.memref_squeeze %dma_wait3A_941 : memref<1x8x1024xf32, #tpu.memory_space<hbm>> -> memref<8x1024xf32, #tpu.memory_space<hbm>>
    %dma_wait3A_943 = arith.constant 0 : i32
    %dma_wait3A_944 = tpu.memref_slice %arg5[%dma_wait3A_936, %add3A_835, %dma_wait3A_943] : memref<4x2048x1024xf32, #tpu.memory_space<hbm>> -> memref<1x8x1024xf32, #tpu.memory_space<hbm>>
    %dma_wait3A_945 = tpu.memref_squeeze %dma_wait3A_944 : memref<1x8x1024xf32, #tpu.memory_space<hbm>> -> memref<8x1024xf32, #tpu.memory_space<hbm>>
    %dma_wait3A_946 = arith.constant 8 : i32
    %dma_wait3A_947 = arith.constant 0 : i32
    %dma_wait3A_948 = tpu.memref_slice %arg10[%dma_wait3A_946, %dma_wait3A_947] : memref<32x1024xf32, #tpu.memory_space<vmem>> -> memref<8x1024xf32, #tpu.memory_space<vmem>>
    tpu.wait_dma2 semaphore(%arg19 : memref<!tpu.dma_semaphore, #tpu.memory_space<semaphore_mem>>) src(%dma_wait3A_948 : memref<8x1024xf32, #tpu.memory_space<vmem>>) dst(%dma_wait3A_945 : memref<8x1024xf32, #tpu.memory_space<hbm>>)
    %dma_wait3A_949 = arith.constant 2 : i32
    %dma_wait3A_950 = arith.constant 16 : i32
    %dma_wait3A_951 = arith.constant 0 : i32
    %dma_wait3A_952 = tpu.memref_slice %arg10[%dma_wait3A_950, %dma_wait3A_951] : memref<32x1024xf32, #tpu.memory_space<vmem>> -> memref<8x1024xf32, #tpu.memory_space<vmem>>
    %dma_wait3A_953 = arith.constant 0 : i32
    %dma_wait3A_954 = tpu.memref_slice %arg5[%dma_wait3A_949, %add3A_850, %dma_wait3A_953] : memref<4x2048x1024xf32, #tpu.memory_space<hbm>> -> memref<1x8x1024xf32, #tpu.memory_space<hbm>>
    %dma_wait3A_955 = tpu.memref_squeeze %dma_wait3A_954 : memref<1x8x1024xf32, #tpu.memory_space<hbm>> -> memref<8x1024xf32, #tpu.memory_space<hbm>>
    %dma_wait3A_956 = arith.constant 0 : i32
    %dma_wait3A_957 = tpu.memref_slice %arg5[%dma_wait3A_949, %add3A_850, %dma_wait3A_956] : memref<4x2048x1024xf32, #tpu.memory_space<hbm>> -> memref<1x8x1024xf32, #tpu.memory_space<hbm>>
    %dma_wait3A_958 = tpu.memref_squeeze %dma_wait3A_957 : memref<1x8x1024xf32, #tpu.memory_space<hbm>> -> memref<8x1024xf32, #tpu.memory_space<hbm>>
    %dma_wait3A_959 = arith.constant 16 : i32
    %dma_wait3A_960 = arith.constant 0 : i32
    %dma_wait3A_961 = tpu.memref_slice %arg10[%dma_wait3A_959, %dma_wait3A_960] : memref<32x1024xf32, #tpu.memory_space<vmem>> -> memref<8x1024xf32, #tpu.memory_space<vmem>>
    tpu.wait_dma2 semaphore(%arg19 : memref<!tpu.dma_semaphore, #tpu.memory_space<semaphore_mem>>) src(%dma_wait3A_961 : memref<8x1024xf32, #tpu.memory_space<vmem>>) dst(%dma_wait3A_958 : memref<8x1024xf32, #tpu.memory_space<hbm>>)
    %dma_wait3A_962 = arith.constant 3 : i32
    %dma_wait3A_963 = arith.constant 24 : i32
    %dma_wait3A_964 = arith.constant 0 : i32
    %dma_wait3A_965 = tpu.memref_slice %arg10[%dma_wait3A_963, %dma_wait3A_964] : memref<32x1024xf32, #tpu.memory_space<vmem>> -> memref<8x1024xf32, #tpu.memory_space<vmem>>
    %dma_wait3A_966 = arith.constant 0 : i32
    %dma_wait3A_967 = tpu.memref_slice %arg5[%dma_wait3A_962, %add3A_865, %dma_wait3A_966] : memref<4x2048x1024xf32, #tpu.memory_space<hbm>> -> memref<1x8x1024xf32, #tpu.memory_space<hbm>>
    %dma_wait3A_968 = tpu.memref_squeeze %dma_wait3A_967 : memref<1x8x1024xf32, #tpu.memory_space<hbm>> -> memref<8x1024xf32, #tpu.memory_space<hbm>>
    %dma_wait3A_969 = arith.constant 0 : i32
    %dma_wait3A_970 = tpu.memref_slice %arg5[%dma_wait3A_962, %add3A_865, %dma_wait3A_969] : memref<4x2048x1024xf32, #tpu.memory_space<hbm>> -> memref<1x8x1024xf32, #tpu.memory_space<hbm>>
    %dma_wait3A_971 = tpu.memref_squeeze %dma_wait3A_970 : memref<1x8x1024xf32, #tpu.memory_space<hbm>> -> memref<8x1024xf32, #tpu.memory_space<hbm>>
    %dma_wait3A_972 = arith.constant 24 : i32
    %dma_wait3A_973 = arith.constant 0 : i32
    %dma_wait3A_974 = tpu.memref_slice %arg10[%dma_wait3A_972, %dma_wait3A_973] : memref<32x1024xf32, #tpu.memory_space<vmem>> -> memref<8x1024xf32, #tpu.memory_space<vmem>>
    tpu.wait_dma2 semaphore(%arg19 : memref<!tpu.dma_semaphore, #tpu.memory_space<semaphore_mem>>) src(%dma_wait3A_974 : memref<8x1024xf32, #tpu.memory_space<vmem>>) dst(%dma_wait3A_971 : memref<8x1024xf32, #tpu.memory_space<hbm>>)
    %add3A_975 = arith.constant 48 : i32
    %add3A_976 = arith.addi %mul3A_2, %add3A_975 : i32
    %dma_start3A_977 = arith.constant 0 : i32
    %dma_start3A_978 = tpu.memref_slice %arg4[%add3A_976, %dma_start3A_977] : memref<8192x1024xf32, #tpu.memory_space<hbm>> -> memref<8x1024xf32, #tpu.memory_space<hbm>>
    %dma_start3A_979 = arith.constant 0 : i32
    %dma_start3A_980 = tpu.memref_slice %arg4[%add3A_976, %dma_start3A_979] : memref<8192x1024xf32, #tpu.memory_space<hbm>> -> memref<8x1024xf32, #tpu.memory_space<hbm>>
    tpu.enqueue_dma source(%dma_start3A_980 : memref<8x1024xf32, #tpu.memory_space<hbm>>) target(%arg7 : memref<8x1024xf32, #tpu.memory_space<vmem>>) target_semaphore(%arg16 : memref<!tpu.dma_semaphore, #tpu.memory_space<semaphore_mem>>)
    %dma_start3A_981 = arith.constant 0 : i32
    %dma_start3A_982 = arith.constant 0 : i32
    %dma_start3A_983 = arith.constant 0 : i32
    %dma_start3A_984 = tpu.memref_slice %arg10[%dma_start3A_982, %dma_start3A_983] : memref<32x1024xf32, #tpu.memory_space<vmem>> -> memref<8x1024xf32, #tpu.memory_space<vmem>>
    %dma_start3A_985 = arith.constant 48 : i32
    %dma_start3A_986 = tpu.memref_slice %arg6[%dma_start3A_981, %dma_start3A_985] : memref<4x64xi32, #tpu.memory_space<vmem>> -> memref<1x8xi32, #tpu.memory_space<vmem>>
    %dma_start3A_987 = tpu.memref_squeeze %dma_start3A_986 : memref<1x8xi32, #tpu.memory_space<vmem>> -> memref<8xi32, #tpu.memory_space<vmem>>
    %dma_start3A_988 = arith.constant 0 : i32
    %dma_start3A_989 = arith.constant 0 : i32
    %dma_start3A_990 = tpu.memref_slice %arg3[%dma_start3A_988, %dma_start3A_989] : memref<100000x1024xf32, #tpu.memory_space<hbm>> -> memref<100000x1024xf32, #tpu.memory_space<hbm>>
    tpu.enqueue_indirect_dma source(%dma_start3A_990 : memref<100000x1024xf32, #tpu.memory_space<hbm>>) target(%dma_start3A_984 : memref<8x1024xf32, #tpu.memory_space<vmem>>) offsets(%dma_start3A_987 : memref<8xi32, #tpu.memory_space<vmem>>) semaphore(%arg13 : memref<!tpu.dma_semaphore, #tpu.memory_space<semaphore_mem>>)
    %dma_start3A_991 = arith.constant 1 : i32
    %dma_start3A_992 = arith.constant 8 : i32
    %dma_start3A_993 = arith.constant 0 : i32
    %dma_start3A_994 = tpu.memref_slice %arg10[%dma_start3A_992, %dma_start3A_993] : memref<32x1024xf32, #tpu.memory_space<vmem>> -> memref<8x1024xf32, #tpu.memory_space<vmem>>
    %dma_start3A_995 = arith.constant 48 : i32
    %dma_start3A_996 = tpu.memref_slice %arg6[%dma_start3A_991, %dma_start3A_995] : memref<4x64xi32, #tpu.memory_space<vmem>> -> memref<1x8xi32, #tpu.memory_space<vmem>>
    %dma_start3A_997 = tpu.memref_squeeze %dma_start3A_996 : memref<1x8xi32, #tpu.memory_space<vmem>> -> memref<8xi32, #tpu.memory_space<vmem>>
    %dma_start3A_998 = arith.constant 0 : i32
    %dma_start3A_999 = arith.constant 0 : i32
    %dma_start3A_1000 = tpu.memref_slice %arg3[%dma_start3A_998, %dma_start3A_999] : memref<100000x1024xf32, #tpu.memory_space<hbm>> -> memref<100000x1024xf32, #tpu.memory_space<hbm>>
    tpu.enqueue_indirect_dma source(%dma_start3A_1000 : memref<100000x1024xf32, #tpu.memory_space<hbm>>) target(%dma_start3A_994 : memref<8x1024xf32, #tpu.memory_space<vmem>>) offsets(%dma_start3A_997 : memref<8xi32, #tpu.memory_space<vmem>>) semaphore(%arg13 : memref<!tpu.dma_semaphore, #tpu.memory_space<semaphore_mem>>)
    %dma_start3A_1001 = arith.constant 2 : i32
    %dma_start3A_1002 = arith.constant 16 : i32
    %dma_start3A_1003 = arith.constant 0 : i32
    %dma_start3A_1004 = tpu.memref_slice %arg10[%dma_start3A_1002, %dma_start3A_1003] : memref<32x1024xf32, #tpu.memory_space<vmem>> -> memref<8x1024xf32, #tpu.memory_space<vmem>>
    %dma_start3A_1005 = arith.constant 48 : i32
    %dma_start3A_1006 = tpu.memref_slice %arg6[%dma_start3A_1001, %dma_start3A_1005] : memref<4x64xi32, #tpu.memory_space<vmem>> -> memref<1x8xi32, #tpu.memory_space<vmem>>
    %dma_start3A_1007 = tpu.memref_squeeze %dma_start3A_1006 : memref<1x8xi32, #tpu.memory_space<vmem>> -> memref<8xi32, #tpu.memory_space<vmem>>
    %dma_start3A_1008 = arith.constant 0 : i32
    %dma_start3A_1009 = arith.constant 0 : i32
    %dma_start3A_1010 = tpu.memref_slice %arg3[%dma_start3A_1008, %dma_start3A_1009] : memref<100000x1024xf32, #tpu.memory_space<hbm>> -> memref<100000x1024xf32, #tpu.memory_space<hbm>>
    tpu.enqueue_indirect_dma source(%dma_start3A_1010 : memref<100000x1024xf32, #tpu.memory_space<hbm>>) target(%dma_start3A_1004 : memref<8x1024xf32, #tpu.memory_space<vmem>>) offsets(%dma_start3A_1007 : memref<8xi32, #tpu.memory_space<vmem>>) semaphore(%arg13 : memref<!tpu.dma_semaphore, #tpu.memory_space<semaphore_mem>>)
    %dma_start3A_1011 = arith.constant 3 : i32
    %dma_start3A_1012 = arith.constant 24 : i32
    %dma_start3A_1013 = arith.constant 0 : i32
    %dma_start3A_1014 = tpu.memref_slice %arg10[%dma_start3A_1012, %dma_start3A_1013] : memref<32x1024xf32, #tpu.memory_space<vmem>> -> memref<8x1024xf32, #tpu.memory_space<vmem>>
    %dma_start3A_1015 = arith.constant 48 : i32
    %dma_start3A_1016 = tpu.memref_slice %arg6[%dma_start3A_1011, %dma_start3A_1015] : memref<4x64xi32, #tpu.memory_space<vmem>> -> memref<1x8xi32, #tpu.memory_space<vmem>>
    %dma_start3A_1017 = tpu.memref_squeeze %dma_start3A_1016 : memref<1x8xi32, #tpu.memory_space<vmem>> -> memref<8xi32, #tpu.memory_space<vmem>>
    %dma_start3A_1018 = arith.constant 0 : i32
    %dma_start3A_1019 = arith.constant 0 : i32
    %dma_start3A_1020 = tpu.memref_slice %arg3[%dma_start3A_1018, %dma_start3A_1019] : memref<100000x1024xf32, #tpu.memory_space<hbm>> -> memref<100000x1024xf32, #tpu.memory_space<hbm>>
    tpu.enqueue_indirect_dma source(%dma_start3A_1020 : memref<100000x1024xf32, #tpu.memory_space<hbm>>) target(%dma_start3A_1014 : memref<8x1024xf32, #tpu.memory_space<vmem>>) offsets(%dma_start3A_1017 : memref<8xi32, #tpu.memory_space<vmem>>) semaphore(%arg13 : memref<!tpu.dma_semaphore, #tpu.memory_space<semaphore_mem>>)
    %scan3A_1021 = arith.constant 0 : i32
    %scan3A_1022 = arith.constant 0 : i32
    %scan3A_1023 = arith.constant 8 : i32
    %scan3A_1024 = arith.addi %scan3A_1022, %scan3A_1023 : i32
    %scan3A_1025 = arith.constant 1 : i32
    scf.for %scan3A_1671 = %scan3A_1022 to %scan3A_1024 step %scan3A_1025  : i32 {
      %parallel_loop3A = arith.constant 0 : i32
      %parallel_loop3A_1672 = arith.constant 64 : i32
      %parallel_loop3A_1673 = arith.constant 1 : i32
      scf.for %parallel_loop3A_1674 = %parallel_loop3A to %parallel_loop3A_1672 step %parallel_loop3A_1673  : i32 {
        %parallel_loop3A_1675 = arith.constant 16 : i32
        %parallel_loop3A_1676 = arith.muli %parallel_loop3A_1674, %parallel_loop3A_1675 : i32
        %parallel_loop3A_1677 = arith.index_cast %scan3A_1671 : i32 to index
        %parallel_loop3A_1678 = arith.index_cast %parallel_loop3A_1676 : i32 to index
        %parallel_loop3A_1679 = tpu.vector_load %arg8[%parallel_loop3A_1677, %parallel_loop3A_1678] {strides = array<i32>} : memref<8x1024xf32, #tpu.memory_space<vmem>>, vector<1x16xf32>,
        %parallel_loop3A_1680 = vector.shape_cast %parallel_loop3A_1679 : vector<1x16xf32> to vector<16xf32>
        %parallel_loop3A_1681 = arith.constant 0 : i32
        %parallel_loop3A_1682 = arith.addi %parallel_loop3A_1681, %scan3A_1671 : i32
        %parallel_loop3A_1683 = arith.index_cast %parallel_loop3A_1682 : i32 to index
        %parallel_loop3A_1684 = arith.index_cast %parallel_loop3A_1676 : i32 to index
        %parallel_loop3A_1685 = tpu.vector_load %arg11[%parallel_loop3A_1683, %parallel_loop3A_1684] {strides = array<i32>} : memref<32x1024xf32, #tpu.memory_space<vmem>>, vector<1x16xf32>,
        %parallel_loop3A_1686 = vector.shape_cast %parallel_loop3A_1685 : vector<1x16xf32> to vector<16xf32>
        %parallel_loop3A_1687 = arith.constant 3.200000e+01 : f32
        %parallel_loop3A_1688 = vector.broadcast %parallel_loop3A_1687 : f32 to vector<16xf32>
        %parallel_loop3A_1689 = arith.mulf %parallel_loop3A_1686, %parallel_loop3A_1688 : vector<16xf32>
        %parallel_loop3A_1690 = arith.addf %parallel_loop3A_1689, %parallel_loop3A_1680 : vector<16xf32>
        %parallel_loop3A_1691 = arith.constant 0 : i32
        %parallel_loop3A_1692 = arith.addi %parallel_loop3A_1691, %scan3A_1671 : i32
        %parallel_loop3A_1693 = arith.index_cast %parallel_loop3A_1692 : i32 to index
        %parallel_loop3A_1694 = arith.index_cast %parallel_loop3A_1676 : i32 to index
        %parallel_loop3A_1695 = tpu.vector_load %arg11[%parallel_loop3A_1693, %parallel_loop3A_1694] {strides = array<i32>} : memref<32x1024xf32, #tpu.memory_space<vmem>>, vector<1x16xf32>,
        %parallel_loop3A_1696 = vector.shape_cast %parallel_loop3A_1695 : vector<1x16xf32> to vector<16xf32>
        %parallel_loop3A_1697 = vector.shape_cast %parallel_loop3A_1690 : vector<16xf32> to vector<1x16xf32>
        tpu.vector_store %arg11[%parallel_loop3A_1693, %parallel_loop3A_1694], %parallel_loop3A_1697 {strides = array<i32>} : memref<32x1024xf32, #tpu.memory_space<vmem>>, vector<1x16xf32>,
        %parallel_loop3A_1698 = arith.constant 8 : i32
        %parallel_loop3A_1699 = arith.addi %parallel_loop3A_1698, %scan3A_1671 : i32
        %parallel_loop3A_1700 = arith.index_cast %parallel_loop3A_1699 : i32 to index
        %parallel_loop3A_1701 = arith.index_cast %parallel_loop3A_1676 : i32 to index
        %parallel_loop3A_1702 = tpu.vector_load %arg11[%parallel_loop3A_1700, %parallel_loop3A_1701] {strides = array<i32>} : memref<32x1024xf32, #tpu.memory_space<vmem>>, vector<1x16xf32>,
        %parallel_loop3A_1703 = vector.shape_cast %parallel_loop3A_1702 : vector<1x16xf32> to vector<16xf32>
        %parallel_loop3A_1704 = arith.constant 3.200000e+01 : f32
        %parallel_loop3A_1705 = vector.broadcast %parallel_loop3A_1704 : f32 to vector<16xf32>
        %parallel_loop3A_1706 = arith.mulf %parallel_loop3A_1703, %parallel_loop3A_1705 : vector<16xf32>
        %parallel_loop3A_1707 = arith.addf %parallel_loop3A_1706, %parallel_loop3A_1680 : vector<16xf32>
        %parallel_loop3A_1708 = arith.constant 8 : i32
        %parallel_loop3A_1709 = arith.addi %parallel_loop3A_1708, %scan3A_1671 : i32
        %parallel_loop3A_1710 = arith.index_cast %parallel_loop3A_1709 : i32 to index
        %parallel_loop3A_1711 = arith.index_cast %parallel_loop3A_1676 : i32 to index
        %parallel_loop3A_1712 = tpu.vector_load %arg11[%parallel_loop3A_1710, %parallel_loop3A_1711] {strides = array<i32>} : memref<32x1024xf32, #tpu.memory_space<vmem>>, vector<1x16xf32>,
        %parallel_loop3A_1713 = vector.shape_cast %parallel_loop3A_1712 : vector<1x16xf32> to vector<16xf32>
        %parallel_loop3A_1714 = vector.shape_cast %parallel_loop3A_1707 : vector<16xf32> to vector<1x16xf32>
        tpu.vector_store %arg11[%parallel_loop3A_1710, %parallel_loop3A_1711], %parallel_loop3A_1714 {strides = array<i32>} : memref<32x1024xf32, #tpu.memory_space<vmem>>, vector<1x16xf32>,
        %parallel_loop3A_1715 = arith.constant 16 : i32
        %parallel_loop3A_1716 = arith.addi %parallel_loop3A_1715, %scan3A_1671 : i32
        %parallel_loop3A_1717 = arith.index_cast %parallel_loop3A_1716 : i32 to index
        %parallel_loop3A_1718 = arith.index_cast %parallel_loop3A_1676 : i32 to index
        %parallel_loop3A_1719 = tpu.vector_load %arg11[%parallel_loop3A_1717, %parallel_loop3A_1718] {strides = array<i32>} : memref<32x1024xf32, #tpu.memory_space<vmem>>, vector<1x16xf32>,
        %parallel_loop3A_1720 = vector.shape_cast %parallel_loop3A_1719 : vector<1x16xf32> to vector<16xf32>
        %parallel_loop3A_1721 = arith.constant 3.200000e+01 : f32
        %parallel_loop3A_1722 = vector.broadcast %parallel_loop3A_1721 : f32 to vector<16xf32>
        %parallel_loop3A_1723 = arith.mulf %parallel_loop3A_1720, %parallel_loop3A_1722 : vector<16xf32>
        %parallel_loop3A_1724 = arith.addf %parallel_loop3A_1723, %parallel_loop3A_1680 : vector<16xf32>
        %parallel_loop3A_1725 = arith.constant 16 : i32
        %parallel_loop3A_1726 = arith.addi %parallel_loop3A_1725, %scan3A_1671 : i32
        %parallel_loop3A_1727 = arith.index_cast %parallel_loop3A_1726 : i32 to index
        %parallel_loop3A_1728 = arith.index_cast %parallel_loop3A_1676 : i32 to index
        %parallel_loop3A_1729 = tpu.vector_load %arg11[%parallel_loop3A_1727, %parallel_loop3A_1728] {strides = array<i32>} : memref<32x1024xf32, #tpu.memory_space<vmem>>, vector<1x16xf32>,
        %parallel_loop3A_1730 = vector.shape_cast %parallel_loop3A_1729 : vector<1x16xf32> to vector<16xf32>
        %parallel_loop3A_1731 = vector.shape_cast %parallel_loop3A_1724 : vector<16xf32> to vector<1x16xf32>
        tpu.vector_store %arg11[%parallel_loop3A_1727, %parallel_loop3A_1728], %parallel_loop3A_1731 {strides = array<i32>} : memref<32x1024xf32, #tpu.memory_space<vmem>>, vector<1x16xf32>,
        %parallel_loop3A_1732 = arith.constant 24 : i32
        %parallel_loop3A_1733 = arith.addi %parallel_loop3A_1732, %scan3A_1671 : i32
        %parallel_loop3A_1734 = arith.index_cast %parallel_loop3A_1733 : i32 to index
        %parallel_loop3A_1735 = arith.index_cast %parallel_loop3A_1676 : i32 to index
        %parallel_loop3A_1736 = tpu.vector_load %arg11[%parallel_loop3A_1734, %parallel_loop3A_1735] {strides = array<i32>} : memref<32x1024xf32, #tpu.memory_space<vmem>>, vector<1x16xf32>,
        %parallel_loop3A_1737 = vector.shape_cast %parallel_loop3A_1736 : vector<1x16xf32> to vector<16xf32>
        %parallel_loop3A_1738 = arith.constant 3.200000e+01 : f32
        %parallel_loop3A_1739 = vector.broadcast %parallel_loop3A_1738 : f32 to vector<16xf32>
        %parallel_loop3A_1740 = arith.mulf %parallel_loop3A_1737, %parallel_loop3A_1739 : vector<16xf32>
        %parallel_loop3A_1741 = arith.addf %parallel_loop3A_1740, %parallel_loop3A_1680 : vector<16xf32>
        %parallel_loop3A_1742 = arith.constant 24 : i32
        %parallel_loop3A_1743 = arith.addi %parallel_loop3A_1742, %scan3A_1671 : i32
        %parallel_loop3A_1744 = arith.index_cast %parallel_loop3A_1743 : i32 to index
        %parallel_loop3A_1745 = arith.index_cast %parallel_loop3A_1676 : i32 to index
        %parallel_loop3A_1746 = tpu.vector_load %arg11[%parallel_loop3A_1744, %parallel_loop3A_1745] {strides = array<i32>} : memref<32x1024xf32, #tpu.memory_space<vmem>>, vector<1x16xf32>,
        %parallel_loop3A_1747 = vector.shape_cast %parallel_loop3A_1746 : vector<1x16xf32> to vector<16xf32>
        %parallel_loop3A_1748 = vector.shape_cast %parallel_loop3A_1741 : vector<16xf32> to vector<1x16xf32>
        tpu.vector_store %arg11[%parallel_loop3A_1744, %parallel_loop3A_1745], %parallel_loop3A_1748 {strides = array<i32>} : memref<32x1024xf32, #tpu.memory_space<vmem>>, vector<1x16xf32>,
      } {sc.loop_unroll_factor = 4 : i64, sc.parallel_access}
    }
    %scan3A_1026 = arith.constant 8 : i32
    %add3A_1027 = arith.constant 32 : i32
    %add3A_1028 = arith.addi %mul3A_2, %add3A_1027 : i32
    %dma_start3A_1029 = arith.constant 0 : i32
    %dma_start3A_1030 = arith.constant 0 : i32
    %dma_start3A_1031 = arith.constant 0 : i32
    %dma_start3A_1032 = tpu.memref_slice %arg11[%dma_start3A_1030, %dma_start3A_1031] : memref<32x1024xf32, #tpu.memory_space<vmem>> -> memref<8x1024xf32, #tpu.memory_space<vmem>>
    %dma_start3A_1033 = arith.constant 0 : i32
    %dma_start3A_1034 = tpu.memref_slice %arg5[%dma_start3A_1029, %add3A_1028, %dma_start3A_1033] : memref<4x2048x1024xf32, #tpu.memory_space<hbm>> -> memref<1x8x1024xf32, #tpu.memory_space<hbm>>
    %dma_start3A_1035 = tpu.memref_squeeze %dma_start3A_1034 : memref<1x8x1024xf32, #tpu.memory_space<hbm>> -> memref<8x1024xf32, #tpu.memory_space<hbm>>
    %dma_start3A_1036 = arith.constant 0 : i32
    %dma_start3A_1037 = tpu.memref_slice %arg5[%dma_start3A_1029, %add3A_1028, %dma_start3A_1036] : memref<4x2048x1024xf32, #tpu.memory_space<hbm>> -> memref<1x8x1024xf32, #tpu.memory_space<hbm>>
    %dma_start3A_1038 = tpu.memref_squeeze %dma_start3A_1037 : memref<1x8x1024xf32, #tpu.memory_space<hbm>> -> memref<8x1024xf32, #tpu.memory_space<hbm>>
    %dma_start3A_1039 = arith.constant 0 : i32
    %dma_start3A_1040 = arith.constant 0 : i32
    %dma_start3A_1041 = tpu.memref_slice %arg11[%dma_start3A_1039, %dma_start3A_1040] : memref<32x1024xf32, #tpu.memory_space<vmem>> -> memref<8x1024xf32, #tpu.memory_space<vmem>>
    tpu.enqueue_dma source(%dma_start3A_1041 : memref<8x1024xf32, #tpu.memory_space<vmem>>) target(%dma_start3A_1038 : memref<8x1024xf32, #tpu.memory_space<hbm>>) target_semaphore(%arg20 : memref<!tpu.dma_semaphore, #tpu.memory_space<semaphore_mem>>)
    %add3A_1042 = arith.constant 32 : i32
    %add3A_1043 = arith.addi %mul3A_2, %add3A_1042 : i32
    %dma_start3A_1044 = arith.constant 1 : i32
    %dma_start3A_1045 = arith.constant 8 : i32
    %dma_start3A_1046 = arith.constant 0 : i32
    %dma_start3A_1047 = tpu.memref_slice %arg11[%dma_start3A_1045, %dma_start3A_1046] : memref<32x1024xf32, #tpu.memory_space<vmem>> -> memref<8x1024xf32, #tpu.memory_space<vmem>>
    %dma_start3A_1048 = arith.constant 0 : i32
    %dma_start3A_1049 = tpu.memref_slice %arg5[%dma_start3A_1044, %add3A_1043, %dma_start3A_1048] : memref<4x2048x1024xf32, #tpu.memory_space<hbm>> -> memref<1x8x1024xf32, #tpu.memory_space<hbm>>
    %dma_start3A_1050 = tpu.memref_squeeze %dma_start3A_1049 : memref<1x8x1024xf32, #tpu.memory_space<hbm>> -> memref<8x1024xf32, #tpu.memory_space<hbm>>
    %dma_start3A_1051 = arith.constant 0 : i32
    %dma_start3A_1052 = tpu.memref_slice %arg5[%dma_start3A_1044, %add3A_1043, %dma_start3A_1051] : memref<4x2048x1024xf32, #tpu.memory_space<hbm>> -> memref<1x8x1024xf32, #tpu.memory_space<hbm>>
    %dma_start3A_1053 = tpu.memref_squeeze %dma_start3A_1052 : memref<1x8x1024xf32, #tpu.memory_space<hbm>> -> memref<8x1024xf32, #tpu.memory_space<hbm>>
    %dma_start3A_1054 = arith.constant 8 : i32
    %dma_start3A_1055 = arith.constant 0 : i32
    %dma_start3A_1056 = tpu.memref_slice %arg11[%dma_start3A_1054, %dma_start3A_1055] : memref<32x1024xf32, #tpu.memory_space<vmem>> -> memref<8x1024xf32, #tpu.memory_space<vmem>>
    tpu.enqueue_dma source(%dma_start3A_1056 : memref<8x1024xf32, #tpu.memory_space<vmem>>) target(%dma_start3A_1053 : memref<8x1024xf32, #tpu.memory_space<hbm>>) target_semaphore(%arg20 : memref<!tpu.dma_semaphore, #tpu.memory_space<semaphore_mem>>)
    %add3A_1057 = arith.constant 32 : i32
    %add3A_1058 = arith.addi %mul3A_2, %add3A_1057 : i32
    %dma_start3A_1059 = arith.constant 2 : i32
    %dma_start3A_1060 = arith.constant 16 : i32
    %dma_start3A_1061 = arith.constant 0 : i32
    %dma_start3A_1062 = tpu.memref_slice %arg11[%dma_start3A_1060, %dma_start3A_1061] : memref<32x1024xf32, #tpu.memory_space<vmem>> -> memref<8x1024xf32, #tpu.memory_space<vmem>>
    %dma_start3A_1063 = arith.constant 0 : i32
    %dma_start3A_1064 = tpu.memref_slice %arg5[%dma_start3A_1059, %add3A_1058, %dma_start3A_1063] : memref<4x2048x1024xf32, #tpu.memory_space<hbm>> -> memref<1x8x1024xf32, #tpu.memory_space<hbm>>
    %dma_start3A_1065 = tpu.memref_squeeze %dma_start3A_1064 : memref<1x8x1024xf32, #tpu.memory_space<hbm>> -> memref<8x1024xf32, #tpu.memory_space<hbm>>
    %dma_start3A_1066 = arith.constant 0 : i32
    %dma_start3A_1067 = tpu.memref_slice %arg5[%dma_start3A_1059, %add3A_1058, %dma_start3A_1066] : memref<4x2048x1024xf32, #tpu.memory_space<hbm>> -> memref<1x8x1024xf32, #tpu.memory_space<hbm>>
    %dma_start3A_1068 = tpu.memref_squeeze %dma_start3A_1067 : memref<1x8x1024xf32, #tpu.memory_space<hbm>> -> memref<8x1024xf32, #tpu.memory_space<hbm>>
    %dma_start3A_1069 = arith.constant 16 : i32
    %dma_start3A_1070 = arith.constant 0 : i32
    %dma_start3A_1071 = tpu.memref_slice %arg11[%dma_start3A_1069, %dma_start3A_1070] : memref<32x1024xf32, #tpu.memory_space<vmem>> -> memref<8x1024xf32, #tpu.memory_space<vmem>>
    tpu.enqueue_dma source(%dma_start3A_1071 : memref<8x1024xf32, #tpu.memory_space<vmem>>) target(%dma_start3A_1068 : memref<8x1024xf32, #tpu.memory_space<hbm>>) target_semaphore(%arg20 : memref<!tpu.dma_semaphore, #tpu.memory_space<semaphore_mem>>)
    %add3A_1072 = arith.constant 32 : i32
    %add3A_1073 = arith.addi %mul3A_2, %add3A_1072 : i32
    %dma_start3A_1074 = arith.constant 3 : i32
    %dma_start3A_1075 = arith.constant 24 : i32
    %dma_start3A_1076 = arith.constant 0 : i32
    %dma_start3A_1077 = tpu.memref_slice %arg11[%dma_start3A_1075, %dma_start3A_1076] : memref<32x1024xf32, #tpu.memory_space<vmem>> -> memref<8x1024xf32, #tpu.memory_space<vmem>>
    %dma_start3A_1078 = arith.constant 0 : i32
    %dma_start3A_1079 = tpu.memref_slice %arg5[%dma_start3A_1074, %add3A_1073, %dma_start3A_1078] : memref<4x2048x1024xf32, #tpu.memory_space<hbm>> -> memref<1x8x1024xf32, #tpu.memory_space<hbm>>
    %dma_start3A_1080 = tpu.memref_squeeze %dma_start3A_1079 : memref<1x8x1024xf32, #tpu.memory_space<hbm>> -> memref<8x1024xf32, #tpu.memory_space<hbm>>
    %dma_start3A_1081 = arith.constant 0 : i32
    %dma_start3A_1082 = tpu.memref_slice %arg5[%dma_start3A_1074, %add3A_1073, %dma_start3A_1081] : memref<4x2048x1024xf32, #tpu.memory_space<hbm>> -> memref<1x8x1024xf32, #tpu.memory_space<hbm>>
    %dma_start3A_1083 = tpu.memref_squeeze %dma_start3A_1082 : memref<1x8x1024xf32, #tpu.memory_space<hbm>> -> memref<8x1024xf32, #tpu.memory_space<hbm>>
    %dma_start3A_1084 = arith.constant 24 : i32
    %dma_start3A_1085 = arith.constant 0 : i32
    %dma_start3A_1086 = tpu.memref_slice %arg11[%dma_start3A_1084, %dma_start3A_1085] : memref<32x1024xf32, #tpu.memory_space<vmem>> -> memref<8x1024xf32, #tpu.memory_space<vmem>>
    tpu.enqueue_dma source(%dma_start3A_1086 : memref<8x1024xf32, #tpu.memory_space<vmem>>) target(%dma_start3A_1083 : memref<8x1024xf32, #tpu.memory_space<hbm>>) target_semaphore(%arg20 : memref<!tpu.dma_semaphore, #tpu.memory_space<semaphore_mem>>)
    %dma_wait3A_1087 = arith.constant 0 : i32
    %dma_wait3A_1088 = arith.constant 0 : i32
    %dma_wait3A_1089 = arith.constant 0 : i32
    %dma_wait3A_1090 = tpu.memref_slice %arg12[%dma_wait3A_1088, %dma_wait3A_1089] : memref<32x1024xf32, #tpu.memory_space<vmem>> -> memref<8x1024xf32, #tpu.memory_space<vmem>>
    %dma_wait3A_1091 = arith.constant 40 : i32
    %dma_wait3A_1092 = tpu.memref_slice %arg6[%dma_wait3A_1087, %dma_wait3A_1091] : memref<4x64xi32, #tpu.memory_space<vmem>> -> memref<1x8xi32, #tpu.memory_space<vmem>>
    %dma_wait3A_1093 = tpu.memref_squeeze %dma_wait3A_1092 : memref<1x8xi32, #tpu.memory_space<vmem>> -> memref<8xi32, #tpu.memory_space<vmem>>
    %dma_wait3A_1094 = arith.constant 0 : i32
    %dma_wait3A_1095 = arith.constant 0 : i32
    %dma_wait3A_1096 = tpu.memref_slice %arg3[%dma_wait3A_1094, %dma_wait3A_1095] : memref<100000x1024xf32, #tpu.memory_space<hbm>> -> memref<100000x1024xf32, #tpu.memory_space<hbm>>
    tpu.wait_indirect_dma semaphore(%arg15 : memref<!tpu.dma_semaphore, #tpu.memory_space<semaphore_mem>>) src(%dma_wait3A_1096 : memref<100000x1024xf32, #tpu.memory_space<hbm>>) dst(%dma_wait3A_1090 : memref<8x1024xf32, #tpu.memory_space<vmem>>)
    %dma_wait3A_1097 = arith.constant 1 : i32
    %dma_wait3A_1098 = arith.constant 8 : i32
    %dma_wait3A_1099 = arith.constant 0 : i32
    %dma_wait3A_1100 = tpu.memref_slice %arg12[%dma_wait3A_1098, %dma_wait3A_1099] : memref<32x1024xf32, #tpu.memory_space<vmem>> -> memref<8x1024xf32, #tpu.memory_space<vmem>>
    %dma_wait3A_1101 = arith.constant 40 : i32
    %dma_wait3A_1102 = tpu.memref_slice %arg6[%dma_wait3A_1097, %dma_wait3A_1101] : memref<4x64xi32, #tpu.memory_space<vmem>> -> memref<1x8xi32, #tpu.memory_space<vmem>>
    %dma_wait3A_1103 = tpu.memref_squeeze %dma_wait3A_1102 : memref<1x8xi32, #tpu.memory_space<vmem>> -> memref<8xi32, #tpu.memory_space<vmem>>
    %dma_wait3A_1104 = arith.constant 0 : i32
    %dma_wait3A_1105 = arith.constant 0 : i32
    %dma_wait3A_1106 = tpu.memref_slice %arg3[%dma_wait3A_1104, %dma_wait3A_1105] : memref<100000x1024xf32, #tpu.memory_space<hbm>> -> memref<100000x1024xf32, #tpu.memory_space<hbm>>
    tpu.wait_indirect_dma semaphore(%arg15 : memref<!tpu.dma_semaphore, #tpu.memory_space<semaphore_mem>>) src(%dma_wait3A_1106 : memref<100000x1024xf32, #tpu.memory_space<hbm>>) dst(%dma_wait3A_1100 : memref<8x1024xf32, #tpu.memory_space<vmem>>)
    %dma_wait3A_1107 = arith.constant 2 : i32
    %dma_wait3A_1108 = arith.constant 16 : i32
    %dma_wait3A_1109 = arith.constant 0 : i32
    %dma_wait3A_1110 = tpu.memref_slice %arg12[%dma_wait3A_1108, %dma_wait3A_1109] : memref<32x1024xf32, #tpu.memory_space<vmem>> -> memref<8x1024xf32, #tpu.memory_space<vmem>>
    %dma_wait3A_1111 = arith.constant 40 : i32
    %dma_wait3A_1112 = tpu.memref_slice %arg6[%dma_wait3A_1107, %dma_wait3A_1111] : memref<4x64xi32, #tpu.memory_space<vmem>> -> memref<1x8xi32, #tpu.memory_space<vmem>>
    %dma_wait3A_1113 = tpu.memref_squeeze %dma_wait3A_1112 : memref<1x8xi32, #tpu.memory_space<vmem>> -> memref<8xi32, #tpu.memory_space<vmem>>
    %dma_wait3A_1114 = arith.constant 0 : i32
    %dma_wait3A_1115 = arith.constant 0 : i32
    %dma_wait3A_1116 = tpu.memref_slice %arg3[%dma_wait3A_1114, %dma_wait3A_1115] : memref<100000x1024xf32, #tpu.memory_space<hbm>> -> memref<100000x1024xf32, #tpu.memory_space<hbm>>
    tpu.wait_indirect_dma semaphore(%arg15 : memref<!tpu.dma_semaphore, #tpu.memory_space<semaphore_mem>>) src(%dma_wait3A_1116 : memref<100000x1024xf32, #tpu.memory_space<hbm>>) dst(%dma_wait3A_1110 : memref<8x1024xf32, #tpu.memory_space<vmem>>)
    %dma_wait3A_1117 = arith.constant 3 : i32
    %dma_wait3A_1118 = arith.constant 24 : i32
    %dma_wait3A_1119 = arith.constant 0 : i32
    %dma_wait3A_1120 = tpu.memref_slice %arg12[%dma_wait3A_1118, %dma_wait3A_1119] : memref<32x1024xf32, #tpu.memory_space<vmem>> -> memref<8x1024xf32, #tpu.memory_space<vmem>>
    %dma_wait3A_1121 = arith.constant 40 : i32
    %dma_wait3A_1122 = tpu.memref_slice %arg6[%dma_wait3A_1117, %dma_wait3A_1121] : memref<4x64xi32, #tpu.memory_space<vmem>> -> memref<1x8xi32, #tpu.memory_space<vmem>>
    %dma_wait3A_1123 = tpu.memref_squeeze %dma_wait3A_1122 : memref<1x8xi32, #tpu.memory_space<vmem>> -> memref<8xi32, #tpu.memory_space<vmem>>
    %dma_wait3A_1124 = arith.constant 0 : i32
    %dma_wait3A_1125 = arith.constant 0 : i32
    %dma_wait3A_1126 = tpu.memref_slice %arg3[%dma_wait3A_1124, %dma_wait3A_1125] : memref<100000x1024xf32, #tpu.memory_space<hbm>> -> memref<100000x1024xf32, #tpu.memory_space<hbm>>
    tpu.wait_indirect_dma semaphore(%arg15 : memref<!tpu.dma_semaphore, #tpu.memory_space<semaphore_mem>>) src(%dma_wait3A_1126 : memref<100000x1024xf32, #tpu.memory_space<hbm>>) dst(%dma_wait3A_1120 : memref<8x1024xf32, #tpu.memory_space<vmem>>)
    %dma_wait3A_1127 = arith.constant 0 : i32
    %dma_wait3A_1128 = tpu.memref_slice %arg4[%add3A_768, %dma_wait3A_1127] : memref<8192x1024xf32, #tpu.memory_space<hbm>> -> memref<8x1024xf32, #tpu.memory_space<hbm>>
    %dma_wait3A_1129 = arith.constant 0 : i32
    %dma_wait3A_1130 = tpu.memref_slice %arg4[%add3A_768, %dma_wait3A_1129] : memref<8192x1024xf32, #tpu.memory_space<hbm>> -> memref<8x1024xf32, #tpu.memory_space<hbm>>
    tpu.wait_dma2 semaphore(%arg18 : memref<!tpu.dma_semaphore, #tpu.memory_space<semaphore_mem>>) src(%dma_wait3A_1130 : memref<8x1024xf32, #tpu.memory_space<hbm>>) dst(%arg9 : memref<8x1024xf32, #tpu.memory_space<vmem>>)
    %dma_wait3A_1131 = arith.constant 0 : i32
    %dma_wait3A_1132 = arith.constant 0 : i32
    %dma_wait3A_1133 = arith.constant 0 : i32
    %dma_wait3A_1134 = tpu.memref_slice %arg11[%dma_wait3A_1132, %dma_wait3A_1133] : memref<32x1024xf32, #tpu.memory_space<vmem>> -> memref<8x1024xf32, #tpu.memory_space<vmem>>
    %dma_wait3A_1135 = arith.constant 0 : i32
    %dma_wait3A_1136 = tpu.memref_slice %arg5[%dma_wait3A_1131, %add3A_1028, %dma_wait3A_1135] : memref<4x2048x1024xf32, #tpu.memory_space<hbm>> -> memref<1x8x1024xf32, #tpu.memory_space<hbm>>
    %dma_wait3A_1137 = tpu.memref_squeeze %dma_wait3A_1136 : memref<1x8x1024xf32, #tpu.memory_space<hbm>> -> memref<8x1024xf32, #tpu.memory_space<hbm>>
    %dma_wait3A_1138 = arith.constant 0 : i32
    %dma_wait3A_1139 = tpu.memref_slice %arg5[%dma_wait3A_1131, %add3A_1028, %dma_wait3A_1138] : memref<4x2048x1024xf32, #tpu.memory_space<hbm>> -> memref<1x8x1024xf32, #tpu.memory_space<hbm>>
    %dma_wait3A_1140 = tpu.memref_squeeze %dma_wait3A_1139 : memref<1x8x1024xf32, #tpu.memory_space<hbm>> -> memref<8x1024xf32, #tpu.memory_space<hbm>>
    %dma_wait3A_1141 = arith.constant 0 : i32
    %dma_wait3A_1142 = arith.constant 0 : i32
    %dma_wait3A_1143 = tpu.memref_slice %arg11[%dma_wait3A_1141, %dma_wait3A_1142] : memref<32x1024xf32, #tpu.memory_space<vmem>> -> memref<8x1024xf32, #tpu.memory_space<vmem>>
    tpu.wait_dma2 semaphore(%arg20 : memref<!tpu.dma_semaphore, #tpu.memory_space<semaphore_mem>>) src(%dma_wait3A_1143 : memref<8x1024xf32, #tpu.memory_space<vmem>>) dst(%dma_wait3A_1140 : memref<8x1024xf32, #tpu.memory_space<hbm>>)
    %dma_wait3A_1144 = arith.constant 1 : i32
    %dma_wait3A_1145 = arith.constant 8 : i32
    %dma_wait3A_1146 = arith.constant 0 : i32
    %dma_wait3A_1147 = tpu.memref_slice %arg11[%dma_wait3A_1145, %dma_wait3A_1146] : memref<32x1024xf32, #tpu.memory_space<vmem>> -> memref<8x1024xf32, #tpu.memory_space<vmem>>
    %dma_wait3A_1148 = arith.constant 0 : i32
    %dma_wait3A_1149 = tpu.memref_slice %arg5[%dma_wait3A_1144, %add3A_1043, %dma_wait3A_1148] : memref<4x2048x1024xf32, #tpu.memory_space<hbm>> -> memref<1x8x1024xf32, #tpu.memory_space<hbm>>
    %dma_wait3A_1150 = tpu.memref_squeeze %dma_wait3A_1149 : memref<1x8x1024xf32, #tpu.memory_space<hbm>> -> memref<8x1024xf32, #tpu.memory_space<hbm>>
    %dma_wait3A_1151 = arith.constant 0 : i32
    %dma_wait3A_1152 = tpu.memref_slice %arg5[%dma_wait3A_1144, %add3A_1043, %dma_wait3A_1151] : memref<4x2048x1024xf32, #tpu.memory_space<hbm>> -> memref<1x8x1024xf32, #tpu.memory_space<hbm>>
    %dma_wait3A_1153 = tpu.memref_squeeze %dma_wait3A_1152 : memref<1x8x1024xf32, #tpu.memory_space<hbm>> -> memref<8x1024xf32, #tpu.memory_space<hbm>>
    %dma_wait3A_1154 = arith.constant 8 : i32
    %dma_wait3A_1155 = arith.constant 0 : i32
    %dma_wait3A_1156 = tpu.memref_slice %arg11[%dma_wait3A_1154, %dma_wait3A_1155] : memref<32x1024xf32, #tpu.memory_space<vmem>> -> memref<8x1024xf32, #tpu.memory_space<vmem>>
    tpu.wait_dma2 semaphore(%arg20 : memref<!tpu.dma_semaphore, #tpu.memory_space<semaphore_mem>>) src(%dma_wait3A_1156 : memref<8x1024xf32, #tpu.memory_space<vmem>>) dst(%dma_wait3A_1153 : memref<8x1024xf32, #tpu.memory_space<hbm>>)
    %dma_wait3A_1157 = arith.constant 2 : i32
    %dma_wait3A_1158 = arith.constant 16 : i32
    %dma_wait3A_1159 = arith.constant 0 : i32
    %dma_wait3A_1160 = tpu.memref_slice %arg11[%dma_wait3A_1158, %dma_wait3A_1159] : memref<32x1024xf32, #tpu.memory_space<vmem>> -> memref<8x1024xf32, #tpu.memory_space<vmem>>
    %dma_wait3A_1161 = arith.constant 0 : i32
    %dma_wait3A_1162 = tpu.memref_slice %arg5[%dma_wait3A_1157, %add3A_1058, %dma_wait3A_1161] : memref<4x2048x1024xf32, #tpu.memory_space<hbm>> -> memref<1x8x1024xf32, #tpu.memory_space<hbm>>
    %dma_wait3A_1163 = tpu.memref_squeeze %dma_wait3A_1162 : memref<1x8x1024xf32, #tpu.memory_space<hbm>> -> memref<8x1024xf32, #tpu.memory_space<hbm>>
    %dma_wait3A_1164 = arith.constant 0 : i32
    %dma_wait3A_1165 = tpu.memref_slice %arg5[%dma_wait3A_1157, %add3A_1058, %dma_wait3A_1164] : memref<4x2048x1024xf32, #tpu.memory_space<hbm>> -> memref<1x8x1024xf32, #tpu.memory_space<hbm>>
    %dma_wait3A_1166 = tpu.memref_squeeze %dma_wait3A_1165 : memref<1x8x1024xf32, #tpu.memory_space<hbm>> -> memref<8x1024xf32, #tpu.memory_space<hbm>>
    %dma_wait3A_1167 = arith.constant 16 : i32
    %dma_wait3A_1168 = arith.constant 0 : i32
    %dma_wait3A_1169 = tpu.memref_slice %arg11[%dma_wait3A_1167, %dma_wait3A_1168] : memref<32x1024xf32, #tpu.memory_space<vmem>> -> memref<8x1024xf32, #tpu.memory_space<vmem>>
    tpu.wait_dma2 semaphore(%arg20 : memref<!tpu.dma_semaphore, #tpu.memory_space<semaphore_mem>>) src(%dma_wait3A_1169 : memref<8x1024xf32, #tpu.memory_space<vmem>>) dst(%dma_wait3A_1166 : memref<8x1024xf32, #tpu.memory_space<hbm>>)
    %dma_wait3A_1170 = arith.constant 3 : i32
    %dma_wait3A_1171 = arith.constant 24 : i32
    %dma_wait3A_1172 = arith.constant 0 : i32
    %dma_wait3A_1173 = tpu.memref_slice %arg11[%dma_wait3A_1171, %dma_wait3A_1172] : memref<32x1024xf32, #tpu.memory_space<vmem>> -> memref<8x1024xf32, #tpu.memory_space<vmem>>
    %dma_wait3A_1174 = arith.constant 0 : i32
    %dma_wait3A_1175 = tpu.memref_slice %arg5[%dma_wait3A_1170, %add3A_1073, %dma_wait3A_1174] : memref<4x2048x1024xf32, #tpu.memory_space<hbm>> -> memref<1x8x1024xf32, #tpu.memory_space<hbm>>
    %dma_wait3A_1176 = tpu.memref_squeeze %dma_wait3A_1175 : memref<1x8x1024xf32, #tpu.memory_space<hbm>> -> memref<8x1024xf32, #tpu.memory_space<hbm>>
    %dma_wait3A_1177 = arith.constant 0 : i32
    %dma_wait3A_1178 = tpu.memref_slice %arg5[%dma_wait3A_1170, %add3A_1073, %dma_wait3A_1177] : memref<4x2048x1024xf32, #tpu.memory_space<hbm>> -> memref<1x8x1024xf32, #tpu.memory_space<hbm>>
    %dma_wait3A_1179 = tpu.memref_squeeze %dma_wait3A_1178 : memref<1x8x1024xf32, #tpu.memory_space<hbm>> -> memref<8x1024xf32, #tpu.memory_space<hbm>>
    %dma_wait3A_1180 = arith.constant 24 : i32
    %dma_wait3A_1181 = arith.constant 0 : i32
    %dma_wait3A_1182 = tpu.memref_slice %arg11[%dma_wait3A_1180, %dma_wait3A_1181] : memref<32x1024xf32, #tpu.memory_space<vmem>> -> memref<8x1024xf32, #tpu.memory_space<vmem>>
    tpu.wait_dma2 semaphore(%arg20 : memref<!tpu.dma_semaphore, #tpu.memory_space<semaphore_mem>>) src(%dma_wait3A_1182 : memref<8x1024xf32, #tpu.memory_space<vmem>>) dst(%dma_wait3A_1179 : memref<8x1024xf32, #tpu.memory_space<hbm>>)
    %add3A_1183 = arith.constant 56 : i32
    %add3A_1184 = arith.addi %mul3A_2, %add3A_1183 : i32
    %dma_start3A_1185 = arith.constant 0 : i32
    %dma_start3A_1186 = tpu.memref_slice %arg4[%add3A_1184, %dma_start3A_1185] : memref<8192x1024xf32, #tpu.memory_space<hbm>> -> memref<8x1024xf32, #tpu.memory_space<hbm>>
    %dma_start3A_1187 = arith.constant 0 : i32
    %dma_start3A_1188 = tpu.memref_slice %arg4[%add3A_1184, %dma_start3A_1187] : memref<8192x1024xf32, #tpu.memory_space<hbm>> -> memref<8x1024xf32, #tpu.memory_space<hbm>>
    tpu.enqueue_dma source(%dma_start3A_1188 : memref<8x1024xf32, #tpu.memory_space<hbm>>) target(%arg8 : memref<8x1024xf32, #tpu.memory_space<vmem>>) target_semaphore(%arg17 : memref<!tpu.dma_semaphore, #tpu.memory_space<semaphore_mem>>)
    %dma_start3A_1189 = arith.constant 0 : i32
    %dma_start3A_1190 = arith.constant 0 : i32
    %dma_start3A_1191 = arith.constant 0 : i32
    %dma_start3A_1192 = tpu.memref_slice %arg11[%dma_start3A_1190, %dma_start3A_1191] : memref<32x1024xf32, #tpu.memory_space<vmem>> -> memref<8x1024xf32, #tpu.memory_space<vmem>>
    %dma_start3A_1193 = arith.constant 56 : i32
    %dma_start3A_1194 = tpu.memref_slice %arg6[%dma_start3A_1189, %dma_start3A_1193] : memref<4x64xi32, #tpu.memory_space<vmem>> -> memref<1x8xi32, #tpu.memory_space<vmem>>
    %dma_start3A_1195 = tpu.memref_squeeze %dma_start3A_1194 : memref<1x8xi32, #tpu.memory_space<vmem>> -> memref<8xi32, #tpu.memory_space<vmem>>
    %dma_start3A_1196 = arith.constant 0 : i32
    %dma_start3A_1197 = arith.constant 0 : i32
    %dma_start3A_1198 = tpu.memref_slice %arg3[%dma_start3A_1196, %dma_start3A_1197] : memref<100000x1024xf32, #tpu.memory_space<hbm>> -> memref<100000x1024xf32, #tpu.memory_space<hbm>>
    tpu.enqueue_indirect_dma source(%dma_start3A_1198 : memref<100000x1024xf32, #tpu.memory_space<hbm>>) target(%dma_start3A_1192 : memref<8x1024xf32, #tpu.memory_space<vmem>>) offsets(%dma_start3A_1195 : memref<8xi32, #tpu.memory_space<vmem>>) semaphore(%arg14 : memref<!tpu.dma_semaphore, #tpu.memory_space<semaphore_mem>>)
    %dma_start3A_1199 = arith.constant 1 : i32
    %dma_start3A_1200 = arith.constant 8 : i32
    %dma_start3A_1201 = arith.constant 0 : i32
    %dma_start3A_1202 = tpu.memref_slice %arg11[%dma_start3A_1200, %dma_start3A_1201] : memref<32x1024xf32, #tpu.memory_space<vmem>> -> memref<8x1024xf32, #tpu.memory_space<vmem>>
    %dma_start3A_1203 = arith.constant 56 : i32
    %dma_start3A_1204 = tpu.memref_slice %arg6[%dma_start3A_1199, %dma_start3A_1203] : memref<4x64xi32, #tpu.memory_space<vmem>> -> memref<1x8xi32, #tpu.memory_space<vmem>>
    %dma_start3A_1205 = tpu.memref_squeeze %dma_start3A_1204 : memref<1x8xi32, #tpu.memory_space<vmem>> -> memref<8xi32, #tpu.memory_space<vmem>>
    %dma_start3A_1206 = arith.constant 0 : i32
    %dma_start3A_1207 = arith.constant 0 : i32
    %dma_start3A_1208 = tpu.memref_slice %arg3[%dma_start3A_1206, %dma_start3A_1207] : memref<100000x1024xf32, #tpu.memory_space<hbm>> -> memref<100000x1024xf32, #tpu.memory_space<hbm>>
    tpu.enqueue_indirect_dma source(%dma_start3A_1208 : memref<100000x1024xf32, #tpu.memory_space<hbm>>) target(%dma_start3A_1202 : memref<8x1024xf32, #tpu.memory_space<vmem>>) offsets(%dma_start3A_1205 : memref<8xi32, #tpu.memory_space<vmem>>) semaphore(%arg14 : memref<!tpu.dma_semaphore, #tpu.memory_space<semaphore_mem>>)
    %dma_start3A_1209 = arith.constant 2 : i32
    %dma_start3A_1210 = arith.constant 16 : i32
    %dma_start3A_1211 = arith.constant 0 : i32
    %dma_start3A_1212 = tpu.memref_slice %arg11[%dma_start3A_1210, %dma_start3A_1211] : memref<32x1024xf32, #tpu.memory_space<vmem>> -> memref<8x1024xf32, #tpu.memory_space<vmem>>
    %dma_start3A_1213 = arith.constant 56 : i32
    %dma_start3A_1214 = tpu.memref_slice %arg6[%dma_start3A_1209, %dma_start3A_1213] : memref<4x64xi32, #tpu.memory_space<vmem>> -> memref<1x8xi32, #tpu.memory_space<vmem>>
    %dma_start3A_1215 = tpu.memref_squeeze %dma_start3A_1214 : memref<1x8xi32, #tpu.memory_space<vmem>> -> memref<8xi32, #tpu.memory_space<vmem>>
    %dma_start3A_1216 = arith.constant 0 : i32
    %dma_start3A_1217 = arith.constant 0 : i32
    %dma_start3A_1218 = tpu.memref_slice %arg3[%dma_start3A_1216, %dma_start3A_1217] : memref<100000x1024xf32, #tpu.memory_space<hbm>> -> memref<100000x1024xf32, #tpu.memory_space<hbm>>
    tpu.enqueue_indirect_dma source(%dma_start3A_1218 : memref<100000x1024xf32, #tpu.memory_space<hbm>>) target(%dma_start3A_1212 : memref<8x1024xf32, #tpu.memory_space<vmem>>) offsets(%dma_start3A_1215 : memref<8xi32, #tpu.memory_space<vmem>>) semaphore(%arg14 : memref<!tpu.dma_semaphore, #tpu.memory_space<semaphore_mem>>)
    %dma_start3A_1219 = arith.constant 3 : i32
    %dma_start3A_1220 = arith.constant 24 : i32
    %dma_start3A_1221 = arith.constant 0 : i32
    %dma_start3A_1222 = tpu.memref_slice %arg11[%dma_start3A_1220, %dma_start3A_1221] : memref<32x1024xf32, #tpu.memory_space<vmem>> -> memref<8x1024xf32, #tpu.memory_space<vmem>>
    %dma_start3A_1223 = arith.constant 56 : i32
    %dma_start3A_1224 = tpu.memref_slice %arg6[%dma_start3A_1219, %dma_start3A_1223] : memref<4x64xi32, #tpu.memory_space<vmem>> -> memref<1x8xi32, #tpu.memory_space<vmem>>
    %dma_start3A_1225 = tpu.memref_squeeze %dma_start3A_1224 : memref<1x8xi32, #tpu.memory_space<vmem>> -> memref<8xi32, #tpu.memory_space<vmem>>
    %dma_start3A_1226 = arith.constant 0 : i32
    %dma_start3A_1227 = arith.constant 0 : i32
    %dma_start3A_1228 = tpu.memref_slice %arg3[%dma_start3A_1226, %dma_start3A_1227] : memref<100000x1024xf32, #tpu.memory_space<hbm>> -> memref<100000x1024xf32, #tpu.memory_space<hbm>>
    tpu.enqueue_indirect_dma source(%dma_start3A_1228 : memref<100000x1024xf32, #tpu.memory_space<hbm>>) target(%dma_start3A_1222 : memref<8x1024xf32, #tpu.memory_space<vmem>>) offsets(%dma_start3A_1225 : memref<8xi32, #tpu.memory_space<vmem>>) semaphore(%arg14 : memref<!tpu.dma_semaphore, #tpu.memory_space<semaphore_mem>>)
    %scan3A_1229 = arith.constant 0 : i32
    %scan3A_1230 = arith.constant 0 : i32
    %scan3A_1231 = arith.constant 8 : i32
    %scan3A_1232 = arith.addi %scan3A_1230, %scan3A_1231 : i32
    %scan3A_1233 = arith.constant 1 : i32
    scf.for %scan3A_1671 = %scan3A_1230 to %scan3A_1232 step %scan3A_1233  : i32 {
      %parallel_loop3A = arith.constant 0 : i32
      %parallel_loop3A_1672 = arith.constant 64 : i32
      %parallel_loop3A_1673 = arith.constant 1 : i32
      scf.for %parallel_loop3A_1674 = %parallel_loop3A to %parallel_loop3A_1672 step %parallel_loop3A_1673  : i32 {
        %parallel_loop3A_1675 = arith.constant 16 : i32
        %parallel_loop3A_1676 = arith.muli %parallel_loop3A_1674, %parallel_loop3A_1675 : i32
        %parallel_loop3A_1677 = arith.index_cast %scan3A_1671 : i32 to index
        %parallel_loop3A_1678 = arith.index_cast %parallel_loop3A_1676 : i32 to index
        %parallel_loop3A_1679 = tpu.vector_load %arg9[%parallel_loop3A_1677, %parallel_loop3A_1678] {strides = array<i32>} : memref<8x1024xf32, #tpu.memory_space<vmem>>, vector<1x16xf32>,
        %parallel_loop3A_1680 = vector.shape_cast %parallel_loop3A_1679 : vector<1x16xf32> to vector<16xf32>
        %parallel_loop3A_1681 = arith.constant 0 : i32
        %parallel_loop3A_1682 = arith.addi %parallel_loop3A_1681, %scan3A_1671 : i32
        %parallel_loop3A_1683 = arith.index_cast %parallel_loop3A_1682 : i32 to index
        %parallel_loop3A_1684 = arith.index_cast %parallel_loop3A_1676 : i32 to index
        %parallel_loop3A_1685 = tpu.vector_load %arg12[%parallel_loop3A_1683, %parallel_loop3A_1684] {strides = array<i32>} : memref<32x1024xf32, #tpu.memory_space<vmem>>, vector<1x16xf32>,
        %parallel_loop3A_1686 = vector.shape_cast %parallel_loop3A_1685 : vector<1x16xf32> to vector<16xf32>
        %parallel_loop3A_1687 = arith.constant 3.200000e+01 : f32
        %parallel_loop3A_1688 = vector.broadcast %parallel_loop3A_1687 : f32 to vector<16xf32>
        %parallel_loop3A_1689 = arith.mulf %parallel_loop3A_1686, %parallel_loop3A_1688 : vector<16xf32>
        %parallel_loop3A_1690 = arith.addf %parallel_loop3A_1689, %parallel_loop3A_1680 : vector<16xf32>
        %parallel_loop3A_1691 = arith.constant 0 : i32
        %parallel_loop3A_1692 = arith.addi %parallel_loop3A_1691, %scan3A_1671 : i32
        %parallel_loop3A_1693 = arith.index_cast %parallel_loop3A_1692 : i32 to index
        %parallel_loop3A_1694 = arith.index_cast %parallel_loop3A_1676 : i32 to index
        %parallel_loop3A_1695 = tpu.vector_load %arg12[%parallel_loop3A_1693, %parallel_loop3A_1694] {strides = array<i32>} : memref<32x1024xf32, #tpu.memory_space<vmem>>, vector<1x16xf32>,
        %parallel_loop3A_1696 = vector.shape_cast %parallel_loop3A_1695 : vector<1x16xf32> to vector<16xf32>
        %parallel_loop3A_1697 = vector.shape_cast %parallel_loop3A_1690 : vector<16xf32> to vector<1x16xf32>
        tpu.vector_store %arg12[%parallel_loop3A_1693, %parallel_loop3A_1694], %parallel_loop3A_1697 {strides = array<i32>} : memref<32x1024xf32, #tpu.memory_space<vmem>>, vector<1x16xf32>,
        %parallel_loop3A_1698 = arith.constant 8 : i32
        %parallel_loop3A_1699 = arith.addi %parallel_loop3A_1698, %scan3A_1671 : i32
        %parallel_loop3A_1700 = arith.index_cast %parallel_loop3A_1699 : i32 to index
        %parallel_loop3A_1701 = arith.index_cast %parallel_loop3A_1676 : i32 to index
        %parallel_loop3A_1702 = tpu.vector_load %arg12[%parallel_loop3A_1700, %parallel_loop3A_1701] {strides = array<i32>} : memref<32x1024xf32, #tpu.memory_space<vmem>>, vector<1x16xf32>,
        %parallel_loop3A_1703 = vector.shape_cast %parallel_loop3A_1702 : vector<1x16xf32> to vector<16xf32>
        %parallel_loop3A_1704 = arith.constant 3.200000e+01 : f32
        %parallel_loop3A_1705 = vector.broadcast %parallel_loop3A_1704 : f32 to vector<16xf32>
        %parallel_loop3A_1706 = arith.mulf %parallel_loop3A_1703, %parallel_loop3A_1705 : vector<16xf32>
        %parallel_loop3A_1707 = arith.addf %parallel_loop3A_1706, %parallel_loop3A_1680 : vector<16xf32>
        %parallel_loop3A_1708 = arith.constant 8 : i32
        %parallel_loop3A_1709 = arith.addi %parallel_loop3A_1708, %scan3A_1671 : i32
        %parallel_loop3A_1710 = arith.index_cast %parallel_loop3A_1709 : i32 to index
        %parallel_loop3A_1711 = arith.index_cast %parallel_loop3A_1676 : i32 to index
        %parallel_loop3A_1712 = tpu.vector_load %arg12[%parallel_loop3A_1710, %parallel_loop3A_1711] {strides = array<i32>} : memref<32x1024xf32, #tpu.memory_space<vmem>>, vector<1x16xf32>,
        %parallel_loop3A_1713 = vector.shape_cast %parallel_loop3A_1712 : vector<1x16xf32> to vector<16xf32>
        %parallel_loop3A_1714 = vector.shape_cast %parallel_loop3A_1707 : vector<16xf32> to vector<1x16xf32>
        tpu.vector_store %arg12[%parallel_loop3A_1710, %parallel_loop3A_1711], %parallel_loop3A_1714 {strides = array<i32>} : memref<32x1024xf32, #tpu.memory_space<vmem>>, vector<1x16xf32>,
        %parallel_loop3A_1715 = arith.constant 16 : i32
        %parallel_loop3A_1716 = arith.addi %parallel_loop3A_1715, %scan3A_1671 : i32
        %parallel_loop3A_1717 = arith.index_cast %parallel_loop3A_1716 : i32 to index
        %parallel_loop3A_1718 = arith.index_cast %parallel_loop3A_1676 : i32 to index
        %parallel_loop3A_1719 = tpu.vector_load %arg12[%parallel_loop3A_1717, %parallel_loop3A_1718] {strides = array<i32>} : memref<32x1024xf32, #tpu.memory_space<vmem>>, vector<1x16xf32>,
        %parallel_loop3A_1720 = vector.shape_cast %parallel_loop3A_1719 : vector<1x16xf32> to vector<16xf32>
        %parallel_loop3A_1721 = arith.constant 3.200000e+01 : f32
        %parallel_loop3A_1722 = vector.broadcast %parallel_loop3A_1721 : f32 to vector<16xf32>
        %parallel_loop3A_1723 = arith.mulf %parallel_loop3A_1720, %parallel_loop3A_1722 : vector<16xf32>
        %parallel_loop3A_1724 = arith.addf %parallel_loop3A_1723, %parallel_loop3A_1680 : vector<16xf32>
        %parallel_loop3A_1725 = arith.constant 16 : i32
        %parallel_loop3A_1726 = arith.addi %parallel_loop3A_1725, %scan3A_1671 : i32
        %parallel_loop3A_1727 = arith.index_cast %parallel_loop3A_1726 : i32 to index
        %parallel_loop3A_1728 = arith.index_cast %parallel_loop3A_1676 : i32 to index
        %parallel_loop3A_1729 = tpu.vector_load %arg12[%parallel_loop3A_1727, %parallel_loop3A_1728] {strides = array<i32>} : memref<32x1024xf32, #tpu.memory_space<vmem>>, vector<1x16xf32>,
        %parallel_loop3A_1730 = vector.shape_cast %parallel_loop3A_1729 : vector<1x16xf32> to vector<16xf32>
        %parallel_loop3A_1731 = vector.shape_cast %parallel_loop3A_1724 : vector<16xf32> to vector<1x16xf32>
        tpu.vector_store %arg12[%parallel_loop3A_1727, %parallel_loop3A_1728], %parallel_loop3A_1731 {strides = array<i32>} : memref<32x1024xf32, #tpu.memory_space<vmem>>, vector<1x16xf32>,
        %parallel_loop3A_1732 = arith.constant 24 : i32
        %parallel_loop3A_1733 = arith.addi %parallel_loop3A_1732, %scan3A_1671 : i32
        %parallel_loop3A_1734 = arith.index_cast %parallel_loop3A_1733 : i32 to index
        %parallel_loop3A_1735 = arith.index_cast %parallel_loop3A_1676 : i32 to index
        %parallel_loop3A_1736 = tpu.vector_load %arg12[%parallel_loop3A_1734, %parallel_loop3A_1735] {strides = array<i32>} : memref<32x1024xf32, #tpu.memory_space<vmem>>, vector<1x16xf32>,
        %parallel_loop3A_1737 = vector.shape_cast %parallel_loop3A_1736 : vector<1x16xf32> to vector<16xf32>
        %parallel_loop3A_1738 = arith.constant 3.200000e+01 : f32
        %parallel_loop3A_1739 = vector.broadcast %parallel_loop3A_1738 : f32 to vector<16xf32>
        %parallel_loop3A_1740 = arith.mulf %parallel_loop3A_1737, %parallel_loop3A_1739 : vector<16xf32>
        %parallel_loop3A_1741 = arith.addf %parallel_loop3A_1740, %parallel_loop3A_1680 : vector<16xf32>
        %parallel_loop3A_1742 = arith.constant 24 : i32
        %parallel_loop3A_1743 = arith.addi %parallel_loop3A_1742, %scan3A_1671 : i32
        %parallel_loop3A_1744 = arith.index_cast %parallel_loop3A_1743 : i32 to index
        %parallel_loop3A_1745 = arith.index_cast %parallel_loop3A_1676 : i32 to index
        %parallel_loop3A_1746 = tpu.vector_load %arg12[%parallel_loop3A_1744, %parallel_loop3A_1745] {strides = array<i32>} : memref<32x1024xf32, #tpu.memory_space<vmem>>, vector<1x16xf32>,
        %parallel_loop3A_1747 = vector.shape_cast %parallel_loop3A_1746 : vector<1x16xf32> to vector<16xf32>
        %parallel_loop3A_1748 = vector.shape_cast %parallel_loop3A_1741 : vector<16xf32> to vector<1x16xf32>
        tpu.vector_store %arg12[%parallel_loop3A_1744, %parallel_loop3A_1745], %parallel_loop3A_1748 {strides = array<i32>} : memref<32x1024xf32, #tpu.memory_space<vmem>>, vector<1x16xf32>,
      } {sc.loop_unroll_factor = 4 : i64, sc.parallel_access}
    }
    %scan3A_1234 = arith.constant 8 : i32
    %add3A_1235 = arith.constant 40 : i32
    %add3A_1236 = arith.addi %mul3A_2, %add3A_1235 : i32
    %dma_start3A_1237 = arith.constant 0 : i32
    %dma_start3A_1238 = arith.constant 0 : i32
    %dma_start3A_1239 = arith.constant 0 : i32
    %dma_start3A_1240 = tpu.memref_slice %arg12[%dma_start3A_1238, %dma_start3A_1239] : memref<32x1024xf32, #tpu.memory_space<vmem>> -> memref<8x1024xf32, #tpu.memory_space<vmem>>
    %dma_start3A_1241 = arith.constant 0 : i32
    %dma_start3A_1242 = tpu.memref_slice %arg5[%dma_start3A_1237, %add3A_1236, %dma_start3A_1241] : memref<4x2048x1024xf32, #tpu.memory_space<hbm>> -> memref<1x8x1024xf32, #tpu.memory_space<hbm>>
    %dma_start3A_1243 = tpu.memref_squeeze %dma_start3A_1242 : memref<1x8x1024xf32, #tpu.memory_space<hbm>> -> memref<8x1024xf32, #tpu.memory_space<hbm>>
    %dma_start3A_1244 = arith.constant 0 : i32
    %dma_start3A_1245 = tpu.memref_slice %arg5[%dma_start3A_1237, %add3A_1236, %dma_start3A_1244] : memref<4x2048x1024xf32, #tpu.memory_space<hbm>> -> memref<1x8x1024xf32, #tpu.memory_space<hbm>>
    %dma_start3A_1246 = tpu.memref_squeeze %dma_start3A_1245 : memref<1x8x1024xf32, #tpu.memory_space<hbm>> -> memref<8x1024xf32, #tpu.memory_space<hbm>>
    %dma_start3A_1247 = arith.constant 0 : i32
    %dma_start3A_1248 = arith.constant 0 : i32
    %dma_start3A_1249 = tpu.memref_slice %arg12[%dma_start3A_1247, %dma_start3A_1248] : memref<32x1024xf32, #tpu.memory_space<vmem>> -> memref<8x1024xf32, #tpu.memory_space<vmem>>
    tpu.enqueue_dma source(%dma_start3A_1249 : memref<8x1024xf32, #tpu.memory_space<vmem>>) target(%dma_start3A_1246 : memref<8x1024xf32, #tpu.memory_space<hbm>>) target_semaphore(%arg21 : memref<!tpu.dma_semaphore, #tpu.memory_space<semaphore_mem>>)
    %add3A_1250 = arith.constant 40 : i32
    %add3A_1251 = arith.addi %mul3A_2, %add3A_1250 : i32
    %dma_start3A_1252 = arith.constant 1 : i32
    %dma_start3A_1253 = arith.constant 8 : i32
    %dma_start3A_1254 = arith.constant 0 : i32
    %dma_start3A_1255 = tpu.memref_slice %arg12[%dma_start3A_1253, %dma_start3A_1254] : memref<32x1024xf32, #tpu.memory_space<vmem>> -> memref<8x1024xf32, #tpu.memory_space<vmem>>
    %dma_start3A_1256 = arith.constant 0 : i32
    %dma_start3A_1257 = tpu.memref_slice %arg5[%dma_start3A_1252, %add3A_1251, %dma_start3A_1256] : memref<4x2048x1024xf32, #tpu.memory_space<hbm>> -> memref<1x8x1024xf32, #tpu.memory_space<hbm>>
    %dma_start3A_1258 = tpu.memref_squeeze %dma_start3A_1257 : memref<1x8x1024xf32, #tpu.memory_space<hbm>> -> memref<8x1024xf32, #tpu.memory_space<hbm>>
    %dma_start3A_1259 = arith.constant 0 : i32
    %dma_start3A_1260 = tpu.memref_slice %arg5[%dma_start3A_1252, %add3A_1251, %dma_start3A_1259] : memref<4x2048x1024xf32, #tpu.memory_space<hbm>> -> memref<1x8x1024xf32, #tpu.memory_space<hbm>>
    %dma_start3A_1261 = tpu.memref_squeeze %dma_start3A_1260 : memref<1x8x1024xf32, #tpu.memory_space<hbm>> -> memref<8x1024xf32, #tpu.memory_space<hbm>>
    %dma_start3A_1262 = arith.constant 8 : i32
    %dma_start3A_1263 = arith.constant 0 : i32
    %dma_start3A_1264 = tpu.memref_slice %arg12[%dma_start3A_1262, %dma_start3A_1263] : memref<32x1024xf32, #tpu.memory_space<vmem>> -> memref<8x1024xf32, #tpu.memory_space<vmem>>
    tpu.enqueue_dma source(%dma_start3A_1264 : memref<8x1024xf32, #tpu.memory_space<vmem>>) target(%dma_start3A_1261 : memref<8x1024xf32, #tpu.memory_space<hbm>>) target_semaphore(%arg21 : memref<!tpu.dma_semaphore, #tpu.memory_space<semaphore_mem>>)
    %add3A_1265 = arith.constant 40 : i32
    %add3A_1266 = arith.addi %mul3A_2, %add3A_1265 : i32
    %dma_start3A_1267 = arith.constant 2 : i32
    %dma_start3A_1268 = arith.constant 16 : i32
    %dma_start3A_1269 = arith.constant 0 : i32
    %dma_start3A_1270 = tpu.memref_slice %arg12[%dma_start3A_1268, %dma_start3A_1269] : memref<32x1024xf32, #tpu.memory_space<vmem>> -> memref<8x1024xf32, #tpu.memory_space<vmem>>
    %dma_start3A_1271 = arith.constant 0 : i32
    %dma_start3A_1272 = tpu.memref_slice %arg5[%dma_start3A_1267, %add3A_1266, %dma_start3A_1271] : memref<4x2048x1024xf32, #tpu.memory_space<hbm>> -> memref<1x8x1024xf32, #tpu.memory_space<hbm>>
    %dma_start3A_1273 = tpu.memref_squeeze %dma_start3A_1272 : memref<1x8x1024xf32, #tpu.memory_space<hbm>> -> memref<8x1024xf32, #tpu.memory_space<hbm>>
    %dma_start3A_1274 = arith.constant 0 : i32
    %dma_start3A_1275 = tpu.memref_slice %arg5[%dma_start3A_1267, %add3A_1266, %dma_start3A_1274] : memref<4x2048x1024xf32, #tpu.memory_space<hbm>> -> memref<1x8x1024xf32, #tpu.memory_space<hbm>>
    %dma_start3A_1276 = tpu.memref_squeeze %dma_start3A_1275 : memref<1x8x1024xf32, #tpu.memory_space<hbm>> -> memref<8x1024xf32, #tpu.memory_space<hbm>>
    %dma_start3A_1277 = arith.constant 16 : i32
    %dma_start3A_1278 = arith.constant 0 : i32
    %dma_start3A_1279 = tpu.memref_slice %arg12[%dma_start3A_1277, %dma_start3A_1278] : memref<32x1024xf32, #tpu.memory_space<vmem>> -> memref<8x1024xf32, #tpu.memory_space<vmem>>
    tpu.enqueue_dma source(%dma_start3A_1279 : memref<8x1024xf32, #tpu.memory_space<vmem>>) target(%dma_start3A_1276 : memref<8x1024xf32, #tpu.memory_space<hbm>>) target_semaphore(%arg21 : memref<!tpu.dma_semaphore, #tpu.memory_space<semaphore_mem>>)
    %add3A_1280 = arith.constant 40 : i32
    %add3A_1281 = arith.addi %mul3A_2, %add3A_1280 : i32
    %dma_start3A_1282 = arith.constant 3 : i32
    %dma_start3A_1283 = arith.constant 24 : i32
    %dma_start3A_1284 = arith.constant 0 : i32
    %dma_start3A_1285 = tpu.memref_slice %arg12[%dma_start3A_1283, %dma_start3A_1284] : memref<32x1024xf32, #tpu.memory_space<vmem>> -> memref<8x1024xf32, #tpu.memory_space<vmem>>
    %dma_start3A_1286 = arith.constant 0 : i32
    %dma_start3A_1287 = tpu.memref_slice %arg5[%dma_start3A_1282, %add3A_1281, %dma_start3A_1286] : memref<4x2048x1024xf32, #tpu.memory_space<hbm>> -> memref<1x8x1024xf32, #tpu.memory_space<hbm>>
    %dma_start3A_1288 = tpu.memref_squeeze %dma_start3A_1287 : memref<1x8x1024xf32, #tpu.memory_space<hbm>> -> memref<8x1024xf32, #tpu.memory_space<hbm>>
    %dma_start3A_1289 = arith.constant 0 : i32
    %dma_start3A_1290 = tpu.memref_slice %arg5[%dma_start3A_1282, %add3A_1281, %dma_start3A_1289] : memref<4x2048x1024xf32, #tpu.memory_space<hbm>> -> memref<1x8x1024xf32, #tpu.memory_space<hbm>>
    %dma_start3A_1291 = tpu.memref_squeeze %dma_start3A_1290 : memref<1x8x1024xf32, #tpu.memory_space<hbm>> -> memref<8x1024xf32, #tpu.memory_space<hbm>>
    %dma_start3A_1292 = arith.constant 24 : i32
    %dma_start3A_1293 = arith.constant 0 : i32
    %dma_start3A_1294 = tpu.memref_slice %arg12[%dma_start3A_1292, %dma_start3A_1293] : memref<32x1024xf32, #tpu.memory_space<vmem>> -> memref<8x1024xf32, #tpu.memory_space<vmem>>
    tpu.enqueue_dma source(%dma_start3A_1294 : memref<8x1024xf32, #tpu.memory_space<vmem>>) target(%dma_start3A_1291 : memref<8x1024xf32, #tpu.memory_space<hbm>>) target_semaphore(%arg21 : memref<!tpu.dma_semaphore, #tpu.memory_space<semaphore_mem>>)
    %dma_wait3A_1295 = arith.constant 0 : i32
    %dma_wait3A_1296 = arith.constant 0 : i32
    %dma_wait3A_1297 = arith.constant 0 : i32
    %dma_wait3A_1298 = tpu.memref_slice %arg10[%dma_wait3A_1296, %dma_wait3A_1297] : memref<32x1024xf32, #tpu.memory_space<vmem>> -> memref<8x1024xf32, #tpu.memory_space<vmem>>
    %dma_wait3A_1299 = arith.constant 48 : i32
    %dma_wait3A_1300 = tpu.memref_slice %arg6[%dma_wait3A_1295, %dma_wait3A_1299] : memref<4x64xi32, #tpu.memory_space<vmem>> -> memref<1x8xi32, #tpu.memory_space<vmem>>
    %dma_wait3A_1301 = tpu.memref_squeeze %dma_wait3A_1300 : memref<1x8xi32, #tpu.memory_space<vmem>> -> memref<8xi32, #tpu.memory_space<vmem>>
    %dma_wait3A_1302 = arith.constant 0 : i32
    %dma_wait3A_1303 = arith.constant 0 : i32
    %dma_wait3A_1304 = tpu.memref_slice %arg3[%dma_wait3A_1302, %dma_wait3A_1303] : memref<100000x1024xf32, #tpu.memory_space<hbm>> -> memref<100000x1024xf32, #tpu.memory_space<hbm>>
    tpu.wait_indirect_dma semaphore(%arg13 : memref<!tpu.dma_semaphore, #tpu.memory_space<semaphore_mem>>) src(%dma_wait3A_1304 : memref<100000x1024xf32, #tpu.memory_space<hbm>>) dst(%dma_wait3A_1298 : memref<8x1024xf32, #tpu.memory_space<vmem>>)
    %dma_wait3A_1305 = arith.constant 1 : i32
    %dma_wait3A_1306 = arith.constant 8 : i32
    %dma_wait3A_1307 = arith.constant 0 : i32
    %dma_wait3A_1308 = tpu.memref_slice %arg10[%dma_wait3A_1306, %dma_wait3A_1307] : memref<32x1024xf32, #tpu.memory_space<vmem>> -> memref<8x1024xf32, #tpu.memory_space<vmem>>
    %dma_wait3A_1309 = arith.constant 48 : i32
    %dma_wait3A_1310 = tpu.memref_slice %arg6[%dma_wait3A_1305, %dma_wait3A_1309] : memref<4x64xi32, #tpu.memory_space<vmem>> -> memref<1x8xi32, #tpu.memory_space<vmem>>
    %dma_wait3A_1311 = tpu.memref_squeeze %dma_wait3A_1310 : memref<1x8xi32, #tpu.memory_space<vmem>> -> memref<8xi32, #tpu.memory_space<vmem>>
    %dma_wait3A_1312 = arith.constant 0 : i32
    %dma_wait3A_1313 = arith.constant 0 : i32
    %dma_wait3A_1314 = tpu.memref_slice %arg3[%dma_wait3A_1312, %dma_wait3A_1313] : memref<100000x1024xf32, #tpu.memory_space<hbm>> -> memref<100000x1024xf32, #tpu.memory_space<hbm>>
    tpu.wait_indirect_dma semaphore(%arg13 : memref<!tpu.dma_semaphore, #tpu.memory_space<semaphore_mem>>) src(%dma_wait3A_1314 : memref<100000x1024xf32, #tpu.memory_space<hbm>>) dst(%dma_wait3A_1308 : memref<8x1024xf32, #tpu.memory_space<vmem>>)
    %dma_wait3A_1315 = arith.constant 2 : i32
    %dma_wait3A_1316 = arith.constant 16 : i32
    %dma_wait3A_1317 = arith.constant 0 : i32
    %dma_wait3A_1318 = tpu.memref_slice %arg10[%dma_wait3A_1316, %dma_wait3A_1317] : memref<32x1024xf32, #tpu.memory_space<vmem>> -> memref<8x1024xf32, #tpu.memory_space<vmem>>
    %dma_wait3A_1319 = arith.constant 48 : i32
    %dma_wait3A_1320 = tpu.memref_slice %arg6[%dma_wait3A_1315, %dma_wait3A_1319] : memref<4x64xi32, #tpu.memory_space<vmem>> -> memref<1x8xi32, #tpu.memory_space<vmem>>
    %dma_wait3A_1321 = tpu.memref_squeeze %dma_wait3A_1320 : memref<1x8xi32, #tpu.memory_space<vmem>> -> memref<8xi32, #tpu.memory_space<vmem>>
    %dma_wait3A_1322 = arith.constant 0 : i32
    %dma_wait3A_1323 = arith.constant 0 : i32
    %dma_wait3A_1324 = tpu.memref_slice %arg3[%dma_wait3A_1322, %dma_wait3A_1323] : memref<100000x1024xf32, #tpu.memory_space<hbm>> -> memref<100000x1024xf32, #tpu.memory_space<hbm>>
    tpu.wait_indirect_dma semaphore(%arg13 : memref<!tpu.dma_semaphore, #tpu.memory_space<semaphore_mem>>) src(%dma_wait3A_1324 : memref<100000x1024xf32, #tpu.memory_space<hbm>>) dst(%dma_wait3A_1318 : memref<8x1024xf32, #tpu.memory_space<vmem>>)
    %dma_wait3A_1325 = arith.constant 3 : i32
    %dma_wait3A_1326 = arith.constant 24 : i32
    %dma_wait3A_1327 = arith.constant 0 : i32
    %dma_wait3A_1328 = tpu.memref_slice %arg10[%dma_wait3A_1326, %dma_wait3A_1327] : memref<32x1024xf32, #tpu.memory_space<vmem>> -> memref<8x1024xf32, #tpu.memory_space<vmem>>
    %dma_wait3A_1329 = arith.constant 48 : i32
    %dma_wait3A_1330 = tpu.memref_slice %arg6[%dma_wait3A_1325, %dma_wait3A_1329] : memref<4x64xi32, #tpu.memory_space<vmem>> -> memref<1x8xi32, #tpu.memory_space<vmem>>
    %dma_wait3A_1331 = tpu.memref_squeeze %dma_wait3A_1330 : memref<1x8xi32, #tpu.memory_space<vmem>> -> memref<8xi32, #tpu.memory_space<vmem>>
    %dma_wait3A_1332 = arith.constant 0 : i32
    %dma_wait3A_1333 = arith.constant 0 : i32
    %dma_wait3A_1334 = tpu.memref_slice %arg3[%dma_wait3A_1332, %dma_wait3A_1333] : memref<100000x1024xf32, #tpu.memory_space<hbm>> -> memref<100000x1024xf32, #tpu.memory_space<hbm>>
    tpu.wait_indirect_dma semaphore(%arg13 : memref<!tpu.dma_semaphore, #tpu.memory_space<semaphore_mem>>) src(%dma_wait3A_1334 : memref<100000x1024xf32, #tpu.memory_space<hbm>>) dst(%dma_wait3A_1328 : memref<8x1024xf32, #tpu.memory_space<vmem>>)
    %dma_wait3A_1335 = arith.constant 0 : i32
    %dma_wait3A_1336 = tpu.memref_slice %arg4[%add3A_976, %dma_wait3A_1335] : memref<8192x1024xf32, #tpu.memory_space<hbm>> -> memref<8x1024xf32, #tpu.memory_space<hbm>>
    %dma_wait3A_1337 = arith.constant 0 : i32
    %dma_wait3A_1338 = tpu.memref_slice %arg4[%add3A_976, %dma_wait3A_1337] : memref<8192x1024xf32, #tpu.memory_space<hbm>> -> memref<8x1024xf32, #tpu.memory_space<hbm>>
    tpu.wait_dma2 semaphore(%arg16 : memref<!tpu.dma_semaphore, #tpu.memory_space<semaphore_mem>>) src(%dma_wait3A_1338 : memref<8x1024xf32, #tpu.memory_space<hbm>>) dst(%arg7 : memref<8x1024xf32, #tpu.memory_space<vmem>>)
    %scan3A_1339 = arith.constant 0 : i32
    %scan3A_1340 = arith.constant 0 : i32
    %scan3A_1341 = arith.constant 8 : i32
    %scan3A_1342 = arith.addi %scan3A_1340, %scan3A_1341 : i32
    %scan3A_1343 = arith.constant 1 : i32
    scf.for %scan3A_1671 = %scan3A_1340 to %scan3A_1342 step %scan3A_1343  : i32 {
      %parallel_loop3A = arith.constant 0 : i32
      %parallel_loop3A_1672 = arith.constant 64 : i32
      %parallel_loop3A_1673 = arith.constant 1 : i32
      scf.for %parallel_loop3A_1674 = %parallel_loop3A to %parallel_loop3A_1672 step %parallel_loop3A_1673  : i32 {
        %parallel_loop3A_1675 = arith.constant 16 : i32
        %parallel_loop3A_1676 = arith.muli %parallel_loop3A_1674, %parallel_loop3A_1675 : i32
        %parallel_loop3A_1677 = arith.index_cast %scan3A_1671 : i32 to index
        %parallel_loop3A_1678 = arith.index_cast %parallel_loop3A_1676 : i32 to index
        %parallel_loop3A_1679 = tpu.vector_load %arg7[%parallel_loop3A_1677, %parallel_loop3A_1678] {strides = array<i32>} : memref<8x1024xf32, #tpu.memory_space<vmem>>, vector<1x16xf32>,
        %parallel_loop3A_1680 = vector.shape_cast %parallel_loop3A_1679 : vector<1x16xf32> to vector<16xf32>
        %parallel_loop3A_1681 = arith.constant 0 : i32
        %parallel_loop3A_1682 = arith.addi %parallel_loop3A_1681, %scan3A_1671 : i32
        %parallel_loop3A_1683 = arith.index_cast %parallel_loop3A_1682 : i32 to index
        %parallel_loop3A_1684 = arith.index_cast %parallel_loop3A_1676 : i32 to index
        %parallel_loop3A_1685 = tpu.vector_load %arg10[%parallel_loop3A_1683, %parallel_loop3A_1684] {strides = array<i32>} : memref<32x1024xf32, #tpu.memory_space<vmem>>, vector<1x16xf32>,
        %parallel_loop3A_1686 = vector.shape_cast %parallel_loop3A_1685 : vector<1x16xf32> to vector<16xf32>
        %parallel_loop3A_1687 = arith.constant 3.200000e+01 : f32
        %parallel_loop3A_1688 = vector.broadcast %parallel_loop3A_1687 : f32 to vector<16xf32>
        %parallel_loop3A_1689 = arith.mulf %parallel_loop3A_1686, %parallel_loop3A_1688 : vector<16xf32>
        %parallel_loop3A_1690 = arith.addf %parallel_loop3A_1689, %parallel_loop3A_1680 : vector<16xf32>
        %parallel_loop3A_1691 = arith.constant 0 : i32
        %parallel_loop3A_1692 = arith.addi %parallel_loop3A_1691, %scan3A_1671 : i32
        %parallel_loop3A_1693 = arith.index_cast %parallel_loop3A_1692 : i32 to index
        %parallel_loop3A_1694 = arith.index_cast %parallel_loop3A_1676 : i32 to index
        %parallel_loop3A_1695 = tpu.vector_load %arg10[%parallel_loop3A_1693, %parallel_loop3A_1694] {strides = array<i32>} : memref<32x1024xf32, #tpu.memory_space<vmem>>, vector<1x16xf32>,
        %parallel_loop3A_1696 = vector.shape_cast %parallel_loop3A_1695 : vector<1x16xf32> to vector<16xf32>
        %parallel_loop3A_1697 = vector.shape_cast %parallel_loop3A_1690 : vector<16xf32> to vector<1x16xf32>
        tpu.vector_store %arg10[%parallel_loop3A_1693, %parallel_loop3A_1694], %parallel_loop3A_1697 {strides = array<i32>} : memref<32x1024xf32, #tpu.memory_space<vmem>>, vector<1x16xf32>,
        %parallel_loop3A_1698 = arith.constant 8 : i32
        %parallel_loop3A_1699 = arith.addi %parallel_loop3A_1698, %scan3A_1671 : i32
        %parallel_loop3A_1700 = arith.index_cast %parallel_loop3A_1699 : i32 to index
        %parallel_loop3A_1701 = arith.index_cast %parallel_loop3A_1676 : i32 to index
        %parallel_loop3A_1702 = tpu.vector_load %arg10[%parallel_loop3A_1700, %parallel_loop3A_1701] {strides = array<i32>} : memref<32x1024xf32, #tpu.memory_space<vmem>>, vector<1x16xf32>,
        %parallel_loop3A_1703 = vector.shape_cast %parallel_loop3A_1702 : vector<1x16xf32> to vector<16xf32>
        %parallel_loop3A_1704 = arith.constant 3.200000e+01 : f32
        %parallel_loop3A_1705 = vector.broadcast %parallel_loop3A_1704 : f32 to vector<16xf32>
        %parallel_loop3A_1706 = arith.mulf %parallel_loop3A_1703, %parallel_loop3A_1705 : vector<16xf32>
        %parallel_loop3A_1707 = arith.addf %parallel_loop3A_1706, %parallel_loop3A_1680 : vector<16xf32>
        %parallel_loop3A_1708 = arith.constant 8 : i32
        %parallel_loop3A_1709 = arith.addi %parallel_loop3A_1708, %scan3A_1671 : i32
        %parallel_loop3A_1710 = arith.index_cast %parallel_loop3A_1709 : i32 to index
        %parallel_loop3A_1711 = arith.index_cast %parallel_loop3A_1676 : i32 to index
        %parallel_loop3A_1712 = tpu.vector_load %arg10[%parallel_loop3A_1710, %parallel_loop3A_1711] {strides = array<i32>} : memref<32x1024xf32, #tpu.memory_space<vmem>>, vector<1x16xf32>,
        %parallel_loop3A_1713 = vector.shape_cast %parallel_loop3A_1712 : vector<1x16xf32> to vector<16xf32>
        %parallel_loop3A_1714 = vector.shape_cast %parallel_loop3A_1707 : vector<16xf32> to vector<1x16xf32>
        tpu.vector_store %arg10[%parallel_loop3A_1710, %parallel_loop3A_1711], %parallel_loop3A_1714 {strides = array<i32>} : memref<32x1024xf32, #tpu.memory_space<vmem>>, vector<1x16xf32>,
        %parallel_loop3A_1715 = arith.constant 16 : i32
        %parallel_loop3A_1716 = arith.addi %parallel_loop3A_1715, %scan3A_1671 : i32
        %parallel_loop3A_1717 = arith.index_cast %parallel_loop3A_1716 : i32 to index
        %parallel_loop3A_1718 = arith.index_cast %parallel_loop3A_1676 : i32 to index
        %parallel_loop3A_1719 = tpu.vector_load %arg10[%parallel_loop3A_1717, %parallel_loop3A_1718] {strides = array<i32>} : memref<32x1024xf32, #tpu.memory_space<vmem>>, vector<1x16xf32>,
        %parallel_loop3A_1720 = vector.shape_cast %parallel_loop3A_1719 : vector<1x16xf32> to vector<16xf32>
        %parallel_loop3A_1721 = arith.constant 3.200000e+01 : f32
        %parallel_loop3A_1722 = vector.broadcast %parallel_loop3A_1721 : f32 to vector<16xf32>
        %parallel_loop3A_1723 = arith.mulf %parallel_loop3A_1720, %parallel_loop3A_1722 : vector<16xf32>
        %parallel_loop3A_1724 = arith.addf %parallel_loop3A_1723, %parallel_loop3A_1680 : vector<16xf32>
        %parallel_loop3A_1725 = arith.constant 16 : i32
        %parallel_loop3A_1726 = arith.addi %parallel_loop3A_1725, %scan3A_1671 : i32
        %parallel_loop3A_1727 = arith.index_cast %parallel_loop3A_1726 : i32 to index
        %parallel_loop3A_1728 = arith.index_cast %parallel_loop3A_1676 : i32 to index
        %parallel_loop3A_1729 = tpu.vector_load %arg10[%parallel_loop3A_1727, %parallel_loop3A_1728] {strides = array<i32>} : memref<32x1024xf32, #tpu.memory_space<vmem>>, vector<1x16xf32>,
        %parallel_loop3A_1730 = vector.shape_cast %parallel_loop3A_1729 : vector<1x16xf32> to vector<16xf32>
        %parallel_loop3A_1731 = vector.shape_cast %parallel_loop3A_1724 : vector<16xf32> to vector<1x16xf32>
        tpu.vector_store %arg10[%parallel_loop3A_1727, %parallel_loop3A_1728], %parallel_loop3A_1731 {strides = array<i32>} : memref<32x1024xf32, #tpu.memory_space<vmem>>, vector<1x16xf32>,
        %parallel_loop3A_1732 = arith.constant 24 : i32
        %parallel_loop3A_1733 = arith.addi %parallel_loop3A_1732, %scan3A_1671 : i32
        %parallel_loop3A_1734 = arith.index_cast %parallel_loop3A_1733 : i32 to index
        %parallel_loop3A_1735 = arith.index_cast %parallel_loop3A_1676 : i32 to index
        %parallel_loop3A_1736 = tpu.vector_load %arg10[%parallel_loop3A_1734, %parallel_loop3A_1735] {strides = array<i32>} : memref<32x1024xf32, #tpu.memory_space<vmem>>, vector<1x16xf32>,
        %parallel_loop3A_1737 = vector.shape_cast %parallel_loop3A_1736 : vector<1x16xf32> to vector<16xf32>
        %parallel_loop3A_1738 = arith.constant 3.200000e+01 : f32
        %parallel_loop3A_1739 = vector.broadcast %parallel_loop3A_1738 : f32 to vector<16xf32>
        %parallel_loop3A_1740 = arith.mulf %parallel_loop3A_1737, %parallel_loop3A_1739 : vector<16xf32>
        %parallel_loop3A_1741 = arith.addf %parallel_loop3A_1740, %parallel_loop3A_1680 : vector<16xf32>
        %parallel_loop3A_1742 = arith.constant 24 : i32
        %parallel_loop3A_1743 = arith.addi %parallel_loop3A_1742, %scan3A_1671 : i32
        %parallel_loop3A_1744 = arith.index_cast %parallel_loop3A_1743 : i32 to index
        %parallel_loop3A_1745 = arith.index_cast %parallel_loop3A_1676 : i32 to index
        %parallel_loop3A_1746 = tpu.vector_load %arg10[%parallel_loop3A_1744, %parallel_loop3A_1745] {strides = array<i32>} : memref<32x1024xf32, #tpu.memory_space<vmem>>, vector<1x16xf32>,
        %parallel_loop3A_1747 = vector.shape_cast %parallel_loop3A_1746 : vector<1x16xf32> to vector<16xf32>
        %parallel_loop3A_1748 = vector.shape_cast %parallel_loop3A_1741 : vector<16xf32> to vector<1x16xf32>
        tpu.vector_store %arg10[%parallel_loop3A_1744, %parallel_loop3A_1745], %parallel_loop3A_1748 {strides = array<i32>} : memref<32x1024xf32, #tpu.memory_space<vmem>>, vector<1x16xf32>,
      } {sc.loop_unroll_factor = 4 : i64, sc.parallel_access}
    }
    %scan3A_1344 = arith.constant 8 : i32
    %add3A_1345 = arith.constant 48 : i32
    %add3A_1346 = arith.addi %mul3A_2, %add3A_1345 : i32
    %dma_start3A_1347 = arith.constant 0 : i32
    %dma_start3A_1348 = arith.constant 0 : i32
    %dma_start3A_1349 = arith.constant 0 : i32
    %dma_start3A_1350 = tpu.memref_slice %arg10[%dma_start3A_1348, %dma_start3A_1349] : memref<32x1024xf32, #tpu.memory_space<vmem>> -> memref<8x1024xf32, #tpu.memory_space<vmem>>
    %dma_start3A_1351 = arith.constant 0 : i32
    %dma_start3A_1352 = tpu.memref_slice %arg5[%dma_start3A_1347, %add3A_1346, %dma_start3A_1351] : memref<4x2048x1024xf32, #tpu.memory_space<hbm>> -> memref<1x8x1024xf32, #tpu.memory_space<hbm>>
    %dma_start3A_1353 = tpu.memref_squeeze %dma_start3A_1352 : memref<1x8x1024xf32, #tpu.memory_space<hbm>> -> memref<8x1024xf32, #tpu.memory_space<hbm>>
    %dma_start3A_1354 = arith.constant 0 : i32
    %dma_start3A_1355 = tpu.memref_slice %arg5[%dma_start3A_1347, %add3A_1346, %dma_start3A_1354] : memref<4x2048x1024xf32, #tpu.memory_space<hbm>> -> memref<1x8x1024xf32, #tpu.memory_space<hbm>>
    %dma_start3A_1356 = tpu.memref_squeeze %dma_start3A_1355 : memref<1x8x1024xf32, #tpu.memory_space<hbm>> -> memref<8x1024xf32, #tpu.memory_space<hbm>>
    %dma_start3A_1357 = arith.constant 0 : i32
    %dma_start3A_1358 = arith.constant 0 : i32
    %dma_start3A_1359 = tpu.memref_slice %arg10[%dma_start3A_1357, %dma_start3A_1358] : memref<32x1024xf32, #tpu.memory_space<vmem>> -> memref<8x1024xf32, #tpu.memory_space<vmem>>
    tpu.enqueue_dma source(%dma_start3A_1359 : memref<8x1024xf32, #tpu.memory_space<vmem>>) target(%dma_start3A_1356 : memref<8x1024xf32, #tpu.memory_space<hbm>>) target_semaphore(%arg19 : memref<!tpu.dma_semaphore, #tpu.memory_space<semaphore_mem>>)
    %add3A_1360 = arith.constant 48 : i32
    %add3A_1361 = arith.addi %mul3A_2, %add3A_1360 : i32
    %dma_start3A_1362 = arith.constant 1 : i32
    %dma_start3A_1363 = arith.constant 8 : i32
    %dma_start3A_1364 = arith.constant 0 : i32
    %dma_start3A_1365 = tpu.memref_slice %arg10[%dma_start3A_1363, %dma_start3A_1364] : memref<32x1024xf32, #tpu.memory_space<vmem>> -> memref<8x1024xf32, #tpu.memory_space<vmem>>
    %dma_start3A_1366 = arith.constant 0 : i32
    %dma_start3A_1367 = tpu.memref_slice %arg5[%dma_start3A_1362, %add3A_1361, %dma_start3A_1366] : memref<4x2048x1024xf32, #tpu.memory_space<hbm>> -> memref<1x8x1024xf32, #tpu.memory_space<hbm>>
    %dma_start3A_1368 = tpu.memref_squeeze %dma_start3A_1367 : memref<1x8x1024xf32, #tpu.memory_space<hbm>> -> memref<8x1024xf32, #tpu.memory_space<hbm>>
    %dma_start3A_1369 = arith.constant 0 : i32
    %dma_start3A_1370 = tpu.memref_slice %arg5[%dma_start3A_1362, %add3A_1361, %dma_start3A_1369] : memref<4x2048x1024xf32, #tpu.memory_space<hbm>> -> memref<1x8x1024xf32, #tpu.memory_space<hbm>>
    %dma_start3A_1371 = tpu.memref_squeeze %dma_start3A_1370 : memref<1x8x1024xf32, #tpu.memory_space<hbm>> -> memref<8x1024xf32, #tpu.memory_space<hbm>>
    %dma_start3A_1372 = arith.constant 8 : i32
    %dma_start3A_1373 = arith.constant 0 : i32
    %dma_start3A_1374 = tpu.memref_slice %arg10[%dma_start3A_1372, %dma_start3A_1373] : memref<32x1024xf32, #tpu.memory_space<vmem>> -> memref<8x1024xf32, #tpu.memory_space<vmem>>
    tpu.enqueue_dma source(%dma_start3A_1374 : memref<8x1024xf32, #tpu.memory_space<vmem>>) target(%dma_start3A_1371 : memref<8x1024xf32, #tpu.memory_space<hbm>>) target_semaphore(%arg19 : memref<!tpu.dma_semaphore, #tpu.memory_space<semaphore_mem>>)
    %add3A_1375 = arith.constant 48 : i32
    %add3A_1376 = arith.addi %mul3A_2, %add3A_1375 : i32
    %dma_start3A_1377 = arith.constant 2 : i32
    %dma_start3A_1378 = arith.constant 16 : i32
    %dma_start3A_1379 = arith.constant 0 : i32
    %dma_start3A_1380 = tpu.memref_slice %arg10[%dma_start3A_1378, %dma_start3A_1379] : memref<32x1024xf32, #tpu.memory_space<vmem>> -> memref<8x1024xf32, #tpu.memory_space<vmem>>
    %dma_start3A_1381 = arith.constant 0 : i32
    %dma_start3A_1382 = tpu.memref_slice %arg5[%dma_start3A_1377, %add3A_1376, %dma_start3A_1381] : memref<4x2048x1024xf32, #tpu.memory_space<hbm>> -> memref<1x8x1024xf32, #tpu.memory_space<hbm>>
    %dma_start3A_1383 = tpu.memref_squeeze %dma_start3A_1382 : memref<1x8x1024xf32, #tpu.memory_space<hbm>> -> memref<8x1024xf32, #tpu.memory_space<hbm>>
    %dma_start3A_1384 = arith.constant 0 : i32
    %dma_start3A_1385 = tpu.memref_slice %arg5[%dma_start3A_1377, %add3A_1376, %dma_start3A_1384] : memref<4x2048x1024xf32, #tpu.memory_space<hbm>> -> memref<1x8x1024xf32, #tpu.memory_space<hbm>>
    %dma_start3A_1386 = tpu.memref_squeeze %dma_start3A_1385 : memref<1x8x1024xf32, #tpu.memory_space<hbm>> -> memref<8x1024xf32, #tpu.memory_space<hbm>>
    %dma_start3A_1387 = arith.constant 16 : i32
    %dma_start3A_1388 = arith.constant 0 : i32
    %dma_start3A_1389 = tpu.memref_slice %arg10[%dma_start3A_1387, %dma_start3A_1388] : memref<32x1024xf32, #tpu.memory_space<vmem>> -> memref<8x1024xf32, #tpu.memory_space<vmem>>
    tpu.enqueue_dma source(%dma_start3A_1389 : memref<8x1024xf32, #tpu.memory_space<vmem>>) target(%dma_start3A_1386 : memref<8x1024xf32, #tpu.memory_space<hbm>>) target_semaphore(%arg19 : memref<!tpu.dma_semaphore, #tpu.memory_space<semaphore_mem>>)
    %add3A_1390 = arith.constant 48 : i32
    %add3A_1391 = arith.addi %mul3A_2, %add3A_1390 : i32
    %dma_start3A_1392 = arith.constant 3 : i32
    %dma_start3A_1393 = arith.constant 24 : i32
    %dma_start3A_1394 = arith.constant 0 : i32
    %dma_start3A_1395 = tpu.memref_slice %arg10[%dma_start3A_1393, %dma_start3A_1394] : memref<32x1024xf32, #tpu.memory_space<vmem>> -> memref<8x1024xf32, #tpu.memory_space<vmem>>
    %dma_start3A_1396 = arith.constant 0 : i32
    %dma_start3A_1397 = tpu.memref_slice %arg5[%dma_start3A_1392, %add3A_1391, %dma_start3A_1396] : memref<4x2048x1024xf32, #tpu.memory_space<hbm>> -> memref<1x8x1024xf32, #tpu.memory_space<hbm>>
    %dma_start3A_1398 = tpu.memref_squeeze %dma_start3A_1397 : memref<1x8x1024xf32, #tpu.memory_space<hbm>> -> memref<8x1024xf32, #tpu.memory_space<hbm>>
    %dma_start3A_1399 = arith.constant 0 : i32
    %dma_start3A_1400 = tpu.memref_slice %arg5[%dma_start3A_1392, %add3A_1391, %dma_start3A_1399] : memref<4x2048x1024xf32, #tpu.memory_space<hbm>> -> memref<1x8x1024xf32, #tpu.memory_space<hbm>>
    %dma_start3A_1401 = tpu.memref_squeeze %dma_start3A_1400 : memref<1x8x1024xf32, #tpu.memory_space<hbm>> -> memref<8x1024xf32, #tpu.memory_space<hbm>>
    %dma_start3A_1402 = arith.constant 24 : i32
    %dma_start3A_1403 = arith.constant 0 : i32
    %dma_start3A_1404 = tpu.memref_slice %arg10[%dma_start3A_1402, %dma_start3A_1403] : memref<32x1024xf32, #tpu.memory_space<vmem>> -> memref<8x1024xf32, #tpu.memory_space<vmem>>
    tpu.enqueue_dma source(%dma_start3A_1404 : memref<8x1024xf32, #tpu.memory_space<vmem>>) target(%dma_start3A_1401 : memref<8x1024xf32, #tpu.memory_space<hbm>>) target_semaphore(%arg19 : memref<!tpu.dma_semaphore, #tpu.memory_space<semaphore_mem>>)
    %dma_wait3A_1405 = arith.constant 0 : i32
    %dma_wait3A_1406 = arith.constant 0 : i32
    %dma_wait3A_1407 = arith.constant 0 : i32
    %dma_wait3A_1408 = tpu.memref_slice %arg11[%dma_wait3A_1406, %dma_wait3A_1407] : memref<32x1024xf32, #tpu.memory_space<vmem>> -> memref<8x1024xf32, #tpu.memory_space<vmem>>
    %dma_wait3A_1409 = arith.constant 56 : i32
    %dma_wait3A_1410 = tpu.memref_slice %arg6[%dma_wait3A_1405, %dma_wait3A_1409] : memref<4x64xi32, #tpu.memory_space<vmem>> -> memref<1x8xi32, #tpu.memory_space<vmem>>
    %dma_wait3A_1411 = tpu.memref_squeeze %dma_wait3A_1410 : memref<1x8xi32, #tpu.memory_space<vmem>> -> memref<8xi32, #tpu.memory_space<vmem>>
    %dma_wait3A_1412 = arith.constant 0 : i32
    %dma_wait3A_1413 = arith.constant 0 : i32
    %dma_wait3A_1414 = tpu.memref_slice %arg3[%dma_wait3A_1412, %dma_wait3A_1413] : memref<100000x1024xf32, #tpu.memory_space<hbm>> -> memref<100000x1024xf32, #tpu.memory_space<hbm>>
    tpu.wait_indirect_dma semaphore(%arg14 : memref<!tpu.dma_semaphore, #tpu.memory_space<semaphore_mem>>) src(%dma_wait3A_1414 : memref<100000x1024xf32, #tpu.memory_space<hbm>>) dst(%dma_wait3A_1408 : memref<8x1024xf32, #tpu.memory_space<vmem>>)
    %dma_wait3A_1415 = arith.constant 1 : i32
    %dma_wait3A_1416 = arith.constant 8 : i32
    %dma_wait3A_1417 = arith.constant 0 : i32
    %dma_wait3A_1418 = tpu.memref_slice %arg11[%dma_wait3A_1416, %dma_wait3A_1417] : memref<32x1024xf32, #tpu.memory_space<vmem>> -> memref<8x1024xf32, #tpu.memory_space<vmem>>
    %dma_wait3A_1419 = arith.constant 56 : i32
    %dma_wait3A_1420 = tpu.memref_slice %arg6[%dma_wait3A_1415, %dma_wait3A_1419] : memref<4x64xi32, #tpu.memory_space<vmem>> -> memref<1x8xi32, #tpu.memory_space<vmem>>
    %dma_wait3A_1421 = tpu.memref_squeeze %dma_wait3A_1420 : memref<1x8xi32, #tpu.memory_space<vmem>> -> memref<8xi32, #tpu.memory_space<vmem>>
    %dma_wait3A_1422 = arith.constant 0 : i32
    %dma_wait3A_1423 = arith.constant 0 : i32
    %dma_wait3A_1424 = tpu.memref_slice %arg3[%dma_wait3A_1422, %dma_wait3A_1423] : memref<100000x1024xf32, #tpu.memory_space<hbm>> -> memref<100000x1024xf32, #tpu.memory_space<hbm>>
    tpu.wait_indirect_dma semaphore(%arg14 : memref<!tpu.dma_semaphore, #tpu.memory_space<semaphore_mem>>) src(%dma_wait3A_1424 : memref<100000x1024xf32, #tpu.memory_space<hbm>>) dst(%dma_wait3A_1418 : memref<8x1024xf32, #tpu.memory_space<vmem>>)
    %dma_wait3A_1425 = arith.constant 2 : i32
    %dma_wait3A_1426 = arith.constant 16 : i32
    %dma_wait3A_1427 = arith.constant 0 : i32
    %dma_wait3A_1428 = tpu.memref_slice %arg11[%dma_wait3A_1426, %dma_wait3A_1427] : memref<32x1024xf32, #tpu.memory_space<vmem>> -> memref<8x1024xf32, #tpu.memory_space<vmem>>
    %dma_wait3A_1429 = arith.constant 56 : i32
    %dma_wait3A_1430 = tpu.memref_slice %arg6[%dma_wait3A_1425, %dma_wait3A_1429] : memref<4x64xi32, #tpu.memory_space<vmem>> -> memref<1x8xi32, #tpu.memory_space<vmem>>
    %dma_wait3A_1431 = tpu.memref_squeeze %dma_wait3A_1430 : memref<1x8xi32, #tpu.memory_space<vmem>> -> memref<8xi32, #tpu.memory_space<vmem>>
    %dma_wait3A_1432 = arith.constant 0 : i32
    %dma_wait3A_1433 = arith.constant 0 : i32
    %dma_wait3A_1434 = tpu.memref_slice %arg3[%dma_wait3A_1432, %dma_wait3A_1433] : memref<100000x1024xf32, #tpu.memory_space<hbm>> -> memref<100000x1024xf32, #tpu.memory_space<hbm>>
    tpu.wait_indirect_dma semaphore(%arg14 : memref<!tpu.dma_semaphore, #tpu.memory_space<semaphore_mem>>) src(%dma_wait3A_1434 : memref<100000x1024xf32, #tpu.memory_space<hbm>>) dst(%dma_wait3A_1428 : memref<8x1024xf32, #tpu.memory_space<vmem>>)
    %dma_wait3A_1435 = arith.constant 3 : i32
    %dma_wait3A_1436 = arith.constant 24 : i32
    %dma_wait3A_1437 = arith.constant 0 : i32
    %dma_wait3A_1438 = tpu.memref_slice %arg11[%dma_wait3A_1436, %dma_wait3A_1437] : memref<32x1024xf32, #tpu.memory_space<vmem>> -> memref<8x1024xf32, #tpu.memory_space<vmem>>
    %dma_wait3A_1439 = arith.constant 56 : i32
    %dma_wait3A_1440 = tpu.memref_slice %arg6[%dma_wait3A_1435, %dma_wait3A_1439] : memref<4x64xi32, #tpu.memory_space<vmem>> -> memref<1x8xi32, #tpu.memory_space<vmem>>
    %dma_wait3A_1441 = tpu.memref_squeeze %dma_wait3A_1440 : memref<1x8xi32, #tpu.memory_space<vmem>> -> memref<8xi32, #tpu.memory_space<vmem>>
    %dma_wait3A_1442 = arith.constant 0 : i32
    %dma_wait3A_1443 = arith.constant 0 : i32
    %dma_wait3A_1444 = tpu.memref_slice %arg3[%dma_wait3A_1442, %dma_wait3A_1443] : memref<100000x1024xf32, #tpu.memory_space<hbm>> -> memref<100000x1024xf32, #tpu.memory_space<hbm>>
    tpu.wait_indirect_dma semaphore(%arg14 : memref<!tpu.dma_semaphore, #tpu.memory_space<semaphore_mem>>) src(%dma_wait3A_1444 : memref<100000x1024xf32, #tpu.memory_space<hbm>>) dst(%dma_wait3A_1438 : memref<8x1024xf32, #tpu.memory_space<vmem>>)
    %dma_wait3A_1445 = arith.constant 0 : i32
    %dma_wait3A_1446 = tpu.memref_slice %arg4[%add3A_1184, %dma_wait3A_1445] : memref<8192x1024xf32, #tpu.memory_space<hbm>> -> memref<8x1024xf32, #tpu.memory_space<hbm>>
    %dma_wait3A_1447 = arith.constant 0 : i32
    %dma_wait3A_1448 = tpu.memref_slice %arg4[%add3A_1184, %dma_wait3A_1447] : memref<8192x1024xf32, #tpu.memory_space<hbm>> -> memref<8x1024xf32, #tpu.memory_space<hbm>>
    tpu.wait_dma2 semaphore(%arg17 : memref<!tpu.dma_semaphore, #tpu.memory_space<semaphore_mem>>) src(%dma_wait3A_1448 : memref<8x1024xf32, #tpu.memory_space<hbm>>) dst(%arg8 : memref<8x1024xf32, #tpu.memory_space<vmem>>)
    %scan3A_1449 = arith.constant 0 : i32
    %scan3A_1450 = arith.constant 0 : i32
    %scan3A_1451 = arith.constant 8 : i32
    %scan3A_1452 = arith.addi %scan3A_1450, %scan3A_1451 : i32
    %scan3A_1453 = arith.constant 1 : i32
    scf.for %scan3A_1671 = %scan3A_1450 to %scan3A_1452 step %scan3A_1453  : i32 {
      %parallel_loop3A = arith.constant 0 : i32
      %parallel_loop3A_1672 = arith.constant 64 : i32
      %parallel_loop3A_1673 = arith.constant 1 : i32
      scf.for %parallel_loop3A_1674 = %parallel_loop3A to %parallel_loop3A_1672 step %parallel_loop3A_1673  : i32 {
        %parallel_loop3A_1675 = arith.constant 16 : i32
        %parallel_loop3A_1676 = arith.muli %parallel_loop3A_1674, %parallel_loop3A_1675 : i32
        %parallel_loop3A_1677 = arith.index_cast %scan3A_1671 : i32 to index
        %parallel_loop3A_1678 = arith.index_cast %parallel_loop3A_1676 : i32 to index
        %parallel_loop3A_1679 = tpu.vector_load %arg8[%parallel_loop3A_1677, %parallel_loop3A_1678] {strides = array<i32>} : memref<8x1024xf32, #tpu.memory_space<vmem>>, vector<1x16xf32>,
        %parallel_loop3A_1680 = vector.shape_cast %parallel_loop3A_1679 : vector<1x16xf32> to vector<16xf32>
        %parallel_loop3A_1681 = arith.constant 0 : i32
        %parallel_loop3A_1682 = arith.addi %parallel_loop3A_1681, %scan3A_1671 : i32
        %parallel_loop3A_1683 = arith.index_cast %parallel_loop3A_1682 : i32 to index
        %parallel_loop3A_1684 = arith.index_cast %parallel_loop3A_1676 : i32 to index
        %parallel_loop3A_1685 = tpu.vector_load %arg11[%parallel_loop3A_1683, %parallel_loop3A_1684] {strides = array<i32>} : memref<32x1024xf32, #tpu.memory_space<vmem>>, vector<1x16xf32>,
        %parallel_loop3A_1686 = vector.shape_cast %parallel_loop3A_1685 : vector<1x16xf32> to vector<16xf32>
        %parallel_loop3A_1687 = arith.constant 3.200000e+01 : f32
        %parallel_loop3A_1688 = vector.broadcast %parallel_loop3A_1687 : f32 to vector<16xf32>
        %parallel_loop3A_1689 = arith.mulf %parallel_loop3A_1686, %parallel_loop3A_1688 : vector<16xf32>
        %parallel_loop3A_1690 = arith.addf %parallel_loop3A_1689, %parallel_loop3A_1680 : vector<16xf32>
        %parallel_loop3A_1691 = arith.constant 0 : i32
        %parallel_loop3A_1692 = arith.addi %parallel_loop3A_1691, %scan3A_1671 : i32
        %parallel_loop3A_1693 = arith.index_cast %parallel_loop3A_1692 : i32 to index
        %parallel_loop3A_1694 = arith.index_cast %parallel_loop3A_1676 : i32 to index
        %parallel_loop3A_1695 = tpu.vector_load %arg11[%parallel_loop3A_1693, %parallel_loop3A_1694] {strides = array<i32>} : memref<32x1024xf32, #tpu.memory_space<vmem>>, vector<1x16xf32>,
        %parallel_loop3A_1696 = vector.shape_cast %parallel_loop3A_1695 : vector<1x16xf32> to vector<16xf32>
        %parallel_loop3A_1697 = vector.shape_cast %parallel_loop3A_1690 : vector<16xf32> to vector<1x16xf32>
        tpu.vector_store %arg11[%parallel_loop3A_1693, %parallel_loop3A_1694], %parallel_loop3A_1697 {strides = array<i32>} : memref<32x1024xf32, #tpu.memory_space<vmem>>, vector<1x16xf32>,
        %parallel_loop3A_1698 = arith.constant 8 : i32
        %parallel_loop3A_1699 = arith.addi %parallel_loop3A_1698, %scan3A_1671 : i32
        %parallel_loop3A_1700 = arith.index_cast %parallel_loop3A_1699 : i32 to index
        %parallel_loop3A_1701 = arith.index_cast %parallel_loop3A_1676 : i32 to index
        %parallel_loop3A_1702 = tpu.vector_load %arg11[%parallel_loop3A_1700, %parallel_loop3A_1701] {strides = array<i32>} : memref<32x1024xf32, #tpu.memory_space<vmem>>, vector<1x16xf32>,
        %parallel_loop3A_1703 = vector.shape_cast %parallel_loop3A_1702 : vector<1x16xf32> to vector<16xf32>
        %parallel_loop3A_1704 = arith.constant 3.200000e+01 : f32
        %parallel_loop3A_1705 = vector.broadcast %parallel_loop3A_1704 : f32 to vector<16xf32>
        %parallel_loop3A_1706 = arith.mulf %parallel_loop3A_1703, %parallel_loop3A_1705 : vector<16xf32>
        %parallel_loop3A_1707 = arith.addf %parallel_loop3A_1706, %parallel_loop3A_1680 : vector<16xf32>
        %parallel_loop3A_1708 = arith.constant 8 : i32
        %parallel_loop3A_1709 = arith.addi %parallel_loop3A_1708, %scan3A_1671 : i32
        %parallel_loop3A_1710 = arith.index_cast %parallel_loop3A_1709 : i32 to index
        %parallel_loop3A_1711 = arith.index_cast %parallel_loop3A_1676 : i32 to index
        %parallel_loop3A_1712 = tpu.vector_load %arg11[%parallel_loop3A_1710, %parallel_loop3A_1711] {strides = array<i32>} : memref<32x1024xf32, #tpu.memory_space<vmem>>, vector<1x16xf32>,
        %parallel_loop3A_1713 = vector.shape_cast %parallel_loop3A_1712 : vector<1x16xf32> to vector<16xf32>
        %parallel_loop3A_1714 = vector.shape_cast %parallel_loop3A_1707 : vector<16xf32> to vector<1x16xf32>
        tpu.vector_store %arg11[%parallel_loop3A_1710, %parallel_loop3A_1711], %parallel_loop3A_1714 {strides = array<i32>} : memref<32x1024xf32, #tpu.memory_space<vmem>>, vector<1x16xf32>,
        %parallel_loop3A_1715 = arith.constant 16 : i32
        %parallel_loop3A_1716 = arith.addi %parallel_loop3A_1715, %scan3A_1671 : i32
        %parallel_loop3A_1717 = arith.index_cast %parallel_loop3A_1716 : i32 to index
        %parallel_loop3A_1718 = arith.index_cast %parallel_loop3A_1676 : i32 to index
        %parallel_loop3A_1719 = tpu.vector_load %arg11[%parallel_loop3A_1717, %parallel_loop3A_1718] {strides = array<i32>} : memref<32x1024xf32, #tpu.memory_space<vmem>>, vector<1x16xf32>,
        %parallel_loop3A_1720 = vector.shape_cast %parallel_loop3A_1719 : vector<1x16xf32> to vector<16xf32>
        %parallel_loop3A_1721 = arith.constant 3.200000e+01 : f32
        %parallel_loop3A_1722 = vector.broadcast %parallel_loop3A_1721 : f32 to vector<16xf32>
        %parallel_loop3A_1723 = arith.mulf %parallel_loop3A_1720, %parallel_loop3A_1722 : vector<16xf32>
        %parallel_loop3A_1724 = arith.addf %parallel_loop3A_1723, %parallel_loop3A_1680 : vector<16xf32>
        %parallel_loop3A_1725 = arith.constant 16 : i32
        %parallel_loop3A_1726 = arith.addi %parallel_loop3A_1725, %scan3A_1671 : i32
        %parallel_loop3A_1727 = arith.index_cast %parallel_loop3A_1726 : i32 to index
        %parallel_loop3A_1728 = arith.index_cast %parallel_loop3A_1676 : i32 to index
        %parallel_loop3A_1729 = tpu.vector_load %arg11[%parallel_loop3A_1727, %parallel_loop3A_1728] {strides = array<i32>} : memref<32x1024xf32, #tpu.memory_space<vmem>>, vector<1x16xf32>,
        %parallel_loop3A_1730 = vector.shape_cast %parallel_loop3A_1729 : vector<1x16xf32> to vector<16xf32>
        %parallel_loop3A_1731 = vector.shape_cast %parallel_loop3A_1724 : vector<16xf32> to vector<1x16xf32>
        tpu.vector_store %arg11[%parallel_loop3A_1727, %parallel_loop3A_1728], %parallel_loop3A_1731 {strides = array<i32>} : memref<32x1024xf32, #tpu.memory_space<vmem>>, vector<1x16xf32>,
        %parallel_loop3A_1732 = arith.constant 24 : i32
        %parallel_loop3A_1733 = arith.addi %parallel_loop3A_1732, %scan3A_1671 : i32
        %parallel_loop3A_1734 = arith.index_cast %parallel_loop3A_1733 : i32 to index
        %parallel_loop3A_1735 = arith.index_cast %parallel_loop3A_1676 : i32 to index
        %parallel_loop3A_1736 = tpu.vector_load %arg11[%parallel_loop3A_1734, %parallel_loop3A_1735] {strides = array<i32>} : memref<32x1024xf32, #tpu.memory_space<vmem>>, vector<1x16xf32>,
        %parallel_loop3A_1737 = vector.shape_cast %parallel_loop3A_1736 : vector<1x16xf32> to vector<16xf32>
        %parallel_loop3A_1738 = arith.constant 3.200000e+01 : f32
        %parallel_loop3A_1739 = vector.broadcast %parallel_loop3A_1738 : f32 to vector<16xf32>
        %parallel_loop3A_1740 = arith.mulf %parallel_loop3A_1737, %parallel_loop3A_1739 : vector<16xf32>
        %parallel_loop3A_1741 = arith.addf %parallel_loop3A_1740, %parallel_loop3A_1680 : vector<16xf32>
        %parallel_loop3A_1742 = arith.constant 24 : i32
        %parallel_loop3A_1743 = arith.addi %parallel_loop3A_1742, %scan3A_1671 : i32
        %parallel_loop3A_1744 = arith.index_cast %parallel_loop3A_1743 : i32 to index
        %parallel_loop3A_1745 = arith.index_cast %parallel_loop3A_1676 : i32 to index
        %parallel_loop3A_1746 = tpu.vector_load %arg11[%parallel_loop3A_1744, %parallel_loop3A_1745] {strides = array<i32>} : memref<32x1024xf32, #tpu.memory_space<vmem>>, vector<1x16xf32>,
        %parallel_loop3A_1747 = vector.shape_cast %parallel_loop3A_1746 : vector<1x16xf32> to vector<16xf32>
        %parallel_loop3A_1748 = vector.shape_cast %parallel_loop3A_1741 : vector<16xf32> to vector<1x16xf32>
        tpu.vector_store %arg11[%parallel_loop3A_1744, %parallel_loop3A_1745], %parallel_loop3A_1748 {strides = array<i32>} : memref<32x1024xf32, #tpu.memory_space<vmem>>, vector<1x16xf32>,
      } {sc.loop_unroll_factor = 4 : i64, sc.parallel_access}
    }
    %scan3A_1454 = arith.constant 8 : i32
    %add3A_1455 = arith.constant 56 : i32
    %add3A_1456 = arith.addi %mul3A_2, %add3A_1455 : i32
    %dma_start3A_1457 = arith.constant 0 : i32
    %dma_start3A_1458 = arith.constant 0 : i32
    %dma_start3A_1459 = arith.constant 0 : i32
    %dma_start3A_1460 = tpu.memref_slice %arg11[%dma_start3A_1458, %dma_start3A_1459] : memref<32x1024xf32, #tpu.memory_space<vmem>> -> memref<8x1024xf32, #tpu.memory_space<vmem>>
    %dma_start3A_1461 = arith.constant 0 : i32
    %dma_start3A_1462 = tpu.memref_slice %arg5[%dma_start3A_1457, %add3A_1456, %dma_start3A_1461] : memref<4x2048x1024xf32, #tpu.memory_space<hbm>> -> memref<1x8x1024xf32, #tpu.memory_space<hbm>>
    %dma_start3A_1463 = tpu.memref_squeeze %dma_start3A_1462 : memref<1x8x1024xf32, #tpu.memory_space<hbm>> -> memref<8x1024xf32, #tpu.memory_space<hbm>>
    %dma_start3A_1464 = arith.constant 0 : i32
    %dma_start3A_1465 = tpu.memref_slice %arg5[%dma_start3A_1457, %add3A_1456, %dma_start3A_1464] : memref<4x2048x1024xf32, #tpu.memory_space<hbm>> -> memref<1x8x1024xf32, #tpu.memory_space<hbm>>
    %dma_start3A_1466 = tpu.memref_squeeze %dma_start3A_1465 : memref<1x8x1024xf32, #tpu.memory_space<hbm>> -> memref<8x1024xf32, #tpu.memory_space<hbm>>
    %dma_start3A_1467 = arith.constant 0 : i32
    %dma_start3A_1468 = arith.constant 0 : i32
    %dma_start3A_1469 = tpu.memref_slice %arg11[%dma_start3A_1467, %dma_start3A_1468] : memref<32x1024xf32, #tpu.memory_space<vmem>> -> memref<8x1024xf32, #tpu.memory_space<vmem>>
    tpu.enqueue_dma source(%dma_start3A_1469 : memref<8x1024xf32, #tpu.memory_space<vmem>>) target(%dma_start3A_1466 : memref<8x1024xf32, #tpu.memory_space<hbm>>) target_semaphore(%arg20 : memref<!tpu.dma_semaphore, #tpu.memory_space<semaphore_mem>>)
    %add3A_1470 = arith.constant 56 : i32
    %add3A_1471 = arith.addi %mul3A_2, %add3A_1470 : i32
    %dma_start3A_1472 = arith.constant 1 : i32
    %dma_start3A_1473 = arith.constant 8 : i32
    %dma_start3A_1474 = arith.constant 0 : i32
    %dma_start3A_1475 = tpu.memref_slice %arg11[%dma_start3A_1473, %dma_start3A_1474] : memref<32x1024xf32, #tpu.memory_space<vmem>> -> memref<8x1024xf32, #tpu.memory_space<vmem>>
    %dma_start3A_1476 = arith.constant 0 : i32
    %dma_start3A_1477 = tpu.memref_slice %arg5[%dma_start3A_1472, %add3A_1471, %dma_start3A_1476] : memref<4x2048x1024xf32, #tpu.memory_space<hbm>> -> memref<1x8x1024xf32, #tpu.memory_space<hbm>>
    %dma_start3A_1478 = tpu.memref_squeeze %dma_start3A_1477 : memref<1x8x1024xf32, #tpu.memory_space<hbm>> -> memref<8x1024xf32, #tpu.memory_space<hbm>>
    %dma_start3A_1479 = arith.constant 0 : i32
    %dma_start3A_1480 = tpu.memref_slice %arg5[%dma_start3A_1472, %add3A_1471, %dma_start3A_1479] : memref<4x2048x1024xf32, #tpu.memory_space<hbm>> -> memref<1x8x1024xf32, #tpu.memory_space<hbm>>
    %dma_start3A_1481 = tpu.memref_squeeze %dma_start3A_1480 : memref<1x8x1024xf32, #tpu.memory_space<hbm>> -> memref<8x1024xf32, #tpu.memory_space<hbm>>
    %dma_start3A_1482 = arith.constant 8 : i32
    %dma_start3A_1483 = arith.constant 0 : i32
    %dma_start3A_1484 = tpu.memref_slice %arg11[%dma_start3A_1482, %dma_start3A_1483] : memref<32x1024xf32, #tpu.memory_space<vmem>> -> memref<8x1024xf32, #tpu.memory_space<vmem>>
    tpu.enqueue_dma source(%dma_start3A_1484 : memref<8x1024xf32, #tpu.memory_space<vmem>>) target(%dma_start3A_1481 : memref<8x1024xf32, #tpu.memory_space<hbm>>) target_semaphore(%arg20 : memref<!tpu.dma_semaphore, #tpu.memory_space<semaphore_mem>>)
    %add3A_1485 = arith.constant 56 : i32
    %add3A_1486 = arith.addi %mul3A_2, %add3A_1485 : i32
    %dma_start3A_1487 = arith.constant 2 : i32
    %dma_start3A_1488 = arith.constant 16 : i32
    %dma_start3A_1489 = arith.constant 0 : i32
    %dma_start3A_1490 = tpu.memref_slice %arg11[%dma_start3A_1488, %dma_start3A_1489] : memref<32x1024xf32, #tpu.memory_space<vmem>> -> memref<8x1024xf32, #tpu.memory_space<vmem>>
    %dma_start3A_1491 = arith.constant 0 : i32
    %dma_start3A_1492 = tpu.memref_slice %arg5[%dma_start3A_1487, %add3A_1486, %dma_start3A_1491] : memref<4x2048x1024xf32, #tpu.memory_space<hbm>> -> memref<1x8x1024xf32, #tpu.memory_space<hbm>>
    %dma_start3A_1493 = tpu.memref_squeeze %dma_start3A_1492 : memref<1x8x1024xf32, #tpu.memory_space<hbm>> -> memref<8x1024xf32, #tpu.memory_space<hbm>>
    %dma_start3A_1494 = arith.constant 0 : i32
    %dma_start3A_1495 = tpu.memref_slice %arg5[%dma_start3A_1487, %add3A_1486, %dma_start3A_1494] : memref<4x2048x1024xf32, #tpu.memory_space<hbm>> -> memref<1x8x1024xf32, #tpu.memory_space<hbm>>
    %dma_start3A_1496 = tpu.memref_squeeze %dma_start3A_1495 : memref<1x8x1024xf32, #tpu.memory_space<hbm>> -> memref<8x1024xf32, #tpu.memory_space<hbm>>
    %dma_start3A_1497 = arith.constant 16 : i32
    %dma_start3A_1498 = arith.constant 0 : i32
    %dma_start3A_1499 = tpu.memref_slice %arg11[%dma_start3A_1497, %dma_start3A_1498] : memref<32x1024xf32, #tpu.memory_space<vmem>> -> memref<8x1024xf32, #tpu.memory_space<vmem>>
    tpu.enqueue_dma source(%dma_start3A_1499 : memref<8x1024xf32, #tpu.memory_space<vmem>>) target(%dma_start3A_1496 : memref<8x1024xf32, #tpu.memory_space<hbm>>) target_semaphore(%arg20 : memref<!tpu.dma_semaphore, #tpu.memory_space<semaphore_mem>>)
    %add3A_1500 = arith.constant 56 : i32
    %add3A_1501 = arith.addi %mul3A_2, %add3A_1500 : i32
    %dma_start3A_1502 = arith.constant 3 : i32
    %dma_start3A_1503 = arith.constant 24 : i32
    %dma_start3A_1504 = arith.constant 0 : i32
    %dma_start3A_1505 = tpu.memref_slice %arg11[%dma_start3A_1503, %dma_start3A_1504] : memref<32x1024xf32, #tpu.memory_space<vmem>> -> memref<8x1024xf32, #tpu.memory_space<vmem>>
    %dma_start3A_1506 = arith.constant 0 : i32
    %dma_start3A_1507 = tpu.memref_slice %arg5[%dma_start3A_1502, %add3A_1501, %dma_start3A_1506] : memref<4x2048x1024xf32, #tpu.memory_space<hbm>> -> memref<1x8x1024xf32, #tpu.memory_space<hbm>>
    %dma_start3A_1508 = tpu.memref_squeeze %dma_start3A_1507 : memref<1x8x1024xf32, #tpu.memory_space<hbm>> -> memref<8x1024xf32, #tpu.memory_space<hbm>>
    %dma_start3A_1509 = arith.constant 0 : i32
    %dma_start3A_1510 = tpu.memref_slice %arg5[%dma_start3A_1502, %add3A_1501, %dma_start3A_1509] : memref<4x2048x1024xf32, #tpu.memory_space<hbm>> -> memref<1x8x1024xf32, #tpu.memory_space<hbm>>
    %dma_start3A_1511 = tpu.memref_squeeze %dma_start3A_1510 : memref<1x8x1024xf32, #tpu.memory_space<hbm>> -> memref<8x1024xf32, #tpu.memory_space<hbm>>
    %dma_start3A_1512 = arith.constant 24 : i32
    %dma_start3A_1513 = arith.constant 0 : i32
    %dma_start3A_1514 = tpu.memref_slice %arg11[%dma_start3A_1512, %dma_start3A_1513] : memref<32x1024xf32, #tpu.memory_space<vmem>> -> memref<8x1024xf32, #tpu.memory_space<vmem>>
    tpu.enqueue_dma source(%dma_start3A_1514 : memref<8x1024xf32, #tpu.memory_space<vmem>>) target(%dma_start3A_1511 : memref<8x1024xf32, #tpu.memory_space<hbm>>) target_semaphore(%arg20 : memref<!tpu.dma_semaphore, #tpu.memory_space<semaphore_mem>>)
    %dma_wait3A_1515 = arith.constant 0 : i32
    %dma_wait3A_1516 = arith.constant 0 : i32
    %dma_wait3A_1517 = arith.constant 0 : i32
    %dma_wait3A_1518 = tpu.memref_slice %arg10[%dma_wait3A_1516, %dma_wait3A_1517] : memref<32x1024xf32, #tpu.memory_space<vmem>> -> memref<8x1024xf32, #tpu.memory_space<vmem>>
    %dma_wait3A_1519 = arith.constant 0 : i32
    %dma_wait3A_1520 = tpu.memref_slice %arg5[%dma_wait3A_1515, %add3A_1346, %dma_wait3A_1519] : memref<4x2048x1024xf32, #tpu.memory_space<hbm>> -> memref<1x8x1024xf32, #tpu.memory_space<hbm>>
    %dma_wait3A_1521 = tpu.memref_squeeze %dma_wait3A_1520 : memref<1x8x1024xf32, #tpu.memory_space<hbm>> -> memref<8x1024xf32, #tpu.memory_space<hbm>>
    %dma_wait3A_1522 = arith.constant 0 : i32
    %dma_wait3A_1523 = tpu.memref_slice %arg5[%dma_wait3A_1515, %add3A_1346, %dma_wait3A_1522] : memref<4x2048x1024xf32, #tpu.memory_space<hbm>> -> memref<1x8x1024xf32, #tpu.memory_space<hbm>>
    %dma_wait3A_1524 = tpu.memref_squeeze %dma_wait3A_1523 : memref<1x8x1024xf32, #tpu.memory_space<hbm>> -> memref<8x1024xf32, #tpu.memory_space<hbm>>
    %dma_wait3A_1525 = arith.constant 0 : i32
    %dma_wait3A_1526 = arith.constant 0 : i32
    %dma_wait3A_1527 = tpu.memref_slice %arg10[%dma_wait3A_1525, %dma_wait3A_1526] : memref<32x1024xf32, #tpu.memory_space<vmem>> -> memref<8x1024xf32, #tpu.memory_space<vmem>>
    tpu.wait_dma2 semaphore(%arg19 : memref<!tpu.dma_semaphore, #tpu.memory_space<semaphore_mem>>) src(%dma_wait3A_1527 : memref<8x1024xf32, #tpu.memory_space<vmem>>) dst(%dma_wait3A_1524 : memref<8x1024xf32, #tpu.memory_space<hbm>>)
    %dma_wait3A_1528 = arith.constant 1 : i32
    %dma_wait3A_1529 = arith.constant 8 : i32
    %dma_wait3A_1530 = arith.constant 0 : i32
    %dma_wait3A_1531 = tpu.memref_slice %arg10[%dma_wait3A_1529, %dma_wait3A_1530] : memref<32x1024xf32, #tpu.memory_space<vmem>> -> memref<8x1024xf32, #tpu.memory_space<vmem>>
    %dma_wait3A_1532 = arith.constant 0 : i32
    %dma_wait3A_1533 = tpu.memref_slice %arg5[%dma_wait3A_1528, %add3A_1361, %dma_wait3A_1532] : memref<4x2048x1024xf32, #tpu.memory_space<hbm>> -> memref<1x8x1024xf32, #tpu.memory_space<hbm>>
    %dma_wait3A_1534 = tpu.memref_squeeze %dma_wait3A_1533 : memref<1x8x1024xf32, #tpu.memory_space<hbm>> -> memref<8x1024xf32, #tpu.memory_space<hbm>>
    %dma_wait3A_1535 = arith.constant 0 : i32
    %dma_wait3A_1536 = tpu.memref_slice %arg5[%dma_wait3A_1528, %add3A_1361, %dma_wait3A_1535] : memref<4x2048x1024xf32, #tpu.memory_space<hbm>> -> memref<1x8x1024xf32, #tpu.memory_space<hbm>>
    %dma_wait3A_1537 = tpu.memref_squeeze %dma_wait3A_1536 : memref<1x8x1024xf32, #tpu.memory_space<hbm>> -> memref<8x1024xf32, #tpu.memory_space<hbm>>
    %dma_wait3A_1538 = arith.constant 8 : i32
    %dma_wait3A_1539 = arith.constant 0 : i32
    %dma_wait3A_1540 = tpu.memref_slice %arg10[%dma_wait3A_1538, %dma_wait3A_1539] : memref<32x1024xf32, #tpu.memory_space<vmem>> -> memref<8x1024xf32, #tpu.memory_space<vmem>>
    tpu.wait_dma2 semaphore(%arg19 : memref<!tpu.dma_semaphore, #tpu.memory_space<semaphore_mem>>) src(%dma_wait3A_1540 : memref<8x1024xf32, #tpu.memory_space<vmem>>) dst(%dma_wait3A_1537 : memref<8x1024xf32, #tpu.memory_space<hbm>>)
    %dma_wait3A_1541 = arith.constant 2 : i32
    %dma_wait3A_1542 = arith.constant 16 : i32
    %dma_wait3A_1543 = arith.constant 0 : i32
    %dma_wait3A_1544 = tpu.memref_slice %arg10[%dma_wait3A_1542, %dma_wait3A_1543] : memref<32x1024xf32, #tpu.memory_space<vmem>> -> memref<8x1024xf32, #tpu.memory_space<vmem>>
    %dma_wait3A_1545 = arith.constant 0 : i32
    %dma_wait3A_1546 = tpu.memref_slice %arg5[%dma_wait3A_1541, %add3A_1376, %dma_wait3A_1545] : memref<4x2048x1024xf32, #tpu.memory_space<hbm>> -> memref<1x8x1024xf32, #tpu.memory_space<hbm>>
    %dma_wait3A_1547 = tpu.memref_squeeze %dma_wait3A_1546 : memref<1x8x1024xf32, #tpu.memory_space<hbm>> -> memref<8x1024xf32, #tpu.memory_space<hbm>>
    %dma_wait3A_1548 = arith.constant 0 : i32
    %dma_wait3A_1549 = tpu.memref_slice %arg5[%dma_wait3A_1541, %add3A_1376, %dma_wait3A_1548] : memref<4x2048x1024xf32, #tpu.memory_space<hbm>> -> memref<1x8x1024xf32, #tpu.memory_space<hbm>>
    %dma_wait3A_1550 = tpu.memref_squeeze %dma_wait3A_1549 : memref<1x8x1024xf32, #tpu.memory_space<hbm>> -> memref<8x1024xf32, #tpu.memory_space<hbm>>
    %dma_wait3A_1551 = arith.constant 16 : i32
    %dma_wait3A_1552 = arith.constant 0 : i32
    %dma_wait3A_1553 = tpu.memref_slice %arg10[%dma_wait3A_1551, %dma_wait3A_1552] : memref<32x1024xf32, #tpu.memory_space<vmem>> -> memref<8x1024xf32, #tpu.memory_space<vmem>>
    tpu.wait_dma2 semaphore(%arg19 : memref<!tpu.dma_semaphore, #tpu.memory_space<semaphore_mem>>) src(%dma_wait3A_1553 : memref<8x1024xf32, #tpu.memory_space<vmem>>) dst(%dma_wait3A_1550 : memref<8x1024xf32, #tpu.memory_space<hbm>>)
    %dma_wait3A_1554 = arith.constant 3 : i32
    %dma_wait3A_1555 = arith.constant 24 : i32
    %dma_wait3A_1556 = arith.constant 0 : i32
    %dma_wait3A_1557 = tpu.memref_slice %arg10[%dma_wait3A_1555, %dma_wait3A_1556] : memref<32x1024xf32, #tpu.memory_space<vmem>> -> memref<8x1024xf32, #tpu.memory_space<vmem>>
    %dma_wait3A_1558 = arith.constant 0 : i32
    %dma_wait3A_1559 = tpu.memref_slice %arg5[%dma_wait3A_1554, %add3A_1391, %dma_wait3A_1558] : memref<4x2048x1024xf32, #tpu.memory_space<hbm>> -> memref<1x8x1024xf32, #tpu.memory_space<hbm>>
    %dma_wait3A_1560 = tpu.memref_squeeze %dma_wait3A_1559 : memref<1x8x1024xf32, #tpu.memory_space<hbm>> -> memref<8x1024xf32, #tpu.memory_space<hbm>>
    %dma_wait3A_1561 = arith.constant 0 : i32
    %dma_wait3A_1562 = tpu.memref_slice %arg5[%dma_wait3A_1554, %add3A_1391, %dma_wait3A_1561] : memref<4x2048x1024xf32, #tpu.memory_space<hbm>> -> memref<1x8x1024xf32, #tpu.memory_space<hbm>>
    %dma_wait3A_1563 = tpu.memref_squeeze %dma_wait3A_1562 : memref<1x8x1024xf32, #tpu.memory_space<hbm>> -> memref<8x1024xf32, #tpu.memory_space<hbm>>
    %dma_wait3A_1564 = arith.constant 24 : i32
    %dma_wait3A_1565 = arith.constant 0 : i32
    %dma_wait3A_1566 = tpu.memref_slice %arg10[%dma_wait3A_1564, %dma_wait3A_1565] : memref<32x1024xf32, #tpu.memory_space<vmem>> -> memref<8x1024xf32, #tpu.memory_space<vmem>>
    tpu.wait_dma2 semaphore(%arg19 : memref<!tpu.dma_semaphore, #tpu.memory_space<semaphore_mem>>) src(%dma_wait3A_1566 : memref<8x1024xf32, #tpu.memory_space<vmem>>) dst(%dma_wait3A_1563 : memref<8x1024xf32, #tpu.memory_space<hbm>>)
    %dma_wait3A_1567 = arith.constant 0 : i32
    %dma_wait3A_1568 = arith.constant 0 : i32
    %dma_wait3A_1569 = arith.constant 0 : i32
    %dma_wait3A_1570 = tpu.memref_slice %arg11[%dma_wait3A_1568, %dma_wait3A_1569] : memref<32x1024xf32, #tpu.memory_space<vmem>> -> memref<8x1024xf32, #tpu.memory_space<vmem>>
    %dma_wait3A_1571 = arith.constant 0 : i32
    %dma_wait3A_1572 = tpu.memref_slice %arg5[%dma_wait3A_1567, %add3A_1456, %dma_wait3A_1571] : memref<4x2048x1024xf32, #tpu.memory_space<hbm>> -> memref<1x8x1024xf32, #tpu.memory_space<hbm>>
    %dma_wait3A_1573 = tpu.memref_squeeze %dma_wait3A_1572 : memref<1x8x1024xf32, #tpu.memory_space<hbm>> -> memref<8x1024xf32, #tpu.memory_space<hbm>>
    %dma_wait3A_1574 = arith.constant 0 : i32
    %dma_wait3A_1575 = tpu.memref_slice %arg5[%dma_wait3A_1567, %add3A_1456, %dma_wait3A_1574] : memref<4x2048x1024xf32, #tpu.memory_space<hbm>> -> memref<1x8x1024xf32, #tpu.memory_space<hbm>>
    %dma_wait3A_1576 = tpu.memref_squeeze %dma_wait3A_1575 : memref<1x8x1024xf32, #tpu.memory_space<hbm>> -> memref<8x1024xf32, #tpu.memory_space<hbm>>
    %dma_wait3A_1577 = arith.constant 0 : i32
    %dma_wait3A_1578 = arith.constant 0 : i32
    %dma_wait3A_1579 = tpu.memref_slice %arg11[%dma_wait3A_1577, %dma_wait3A_1578] : memref<32x1024xf32, #tpu.memory_space<vmem>> -> memref<8x1024xf32, #tpu.memory_space<vmem>>
    tpu.wait_dma2 semaphore(%arg20 : memref<!tpu.dma_semaphore, #tpu.memory_space<semaphore_mem>>) src(%dma_wait3A_1579 : memref<8x1024xf32, #tpu.memory_space<vmem>>) dst(%dma_wait3A_1576 : memref<8x1024xf32, #tpu.memory_space<hbm>>)
    %dma_wait3A_1580 = arith.constant 1 : i32
    %dma_wait3A_1581 = arith.constant 8 : i32
    %dma_wait3A_1582 = arith.constant 0 : i32
    %dma_wait3A_1583 = tpu.memref_slice %arg11[%dma_wait3A_1581, %dma_wait3A_1582] : memref<32x1024xf32, #tpu.memory_space<vmem>> -> memref<8x1024xf32, #tpu.memory_space<vmem>>
    %dma_wait3A_1584 = arith.constant 0 : i32
    %dma_wait3A_1585 = tpu.memref_slice %arg5[%dma_wait3A_1580, %add3A_1471, %dma_wait3A_1584] : memref<4x2048x1024xf32, #tpu.memory_space<hbm>> -> memref<1x8x1024xf32, #tpu.memory_space<hbm>>
    %dma_wait3A_1586 = tpu.memref_squeeze %dma_wait3A_1585 : memref<1x8x1024xf32, #tpu.memory_space<hbm>> -> memref<8x1024xf32, #tpu.memory_space<hbm>>
    %dma_wait3A_1587 = arith.constant 0 : i32
    %dma_wait3A_1588 = tpu.memref_slice %arg5[%dma_wait3A_1580, %add3A_1471, %dma_wait3A_1587] : memref<4x2048x1024xf32, #tpu.memory_space<hbm>> -> memref<1x8x1024xf32, #tpu.memory_space<hbm>>
    %dma_wait3A_1589 = tpu.memref_squeeze %dma_wait3A_1588 : memref<1x8x1024xf32, #tpu.memory_space<hbm>> -> memref<8x1024xf32, #tpu.memory_space<hbm>>
    %dma_wait3A_1590 = arith.constant 8 : i32
    %dma_wait3A_1591 = arith.constant 0 : i32
    %dma_wait3A_1592 = tpu.memref_slice %arg11[%dma_wait3A_1590, %dma_wait3A_1591] : memref<32x1024xf32, #tpu.memory_space<vmem>> -> memref<8x1024xf32, #tpu.memory_space<vmem>>
    tpu.wait_dma2 semaphore(%arg20 : memref<!tpu.dma_semaphore, #tpu.memory_space<semaphore_mem>>) src(%dma_wait3A_1592 : memref<8x1024xf32, #tpu.memory_space<vmem>>) dst(%dma_wait3A_1589 : memref<8x1024xf32, #tpu.memory_space<hbm>>)
    %dma_wait3A_1593 = arith.constant 2 : i32
    %dma_wait3A_1594 = arith.constant 16 : i32
    %dma_wait3A_1595 = arith.constant 0 : i32
    %dma_wait3A_1596 = tpu.memref_slice %arg11[%dma_wait3A_1594, %dma_wait3A_1595] : memref<32x1024xf32, #tpu.memory_space<vmem>> -> memref<8x1024xf32, #tpu.memory_space<vmem>>
    %dma_wait3A_1597 = arith.constant 0 : i32
    %dma_wait3A_1598 = tpu.memref_slice %arg5[%dma_wait3A_1593, %add3A_1486, %dma_wait3A_1597] : memref<4x2048x1024xf32, #tpu.memory_space<hbm>> -> memref<1x8x1024xf32, #tpu.memory_space<hbm>>
    %dma_wait3A_1599 = tpu.memref_squeeze %dma_wait3A_1598 : memref<1x8x1024xf32, #tpu.memory_space<hbm>> -> memref<8x1024xf32, #tpu.memory_space<hbm>>
    %dma_wait3A_1600 = arith.constant 0 : i32
    %dma_wait3A_1601 = tpu.memref_slice %arg5[%dma_wait3A_1593, %add3A_1486, %dma_wait3A_1600] : memref<4x2048x1024xf32, #tpu.memory_space<hbm>> -> memref<1x8x1024xf32, #tpu.memory_space<hbm>>
    %dma_wait3A_1602 = tpu.memref_squeeze %dma_wait3A_1601 : memref<1x8x1024xf32, #tpu.memory_space<hbm>> -> memref<8x1024xf32, #tpu.memory_space<hbm>>
    %dma_wait3A_1603 = arith.constant 16 : i32
    %dma_wait3A_1604 = arith.constant 0 : i32
    %dma_wait3A_1605 = tpu.memref_slice %arg11[%dma_wait3A_1603, %dma_wait3A_1604] : memref<32x1024xf32, #tpu.memory_space<vmem>> -> memref<8x1024xf32, #tpu.memory_space<vmem>>
    tpu.wait_dma2 semaphore(%arg20 : memref<!tpu.dma_semaphore, #tpu.memory_space<semaphore_mem>>) src(%dma_wait3A_1605 : memref<8x1024xf32, #tpu.memory_space<vmem>>) dst(%dma_wait3A_1602 : memref<8x1024xf32, #tpu.memory_space<hbm>>)
    %dma_wait3A_1606 = arith.constant 3 : i32
    %dma_wait3A_1607 = arith.constant 24 : i32
    %dma_wait3A_1608 = arith.constant 0 : i32
    %dma_wait3A_1609 = tpu.memref_slice %arg11[%dma_wait3A_1607, %dma_wait3A_1608] : memref<32x1024xf32, #tpu.memory_space<vmem>> -> memref<8x1024xf32, #tpu.memory_space<vmem>>
    %dma_wait3A_1610 = arith.constant 0 : i32
    %dma_wait3A_1611 = tpu.memref_slice %arg5[%dma_wait3A_1606, %add3A_1501, %dma_wait3A_1610] : memref<4x2048x1024xf32, #tpu.memory_space<hbm>> -> memref<1x8x1024xf32, #tpu.memory_space<hbm>>
    %dma_wait3A_1612 = tpu.memref_squeeze %dma_wait3A_1611 : memref<1x8x1024xf32, #tpu.memory_space<hbm>> -> memref<8x1024xf32, #tpu.memory_space<hbm>>
    %dma_wait3A_1613 = arith.constant 0 : i32
    %dma_wait3A_1614 = tpu.memref_slice %arg5[%dma_wait3A_1606, %add3A_1501, %dma_wait3A_1613] : memref<4x2048x1024xf32, #tpu.memory_space<hbm>> -> memref<1x8x1024xf32, #tpu.memory_space<hbm>>
    %dma_wait3A_1615 = tpu.memref_squeeze %dma_wait3A_1614 : memref<1x8x1024xf32, #tpu.memory_space<hbm>> -> memref<8x1024xf32, #tpu.memory_space<hbm>>
    %dma_wait3A_1616 = arith.constant 24 : i32
    %dma_wait3A_1617 = arith.constant 0 : i32
    %dma_wait3A_1618 = tpu.memref_slice %arg11[%dma_wait3A_1616, %dma_wait3A_1617] : memref<32x1024xf32, #tpu.memory_space<vmem>> -> memref<8x1024xf32, #tpu.memory_space<vmem>>
    tpu.wait_dma2 semaphore(%arg20 : memref<!tpu.dma_semaphore, #tpu.memory_space<semaphore_mem>>) src(%dma_wait3A_1618 : memref<8x1024xf32, #tpu.memory_space<vmem>>) dst(%dma_wait3A_1615 : memref<8x1024xf32, #tpu.memory_space<hbm>>)
    %dma_wait3A_1619 = arith.constant 0 : i32
    %dma_wait3A_1620 = arith.constant 0 : i32
    %dma_wait3A_1621 = arith.constant 0 : i32
    %dma_wait3A_1622 = tpu.memref_slice %arg12[%dma_wait3A_1620, %dma_wait3A_1621] : memref<32x1024xf32, #tpu.memory_space<vmem>> -> memref<8x1024xf32, #tpu.memory_space<vmem>>
    %dma_wait3A_1623 = arith.constant 0 : i32
    %dma_wait3A_1624 = tpu.memref_slice %arg5[%dma_wait3A_1619, %add3A_1236, %dma_wait3A_1623] : memref<4x2048x1024xf32, #tpu.memory_space<hbm>> -> memref<1x8x1024xf32, #tpu.memory_space<hbm>>
    %dma_wait3A_1625 = tpu.memref_squeeze %dma_wait3A_1624 : memref<1x8x1024xf32, #tpu.memory_space<hbm>> -> memref<8x1024xf32, #tpu.memory_space<hbm>>
    %dma_wait3A_1626 = arith.constant 0 : i32
    %dma_wait3A_1627 = tpu.memref_slice %arg5[%dma_wait3A_1619, %add3A_1236, %dma_wait3A_1626] : memref<4x2048x1024xf32, #tpu.memory_space<hbm>> -> memref<1x8x1024xf32, #tpu.memory_space<hbm>>
    %dma_wait3A_1628 = tpu.memref_squeeze %dma_wait3A_1627 : memref<1x8x1024xf32, #tpu.memory_space<hbm>> -> memref<8x1024xf32, #tpu.memory_space<hbm>>
    %dma_wait3A_1629 = arith.constant 0 : i32
    %dma_wait3A_1630 = arith.constant 0 : i32
    %dma_wait3A_1631 = tpu.memref_slice %arg12[%dma_wait3A_1629, %dma_wait3A_1630] : memref<32x1024xf32, #tpu.memory_space<vmem>> -> memref<8x1024xf32, #tpu.memory_space<vmem>>
    tpu.wait_dma2 semaphore(%arg21 : memref<!tpu.dma_semaphore, #tpu.memory_space<semaphore_mem>>) src(%dma_wait3A_1631 : memref<8x1024xf32, #tpu.memory_space<vmem>>) dst(%dma_wait3A_1628 : memref<8x1024xf32, #tpu.memory_space<hbm>>)
    %dma_wait3A_1632 = arith.constant 1 : i32
    %dma_wait3A_1633 = arith.constant 8 : i32
    %dma_wait3A_1634 = arith.constant 0 : i32
    %dma_wait3A_1635 = tpu.memref_slice %arg12[%dma_wait3A_1633, %dma_wait3A_1634] : memref<32x1024xf32, #tpu.memory_space<vmem>> -> memref<8x1024xf32, #tpu.memory_space<vmem>>
    %dma_wait3A_1636 = arith.constant 0 : i32
    %dma_wait3A_1637 = tpu.memref_slice %arg5[%dma_wait3A_1632, %add3A_1251, %dma_wait3A_1636] : memref<4x2048x1024xf32, #tpu.memory_space<hbm>> -> memref<1x8x1024xf32, #tpu.memory_space<hbm>>
    %dma_wait3A_1638 = tpu.memref_squeeze %dma_wait3A_1637 : memref<1x8x1024xf32, #tpu.memory_space<hbm>> -> memref<8x1024xf32, #tpu.memory_space<hbm>>
    %dma_wait3A_1639 = arith.constant 0 : i32
    %dma_wait3A_1640 = tpu.memref_slice %arg5[%dma_wait3A_1632, %add3A_1251, %dma_wait3A_1639] : memref<4x2048x1024xf32, #tpu.memory_space<hbm>> -> memref<1x8x1024xf32, #tpu.memory_space<hbm>>
    %dma_wait3A_1641 = tpu.memref_squeeze %dma_wait3A_1640 : memref<1x8x1024xf32, #tpu.memory_space<hbm>> -> memref<8x1024xf32, #tpu.memory_space<hbm>>
    %dma_wait3A_1642 = arith.constant 8 : i32
    %dma_wait3A_1643 = arith.constant 0 : i32
    %dma_wait3A_1644 = tpu.memref_slice %arg12[%dma_wait3A_1642, %dma_wait3A_1643] : memref<32x1024xf32, #tpu.memory_space<vmem>> -> memref<8x1024xf32, #tpu.memory_space<vmem>>
    tpu.wait_dma2 semaphore(%arg21 : memref<!tpu.dma_semaphore, #tpu.memory_space<semaphore_mem>>) src(%dma_wait3A_1644 : memref<8x1024xf32, #tpu.memory_space<vmem>>) dst(%dma_wait3A_1641 : memref<8x1024xf32, #tpu.memory_space<hbm>>)
    %dma_wait3A_1645 = arith.constant 2 : i32
    %dma_wait3A_1646 = arith.constant 16 : i32
    %dma_wait3A_1647 = arith.constant 0 : i32
    %dma_wait3A_1648 = tpu.memref_slice %arg12[%dma_wait3A_1646, %dma_wait3A_1647] : memref<32x1024xf32, #tpu.memory_space<vmem>> -> memref<8x1024xf32, #tpu.memory_space<vmem>>
    %dma_wait3A_1649 = arith.constant 0 : i32
    %dma_wait3A_1650 = tpu.memref_slice %arg5[%dma_wait3A_1645, %add3A_1266, %dma_wait3A_1649] : memref<4x2048x1024xf32, #tpu.memory_space<hbm>> -> memref<1x8x1024xf32, #tpu.memory_space<hbm>>
    %dma_wait3A_1651 = tpu.memref_squeeze %dma_wait3A_1650 : memref<1x8x1024xf32, #tpu.memory_space<hbm>> -> memref<8x1024xf32, #tpu.memory_space<hbm>>
    %dma_wait3A_1652 = arith.constant 0 : i32
    %dma_wait3A_1653 = tpu.memref_slice %arg5[%dma_wait3A_1645, %add3A_1266, %dma_wait3A_1652] : memref<4x2048x1024xf32, #tpu.memory_space<hbm>> -> memref<1x8x1024xf32, #tpu.memory_space<hbm>>
    %dma_wait3A_1654 = tpu.memref_squeeze %dma_wait3A_1653 : memref<1x8x1024xf32, #tpu.memory_space<hbm>> -> memref<8x1024xf32, #tpu.memory_space<hbm>>
    %dma_wait3A_1655 = arith.constant 16 : i32
    %dma_wait3A_1656 = arith.constant 0 : i32
    %dma_wait3A_1657 = tpu.memref_slice %arg12[%dma_wait3A_1655, %dma_wait3A_1656] : memref<32x1024xf32, #tpu.memory_space<vmem>> -> memref<8x1024xf32, #tpu.memory_space<vmem>>
    tpu.wait_dma2 semaphore(%arg21 : memref<!tpu.dma_semaphore, #tpu.memory_space<semaphore_mem>>) src(%dma_wait3A_1657 : memref<8x1024xf32, #tpu.memory_space<vmem>>) dst(%dma_wait3A_1654 : memref<8x1024xf32, #tpu.memory_space<hbm>>)
    %dma_wait3A_1658 = arith.constant 3 : i32
    %dma_wait3A_1659 = arith.constant 24 : i32
    %dma_wait3A_1660 = arith.constant 0 : i32
    %dma_wait3A_1661 = tpu.memref_slice %arg12[%dma_wait3A_1659, %dma_wait3A_1660] : memref<32x1024xf32, #tpu.memory_space<vmem>> -> memref<8x1024xf32, #tpu.memory_space<vmem>>
    %dma_wait3A_1662 = arith.constant 0 : i32
    %dma_wait3A_1663 = tpu.memref_slice %arg5[%dma_wait3A_1658, %add3A_1281, %dma_wait3A_1662] : memref<4x2048x1024xf32, #tpu.memory_space<hbm>> -> memref<1x8x1024xf32, #tpu.memory_space<hbm>>
    %dma_wait3A_1664 = tpu.memref_squeeze %dma_wait3A_1663 : memref<1x8x1024xf32, #tpu.memory_space<hbm>> -> memref<8x1024xf32, #tpu.memory_space<hbm>>
    %dma_wait3A_1665 = arith.constant 0 : i32
    %dma_wait3A_1666 = tpu.memref_slice %arg5[%dma_wait3A_1658, %add3A_1281, %dma_wait3A_1665] : memref<4x2048x1024xf32, #tpu.memory_space<hbm>> -> memref<1x8x1024xf32, #tpu.memory_space<hbm>>
    %dma_wait3A_1667 = tpu.memref_squeeze %dma_wait3A_1666 : memref<1x8x1024xf32, #tpu.memory_space<hbm>> -> memref<8x1024xf32, #tpu.memory_space<hbm>>
    %dma_wait3A_1668 = arith.constant 24 : i32
    %dma_wait3A_1669 = arith.constant 0 : i32
    %dma_wait3A_1670 = tpu.memref_slice %arg12[%dma_wait3A_1668, %dma_wait3A_1669] : memref<32x1024xf32, #tpu.memory_space<vmem>> -> memref<8x1024xf32, #tpu.memory_space<vmem>>
    tpu.wait_dma2 semaphore(%arg21 : memref<!tpu.dma_semaphore, #tpu.memory_space<semaphore_mem>>) src(%dma_wait3A_1670 : memref<8x1024xf32, #tpu.memory_space<vmem>>) dst(%dma_wait3A_1667 : memref<8x1024xf32, #tpu.memory_space<hbm>>)
    return
  }
}

</mosaic_0001>

<sc_bundles>
// kernel: kernel.3.cloned.1.call-start
scs
__scs_entry_jumppad:
0x0: {  	(pc) =	sbr.rel $0x88, $3  }
0x1: {  	(tag) =	ssettag $0x0;
	lr =	simm.s32 $0x1  }
0x2: {  	[smem:$0x3F9E] =	sst lr;
	_ =	strace $0xD0000000  }
0x3: {  	_ = 	snop  }
0x4: {  	_ = 	snop  }
0x5: {  	_ = 	snop  }
0x6: {  	_ = 	snop  }
0x7: {  	_ = 	snop  }
__scs_overlays_trampoline_lowered:
0x8: {  	[smem:$0x3FAD] =	sst s0  }
0x9: {  	[smem:$0x3FAE] =	sst s1  }
0xa: {  	[smem:$0x3FAF] =	sst s2  }
0xb: {  	[smem:$0x3FB0] =	sst s3  }
0xc: {  	[smem:$0x3FB1] =	sst s4  }
0xd: {  	[smem:$0x3FB2] =	sst s5  }
0xe: {  	[smem:$0x3FB3] =	sst s6  }
0xf: {  	[smem:$0x3FB4] =	sst s7  }
0x10: {  	[smem:$0x3FB5] =	sst s8  }
0x11: {  	[smem:$0x3FB6] =	sst s9;
	s0 =	simm.s32 @!p0 $0x0  }
0x12: {  	s1 =	sld [smem:$0x3F9C];
	s0 =	simm.s32 @p0 $0x1  }
0x13: {  	[smem:$0x3FB7] =	sst s0;
	s0 =	simm.s32 @!p1 $0x0  }
0x14: {  	s2 =	sld [smem:$0x3F9B];
	s0 =	simm.s32 @p1 $0x1  }
0x15: {  	[smem:$0x3FB8] =	sst s0;
	s0 =	simm.s32 @!p2 $0x0  }
0x16: {  	s3 =	sld [smem:$0x3FDB];
	s0 =	simm.s32 @p2 $0x1  }
0x17: {  	s4 =	simm.s32 $0x1BF5;
	[smem:$0x3FBA] =	sst s0  }
0x18: {  	s0 =	sld [smem:$0x3F9D];
	_ =	swait.ge [sflag:s4], $0x0  }
0x19: {  	s7 =	sld [smem:$0x3F9E]  }
0x1a: {  	s8 =	sadd.s32 $0xFFFFE003, lr  }
0x1b: {  	s9 =	sadd.s32 $0xFFFFFEF7, lr;
	s5 =	simm.s32 $0xFFFFFFFF;
	p2 =	slt.u32 s8, $0xFFFFF086  }
0x1c: {  	p1 =	slt.u32 s9, $0xF7A;
	s5 =	simm.s32 @!p2 $0x0  }
0x1d: {  	s5 =	simm.s32 @p1 $0x1;
	p0 =	seq.s32 s7, s2  }
0x1e: {  	s7 =	smul.u32 @!p0 $0xF7A, s2;
	p2 =	seq.s32 @!p0 s5, $0x0  }
0x1f: {  	s9 =	smul.u32 $0xF7A, s1;
	s8 =	simm.s32 @!p0 $0x1BF5;
	p2 =	por !p2, p0  }
0x20: {  	[sflag:s8] =	ssyncset.s32 @!p0 $0xFFFFF086;
	s6 =	sadd.s32 @!p0 s3, s7;
	s7 =	simm.s32 @!p0 $0x108  }
0x21: {  	s3 =	sadd.s32 s3, s9;
	s6 =	sadd.s32 @!p0 $0x88, s6;
	s7 =	simm.s32 @p2 $0x1082  }
0x22: {  	[simem:s7], [sflag:s8] =	dma.local @!p0 [hbm:s6], $0xF7A  }
0x23: {  	s9 =	sor.u32 $0xD0000000, s2;
	s6 =	simm.s32 $0x108;
	_ =	swait.ge @!p0 [sflag:s8], $0x0  }
0x24: {  	s3 =	sadd.s32 $0x88, s3;
	s6 =	simm.s32 @!p1 $0x1082;
	[sflag:s4] =	ssyncset.s32 $0xFFFFF086  }
0x25: {  	[simem:s6], [sflag:s4] =	dma.local [hbm:s3], $0xF7A  }
0x26: {  	[smem:$0x3F9E] =	sst s1;
	(tag) =	ssettag s2;
	_ =	strace s9  }
0x27: {  	s1 =	sld [smem:$0x3FAE]  }
0x28: {  	s2 =	sld [smem:$0x3FAF]  }
0x29: {  	s4 =	sld [smem:$0x3FB1]  }
0x2a: {  	p0 =	seq.s32 s5, $0x0;
	s5 =	sld [smem:$0x3FB2]  }
0x2b: {  	s6 =	sld [smem:$0x3FB3]  }
0x2c: {  	s7 =	sld [smem:$0x3FB4]  }
0x2d: {  	s3 =	simm.s32 $0x108;
	s8 =	sld [smem:$0x3FB5]  }
0x2e: {  	s3 =	simm.s32 @!p0 $0x1082;
	s9 =	sld [smem:$0x3FB6]  }
0x2f: {  	lr =	sadd.s32 s0, s3;
	s0 =	sld [smem:$0x3FAD]  }
0x30: {  	s3 =	sld [smem:$0x3FB0]  }
0x31: {  	[smem:$0x3FB9] =	sst s10  }
0x32: {  	s10 =	sld [smem:$0x3FB7];
	_ =	sdelay $0x3  }
0x33: {  	p0 =	seq.s32 s10, $0x1;
	s10 =	sld [smem:$0x3FB9];
	_ =	sdelay $0x3  }
0x34: {  	[smem:$0x3FB9] =	sst s10  }
0x35: {  	s10 =	sld [smem:$0x3FB8];
	_ =	sdelay $0x3  }
0x36: {  	p1 =	seq.s32 s10, $0x1;
	s10 =	sld [smem:$0x3FB9];
	_ =	sdelay $0x3  }
0x37: {  	[smem:$0x3FB9] =	sst s10  }
0x38: {  	s10 =	sld [smem:$0x3FBA]  }
0x39: {  	_ = 	snop;
	(pc) =	sbr.ind lr, $3  }
0x3a: {  	_ = 	snop  }
0x3b: {  	_ = 	snop  }
0x3c: {  	p2 =	seq.s32 s10, $0x1;
	s10 =	sld [smem:$0x3FB9]  }
0x3d: {  	_ =	shalt  }
0x3e: {  	_ =	shalt  }
0x3f: {  	_ =	shalt  }
0x40: {  	_ =	shalt  }
0x41: {  	_ =	shalt  }
0x42: {  	_ =	shalt  }
0x43: {  	_ =	shalt  }
0x44: {  	_ =	shalt  }
0x45: {  	_ =	shalt  }
0x46: {  	_ =	shalt  }
0x47: {  	_ =	shalt  }
0x48: {  	_ =	shalt  }
0x49: {  	_ =	shalt  }
0x4a: {  	_ =	shalt  }
0x4b: {  	_ =	shalt  }
0x4c: {  	_ =	shalt  }
0x4d: {  	_ =	shalt  }
0x4e: {  	_ =	shalt  }
0x4f: {  	_ =	shalt  }
0x50: {  	_ =	shalt  }
0x51: {  	_ =	shalt  }
0x52: {  	_ =	shalt  }
0x53: {  	_ =	shalt  }
0x54: {  	_ =	shalt  }
0x55: {  	_ =	shalt  }
0x56: {  	_ =	shalt  }
0x57: {  	_ =	shalt  }
0x58: {  	_ =	shalt  }
0x59: {  	_ =	shalt  }
0x5a: {  	_ =	shalt  }
0x5b: {  	_ =	shalt  }
0x5c: {  	_ =	shalt  }
0x5d: {  	_ =	shalt  }
0x5e: {  	_ =	shalt  }
0x5f: {  	_ =	shalt  }
0x60: {  	_ =	shalt  }
0x61: {  	_ =	shalt  }
0x62: {  	_ =	shalt  }
0x63: {  	_ =	shalt  }
0x64: {  	_ =	shalt  }
0x65: {  	_ =	shalt  }
0x66: {  	_ =	shalt  }
0x67: {  	_ =	shalt  }
0x68: {  	_ =	shalt  }
0x69: {  	_ =	shalt  }
0x6a: {  	_ =	shalt  }
0x6b: {  	_ =	shalt  }
0x6c: {  	_ =	shalt  }
0x6d: {  	_ =	shalt  }
0x6e: {  	_ =	shalt  }
0x6f: {  	_ =	shalt  }
0x70: {  	_ =	shalt  }
0x71: {  	_ =	shalt  }
0x72: {  	_ =	shalt  }
0x73: {  	_ =	shalt  }
0x74: {  	_ =	shalt  }
0x75: {  	_ =	shalt  }
0x76: {  	_ =	shalt  }
0x77: {  	_ =	shalt  }
0x78: {  	_ =	shalt  }
0x79: {  	_ =	shalt  }
0x7a: {  	_ =	shalt  }
0x7b: {  	_ =	shalt  }
0x7c: {  	_ =	shalt  }
0x7d: {  	_ =	shalt  }
0x7e: {  	_ =	shalt  }
0x7f: {  	_ =	shalt  }
0x80: {  	_ =	shalt  }
0x81: {  	_ =	shalt  }
0x82: {  	_ =	shalt  }
0x83: {  	_ =	shalt  }
0x84: {  	_ =	shalt  }
0x85: {  	_ =	shalt  }
0x86: {  	_ =	shalt  }
0x87: {  	_ =	shalt  }
.Lfunc_end0:
.L_simem_size_0:
called_computation_lowered:
.L_overlay_start_0:
0x88: {  	s2 =	sld [smem:$0x3FD9]  }
0x89: {  	s3 =	sld [smem:$0x3FFE];
	_ =	sdelay $0x1  }
0x8a: {  	s1 =	srdreg.scid  }
0x8b: {  	s0 =	sand.u32 $0x1, s1  }
0x8c: {  	s18 =	sshll.u32 s0, $0xA;
	s2 =	sadd.s32 s3, s2  }
0x8d: {  	s2 =	sadd.s32 s2, s18  }
0x8e: {  	[smem:$0x3FC5] =	sst s2  }
0x8f: {  	_ = 	snop  }
0x90: {  	s2 =	sld [smem:$0x3FC9]  }
0x91: {  	s19 =	sld [smem:$0x3FC8]  }
0x92: {  	s4 =	sld [smem:$0x3FC7]  }
0x93: {  	s5 =	sld [smem:$0x3FD0];
	(tm) =	ssettm $0x1  }
0x94: {  	s6 =	sld [smem:$0x3FFB];
	_ =	sdelay $0x3  }
0x95: {  	_ =	strace s6  }
0x96: {  	s6 =	sld [smem:$0x3FFC];
	_ =	sdelay $0x3  }
0x97: {  	_ =	strace s6  }
0x98: {  	s6 =	sld [smem:$0x3FFD];
	_ =	sdelay $0x3  }
0x99: {  	_ =	strace s6  }
0x9a: {  	_ =	strace $0x8FFFFFFF  }
0x9b: {  	s20 =	sld [smem:$0x3FDB];
	_ =	sdelay $0x1  }
0x9c: {  	s7 =	simm.s32 $_scs_section_size  }
0x9d: {  	s8 =	simm.s32 $_size__tile_overlayer_lowered;
	s9 =	simm.s32 $_tile_overlayer_lowered  }
0x9e: {  	s23 =	simm.s32 $0x1BFF;
	s22 =	sshll.u32 s9, $0x1;
	s6 =	sadd.s32 s7, s20  }
0x9f: {  	s10 =	simm.s32 $0x0;
	s21 =	sshll.u32 s8, $0x1;
	s8 =	sadd.s32 s22, s6  }
0xa0: {  	[timem:s10], [sflag:s23] =	dma.local [hbm:s8], s21  }
0xa1: {  	_ =	swait.ge [sflag:s23], s21  }
0xa2: {  	s7 =	ssub.s32 $0x0, s21;
	[sflag:s23] =	ssyncset.done $0x0  }
0xa3: {  	[sflag:s23] =	ssyncadd.s32 s7;
	_ =	sdelay $0x1  }
0xa4: {  	s24 =	simm.s32 $0x1B8B  }
0xa5: {  	_ =	swait.ge [sflag:s24], $0x1  }
0xa6: {  	[sflag:s24] =	ssyncset.done $0x0  }
0xa7: {  	s25 =	simm.s32 $0x1B8E;
	[sflag:s24] =	ssyncadd.s32 $0xFFFFFFFF  }
0xa8: {  	s26 =	simm.s32 $execute0_lowered;
	[smem:$0x3FD2] =	sst s25  }
0xa9: {  	s7 =	sshll.u32 s26, $0x1;
	_ =	strace $0x80000046;
	[dreg:$0x1] =	wrdreg $0xFFFFFFFF  }
0xaa: {  	s28 =	simm.s32 $_size_execute0_lowered;
	s6 =	sadd.s32 s6, s7;
	[dreg:$0x0] =	wrdreg $0x0  }
0xab: {  	s7 =	sshll.u32 s28, $0x1;
	[dreg:$0x2] =	wrdreg s6  }
0xac: {  	[dreg:$0x3] =	wrdreg s7  }
0xad: {  	[dreg:$0x4] =	wrdreg $0xC0  }
0xae: {  	_ =	task [dreg:s10], $0x5FFFF  }
0xaf: {  	[dreg:$0x1] =	wrdreg $0xFFFFFFFF  }
0xb0: {  	[dreg:$0x0] =	wrdreg $0x60  }
0xb1: {  	[dreg:$0x2] =	wrdreg s2  }
0xb2: {  	[dreg:$0x3] =	wrdreg s19  }
0xb3: {  	[dreg:$0x4] =	wrdreg s4  }
0xb4: {  	[dreg:$0x5] =	wrdreg s5  }
0xb5: {  	[dreg:$0x6] =	wrdreg $0x9  }
0xb6: {  	_ =	task.clear_ibuf [dreg:s10], $0x7FFFF;
	_ =	strace $0x90000046  }
0xb7: {  	s29 =	simm.s32 $0x9;
	_ =	strace $0x80000048  }
0xb8: {  	_ =	swait.ge [sflag:s29], $0x1  }
0xb9: {  	[sflag:s29] =	ssyncadd.s32 $0xFFFFFFFF  }
0xba: {  	_ =	strace $0x90000048  }
0xbb: {  	_ =	sfence  }
0xbc: {  	s30 =	sld [smem:$0x0];
	_ =	sdelay $0x2  }
0xbd: {  	s31 =	sshll.u32 s1, $0xD;
	s1 =	sshrl.u32 s1, $0x2  }
0xbe: {  	s3 =	sand.u32 $0x4000, s31;
	s1 =	sadd.s32 s1, s30  }
0xbf: {  	s0 =	sor.u32 s3, s0;
	s1 =	sshll.u32 s1, $0x11  }
0xc0: {  	s0 =	sor.u32 s1, s0  }
0xc1: {  	s0 =	sadd.s32 $0x8F2B, s0  }
0xc2: {  	[sflag:s0] =	ssyncadd.remote.s32 $0x1  }
0xc3: {  	_ =	sfence.sel $0xFFFF  }
0xc4: {  	[dreg:$0x0] =	wrdreg $0xFFFFFFFF;
	(pc) =	sbr.abs _section_cstart, $3  }
0xc5: {  	[dreg:$0x1] =	wrdreg $0xFFFFFFFF  }
0xc6: {  	_ =	task.clear_ibuf [dreg:s10], $0x2FFFF;
	_ =	strace $0x9FFFFFFF  }
0xc7: {  	(tm) =	ssettm $0x7FFFFFFF  }
tec
execute0_lowered:
.L_overlay_start_1:
0x0: {  	(tag) =	ssettag $0x1  }
0x1: {  	s0 =	rddreg [dreg:$0x0]  }
0x2: {  	s8 =	rddreg [dreg:$0x1]  }
0x3: {  	s1 =	srdreg.scid;
	s2 =	rddreg [dreg:$0x2]  }
0x4: {  	s3 =	stileid.u32;
	s5 =	rddreg [dreg:$0x3]  }
0x5: {  	s9 =	simm.s32 $0x0;
	s1 =	sand.u32 $0x1, s1;
	s3 =	sshll.u32 s3, $0x7  }
0x6: {  	[smem:$0x7FF] =	sst s9;
	s31 =	sadd.s32 $0x100, s8;
	s4 =	sshll.u32 s1, $0x6  }
0x7: {  	_ =	strace $0x80000047;
	s1 =	ssub.s32 $0x2, s1;
	s3 =	sor.u32 s4, s3  }
0x8: {  	s10 =	sshrl.u32 s1, $0x1;
	s6 =	sshll.u32 s3, $0x2;
	s3 =	sshll.u32 s3, $0x7  }
0x9: {  	[smem:$0x7E2] =	sst s31;
	s1 =	ssub.s32 s1, s10;
	s13 =	sadd.s32 s2, s3  }
0xa: {  	s14 =	sor.u32 $0x400, s3;
	s10 =	sadd.s32 s5, s3;
	[dreg:$0x1a] =	wrdreg s13  }
0xb: {  	s16 =	sor.u32 $0x800, s3;
	s15 =	sadd.s32 s2, s14;
	[dreg:$0x1d] =	wrdreg s10  }
0xc: {  	s17 =	sor.u32 $0xC00, s3;
	s18 =	sadd.s32 s2, s16;
	[dreg:$0x1b] =	wrdreg s15  }
0xd: {  	s21 =	sor.u32 $0x1400, s3;
	s19 =	sadd.s32 s2, s17;
	[dreg:$0x1c] =	wrdreg s18  }
0xe: {  	s20 =	sor.u32 $0x1000, s3;
	s22 =	sadd.s32 s2, s21;
	[dreg:$0x1e] =	wrdreg s19  }
0xf: {  	s24 =	sor.u32 $0x1800, s3;
	s23 =	sadd.s32 s5, s17;
	[smem:$0x7DA] =	sst s22  }
0x10: {  	s3 =	sor.u32 $0x1C00, s3;
	s25 =	sadd.s32 s2, s24;
	[smem:$0x7DB] =	sst s23  }
0x11: {  	s26 =	sadd.s32 s2, s3;
	[smem:$0x7DC] =	sst s25  }
0x12: {  	s28 =	sadd.s32 s5, s21;
	[smem:$0x7DE] =	sst s26  }
0x13: {  	s29 =	sadd.s32 s5, s24;
	[smem:$0x7DF] =	sst s28  }
0x14: {  	s30 =	sadd.s32 s5, s3;
	[smem:$0x7E0] =	sst s29  }
0x15: {  	s3 =	sadd.s32 $0x200, s8;
	[smem:$0x7E1] =	sst s30  }
0x16: {  	s13 =	sadd.s32 $0x40800, s10;
	[smem:$0x7E4] =	sst s3  }
0x17: {  	s17 =	sadd.s32 $0x80C00, s10;
	[smem:$0x7EC] =	sst s13  }
0x18: {  	s21 =	sadd.s32 $0xC1000, s10;
	[smem:$0x7F0] =	sst s17  }
0x19: {  	s24 =	sadd.s32 $0xC1400, s10;
	[smem:$0x7F4] =	sst s21  }
0x1a: {  	s31 =	sadd.s32 $0xC1C00, s10;
	[smem:$0x7F7] =	sst s24  }
0x1b: {  	s15 =	sadd.s32 $0xC0800, s10;
	[smem:$0x7FD] =	sst s31  }
0x1c: {  	s18 =	sadd.s32 $0xC0C00, s10;
	[smem:$0x7EE] =	sst s15  }
0x1d: {  	s19 =	sadd.s32 $0x41000, s10;
	[smem:$0x7F1] =	sst s18  }
0x1e: {  	s22 =	sadd.s32 $0x41400, s10;
	[smem:$0x7F2] =	sst s19  }
0x1f: {  	s23 =	sadd.s32 $0x81400, s10;
	[smem:$0x7F5] =	sst s22  }
0x20: {  	s25 =	sadd.s32 $0x41800, s10;
	[smem:$0x7F6] =	sst s23  }
0x21: {  	s7 =	sand.u32 $0x1E00, s6;
	s26 =	sadd.s32 $0x81800, s10;
	[smem:$0x7F8] =	sst s25  }
0x22: {  	s7 =	sor.u32 s4, s7;
	s28 =	sadd.s32 $0xC1800, s10;
	[smem:$0x7F9] =	sst s26  }
0x23: {  	s4 =	sor.u32 s4, s6;
	s29 =	sadd.s32 $0x41C00, s10;
	[smem:$0x7FA] =	sst s28  }
0x24: {  	s7 =	sshrl.u32 s7, $0x3;
	s30 =	sadd.s32 $0x81C00, s10;
	[smem:$0x7FB] =	sst s29  }
0x25: {  	s4 =	sshrl.u32 s4, $0x3;
	s7 =	sadd.s32 s0, s7;
	[smem:$0x7FC] =	sst s30  }
0x26: {  	s12 =	sor.u32 $0x20, s4;
	[dreg:$0x16] =	wrdreg s7;
	s11 =	sadd.s32 $0x10, s7  }
0x27: {  	s4 =	sor.u32 $0x30, s4;
	s6 =	sadd.s32 s0, s12;
	[dreg:$0x17] =	wrdreg s11  }
0x28: {  	s0 =	sadd.s32 s0, s4;
	[dreg:$0x18] =	wrdreg s6  }
0x29: {  	s4 =	sadd.s32 s5, s16;
	[dreg:$0x19] =	wrdreg s0  }
0x2a: {  	s7 =	sadd.s32 $0xC0000, s10;
	[smem:$0x7D9] =	sst s4  }
0x2b: {  	s12 =	sadd.s32 $0xC0400, s10;
	[smem:$0x7E8] =	sst s7  }
0x2c: {  	s16 =	sadd.s32 $0x40C00, s10;
	[smem:$0x7EB] =	sst s12  }
0x2d: {  	s0 =	sadd.s32 s5, s14;
	[smem:$0x7EF] =	sst s16  }
0x2e: {  	s11 =	sadd.s32 s2, s20;
	[dreg:$0x1f] =	wrdreg s0  }
0x2f: {  	s2 =	smax.u32 s1, $0x1;
	[smem:$0x7D8] =	sst s11  }
0x30: {  	s4 =	sadd.s32 $0x300, s8;
	[smem:$0x7E3] =	sst s2  }
0x31: {  	s6 =	sadd.s32 $0x80000, s10;
	[smem:$0x7E5] =	sst s4  }
0x32: {  	s8 =	sadd.s32 $0x40400, s10;
	[smem:$0x7E7] =	sst s6  }
0x33: {  	s14 =	sadd.s32 $0x80800, s10;
	[smem:$0x7E9] =	sst s8  }
0x34: {  	s0 =	sadd.s32 s5, s20;
	[smem:$0x7ED] =	sst s14  }
0x35: {  	s7 =	simm.s32 $0x10200;
	s5 =	sadd.s32 $0x40000, s10;
	[smem:$0x7DD] =	sst s0  }
0x36: {  	v0 =	vlaneseq.u32;
	s11 =	sadd.s32 $0x80400, s10;
	s20 =	sadd.s32 $0x81000, s10;
	[smem:$0x7E6] =	sst s5  }
0x37: {  	v1 =	vshrl.u32 v0, $0x3;
	s6 =	simm.s32 $0xE200;
	s8 =	simm.s32 $0x12200;
	[smem:$0x7EA] =	sst s11  }
0x38: {  	vm0 =	vmmov $0xffff;
	v0 =	vand.u32 $0x7, v0;
	v1 =	vmul.u32 $0x8, v1;
	s10 =	simm.s32 $0x14200;
	s2 =	simm.s32 $0x0;
	[smem:$0x7F3] =	sst s20  }
.LBB2_1:
0x39: {  	[smem:$0x7D7] =	sst s2  }
0x3a: {  	s0 =	rddreg [dreg:$0x16];
	s1 =	simm.s32 $0xA  }
0x3b: {  	[tilespmem:s9], [sflag:$0xA] =	stream.linear.gather [hbm4b:s0+s9], $0x40, $0x38;
	[tilespmem:$0x1E200] =	vst v63  }
0x3c: {  	_ =	swait.ge [sflag:s1], $0x40  }
0x3d: {  	[sflag:s1] =	ssyncset.done $0x0  }
0x3e: {  	s24 =	simm.s32 $0x80;
	s23 =	rddreg [dreg:$0x17];
	[sflag:s1] =	ssyncadd.s32 $0xFFFFFFC0  }
0x3f: {  	[tilespmem:s24], [sflag:$0xA] =	stream.linear.gather [hbm4b:s23+s9], $0x40, $0x38;
	[tilespmem:$0x1E200] =	vst v63  }
0x40: {  	_ =	swait.ge [sflag:s1], $0x40  }
0x41: {  	[sflag:s1] =	ssyncset.done $0x0  }
0x42: {  	s26 =	simm.s32 $0x100;
	s25 =	rddreg [dreg:$0x18];
	[sflag:s1] =	ssyncadd.s32 $0xFFFFFFC0  }
0x43: {  	[tilespmem:s26], [sflag:$0xA] =	stream.linear.gather [hbm4b:s25+s9], $0x40, $0x38;
	[tilespmem:$0x1E200] =	vst v63  }
0x44: {  	_ =	swait.ge [sflag:s1], $0x40  }
0x45: {  	[sflag:s1] =	ssyncset.done $0x0  }
0x46: {  	s29 =	simm.s32 $0x180;
	s28 =	rddreg [dreg:$0x19];
	[sflag:s1] =	ssyncadd.s32 $0xFFFFFFC0  }
0x47: {  	[tilespmem:s29], [sflag:$0xA] =	stream.linear.gather [hbm4b:s28+s9], $0x40, $0x38;
	[tilespmem:$0x1E200] =	vst v63  }
0x48: {  	_ =	swait.ge [sflag:s1], $0x40  }
0x49: {  	[sflag:s1] =	ssyncset.done $0x0  }
0x4a: {  	s31 =	simm.s32 $0x200;
	s30 =	rddreg [dreg:$0x1a];
	[sflag:s1] =	ssyncadd.s32 $0xFFFFFFC0  }
0x4b: {  	[tilespmem:s31], [sflag:$0x4] =	stream.linear.gather [hbm4b:s30+s9], $0x2000, $0x38;
	[tilespmem:$0x1E200] =	vst v63  }
0x4c: {  	v2 =	vld.msk [tilespmem:$0x0], $0xff;
	_ =	sdelay $0x4  }
0x4d: {  	v3 =	vshll.u32 v2, $0x3  }
0x4e: {  	v2 =	vand.u32 $0x7, v2;
	v3 =	vand.u32 $0xFFFFFFC0, v3  }
0x4f: {  	v2 =	vor.u32 v2, v3  }
0x50: {  	v2 =	vperm.xlane v2, v0;
	_ =	sdelay $0x1  }
0x51: {  	v2 =	vadd.s32 v1, v2;
	_ =	sdelay $0x3  }
0x52: {  	s2 =	simm.s32 $0x6200;
	s0 =	rddreg [dreg:$0x1]  }
0x53: {  	[tilespmem:s2], [sflag:$0x1] =	stream.indirect_vreg.gather [hbm4b:s0+s9], $0x80, v2, vm0, $0xb8;
	[tilespmem:$0x1E200] =	vst v63  }
0x54: {  	s2 =	sld [smem:$0x7E2];
	_ =	sdelay $0x1  }
0x55: {  	s3 =	simm.s32 $0x6A00  }
0x56: {  	[tilespmem:s3], [sflag:$0x1] =	stream.indirect_vreg.gather [hbm4b:s2+s9], $0x80, v2, vm0, $0xb8;
	[tilespmem:$0x1E200] =	vst v63  }
0x57: {  	s3 =	sld [smem:$0x7E4];
	_ =	sdelay $0x1  }
0x58: {  	s4 =	simm.s32 $0x7200  }
0x59: {  	[tilespmem:s4], [sflag:$0x1] =	stream.indirect_vreg.gather [hbm4b:s3+s9], $0x80, v2, vm0, $0xb8;
	[tilespmem:$0x1E200] =	vst v63  }
0x5a: {  	s4 =	sld [smem:$0x7E5];
	_ =	sdelay $0x1  }
0x5b: {  	s5 =	simm.s32 $0x7A00  }
0x5c: {  	[tilespmem:s5], [sflag:$0x1] =	stream.indirect_vreg.gather [hbm4b:s4+s9], $0x80, v2, vm0, $0xb8;
	[tilespmem:$0x1E200] =	vst v63  }
0x5d: {  	v2 =	vld.msk [tilespmem:$0x80], $0xff;
	_ =	sdelay $0x4  }
0x5e: {  	v3 =	vshll.u32 v2, $0x3  }
0x5f: {  	v2 =	vand.u32 $0x7, v2;
	v3 =	vand.u32 $0xFFFFFFC0, v3  }
0x60: {  	v2 =	vor.u32 v2, v3  }
0x61: {  	v2 =	vperm.xlane v2, v0;
	_ =	sdelay $0x1  }
0x62: {  	v2 =	vadd.s32 v1, v2;
	_ =	sdelay $0x3  }
0x63: {  	s11 =	simm.s32 $0x8200  }
0x64: {  	[tilespmem:s11], [sflag:$0x1] =	stream.indirect_vreg.gather [hbm4b:s0+s9], $0x80, v2, vm0, $0xb8;
	[tilespmem:$0x1E200] =	vst v63  }
0x65: {  	s12 =	simm.s32 $0x8A00  }
0x66: {  	[tilespmem:s12], [sflag:$0x1] =	stream.indirect_vreg.gather [hbm4b:s2+s9], $0x80, v2, vm0, $0xb8;
	[tilespmem:$0x1E200] =	vst v63  }
0x67: {  	s13 =	simm.s32 $0x9200  }
0x68: {  	[tilespmem:s13], [sflag:$0x1] =	stream.indirect_vreg.gather [hbm4b:s3+s9], $0x80, v2, vm0, $0xb8;
	[tilespmem:$0x1E200] =	vst v63  }
0x69: {  	s14 =	simm.s32 $0x9A00  }
0x6a: {  	[tilespmem:s14], [sflag:$0x1] =	stream.indirect_vreg.gather [hbm4b:s4+s9], $0x80, v2, vm0, $0xb8;
	[tilespmem:$0x1E200] =	vst v63  }
0x6b: {  	v2 =	vld.msk [tilespmem:$0x100], $0xff;
	_ =	sdelay $0x4  }
0x6c: {  	v3 =	vshll.u32 v2, $0x3  }
0x6d: {  	v2 =	vand.u32 $0x7, v2;
	v3 =	vand.u32 $0xFFFFFFC0, v3  }
0x6e: {  	v2 =	vor.u32 v2, v3  }
0x6f: {  	v2 =	vperm.xlane v2, v0;
	_ =	sdelay $0x1  }
0x70: {  	v2 =	vadd.s32 v1, v2;
	_ =	sdelay $0x3  }
0x71: {  	s15 =	simm.s32 $0xA200  }
0x72: {  	[tilespmem:s15], [sflag:$0x1] =	stream.indirect_vreg.gather [hbm4b:s0+s9], $0x80, v2, vm0, $0xb8;
	[tilespmem:$0x1E200] =	vst v63  }
0x73: {  	s16 =	simm.s32 $0xAA00  }
0x74: {  	[tilespmem:s16], [sflag:$0x1] =	stream.indirect_vreg.gather [hbm4b:s2+s9], $0x80, v2, vm0, $0xb8;
	[tilespmem:$0x1E200] =	vst v63  }
0x75: {  	s17 =	simm.s32 $0xB200  }
0x76: {  	[tilespmem:s17], [sflag:$0x1] =	stream.indirect_vreg.gather [hbm4b:s3+s9], $0x80, v2, vm0, $0xb8;
	[tilespmem:$0x1E200] =	vst v63  }
0x77: {  	s18 =	simm.s32 $0xBA00  }
0x78: {  	[tilespmem:s18], [sflag:$0x1] =	stream.indirect_vreg.gather [hbm4b:s4+s9], $0x80, v2, vm0, $0xb8;
	[tilespmem:$0x1E200] =	vst v63  }
0x79: {  	v2 =	vld.msk [tilespmem:$0x180], $0xff;
	_ =	sdelay $0x4  }
0x7a: {  	v3 =	vshll.u32 v2, $0x3  }
0x7b: {  	v2 =	vand.u32 $0x7, v2;
	v3 =	vand.u32 $0xFFFFFFC0, v3  }
0x7c: {  	v2 =	vor.u32 v2, v3  }
0x7d: {  	v2 =	vperm.xlane v2, v0;
	_ =	sdelay $0x1  }
0x7e: {  	v2 =	vadd.s32 v1, v2;
	_ =	sdelay $0x3  }
0x7f: {  	s19 =	simm.s32 $0xC200  }
0x80: {  	[tilespmem:s19], [sflag:$0x1] =	stream.indirect_vreg.gather [hbm4b:s0+s9], $0x80, v2, vm0, $0xb8;
	[tilespmem:$0x1E200] =	vst v63  }
0x81: {  	s20 =	simm.s32 $0xCA00  }
0x82: {  	[tilespmem:s20], [sflag:$0x1] =	stream.indirect_vreg.gather [hbm4b:s2+s9], $0x80, v2, vm0, $0xb8;
	[tilespmem:$0x1E200] =	vst v63  }
0x83: {  	s21 =	simm.s32 $0xD200  }
0x84: {  	[tilespmem:s21], [sflag:$0x1] =	stream.indirect_vreg.gather [hbm4b:s3+s9], $0x80, v2, vm0, $0xb8;
	[tilespmem:$0x1E200] =	vst v63  }
0x85: {  	s22 =	simm.s32 $0xDA00  }
0x86: {  	[tilespmem:s22], [sflag:$0x1] =	stream.indirect_vreg.gather [hbm4b:s4+s9], $0x80, v2, vm0, $0xb8;
	[tilespmem:$0x1E200] =	vst v63  }
0x87: {  	s23 =	rddreg [dreg:$0x1b];
	s5 =	simm.s32 $0x2200  }
0x88: {  	[tilespmem:s5], [sflag:$0x5] =	stream.linear.gather [hbm4b:s23+s9], $0x2000, $0x38;
	[tilespmem:$0x1E200] =	vst v63  }
0x89: {  	v2 =	vld.msk [tilespmem:$0x8], $0xff;
	_ =	sdelay $0x4  }
0x8a: {  	v3 =	vshll.u32 v2, $0x3  }
0x8b: {  	v2 =	vand.u32 $0x7, v2;
	v3 =	vand.u32 $0xFFFFFFC0, v3  }
0x8c: {  	v2 =	vor.u32 v2, v3  }
0x8d: {  	v2 =	vperm.xlane v2, v0;
	_ =	sdelay $0x1  }
0x8e: {  	v2 =	vadd.s32 v1, v2;
	_ =	sdelay $0x4  }
0x8f: {  	[tilespmem:s6], [sflag:$0x2] =	stream.indirect_vreg.gather [hbm4b:s0+s9], $0x80, v2, vm0, $0xb8;
	[tilespmem:$0x1E200] =	vst v63  }
0x90: {  	s24 =	simm.s32 $0xEA00  }
0x91: {  	[tilespmem:s24], [sflag:$0x2] =	stream.indirect_vreg.gather [hbm4b:s2+s9], $0x80, v2, vm0, $0xb8;
	[tilespmem:$0x1E200] =	vst v63  }
0x92: {  	s25 =	simm.s32 $0xF200  }
0x93: {  	[tilespmem:s25], [sflag:$0x2] =	stream.indirect_vreg.gather [hbm4b:s3+s9], $0x80, v2, vm0, $0xb8;
	[tilespmem:$0x1E200] =	vst v63  }
0x94: {  	s26 =	simm.s32 $0xFA00  }
0x95: {  	[tilespmem:s26], [sflag:$0x2] =	stream.indirect_vreg.gather [hbm4b:s4+s9], $0x80, v2, vm0, $0xb8;
	[tilespmem:$0x1E200] =	vst v63  }
0x96: {  	v2 =	vld.msk [tilespmem:$0x88], $0xff;
	_ =	sdelay $0x4  }
0x97: {  	v3 =	vshll.u32 v2, $0x3  }
0x98: {  	v2 =	vand.u32 $0x7, v2;
	v3 =	vand.u32 $0xFFFFFFC0, v3  }
0x99: {  	v2 =	vor.u32 v2, v3  }
0x9a: {  	v2 =	vperm.xlane v2, v0;
	_ =	sdelay $0x1  }
0x9b: {  	v2 =	vadd.s32 v1, v2;
	_ =	sdelay $0x4  }
0x9c: {  	[tilespmem:s7], [sflag:$0x2] =	stream.indirect_vreg.gather [hbm4b:s0+s9], $0x80, v2, vm0, $0xb8;
	[tilespmem:$0x1E200] =	vst v63  }
0x9d: {  	s28 =	simm.s32 $0x10A00  }
0x9e: {  	[tilespmem:s28], [sflag:$0x2] =	stream.indirect_vreg.gather [hbm4b:s2+s9], $0x80, v2, vm0, $0xb8;
	[tilespmem:$0x1E200] =	vst v63  }
0x9f: {  	s29 =	simm.s32 $0x11200  }
0xa0: {  	[tilespmem:s29], [sflag:$0x2] =	stream.indirect_vreg.gather [hbm4b:s3+s9], $0x80, v2, vm0, $0xb8;
	[tilespmem:$0x1E200] =	vst v63  }
0xa1: {  	s30 =	simm.s32 $0x11A00  }
0xa2: {  	[tilespmem:s30], [sflag:$0x2] =	stream.indirect_vreg.gather [hbm4b:s4+s9], $0x80, v2, vm0, $0xb8;
	[tilespmem:$0x1E200] =	vst v63  }
0xa3: {  	v2 =	vld.msk [tilespmem:$0x108], $0xff;
	_ =	sdelay $0x4  }
0xa4: {  	v3 =	vshll.u32 v2, $0x3  }
0xa5: {  	v2 =	vand.u32 $0x7, v2;
	v3 =	vand.u32 $0xFFFFFFC0, v3  }
0xa6: {  	v2 =	vor.u32 v2, v3  }
0xa7: {  	v2 =	vperm.xlane v2, v0;
	_ =	sdelay $0x1  }
0xa8: {  	v2 =	vadd.s32 v1, v2;
	_ =	sdelay $0x4  }
0xa9: {  	[tilespmem:s8], [sflag:$0x2] =	stream.indirect_vreg.gather [hbm4b:s0+s9], $0x80, v2, vm0, $0xb8;
	[tilespmem:$0x1E200] =	vst v63  }
0xaa: {  	s31 =	simm.s32 $0x12A00  }
0xab: {  	[tilespmem:s31], [sflag:$0x2] =	stream.indirect_vreg.gather [hbm4b:s2+s9], $0x80, v2, vm0, $0xb8;
	[tilespmem:$0x1E200] =	vst v63  }
0xac: {  	s5 =	simm.s32 $0x13200  }
0xad: {  	[tilespmem:s5], [sflag:$0x2] =	stream.indirect_vreg.gather [hbm4b:s3+s9], $0x80, v2, vm0, $0xb8;
	[tilespmem:$0x1E200] =	vst v63  }
0xae: {  	s6 =	simm.s32 $0x13A00  }
0xaf: {  	[tilespmem:s6], [sflag:$0x2] =	stream.indirect_vreg.gather [hbm4b:s4+s9], $0x80, v2, vm0, $0xb8;
	[tilespmem:$0x1E200] =	vst v63  }
0xb0: {  	v2 =	vld.msk [tilespmem:$0x188], $0xff;
	_ =	sdelay $0x4  }
0xb1: {  	v3 =	vshll.u32 v2, $0x3  }
0xb2: {  	v2 =	vand.u32 $0x7, v2;
	v3 =	vand.u32 $0xFFFFFFC0, v3  }
0xb3: {  	v2 =	vor.u32 v2, v3  }
0xb4: {  	v2 =	vperm.xlane v2, v0;
	_ =	sdelay $0x1  }
0xb5: {  	v2 =	vadd.s32 v1, v2;
	_ =	sdelay $0x4  }
0xb6: {  	[tilespmem:s10], [sflag:$0x2] =	stream.indirect_vreg.gather [hbm4b:s0+s9], $0x80, v2, vm0, $0xb8;
	[tilespmem:$0x1E200] =	vst v63  }
0xb7: {  	s7 =	simm.s32 $0x14A00  }
0xb8: {  	[tilespmem:s7], [sflag:$0x2] =	stream.indirect_vreg.gather [hbm4b:s2+s9], $0x80, v2, vm0, $0xb8;
	[tilespmem:$0x1E200] =	vst v63  }
0xb9: {  	s8 =	simm.s32 $0x15200  }
0xba: {  	[tilespmem:s8], [sflag:$0x2] =	stream.indirect_vreg.gather [hbm4b:s3+s9], $0x80, v2, vm0, $0xb8;
	[tilespmem:$0x1E200] =	vst v63  }
0xbb: {  	s11 =	simm.s32 $0x1;
	s10 =	simm.s32 $0x15A00  }
0xbc: {  	[tilespmem:s10], [sflag:$0x2] =	stream.indirect_vreg.gather [hbm4b:s4+s9], $0x80, v2, vm0, $0xb8;
	[tilespmem:$0x1E200] =	vst v63  }
0xbd: {  	_ =	swait.ge [sflag:s11], $0x2000  }
0xbe: {  	[sflag:s11] =	ssyncset.done $0x0  }
0xbf: {  	[sflag:s11] =	ssyncadd.s32 $0xFFFFE000  }
0xc0: {  	_ =	swait.ge [sflag:s11], $0x2000  }
0xc1: {  	[sflag:s11] =	ssyncset.done $0x0  }
0xc2: {  	[sflag:s11] =	ssyncadd.s32 $0xFFFFE000  }
0xc3: {  	_ =	swait.ge [sflag:s11], $0x2000  }
0xc4: {  	[sflag:s11] =	ssyncset.done $0x0  }
0xc5: {  	[sflag:s11] =	ssyncadd.s32 $0xFFFFE000  }
0xc6: {  	_ =	swait.ge [sflag:s11], $0x2000  }
0xc7: {  	[sflag:s11] =	ssyncset.done $0x0  }
0xc8: {  	s12 =	simm.s32 $0x4;
	[sflag:s11] =	ssyncadd.s32 $0xFFFFE000  }
0xc9: {  	_ =	swait.ge [sflag:s12], $0x2000  }
0xca: {  	[sflag:s12] =	ssyncset.done $0x0  }
0xcb: {  	s14 =	simm.s32 $0x4200;
	s13 =	rddreg [dreg:$0x1c];
	[sflag:s12] =	ssyncadd.s32 $0xFFFFE000  }
0xcc: {  	[tilespmem:s14], [sflag:$0x6] =	stream.linear.gather [hbm4b:s13+s9], $0x2000, $0x38;
	[tilespmem:$0x1E200] =	vst v63  }
0xcd: {  	v2 =	vld.msk [tilespmem:$0x10], $0xff;
	_ =	sdelay $0x4  }
0xce: {  	v3 =	vshll.u32 v2, $0x3  }
0xcf: {  	v2 =	vand.u32 $0x7, v2;
	v3 =	vand.u32 $0xFFFFFFC0, v3  }
0xd0: {  	v2 =	vor.u32 v2, v3  }
0xd1: {  	v2 =	vperm.xlane v2, v0;
	_ =	sdelay $0x1  }
0xd2: {  	v2 =	vadd.s32 v1, v2;
	_ =	sdelay $0x3  }
0xd3: {  	s15 =	simm.s32 $0x16200  }
0xd4: {  	[tilespmem:s15], [sflag:$0x3] =	stream.indirect_vreg.gather [hbm4b:s0+s9], $0x80, v2, vm0, $0xb8;
	[tilespmem:$0x1E200] =	vst v63  }
0xd5: {  	s16 =	simm.s32 $0x16A00  }
0xd6: {  	[tilespmem:s16], [sflag:$0x3] =	stream.indirect_vreg.gather [hbm4b:s2+s9], $0x80, v2, vm0, $0xb8;
	[tilespmem:$0x1E200] =	vst v63  }
0xd7: {  	s17 =	simm.s32 $0x17200  }
0xd8: {  	[tilespmem:s17], [sflag:$0x3] =	stream.indirect_vreg.gather [hbm4b:s3+s9], $0x80, v2, vm0, $0xb8;
	[tilespmem:$0x1E200] =	vst v63  }
0xd9: {  	s18 =	simm.s32 $0x17A00  }
0xda: {  	[tilespmem:s18], [sflag:$0x3] =	stream.indirect_vreg.gather [hbm4b:s4+s9], $0x80, v2, vm0, $0xb8;
	[tilespmem:$0x1E200] =	vst v63  }
0xdb: {  	v2 =	vld.msk [tilespmem:$0x90], $0xff;
	_ =	sdelay $0x4  }
0xdc: {  	v3 =	vshll.u32 v2, $0x3  }
0xdd: {  	v2 =	vand.u32 $0x7, v2;
	v3 =	vand.u32 $0xFFFFFFC0, v3  }
0xde: {  	v2 =	vor.u32 v2, v3  }
0xdf: {  	v2 =	vperm.xlane v2, v0;
	_ =	sdelay $0x1  }
0xe0: {  	v2 =	vadd.s32 v1, v2;
	_ =	sdelay $0x3  }
0xe1: {  	s19 =	simm.s32 $0x18200  }
0xe2: {  	[tilespmem:s19], [sflag:$0x3] =	stream.indirect_vreg.gather [hbm4b:s0+s9], $0x80, v2, vm0, $0xb8;
	[tilespmem:$0x1E200] =	vst v63  }
0xe3: {  	s20 =	simm.s32 $0x18A00  }
0xe4: {  	[tilespmem:s20], [sflag:$0x3] =	stream.indirect_vreg.gather [hbm4b:s2+s9], $0x80, v2, vm0, $0xb8;
	[tilespmem:$0x1E200] =	vst v63  }
0xe5: {  	s21 =	simm.s32 $0x19200  }
0xe6: {  	[tilespmem:s21], [sflag:$0x3] =	stream.indirect_vreg.gather [hbm4b:s3+s9], $0x80, v2, vm0, $0xb8;
	[tilespmem:$0x1E200] =	vst v63  }
0xe7: {  	s22 =	simm.s32 $0x19A00  }
0xe8: {  	[tilespmem:s22], [sflag:$0x3] =	stream.indirect_vreg.gather [hbm4b:s4+s9], $0x80, v2, vm0, $0xb8;
	[tilespmem:$0x1E200] =	vst v63  }
0xe9: {  	v2 =	vld.msk [tilespmem:$0x110], $0xff;
	_ =	sdelay $0x4  }
0xea: {  	v3 =	vshll.u32 v2, $0x3  }
0xeb: {  	v2 =	vand.u32 $0x7, v2;
	v3 =	vand.u32 $0xFFFFFFC0, v3  }
0xec: {  	v2 =	vor.u32 v2, v3  }
0xed: {  	v2 =	vperm.xlane v2, v0;
	_ =	sdelay $0x1  }
0xee: {  	v2 =	vadd.s32 v1, v2;
	_ =	sdelay $0x3  }
0xef: {  	s23 =	simm.s32 $0x1A200  }
0xf0: {  	[tilespmem:s23], [sflag:$0x3] =	stream.indirect_vreg.gather [hbm4b:s0+s9], $0x80, v2, vm0, $0xb8;
	[tilespmem:$0x1E200] =	vst v63  }
0xf1: {  	s24 =	simm.s32 $0x1AA00  }
0xf2: {  	[tilespmem:s24], [sflag:$0x3] =	stream.indirect_vreg.gather [hbm4b:s2+s9], $0x80, v2, vm0, $0xb8;
	[tilespmem:$0x1E200] =	vst v63  }
0xf3: {  	s25 =	simm.s32 $0x1B200  }
0xf4: {  	[tilespmem:s25], [sflag:$0x3] =	stream.indirect_vreg.gather [hbm4b:s3+s9], $0x80, v2, vm0, $0xb8;
	[tilespmem:$0x1E200] =	vst v63  }
0xf5: {  	s26 =	simm.s32 $0x1BA00  }
0xf6: {  	[tilespmem:s26], [sflag:$0x3] =	stream.indirect_vreg.gather [hbm4b:s4+s9], $0x80, v2, vm0, $0xb8;
	[tilespmem:$0x1E200] =	vst v63  }
0xf7: {  	v2 =	vld.msk [tilespmem:$0x190], $0xff;
	_ =	sdelay $0x4  }
0xf8: {  	v3 =	vshll.u32 v2, $0x3  }
0xf9: {  	v2 =	vand.u32 $0x7, v2;
	v3 =	vand.u32 $0xFFFFFFC0, v3  }
0xfa: {  	v2 =	vor.u32 v2, v3  }
0xfb: {  	v2 =	vperm.xlane v2, v0;
	_ =	sdelay $0x1  }
0xfc: {  	v2 =	vadd.s32 v1, v2;
	_ =	sdelay $0x3  }
0xfd: {  	s28 =	simm.s32 $0x1C200  }
0xfe: {  	[tilespmem:s28], [sflag:$0x3] =	stream.indirect_vreg.gather [hbm4b:s0+s9], $0x80, v2, vm0, $0xb8;
	[tilespmem:$0x1E200] =	vst v63  }
0xff: {  	s29 =	simm.s32 $0x1CA00  }
0x100: {  	[tilespmem:s29], [sflag:$0x3] =	stream.indirect_vreg.gather [hbm4b:s2+s9], $0x80, v2, vm0, $0xb8;
	[tilespmem:$0x1E200] =	vst v63  }
0x101: {  	s30 =	simm.s32 $0x1D200  }
0x102: {  	[tilespmem:s30], [sflag:$0x3] =	stream.indirect_vreg.gather [hbm4b:s3+s9], $0x80, v2, vm0, $0xb8;
	[tilespmem:$0x1E200] =	vst v63  }
0x103: {  	s1 =	simm.s32 $0x0;
	s31 =	simm.s32 $0x1DA00  }
0x104: {  	[tilespmem:s31], [sflag:$0x3] =	stream.indirect_vreg.gather [hbm4b:s4+s9], $0x80, v2, vm0, $0xb8;
	[tilespmem:$0x1E200] =	vst v63  }
.LBB2_2:
0x105: {  	s0 =	simm.s32 $0x0  }
0x106: {  	s11 =	sshll.u32 s1, $0x7;
	s2 =	sand.u32 $0x40, s0;
	s0 =	sand.u32 $0x1C00, s0  }
0x107: {  	s3 =	sor.u32 s11, s0;
	s5 =	sor.u32 $0x30, s2  }
0x108: {  	[smem:$0x7D6] =	sst s1;
	s6 =	sor.u32 s5, s3  }
0x109: {  	v2 =	vld [tilespmem:s6+$0x6200]  }
0x10a: {  	s8 =	sor.u32 $0x10, s2;
	s7 =	sor.u32 s2, s3;
	v3 =	vld [tilespmem:s6+$0x200]  }
0x10b: {  	s19 =	sor.u32 $0x20, s2;
	s10 =	sor.u32 s8, s3;
	v4 =	vld [tilespmem:s7+$0x6200]  }
0x10c: {  	s3 =	sor.u32 s19, s3;
	v5 =	vld [tilespmem:s10+$0x6200]  }
0x10d: {  	v7 =	vld [tilespmem:s3+$0x6200]  }
0x10e: {  	v8 =	vld [tilespmem:s10+$0x200]  }
0x10f: {  	v6 =	vld [tilespmem:s7+$0x200];
	v2 =	vmul.f32 $3.200000000e+01, v2  }
0x110: {  	v13 =	vld [tilespmem:s3+$0x200]  }
0x111: {  	s13 =	sadd.s32 $0xC200, s11;
	v5 =	vmul.f32 $3.200000000e+01, v5;
	v2 =	vadd.f32 v2, v3  }
0x112: {  	s14 =	sadd.s32 $0x8200, s11;
	s4 =	sadd.s32 s0, s13;
	v4 =	vmul.f32 $3.200000000e+01, v4  }
0x113: {  	s12 =	sadd.s32 s0, s14;
	s15 =	sadd.s32 s5, s4;
	v7 =	vmul.f32 $3.200000000e+01, v7;
	v5 =	vadd.f32 v5, v8;
	[tilespmem:s6+$0x6200] =	vst v2  }
0x114: {  	s18 =	sadd.s32 $0xA200, s11;
	s17 =	sadd.s32 s5, s12;
	v2 =	vadd.f32 v4, v6;
	v4 =	vld [tilespmem:s15+$0x0]  }
0x115: {  	s0 =	sadd.s32 s0, s18;
	s21 =	sadd.s32 s2, s12;
	v7 =	vadd.f32 v7, v13;
	s6 =	sadd.s32 s8, s12;
	[tilespmem:s10+$0x6200] =	vst v5;
	v9 =	vld [tilespmem:s17+$0x0]  }
0x116: {  	s22 =	sadd.s32 s2, s0;
	s9 =	sadd.s32 s2, s4;
	s2 =	sadd.s32 s8, s0;
	v14 =	vld [tilespmem:s6+$0x0]  }
0x117: {  	s20 =	sadd.s32 s5, s0;
	[tilespmem:s3+$0x6200] =	vst v7;
	v7 =	vld [tilespmem:s2+$0x0]  }
0x118: {  	[tilespmem:s7+$0x6200] =	vst v2;
	v2 =	vld [tilespmem:s20+$0x0]  }
0x119: {  	v10 =	vld [tilespmem:s21+$0x0]  }
0x11a: {  	s28 =	simm.s32 $0x200;
	v11 =	vld [tilespmem:s22+$0x0]  }
0x11b: {  	s30 =	simm.s32 $0x40;
	s23 =	sadd.s32 s19, s12;
	v12 =	vld [tilespmem:s9+$0x0];
	[dreg:$0x5] =	wrdreg s11  }
0x11c: {  	s24 =	sand.u32 $0x1C00, s28;
	s3 =	sand.u32 $0x40, s30;
	v15 =	vld [tilespmem:s23+$0x0];
	v4 =	vmul.f32 $3.200000000e+01, v4  }
0x11d: {  	s5 =	sadd.s32 s8, s4;
	s10 =	sor.u32 s11, s24;
	s26 =	sor.u32 $0x30, s3;
	v5 =	vmul.f32 $3.200000000e+01, v9  }
0x11e: {  	s25 =	sor.u32 s26, s10;
	v16 =	vld [tilespmem:s5+$0x0];
	v2 =	vmul.f32 $3.200000000e+01, v2;
	v4 =	vadd.f32 v4, v3  }
0x11f: {  	s28 =	sor.u32 s3, s10;
	v9 =	vld [tilespmem:s25+$0x6200];
	v10 =	vmul.f32 $3.200000000e+01, v10;
	v18 =	vadd.f32 v5, v3  }
0x120: {  	s7 =	sor.u32 $0x10, s3;
	v17 =	vld [tilespmem:s28+$0x6200];
	v11 =	vmul.f32 $3.200000000e+01, v11;
	v2 =	vadd.f32 v2, v3;
	[tilespmem:s15+$0x0] =	vst v4  }
0x121: {  	s12 =	sor.u32 $0x20, s3;
	s11 =	sor.u32 s7, s10;
	v5 =	vld [tilespmem:s25+$0x200];
	v3 =	vmul.f32 $3.200000000e+01, v15;
	v10 =	vadd.f32 v10, v6;
	[tilespmem:s17+$0x0] =	vst v18  }
0x122: {  	s16 =	sor.u32 s12, s10;
	v19 =	vld [tilespmem:s11+$0x6200];
	v11 =	vadd.f32 v11, v6;
	[tilespmem:s20+$0x0] =	vst v2  }
0x123: {  	v15 =	vld [tilespmem:s16+$0x6200];
	v2 =	vadd.f32 v3, v13;
	[tilespmem:s21+$0x0] =	vst v10  }
0x124: {  	v4 =	vld [tilespmem:s28+$0x200];
	v9 =	vmul.f32 $3.200000000e+01, v9;
	[tilespmem:s22+$0x0] =	vst v11  }
0x125: {  	v10 =	vmul.f32 $3.200000000e+01, v12;
	v3 =	vld [tilespmem:s11+$0x200];
	[tilespmem:s23+$0x0] =	vst v2  }
0x126: {  	s0 =	sadd.s32 s19, s0;
	v12 =	vmul.f32 $3.200000000e+01, v14;
	v9 =	vadd.f32 v9, v5;
	v2 =	vld [tilespmem:s16+$0x200];
	[dreg:$0x6] =	wrdreg s13  }
0x127: {  	s29 =	sadd.s32 s19, s4;
	v6 =	vadd.f32 v10, v6;
	v10 =	vmul.f32 $3.200000000e+01, v17;
	s13 =	sadd.s32 s24, s13;
	v11 =	vld [tilespmem:s0+$0x0];
	[dreg:$0xe] =	wrdreg s14  }
0x128: {  	v7 =	vmul.f32 $3.200000000e+01, v7;
	s23 =	sadd.s32 s24, s14;
	v12 =	vadd.f32 v12, v8;
	s8 =	sadd.s32 s26, s13;
	[tilespmem:s25+$0x6200] =	vst v9;
	v14 =	vld [tilespmem:s29+$0x0]  }
0x129: {  	s30 =	sadd.s32 s24, s18;
	v9 =	vmul.f32 $3.200000000e+01, v16;
	s25 =	sadd.s32 s26, s23;
	[tilespmem:s9+$0x0] =	vst v6;
	v6 =	vadd.f32 v10, v4;
	v61 =	vld [tilespmem:s8+$0x0]  }
0x12a: {  	v7 =	vadd.f32 v7, v8;
	s20 =	sadd.s32 s26, s30;
	[tilespmem:s6+$0x0] =	vst v12;
	v12 =	vmul.f32 $3.200000000e+01, v19;
	v62 =	vld [tilespmem:s25+$0x0]  }
0x12b: {  	v15 =	vmul.f32 $3.200000000e+01, v15;
	s22 =	sadd.s32 s3, s23;
	v10 =	vld [tilespmem:s20+$0x0];
	v8 =	vadd.f32 v9, v8;
	[tilespmem:s28+$0x6200] =	vst v6  }
0x12c: {  	s19 =	smov.u32 s18;
	s15 =	sadd.s32 s12, s30;
	s4 =	sadd.s32 s3, s13;
	[tilespmem:s2+$0x0] =	vst v7;
	v6 =	vadd.f32 v12, v3;
	v9 =	vld [tilespmem:s22+$0x0]  }
0x12d: {  	s21 =	sadd.s32 s7, s30;
	s31 =	sadd.s32 s7, s23;
	s6 =	sadd.s32 s3, s30;
	v15 =	vadd.f32 v15, v2;
	v7 =	vld [tilespmem:s4+$0x0];
	[tilespmem:s5+$0x0] =	vst v8;
	v11 =	vmul.f32 $3.200000000e+01, v11;
	v63 =	vmul.f32 $3.200000000e+01, v14  }
0x12e: {  	s17 =	sadd.s32 s12, s23;
	s10 =	sadd.s32 s7, s13;
	s9 =	simm.s32 $0x4;
	v8 =	vld [tilespmem:s6+$0x0];
	[tilespmem:s11+$0x6200] =	vst v6;
	v12 =	vmul.f32 $3.200000000e+01, v61  }
0x12f: {  	s2 =	simm.s32 $0x80;
	s5 =	sadd.s32 s12, s13;
	[tilespmem:s16+$0x6200] =	vst v15;
	s12 =	simm.s32 $0x400;
	v6 =	vld [tilespmem:s31+$0x0];
	v14 =	vadd.f32 v11, v13;
	v11 =	vmul.f32 $3.200000000e+01, v62;
	v13 =	vadd.f32 v63, v13  }
.LBB2_3:
0x130: {  	_ = 	snop  }
0x131: {  	s1 =	sand.u32 $0x40, s2;
	s7 =	sand.u32 $0x1C00, s12;
	v15 =	vld [tilespmem:s21+$0x0];
	s16 =	rddreg [dreg:$0x5];
	v12 =	vadd.f32 v12, v5;
	[tilespmem:s0+$0x0] =	vst v14;
	v10 =	vmul.f32 $3.200000000e+01, v10  }
0x132: {  	s0 =	sor.u32 s16, s7;
	s23 =	sor.u32 $0x30, s1;
	v14 =	vld [tilespmem:s10+$0x0];
	v11 =	vadd.f32 v11, v5;
	[tilespmem:s29+$0x0] =	vst v13;
	v9 =	vmul.f32 $3.200000000e+01, v9  }
0x133: {  	v13 =	vld [tilespmem:s17+$0x0];
	s28 =	sor.u32 s23, s0;
	[tilespmem:s8+$0x0] =	vst v12;
	v8 =	vmul.f32 $3.200000000e+01, v8;
	v5 =	vadd.f32 v10, v5  }
0x134: {  	s24 =	sor.u32 s1, s0;
	v7 =	vmul.f32 $3.200000000e+01, v7;
	v10 =	vld [tilespmem:s28+$0x6200];
	v9 =	vadd.f32 v9, v4;
	[tilespmem:s25+$0x0] =	vst v11  }
0x135: {  	s3 =	sor.u32 $0x20, s1;
	v6 =	vmul.f32 $3.200000000e+01, v6;
	v11 =	vld [tilespmem:s24+$0x6200];
	v8 =	vadd.f32 v8, v4;
	[tilespmem:s20+$0x0] =	vst v5  }
0x136: {  	s26 =	sor.u32 $0x10, s1;
	s16 =	sor.u32 s3, s0;
	v4 =	vadd.f32 v7, v4;
	v7 =	vmul.f32 $3.200000000e+01, v15;
	[tilespmem:s22+$0x0] =	vst v9;
	v5 =	vld [tilespmem:s28+$0x200]  }
0x137: {  	s30 =	sor.u32 s26, s0;
	v12 =	vld [tilespmem:s16+$0x6200];
	v6 =	vadd.f32 v6, v3;
	[tilespmem:s6+$0x0] =	vst v8;
	v8 =	vmul.f32 $3.200000000e+01, v14  }
0x138: {  	s18 =	rddreg [dreg:$0xe];
	s29 =	sadd.s32 s7, s19;
	v13 =	vmul.f32 $3.200000000e+01, v13;
	v9 =	vld [tilespmem:s30+$0x6200];
	[tilespmem:s4+$0x0] =	vst v4;
	v7 =	vadd.f32 v7, v3  }
0x139: {  	s0 =	smov.u32 s15;
	s13 =	sadd.s32 s1, s29;
	s25 =	sadd.s32 s7, s18;
	[tilespmem:s31+$0x0] =	vst v6;
	v4 =	vld [tilespmem:s24+$0x200];
	v6 =	vadd.f32 v8, v3;
	v10 =	vmul.f32 $3.200000000e+01, v10  }
0x13a: {  	s11 =	sadd.s32 s26, s29;
	s15 =	sadd.s32 s3, s29;
	s14 =	sadd.s32 s26, s25;
	v3 =	vld [tilespmem:s30+$0x200];
	[tilespmem:s21+$0x0] =	vst v7;
	v7 =	vadd.f32 v13, v2  }
0x13b: {  	v15 =	vld [tilespmem:s16+$0x200];
	s20 =	sadd.s32 s23, s29;
	s6 =	smov.u32 s13;
	s13 =	rddreg [dreg:$0x6];
	[tilespmem:s10+$0x0] =	vst v6;
	v10 =	vadd.f32 v10, v5  }
0x13c: {  	s31 =	smov.u32 s14;
	s29 =	smov.u32 s5;
	s14 =	sadd.s32 s7, s13;
	v8 =	vmul.f32 $3.200000000e+01, v11;
	[tilespmem:s17+$0x0] =	vst v7;
	v7 =	vld [tilespmem:s0+$0x0]  }
0x13d: {  	s9 =	sadd.s32 $0x4, s9;
	s8 =	sadd.s32 s23, s14;
	v11 =	vld [tilespmem:s29+$0x0];
	v6 =	vmul.f32 $3.200000000e+01, v9;
	[tilespmem:s28+$0x6200] =	vst v10  }
0x13e: {  	s18 =	sadd.s32 s3, s25;
	s22 =	sadd.s32 s1, s25;
	s25 =	sadd.s32 s23, s25;
	v9 =	vmul.f32 $3.200000000e+01, v12;
	v8 =	vadd.f32 v8, v4;
	v12 =	vld [tilespmem:s8+$0x0]  }
0x13f: {  	p0 =	slt.u32 s9, $0x3C;
	v6 =	vadd.f32 v6, v3;
	v13 =	vld [tilespmem:s25+$0x0]  }
.Ltmp0:
0x140: {  	[tilespmem:s24+$0x6200] =	vst v8;
	v10 =	vld [tilespmem:s20+$0x0];
	(pc) =	sbr.rel @p0 .LBB2_3-.Ltmp0, $4  }
0x141: {  	v14 =	vadd.f32 v9, v15;
	v9 =	vld [tilespmem:s22+$0x0];
	[tilespmem:s30+$0x6200] =	vst v6;
	v6 =	vmul.f32 $3.200000000e+01, v7  }
0x142: {  	s4 =	sadd.s32 s1, s14;
	v16 =	vmul.f32 $3.200000000e+01, v11;
	v8 =	vld [tilespmem:s6+$0x0]  }
0x143: {  	s12 =	sadd.s32 $0x200, s12;
	s2 =	sadd.s32 $0x40, s2;
	s21 =	smov.u32 s11;
	[tilespmem:s16+$0x6200] =	vst v14;
	v7 =	vld [tilespmem:s4+$0x0];
	v14 =	vadd.f32 v6, v2  }
0x144: {  	s5 =	sadd.s32 s3, s14;
	s17 =	smov.u32 s18;
	s10 =	sadd.s32 s26, s14;
	v6 =	vld [tilespmem:s31+$0x0];
	v12 =	vmul.f32 $3.200000000e+01, v12;
	v11 =	vmul.f32 $3.200000000e+01, v13;
	v13 =	vadd.f32 v16, v2;
	v2 =	vmovc v15  }
0x145: {  	_ = 	snop  }
0x146: {  	v15 =	vld [tilespmem:s17+$0x0];
	[tilespmem:s0+$0x0] =	vst v14;
	v10 =	vmul.f32 $3.200000000e+01, v10;
	v12 =	vadd.f32 v12, v5  }
0x147: {  	v52 =	vld [tilespmem:s21+$0x0];
	[tilespmem:s29+$0x0] =	vst v13;
	v9 =	vmul.f32 $3.200000000e+01, v9;
	v11 =	vadd.f32 v11, v5  }
0x148: {  	v53 =	vld [tilespmem:s10+$0x0];
	v8 =	vmul.f32 $3.200000000e+01, v8;
	v54 =	vadd.f32 v10, v5;
	[tilespmem:s8+$0x0] =	vst v12  }
0x149: {  	v9 =	vadd.f32 v9, v4;
	v7 =	vmul.f32 $3.200000000e+01, v7;
	[tilespmem:s25+$0x0] =	vst v11  }
0x14a: {  	v8 =	vadd.f32 v8, v4;
	v6 =	vmul.f32 $3.200000000e+01, v6;
	[tilespmem:s20+$0x0] =	vst v54  }
0x14b: {  	v15 =	vmul.f32 $3.200000000e+01, v15;
	[tilespmem:s22+$0x0] =	vst v9;
	v57 =	vadd.f32 v7, v4  }
0x14c: {  	v58 =	vmul.f32 $3.200000000e+01, v52;
	[tilespmem:s6+$0x0] =	vst v8;
	v6 =	vadd.f32 v6, v3  }
0x14d: {  	v59 =	vmul.f32 $3.200000000e+01, v53;
	v51 =	vadd.f32 v15, v2;
	[tilespmem:s4+$0x0] =	vst v57  }
0x14e: {  	v60 =	vadd.f32 v58, v3;
	[tilespmem:s31+$0x0] =	vst v6  }
0x14f: {  	v3 =	vadd.f32 v59, v3;
	[tilespmem:s17+$0x0] =	vst v51  }
0x150: {  	[tilespmem:s21+$0x0] =	vst v60  }
0x151: {  	v55 =	vld [tilespmem:s15+$0x0];
	[tilespmem:s10+$0x0] =	vst v3  }
0x152: {  	v56 =	vld [tilespmem:s5+$0x0];
	s1 =	sld [smem:$0x7D6];
	_ =	sdelay $0x2  }
0x153: {  	s1 =	sadd.s32 $0x1, s1  }
0x154: {  	v61 =	vmul.f32 $3.200000000e+01, v55;
	p0 =	sne.s32 s1, $0x8  }
.Ltmp1:
0x155: {  	v62 =	vmul.f32 $3.200000000e+01, v56;
	(pc) =	sbr.rel @p0 .LBB2_2-.Ltmp1, $4  }
0x156: {  	v63 =	vadd.f32 v61, v2  }
0x157: {  	v2 =	vadd.f32 v62, v2  }
0x158: {  	[tilespmem:s15+$0x0] =	vst v63  }
0x159: {  	[tilespmem:s5+$0x0] =	vst v2  }
0x15a: {  	s0 =	rddreg [dreg:$0x1d]  }
0x15b: {  	s8 =	simm.s32 $0x0;
	s2 =	simm.s32 $0x6200;
	s10 =	sld [smem:$0x7E6]  }
0x15c: {  	[hbm4b:s0+s8] =	stream.linear.scatter [tilespmem:s2], [sflag:$0x7], $0x2000, $0x38;
	[tilespmem:$0x1E200] =	vst v63  }
0x15d: {  	s5 =	simm.s32 $0x8200;
	s11 =	sld [smem:$0x7E7]  }
0x15e: {  	[hbm4b:s10+s8] =	stream.linear.scatter [tilespmem:s5], [sflag:$0x7], $0x2000, $0x38;
	[tilespmem:$0x1E200] =	vst v63  }
0x15f: {  	s6 =	simm.s32 $0xA200;
	s12 =	sld [smem:$0x7E8]  }
0x160: {  	[hbm4b:s11+s8] =	stream.linear.scatter [tilespmem:s6], [sflag:$0x7], $0x2000, $0x38;
	[tilespmem:$0x1E200] =	vst v63  }
0x161: {  	s7 =	simm.s32 $0xC200;
	s13 =	simm.s32 $0x2  }
0x162: {  	[hbm4b:s12+s8] =	stream.linear.scatter [tilespmem:s7], [sflag:$0x7], $0x2000, $0x38;
	[tilespmem:$0x1E200] =	vst v63  }
0x163: {  	_ =	swait.ge [sflag:s13], $0x2000  }
0x164: {  	[sflag:s13] =	ssyncset.done $0x0  }
0x165: {  	[sflag:s13] =	ssyncadd.s32 $0xFFFFE000  }
0x166: {  	_ =	swait.ge [sflag:s13], $0x2000  }
0x167: {  	[sflag:s13] =	ssyncset.done $0x0  }
0x168: {  	[sflag:s13] =	ssyncadd.s32 $0xFFFFE000  }
0x169: {  	_ =	swait.ge [sflag:s13], $0x2000  }
0x16a: {  	[sflag:s13] =	ssyncset.done $0x0  }
0x16b: {  	[sflag:s13] =	ssyncadd.s32 $0xFFFFE000  }
0x16c: {  	_ =	swait.ge [sflag:s13], $0x2000  }
0x16d: {  	[sflag:s13] =	ssyncset.done $0x0  }
0x16e: {  	s14 =	simm.s32 $0x5;
	[sflag:s13] =	ssyncadd.s32 $0xFFFFE000  }
0x16f: {  	_ =	swait.ge [sflag:s14], $0x2000  }
0x170: {  	[sflag:s14] =	ssyncset.done $0x0  }
0x171: {  	s15 =	simm.s32 $0x7;
	[sflag:s14] =	ssyncadd.s32 $0xFFFFE000  }
0x172: {  	_ =	swait.ge [sflag:s15], $0x2000  }
0x173: {  	[sflag:s15] =	ssyncset.done $0x0  }
0x174: {  	[sflag:s15] =	ssyncadd.s32 $0xFFFFE000  }
0x175: {  	_ =	swait.ge [sflag:s15], $0x2000  }
0x176: {  	[sflag:s15] =	ssyncset.done $0x0  }
0x177: {  	[sflag:s15] =	ssyncadd.s32 $0xFFFFE000  }
0x178: {  	_ =	swait.ge [sflag:s15], $0x2000  }
0x179: {  	[sflag:s15] =	ssyncset.done $0x0  }
0x17a: {  	[sflag:s15] =	ssyncadd.s32 $0xFFFFE000  }
0x17b: {  	_ =	swait.ge [sflag:s15], $0x2000  }
0x17c: {  	[sflag:s15] =	ssyncset.done $0x0  }
0x17d: {  	s1 =	simm.s32 $0x200;
	s16 =	rddreg [dreg:$0x1e];
	[sflag:s15] =	ssyncadd.s32 $0xFFFFE000  }
0x17e: {  	[tilespmem:s1], [sflag:$0x4] =	stream.linear.gather [hbm4b:s16+s8], $0x2000, $0x38;
	[tilespmem:$0x1E200] =	vst v63  }
0x17f: {  	v2 =	vld.msk [tilespmem:$0x18], $0xff;
	_ =	sdelay $0x4  }
0x180: {  	v3 =	vshll.u32 v2, $0x3  }
0x181: {  	v2 =	vand.u32 $0x7, v2;
	v3 =	vand.u32 $0xFFFFFFC0, v3  }
0x182: {  	v2 =	vor.u32 v2, v3  }
0x183: {  	v2 =	vperm.xlane v2, v0;
	_ =	sdelay $0x1  }
0x184: {  	v2 =	vadd.s32 v1, v2;
	_ =	sdelay $0x2  }
0x185: {  	s18 =	sld [smem:$0x7E2]  }
0x186: {  	s17 =	rddreg [dreg:$0x1]  }
0x187: {  	[tilespmem:s2], [sflag:$0x1] =	stream.indirect_vreg.gather [hbm4b:s17+s8], $0x80, v2, vm0, $0xb8;
	[tilespmem:$0x1E200] =	vst v63  }
0x188: {  	s19 =	simm.s32 $0x6A00;
	s20 =	sld [smem:$0x7E4]  }
0x189: {  	[tilespmem:s19], [sflag:$0x1] =	stream.indirect_vreg.gather [hbm4b:s18+s8], $0x80, v2, vm0, $0xb8;
	[tilespmem:$0x1E200] =	vst v63  }
0x18a: {  	s3 =	simm.s32 $0x7200;
	s21 =	sld [smem:$0x7E5]  }
0x18b: {  	[tilespmem:s3], [sflag:$0x1] =	stream.indirect_vreg.gather [hbm4b:s20+s8], $0x80, v2, vm0, $0xb8;
	[tilespmem:$0x1E200] =	vst v63  }
0x18c: {  	s4 =	simm.s32 $0x7A00  }
0x18d: {  	[tilespmem:s4], [sflag:$0x1] =	stream.indirect_vreg.gather [hbm4b:s21+s8], $0x80, v2, vm0, $0xb8;
	[tilespmem:$0x1E200] =	vst v63  }
0x18e: {  	v2 =	vld.msk [tilespmem:$0x98], $0xff;
	_ =	sdelay $0x4  }
0x18f: {  	v3 =	vshll.u32 v2, $0x3  }
0x190: {  	v2 =	vand.u32 $0x7, v2;
	v3 =	vand.u32 $0xFFFFFFC0, v3  }
0x191: {  	v2 =	vor.u32 v2, v3  }
0x192: {  	v2 =	vperm.xlane v2, v0;
	_ =	sdelay $0x1  }
0x193: {  	v2 =	vadd.s32 v1, v2;
	_ =	sdelay $0x4  }
0x194: {  	[tilespmem:s5], [sflag:$0x1] =	stream.indirect_vreg.gather [hbm4b:s17+s8], $0x80, v2, vm0, $0xb8;
	[tilespmem:$0x1E200] =	vst v63  }
0x195: {  	s22 =	simm.s32 $0x8A00  }
0x196: {  	[tilespmem:s22], [sflag:$0x1] =	stream.indirect_vreg.gather [hbm4b:s18+s8], $0x80, v2, vm0, $0xb8;
	[tilespmem:$0x1E200] =	vst v63  }
0x197: {  	s23 =	simm.s32 $0x9200  }
0x198: {  	[tilespmem:s23], [sflag:$0x1] =	stream.indirect_vreg.gather [hbm4b:s20+s8], $0x80, v2, vm0, $0xb8;
	[tilespmem:$0x1E200] =	vst v63  }
0x199: {  	s24 =	simm.s32 $0x9A00  }
0x19a: {  	[tilespmem:s24], [sflag:$0x1] =	stream.indirect_vreg.gather [hbm4b:s21+s8], $0x80, v2, vm0, $0xb8;
	[tilespmem:$0x1E200] =	vst v63  }
0x19b: {  	v2 =	vld.msk [tilespmem:$0x118], $0xff;
	_ =	sdelay $0x4  }
0x19c: {  	v3 =	vshll.u32 v2, $0x3  }
0x19d: {  	v2 =	vand.u32 $0x7, v2;
	v3 =	vand.u32 $0xFFFFFFC0, v3  }
0x19e: {  	v2 =	vor.u32 v2, v3  }
0x19f: {  	v2 =	vperm.xlane v2, v0;
	_ =	sdelay $0x1  }
0x1a0: {  	v2 =	vadd.s32 v1, v2;
	_ =	sdelay $0x4  }
0x1a1: {  	[tilespmem:s6], [sflag:$0x1] =	stream.indirect_vreg.gather [hbm4b:s17+s8], $0x80, v2, vm0, $0xb8;
	[tilespmem:$0x1E200] =	vst v63  }
0x1a2: {  	s25 =	simm.s32 $0xAA00  }
0x1a3: {  	[tilespmem:s25], [sflag:$0x1] =	stream.indirect_vreg.gather [hbm4b:s18+s8], $0x80, v2, vm0, $0xb8;
	[tilespmem:$0x1E200] =	vst v63  }
0x1a4: {  	s26 =	simm.s32 $0xB200  }
0x1a5: {  	[tilespmem:s26], [sflag:$0x1] =	stream.indirect_vreg.gather [hbm4b:s20+s8], $0x80, v2, vm0, $0xb8;
	[tilespmem:$0x1E200] =	vst v63  }
0x1a6: {  	s28 =	simm.s32 $0xBA00  }
0x1a7: {  	[tilespmem:s28], [sflag:$0x1] =	stream.indirect_vreg.gather [hbm4b:s21+s8], $0x80, v2, vm0, $0xb8;
	[tilespmem:$0x1E200] =	vst v63  }
0x1a8: {  	v2 =	vld.msk [tilespmem:$0x198], $0xff;
	_ =	sdelay $0x4  }
0x1a9: {  	v3 =	vshll.u32 v2, $0x3  }
0x1aa: {  	v2 =	vand.u32 $0x7, v2;
	v3 =	vand.u32 $0xFFFFFFC0, v3  }
0x1ab: {  	v2 =	vor.u32 v2, v3  }
0x1ac: {  	v2 =	vperm.xlane v2, v0;
	_ =	sdelay $0x1  }
0x1ad: {  	v2 =	vadd.s32 v1, v2;
	_ =	sdelay $0x4  }
0x1ae: {  	[tilespmem:s7], [sflag:$0x1] =	stream.indirect_vreg.gather [hbm4b:s17+s8], $0x80, v2, vm0, $0xb8;
	[tilespmem:$0x1E200] =	vst v63  }
0x1af: {  	s29 =	simm.s32 $0xCA00  }
0x1b0: {  	[tilespmem:s29], [sflag:$0x1] =	stream.indirect_vreg.gather [hbm4b:s18+s8], $0x80, v2, vm0, $0xb8;
	[tilespmem:$0x1E200] =	vst v63  }
0x1b1: {  	s30 =	simm.s32 $0xD200  }
0x1b2: {  	[tilespmem:s30], [sflag:$0x1] =	stream.indirect_vreg.gather [hbm4b:s20+s8], $0x80, v2, vm0, $0xb8;
	[tilespmem:$0x1E200] =	vst v63  }
0x1b3: {  	s31 =	simm.s32 $0xDA00;
	s0 =	simm.s32 $0x0  }
0x1b4: {  	[tilespmem:s31], [sflag:$0x1] =	stream.indirect_vreg.gather [hbm4b:s21+s8], $0x80, v2, vm0, $0xb8;
	[tilespmem:$0x1E200] =	vst v63  }
.LBB2_6:
0x1b5: {  	s18 =	simm.s32 $0x0  }
0x1b6: {  	s11 =	sshll.u32 s0, $0x7;
	s2 =	sand.u32 $0x40, s18;
	s3 =	sand.u32 $0x1C00, s18  }
0x1b7: {  	s1 =	sor.u32 s11, s3;
	s4 =	sor.u32 $0x30, s2  }
0x1b8: {  	[smem:$0x7D5] =	sst s0;
	s5 =	sor.u32 s4, s1  }
0x1b9: {  	s7 =	sor.u32 $0x10, s2;
	v2 =	vld [tilespmem:s5+$0xE200]  }
0x1ba: {  	s8 =	sor.u32 s7, s1;
	v3 =	vld [tilespmem:s5+$0x2200]  }
0x1bb: {  	s6 =	sor.u32 s2, s1;
	v5 =	vld [tilespmem:s8+$0xE200]  }
0x1bc: {  	v4 =	vld [tilespmem:s6+$0xE200]  }
0x1bd: {  	v8 =	vld [tilespmem:s8+$0x2200]  }
0x1be: {  	s19 =	sor.u32 $0x20, s2;
	v6 =	vld [tilespmem:s6+$0x2200];
	v2 =	vmul.f32 $3.200000000e+01, v2  }
0x1bf: {  	s10 =	sor.u32 s19, s1  }
0x1c0: {  	s14 =	sadd.s32 $0x14200, s11;
	v7 =	vld [tilespmem:s10+$0xE200];
	v5 =	vmul.f32 $3.200000000e+01, v5;
	v2 =	vadd.f32 v2, v3  }
0x1c1: {  	s18 =	sadd.s32 $0x10200, s11;
	s21 =	sadd.s32 s3, s14;
	v4 =	vmul.f32 $3.200000000e+01, v4  }
0x1c2: {  	s12 =	sadd.s32 s3, s18;
	s13 =	sadd.s32 s4, s21;
	v13 =	vld [tilespmem:s10+$0x2200];
	v5 =	vadd.f32 v5, v8;
	[tilespmem:s5+$0xE200] =	vst v2  }
0x1c3: {  	s28 =	sadd.s32 $0x12200, s11;
	s16 =	sadd.s32 s4, s12;
	v2 =	vadd.f32 v4, v6;
	v4 =	vld [tilespmem:s13+$0x0]  }
0x1c4: {  	s9 =	sadd.s32 s3, s28;
	s5 =	sadd.s32 s7, s12;
	[tilespmem:s8+$0xE200] =	vst v5;
	v9 =	vld [tilespmem:s16+$0x0]  }
0x1c5: {  	s17 =	sadd.s32 s4, s9;
	v7 =	vmul.f32 $3.200000000e+01, v7;
	v14 =	vld [tilespmem:s5+$0x0]  }
0x1c6: {  	s20 =	sadd.s32 s2, s12;
	[tilespmem:s6+$0xE200] =	vst v2;
	v2 =	vld [tilespmem:s17+$0x0]  }
0x1c7: {  	s22 =	sadd.s32 s2, s9;
	v7 =	vadd.f32 v7, v13;
	v10 =	vld [tilespmem:s20+$0x0]  }
0x1c8: {  	s6 =	sadd.s32 s2, s21;
	v11 =	vld [tilespmem:s22+$0x0]  }
0x1c9: {  	s25 =	simm.s32 $0x200;
	[tilespmem:s10+$0xE200] =	vst v7;
	s2 =	sadd.s32 s7, s9;
	v12 =	vld [tilespmem:s6+$0x0]  }
0x1ca: {  	s26 =	simm.s32 $0x40;
	s12 =	sadd.s32 s19, s12;
	v7 =	vld [tilespmem:s2+$0x0];
	[dreg:$0x7] =	wrdreg s11  }
0x1cb: {  	s30 =	sand.u32 $0x1C00, s25;
	s3 =	sand.u32 $0x40, s26;
	v15 =	vld [tilespmem:s12+$0x0];
	v4 =	vmul.f32 $3.200000000e+01, v4  }
0x1cc: {  	s23 =	sor.u32 s11, s30;
	s4 =	sadd.s32 s7, s21;
	s24 =	sor.u32 $0x30, s3;
	v5 =	vmul.f32 $3.200000000e+01, v9  }
0x1cd: {  	s25 =	sor.u32 s24, s23;
	v16 =	vld [tilespmem:s4+$0x0];
	v2 =	vmul.f32 $3.200000000e+01, v2;
	v4 =	vadd.f32 v4, v3  }
0x1ce: {  	s26 =	sor.u32 s3, s23;
	v9 =	vld [tilespmem:s25+$0xE200];
	v10 =	vmul.f32 $3.200000000e+01, v10;
	v18 =	vadd.f32 v5, v3  }
0x1cf: {  	s7 =	sor.u32 $0x10, s3;
	v17 =	vld [tilespmem:s26+$0xE200];
	v11 =	vmul.f32 $3.200000000e+01, v11;
	v2 =	vadd.f32 v2, v3;
	[tilespmem:s13+$0x0] =	vst v4  }
0x1d0: {  	s8 =	sor.u32 $0x20, s3;
	s15 =	sor.u32 s7, s23;
	v5 =	vld [tilespmem:s25+$0x2200];
	v3 =	vmul.f32 $3.200000000e+01, v15;
	v10 =	vadd.f32 v10, v6;
	[tilespmem:s16+$0x0] =	vst v18  }
0x1d1: {  	s11 =	sor.u32 s8, s23;
	v19 =	vld [tilespmem:s15+$0xE200];
	v11 =	vadd.f32 v11, v6;
	[tilespmem:s17+$0x0] =	vst v2  }
0x1d2: {  	v15 =	vld [tilespmem:s11+$0xE200];
	v2 =	vadd.f32 v3, v13;
	[tilespmem:s20+$0x0] =	vst v10  }
0x1d3: {  	v4 =	vld [tilespmem:s26+$0x2200];
	v9 =	vmul.f32 $3.200000000e+01, v9;
	[tilespmem:s22+$0x0] =	vst v11  }
0x1d4: {  	v10 =	vmul.f32 $3.200000000e+01, v12;
	v3 =	vld [tilespmem:s15+$0x2200];
	[tilespmem:s12+$0x0] =	vst v2  }
0x1d5: {  	s9 =	sadd.s32 s19, s9;
	v12 =	vmul.f32 $3.200000000e+01, v14;
	v9 =	vadd.f32 v9, v5;
	v2 =	vld [tilespmem:s11+$0x2200];
	[dreg:$0xf] =	wrdreg s14  }
0x1d6: {  	v6 =	vadd.f32 v10, v6;
	s12 =	sadd.s32 s19, s21;
	v10 =	vmul.f32 $3.200000000e+01, v17;
	s14 =	sadd.s32 s30, s14;
	v11 =	vld [tilespmem:s9+$0x0]  }
0x1d7: {  	s23 =	sadd.s32 s30, s18;
	v7 =	vmul.f32 $3.200000000e+01, v7;
	v12 =	vadd.f32 v12, v8;
	[tilespmem:s25+$0xE200] =	vst v9;
	s1 =	sadd.s32 s24, s14;
	v14 =	vld [tilespmem:s12+$0x0]  }
0x1d8: {  	s0 =	sadd.s32 s24, s23;
	s30 =	sadd.s32 s30, s28;
	v9 =	vmul.f32 $3.200000000e+01, v16;
	[tilespmem:s6+$0x0] =	vst v6;
	v6 =	vadd.f32 v10, v4;
	v61 =	vld [tilespmem:s1+$0x0]  }
0x1d9: {  	v7 =	vadd.f32 v7, v8;
	s25 =	sadd.s32 s24, s30;
	[tilespmem:s5+$0x0] =	vst v12;
	v12 =	vmul.f32 $3.200000000e+01, v19;
	v62 =	vld [tilespmem:s0+$0x0]  }
0x1da: {  	s31 =	sadd.s32 s3, s23;
	s19 =	smov.u32 s18;
	v15 =	vmul.f32 $3.200000000e+01, v15;
	v10 =	vld [tilespmem:s25+$0x0];
	v8 =	vadd.f32 v9, v8;
	[tilespmem:s26+$0xE200] =	vst v6  }
0x1db: {  	s21 =	smov.u32 s28;
	s5 =	simm.s32 $0x4;
	s29 =	sadd.s32 s3, s14;
	[tilespmem:s2+$0x0] =	vst v7;
	v6 =	vadd.f32 v12, v3;
	v9 =	vld [tilespmem:s31+$0x0]  }
0x1dc: {  	s10 =	sadd.s32 s3, s30;
	s6 =	sadd.s32 s7, s23;
	s22 =	sadd.s32 s7, s30;
	v15 =	vadd.f32 v15, v2;
	v7 =	vld [tilespmem:s29+$0x0];
	[tilespmem:s4+$0x0] =	vst v8;
	v11 =	vmul.f32 $3.200000000e+01, v11;
	v63 =	vmul.f32 $3.200000000e+01, v14  }
0x1dd: {  	s20 =	sadd.s32 s8, s30;
	s17 =	sadd.s32 s8, s14;
	s2 =	simm.s32 $0x400;
	v8 =	vld [tilespmem:s10+$0x0];
	[tilespmem:s15+$0xE200] =	vst v6;
	v12 =	vmul.f32 $3.200000000e+01, v61  }
0x1de: {  	s4 =	sadd.s32 s8, s23;
	s15 =	sadd.s32 s7, s14;
	s8 =	simm.s32 $0x80;
	[tilespmem:s11+$0xE200] =	vst v15;
	v6 =	vld [tilespmem:s6+$0x0];
	v14 =	vadd.f32 v11, v13;
	v11 =	vmul.f32 $3.200000000e+01, v62;
	v13 =	vadd.f32 v63, v13  }
.LBB2_7:
0x1df: {  	_ = 	snop  }
0x1e0: {  	s16 =	sand.u32 $0x40, s8;
	s3 =	sand.u32 $0x1C00, s2;
	v15 =	vld [tilespmem:s22+$0x0];
	s7 =	rddreg [dreg:$0x7];
	v12 =	vadd.f32 v12, v5;
	[tilespmem:s9+$0x0] =	vst v14;
	v10 =	vmul.f32 $3.200000000e+01, v10  }
0x1e1: {  	s14 =	sor.u32 s7, s3;
	s30 =	sor.u32 $0x30, s16;
	v14 =	vld [tilespmem:s15+$0x0];
	v11 =	vadd.f32 v11, v5;
	[tilespmem:s12+$0x0] =	vst v13;
	v9 =	vmul.f32 $3.200000000e+01, v9  }
0x1e2: {  	v13 =	vld [tilespmem:s4+$0x0];
	s13 =	sor.u32 s30, s14;
	[tilespmem:s1+$0x0] =	vst v12;
	v8 =	vmul.f32 $3.200000000e+01, v8;
	v5 =	vadd.f32 v10, v5  }
0x1e3: {  	s26 =	sor.u32 s16, s14;
	v7 =	vmul.f32 $3.200000000e+01, v7;
	v10 =	vld [tilespmem:s13+$0xE200];
	v9 =	vadd.f32 v9, v4;
	[tilespmem:s0+$0x0] =	vst v11  }
0x1e4: {  	s24 =	sor.u32 $0x20, s16;
	v6 =	vmul.f32 $3.200000000e+01, v6;
	v11 =	vld [tilespmem:s26+$0xE200];
	v8 =	vadd.f32 v8, v4;
	[tilespmem:s25+$0x0] =	vst v5  }
0x1e5: {  	s28 =	sor.u32 $0x10, s16;
	s23 =	sor.u32 s24, s14;
	v4 =	vadd.f32 v7, v4;
	v7 =	vmul.f32 $3.200000000e+01, v15;
	[tilespmem:s31+$0x0] =	vst v9;
	v5 =	vld [tilespmem:s13+$0x2200]  }
0x1e6: {  	s7 =	sor.u32 s28, s14;
	v12 =	vld [tilespmem:s23+$0xE200];
	v6 =	vadd.f32 v6, v3;
	[tilespmem:s10+$0x0] =	vst v8;
	v8 =	vmul.f32 $3.200000000e+01, v14  }
0x1e7: {  	v13 =	vmul.f32 $3.200000000e+01, v13;
	v9 =	vld [tilespmem:s7+$0xE200];
	[tilespmem:s29+$0x0] =	vst v4;
	v7 =	vadd.f32 v7, v3  }
0x1e8: {  	s5 =	sadd.s32 $0x4, s5;
	s1 =	sadd.s32 s3, s21;
	[tilespmem:s6+$0x0] =	vst v6;
	v4 =	vld [tilespmem:s26+$0x2200];
	v6 =	vadd.f32 v8, v3;
	v10 =	vmul.f32 $3.200000000e+01, v10  }
0x1e9: {  	s9 =	smov.u32 s20;
	s12 =	sadd.s32 s16, s1;
	s11 =	sadd.s32 s28, s1;
	v3 =	vld [tilespmem:s7+$0x2200];
	[tilespmem:s22+$0x0] =	vst v7;
	v7 =	vadd.f32 v13, v2  }
0x1ea: {  	v15 =	vld [tilespmem:s23+$0x2200];
	s10 =	smov.u32 s12;
	s12 =	smov.u32 s17;
	s17 =	rddreg [dreg:$0xf];
	[tilespmem:s15+$0x0] =	vst v6;
	v10 =	vadd.f32 v10, v5  }
0x1eb: {  	s20 =	sadd.s32 s24, s1;
	s0 =	sadd.s32 s3, s19;
	s3 =	sadd.s32 s3, s17;
	v8 =	vmul.f32 $3.200000000e+01, v11;
	[tilespmem:s4+$0x0] =	vst v7;
	v7 =	vld [tilespmem:s9+$0x0]  }
0x1ec: {  	s14 =	sadd.s32 s28, s0;
	s25 =	sadd.s32 s30, s1;
	s1 =	sadd.s32 s30, s3;
	v11 =	vld [tilespmem:s12+$0x0];
	v6 =	vmul.f32 $3.200000000e+01, v9;
	[tilespmem:s13+$0xE200] =	vst v10  }
0x1ed: {  	s18 =	sadd.s32 s24, s0;
	s31 =	sadd.s32 s16, s0;
	s0 =	sadd.s32 s30, s0;
	v9 =	vmul.f32 $3.200000000e+01, v12;
	v8 =	vadd.f32 v8, v4;
	v12 =	vld [tilespmem:s1+$0x0]  }
0x1ee: {  	p0 =	slt.u32 s5, $0x3C;
	v6 =	vadd.f32 v6, v3;
	v13 =	vld [tilespmem:s0+$0x0]  }
.Ltmp2:
0x1ef: {  	[tilespmem:s26+$0xE200] =	vst v8;
	v10 =	vld [tilespmem:s25+$0x0];
	(pc) =	sbr.rel @p0 .LBB2_7-.Ltmp2, $4  }
0x1f0: {  	v14 =	vadd.f32 v9, v15;
	v9 =	vld [tilespmem:s31+$0x0];
	[tilespmem:s7+$0xE200] =	vst v6;
	v6 =	vmul.f32 $3.200000000e+01, v7  }
0x1f1: {  	s2 =	sadd.s32 $0x200, s2;
	s29 =	sadd.s32 s16, s3;
	v16 =	vmul.f32 $3.200000000e+01, v11;
	v8 =	vld [tilespmem:s10+$0x0]  }
0x1f2: {  	s8 =	sadd.s32 $0x40, s8;
	s6 =	smov.u32 s14;
	s22 =	smov.u32 s11;
	[tilespmem:s23+$0xE200] =	vst v14;
	v7 =	vld [tilespmem:s29+$0x0];
	v14 =	vadd.f32 v6, v2  }
0x1f3: {  	s17 =	sadd.s32 s24, s3;
	s4 =	smov.u32 s18;
	s15 =	sadd.s32 s28, s3;
	v6 =	vld [tilespmem:s6+$0x0];
	v12 =	vmul.f32 $3.200000000e+01, v12;
	v11 =	vmul.f32 $3.200000000e+01, v13;
	v13 =	vadd.f32 v16, v2;
	v2 =	vmovc v15  }
0x1f4: {  	_ = 	snop  }
0x1f5: {  	v15 =	vld [tilespmem:s4+$0x0];
	[tilespmem:s9+$0x0] =	vst v14;
	v10 =	vmul.f32 $3.200000000e+01, v10;
	v12 =	vadd.f32 v12, v5  }
0x1f6: {  	v52 =	vld [tilespmem:s22+$0x0];
	[tilespmem:s12+$0x0] =	vst v13;
	v9 =	vmul.f32 $3.200000000e+01, v9;
	v11 =	vadd.f32 v11, v5  }
0x1f7: {  	v53 =	vld [tilespmem:s15+$0x0];
	v8 =	vmul.f32 $3.200000000e+01, v8;
	v54 =	vadd.f32 v10, v5;
	[tilespmem:s1+$0x0] =	vst v12  }
0x1f8: {  	v9 =	vadd.f32 v9, v4;
	v7 =	vmul.f32 $3.200000000e+01, v7;
	[tilespmem:s0+$0x0] =	vst v11  }
0x1f9: {  	v8 =	vadd.f32 v8, v4;
	v6 =	vmul.f32 $3.200000000e+01, v6;
	[tilespmem:s25+$0x0] =	vst v54  }
0x1fa: {  	v15 =	vmul.f32 $3.200000000e+01, v15;
	[tilespmem:s31+$0x0] =	vst v9;
	v57 =	vadd.f32 v7, v4  }
0x1fb: {  	v58 =	vmul.f32 $3.200000000e+01, v52;
	[tilespmem:s10+$0x0] =	vst v8;
	v6 =	vadd.f32 v6, v3  }
0x1fc: {  	v59 =	vmul.f32 $3.200000000e+01, v53;
	v51 =	vadd.f32 v15, v2;
	[tilespmem:s29+$0x0] =	vst v57  }
0x1fd: {  	v60 =	vadd.f32 v58, v3;
	[tilespmem:s6+$0x0] =	vst v6  }
0x1fe: {  	v3 =	vadd.f32 v59, v3;
	[tilespmem:s4+$0x0] =	vst v51  }
0x1ff: {  	[tilespmem:s22+$0x0] =	vst v60  }
0x200: {  	v55 =	vld [tilespmem:s20+$0x0];
	[tilespmem:s15+$0x0] =	vst v3  }
0x201: {  	v56 =	vld [tilespmem:s17+$0x0];
	s0 =	sld [smem:$0x7D5];
	_ =	sdelay $0x2  }
0x202: {  	s0 =	sadd.s32 $0x1, s0  }
0x203: {  	v61 =	vmul.f32 $3.200000000e+01, v55;
	p0 =	sne.s32 s0, $0x8  }
.Ltmp3:
0x204: {  	v62 =	vmul.f32 $3.200000000e+01, v56;
	(pc) =	sbr.rel @p0 .LBB2_6-.Ltmp3, $4  }
0x205: {  	v63 =	vadd.f32 v61, v2  }
0x206: {  	v2 =	vadd.f32 v62, v2  }
0x207: {  	[tilespmem:s20+$0x0] =	vst v63  }
0x208: {  	[tilespmem:s17+$0x0] =	vst v2  }
0x209: {  	s0 =	rddreg [dreg:$0x1f]  }
0x20a: {  	s8 =	simm.s32 $0x0;
	s2 =	simm.s32 $0xE200;
	s10 =	sld [smem:$0x7E9]  }
0x20b: {  	[hbm4b:s0+s8] =	stream.linear.scatter [tilespmem:s2], [sflag:$0x8], $0x2000, $0x38;
	[tilespmem:$0x1E200] =	vst v63  }
0x20c: {  	s5 =	simm.s32 $0x10200;
	s11 =	sld [smem:$0x7EA]  }
0x20d: {  	[hbm4b:s10+s8] =	stream.linear.scatter [tilespmem:s5], [sflag:$0x8], $0x2000, $0x38;
	[tilespmem:$0x1E200] =	vst v63  }
0x20e: {  	s6 =	simm.s32 $0x12200;
	s12 =	sld [smem:$0x7EB]  }
0x20f: {  	[hbm4b:s11+s8] =	stream.linear.scatter [tilespmem:s6], [sflag:$0x8], $0x2000, $0x38;
	[tilespmem:$0x1E200] =	vst v63  }
0x210: {  	s7 =	simm.s32 $0x14200;
	s13 =	simm.s32 $0x3  }
0x211: {  	[hbm4b:s12+s8] =	stream.linear.scatter [tilespmem:s7], [sflag:$0x8], $0x2000, $0x38;
	[tilespmem:$0x1E200] =	vst v63  }
0x212: {  	_ =	swait.ge [sflag:s13], $0x2000  }
0x213: {  	[sflag:s13] =	ssyncset.done $0x0  }
0x214: {  	[sflag:s13] =	ssyncadd.s32 $0xFFFFE000  }
0x215: {  	_ =	swait.ge [sflag:s13], $0x2000  }
0x216: {  	[sflag:s13] =	ssyncset.done $0x0  }
0x217: {  	[sflag:s13] =	ssyncadd.s32 $0xFFFFE000  }
0x218: {  	_ =	swait.ge [sflag:s13], $0x2000  }
0x219: {  	[sflag:s13] =	ssyncset.done $0x0  }
0x21a: {  	[sflag:s13] =	ssyncadd.s32 $0xFFFFE000  }
0x21b: {  	_ =	swait.ge [sflag:s13], $0x2000  }
0x21c: {  	[sflag:s13] =	ssyncset.done $0x0  }
0x21d: {  	s14 =	simm.s32 $0x6;
	[sflag:s13] =	ssyncadd.s32 $0xFFFFE000  }
0x21e: {  	_ =	swait.ge [sflag:s14], $0x2000  }
0x21f: {  	[sflag:s14] =	ssyncset.done $0x0  }
0x220: {  	s15 =	simm.s32 $0x8;
	[sflag:s14] =	ssyncadd.s32 $0xFFFFE000  }
0x221: {  	_ =	swait.ge [sflag:s15], $0x2000  }
0x222: {  	[sflag:s15] =	ssyncset.done $0x0  }
0x223: {  	[sflag:s15] =	ssyncadd.s32 $0xFFFFE000  }
0x224: {  	_ =	swait.ge [sflag:s15], $0x2000  }
0x225: {  	[sflag:s15] =	ssyncset.done $0x0  }
0x226: {  	[sflag:s15] =	ssyncadd.s32 $0xFFFFE000  }
0x227: {  	_ =	swait.ge [sflag:s15], $0x2000  }
0x228: {  	[sflag:s15] =	ssyncset.done $0x0  }
0x229: {  	[sflag:s15] =	ssyncadd.s32 $0xFFFFE000  }
0x22a: {  	_ =	swait.ge [sflag:s15], $0x2000  }
0x22b: {  	s16 =	sld [smem:$0x7D8]  }
0x22c: {  	[sflag:s15] =	ssyncset.done $0x0  }
0x22d: {  	s1 =	simm.s32 $0x2200;
	[sflag:s15] =	ssyncadd.s32 $0xFFFFE000  }
0x22e: {  	[tilespmem:s1], [sflag:$0x5] =	stream.linear.gather [hbm4b:s16+s8], $0x2000, $0x38;
	[tilespmem:$0x1E200] =	vst v63  }
0x22f: {  	v2 =	vld.msk [tilespmem:$0x20], $0xff;
	_ =	sdelay $0x4  }
0x230: {  	v3 =	vshll.u32 v2, $0x3  }
0x231: {  	v2 =	vand.u32 $0x7, v2;
	v3 =	vand.u32 $0xFFFFFFC0, v3  }
0x232: {  	v2 =	vor.u32 v2, v3  }
0x233: {  	v2 =	vperm.xlane v2, v0;
	_ =	sdelay $0x1  }
0x234: {  	v2 =	vadd.s32 v1, v2;
	_ =	sdelay $0x2  }
0x235: {  	s18 =	sld [smem:$0x7E2]  }
0x236: {  	s17 =	rddreg [dreg:$0x1]  }
0x237: {  	[tilespmem:s2], [sflag:$0x2] =	stream.indirect_vreg.gather [hbm4b:s17+s8], $0x80, v2, vm0, $0xb8;
	[tilespmem:$0x1E200] =	vst v63  }
0x238: {  	s19 =	simm.s32 $0xEA00;
	s20 =	sld [smem:$0x7E4]  }
0x239: {  	[tilespmem:s19], [sflag:$0x2] =	stream.indirect_vreg.gather [hbm4b:s18+s8], $0x80, v2, vm0, $0xb8;
	[tilespmem:$0x1E200] =	vst v63  }
0x23a: {  	s3 =	simm.s32 $0xF200;
	s21 =	sld [smem:$0x7E5]  }
0x23b: {  	[tilespmem:s3], [sflag:$0x2] =	stream.indirect_vreg.gather [hbm4b:s20+s8], $0x80, v2, vm0, $0xb8;
	[tilespmem:$0x1E200] =	vst v63  }
0x23c: {  	s4 =	simm.s32 $0xFA00  }
0x23d: {  	[tilespmem:s4], [sflag:$0x2] =	stream.indirect_vreg.gather [hbm4b:s21+s8], $0x80, v2, vm0, $0xb8;
	[tilespmem:$0x1E200] =	vst v63  }
0x23e: {  	v2 =	vld.msk [tilespmem:$0xA0], $0xff;
	_ =	sdelay $0x4  }
0x23f: {  	v3 =	vshll.u32 v2, $0x3  }
0x240: {  	v2 =	vand.u32 $0x7, v2;
	v3 =	vand.u32 $0xFFFFFFC0, v3  }
0x241: {  	v2 =	vor.u32 v2, v3  }
0x242: {  	v2 =	vperm.xlane v2, v0;
	_ =	sdelay $0x1  }
0x243: {  	v2 =	vadd.s32 v1, v2;
	_ =	sdelay $0x4  }
0x244: {  	[tilespmem:s5], [sflag:$0x2] =	stream.indirect_vreg.gather [hbm4b:s17+s8], $0x80, v2, vm0, $0xb8;
	[tilespmem:$0x1E200] =	vst v63  }
0x245: {  	s22 =	simm.s32 $0x10A00  }
0x246: {  	[tilespmem:s22], [sflag:$0x2] =	stream.indirect_vreg.gather [hbm4b:s18+s8], $0x80, v2, vm0, $0xb8;
	[tilespmem:$0x1E200] =	vst v63  }
0x247: {  	s23 =	simm.s32 $0x11200  }
0x248: {  	[tilespmem:s23], [sflag:$0x2] =	stream.indirect_vreg.gather [hbm4b:s20+s8], $0x80, v2, vm0, $0xb8;
	[tilespmem:$0x1E200] =	vst v63  }
0x249: {  	s24 =	simm.s32 $0x11A00  }
0x24a: {  	[tilespmem:s24], [sflag:$0x2] =	stream.indirect_vreg.gather [hbm4b:s21+s8], $0x80, v2, vm0, $0xb8;
	[tilespmem:$0x1E200] =	vst v63  }
0x24b: {  	v2 =	vld.msk [tilespmem:$0x120], $0xff;
	_ =	sdelay $0x4  }
0x24c: {  	v3 =	vshll.u32 v2, $0x3  }
0x24d: {  	v2 =	vand.u32 $0x7, v2;
	v3 =	vand.u32 $0xFFFFFFC0, v3  }
0x24e: {  	v2 =	vor.u32 v2, v3  }
0x24f: {  	v2 =	vperm.xlane v2, v0;
	_ =	sdelay $0x1  }
0x250: {  	v2 =	vadd.s32 v1, v2;
	_ =	sdelay $0x4  }
0x251: {  	[tilespmem:s6], [sflag:$0x2] =	stream.indirect_vreg.gather [hbm4b:s17+s8], $0x80, v2, vm0, $0xb8;
	[tilespmem:$0x1E200] =	vst v63  }
0x252: {  	s25 =	simm.s32 $0x12A00  }
0x253: {  	[tilespmem:s25], [sflag:$0x2] =	stream.indirect_vreg.gather [hbm4b:s18+s8], $0x80, v2, vm0, $0xb8;
	[tilespmem:$0x1E200] =	vst v63  }
0x254: {  	s26 =	simm.s32 $0x13200  }
0x255: {  	[tilespmem:s26], [sflag:$0x2] =	stream.indirect_vreg.gather [hbm4b:s20+s8], $0x80, v2, vm0, $0xb8;
	[tilespmem:$0x1E200] =	vst v63  }
0x256: {  	s28 =	simm.s32 $0x13A00  }
0x257: {  	[tilespmem:s28], [sflag:$0x2] =	stream.indirect_vreg.gather [hbm4b:s21+s8], $0x80, v2, vm0, $0xb8;
	[tilespmem:$0x1E200] =	vst v63  }
0x258: {  	v2 =	vld.msk [tilespmem:$0x1A0], $0xff;
	_ =	sdelay $0x4  }
0x259: {  	v3 =	vshll.u32 v2, $0x3  }
0x25a: {  	v2 =	vand.u32 $0x7, v2;
	v3 =	vand.u32 $0xFFFFFFC0, v3  }
0x25b: {  	v2 =	vor.u32 v2, v3  }
0x25c: {  	v2 =	vperm.xlane v2, v0;
	_ =	sdelay $0x1  }
0x25d: {  	v2 =	vadd.s32 v1, v2;
	_ =	sdelay $0x4  }
0x25e: {  	[tilespmem:s7], [sflag:$0x2] =	stream.indirect_vreg.gather [hbm4b:s17+s8], $0x80, v2, vm0, $0xb8;
	[tilespmem:$0x1E200] =	vst v63  }
0x25f: {  	s29 =	simm.s32 $0x14A00  }
0x260: {  	[tilespmem:s29], [sflag:$0x2] =	stream.indirect_vreg.gather [hbm4b:s18+s8], $0x80, v2, vm0, $0xb8;
	[tilespmem:$0x1E200] =	vst v63  }
0x261: {  	s30 =	simm.s32 $0x15200  }
0x262: {  	[tilespmem:s30], [sflag:$0x2] =	stream.indirect_vreg.gather [hbm4b:s20+s8], $0x80, v2, vm0, $0xb8;
	[tilespmem:$0x1E200] =	vst v63  }
0x263: {  	s31 =	simm.s32 $0x15A00;
	s0 =	simm.s32 $0x0  }
0x264: {  	[tilespmem:s31], [sflag:$0x2] =	stream.indirect_vreg.gather [hbm4b:s21+s8], $0x80, v2, vm0, $0xb8;
	[tilespmem:$0x1E200] =	vst v63  }
.LBB2_10:
0x265: {  	s18 =	simm.s32 $0x0  }
0x266: {  	s11 =	sshll.u32 s0, $0x7;
	s2 =	sand.u32 $0x40, s18;
	s3 =	sand.u32 $0x1C00, s18  }
0x267: {  	s1 =	sor.u32 s11, s3;
	s4 =	sor.u32 $0x30, s2  }
0x268: {  	[smem:$0x7D4] =	sst s0;
	s5 =	sor.u32 s4, s1  }
0x269: {  	s7 =	sor.u32 $0x10, s2;
	v2 =	vld [tilespmem:s5+$0x16200]  }
0x26a: {  	s8 =	sor.u32 s7, s1;
	v3 =	vld [tilespmem:s5+$0x4200]  }
0x26b: {  	s6 =	sor.u32 s2, s1;
	v5 =	vld [tilespmem:s8+$0x16200]  }
0x26c: {  	v4 =	vld [tilespmem:s6+$0x16200]  }
0x26d: {  	v8 =	vld [tilespmem:s8+$0x4200]  }
0x26e: {  	s19 =	sor.u32 $0x20, s2;
	v6 =	vld [tilespmem:s6+$0x4200];
	v2 =	vmul.f32 $3.200000000e+01, v2  }
0x26f: {  	s10 =	sor.u32 s19, s1  }
0x270: {  	s14 =	sadd.s32 $0x1C200, s11;
	v7 =	vld [tilespmem:s10+$0x16200];
	v5 =	vmul.f32 $3.200000000e+01, v5;
	v2 =	vadd.f32 v2, v3  }
0x271: {  	s18 =	sadd.s32 $0x18200, s11;
	s21 =	sadd.s32 s3, s14;
	v4 =	vmul.f32 $3.200000000e+01, v4  }
0x272: {  	s12 =	sadd.s32 s3, s18;
	s13 =	sadd.s32 s4, s21;
	v13 =	vld [tilespmem:s10+$0x4200];
	v5 =	vadd.f32 v5, v8;
	[tilespmem:s5+$0x16200] =	vst v2  }
0x273: {  	s28 =	sadd.s32 $0x1A200, s11;
	s16 =	sadd.s32 s4, s12;
	v2 =	vadd.f32 v4, v6;
	v4 =	vld [tilespmem:s13+$0x0]  }
0x274: {  	s9 =	sadd.s32 s3, s28;
	s5 =	sadd.s32 s7, s12;
	[tilespmem:s8+$0x16200] =	vst v5;
	v9 =	vld [tilespmem:s16+$0x0]  }
0x275: {  	s17 =	sadd.s32 s4, s9;
	v7 =	vmul.f32 $3.200000000e+01, v7;
	v14 =	vld [tilespmem:s5+$0x0]  }
0x276: {  	s20 =	sadd.s32 s2, s12;
	[tilespmem:s6+$0x16200] =	vst v2;
	v2 =	vld [tilespmem:s17+$0x0]  }
0x277: {  	s22 =	sadd.s32 s2, s9;
	v7 =	vadd.f32 v7, v13;
	v10 =	vld [tilespmem:s20+$0x0]  }
0x278: {  	s6 =	sadd.s32 s2, s21;
	v11 =	vld [tilespmem:s22+$0x0]  }
0x279: {  	s25 =	simm.s32 $0x200;
	[tilespmem:s10+$0x16200] =	vst v7;
	s2 =	sadd.s32 s7, s9;
	v12 =	vld [tilespmem:s6+$0x0]  }
0x27a: {  	s26 =	simm.s32 $0x40;
	s12 =	sadd.s32 s19, s12;
	v7 =	vld [tilespmem:s2+$0x0];
	[dreg:$0x8] =	wrdreg s11  }
0x27b: {  	s30 =	sand.u32 $0x1C00, s25;
	s3 =	sand.u32 $0x40, s26;
	v15 =	vld [tilespmem:s12+$0x0];
	v4 =	vmul.f32 $3.200000000e+01, v4  }
0x27c: {  	s23 =	sor.u32 s11, s30;
	s4 =	sadd.s32 s7, s21;
	s24 =	sor.u32 $0x30, s3;
	v5 =	vmul.f32 $3.200000000e+01, v9  }
0x27d: {  	s25 =	sor.u32 s24, s23;
	v16 =	vld [tilespmem:s4+$0x0];
	v2 =	vmul.f32 $3.200000000e+01, v2;
	v4 =	vadd.f32 v4, v3  }
0x27e: {  	s26 =	sor.u32 s3, s23;
	v9 =	vld [tilespmem:s25+$0x16200];
	v10 =	vmul.f32 $3.200000000e+01, v10;
	v18 =	vadd.f32 v5, v3  }
0x27f: {  	s7 =	sor.u32 $0x10, s3;
	v17 =	vld [tilespmem:s26+$0x16200];
	v11 =	vmul.f32 $3.200000000e+01, v11;
	v2 =	vadd.f32 v2, v3;
	[tilespmem:s13+$0x0] =	vst v4  }
0x280: {  	s8 =	sor.u32 $0x20, s3;
	s15 =	sor.u32 s7, s23;
	v5 =	vld [tilespmem:s25+$0x4200];
	v3 =	vmul.f32 $3.200000000e+01, v15;
	v10 =	vadd.f32 v10, v6;
	[tilespmem:s16+$0x0] =	vst v18  }
0x281: {  	s11 =	sor.u32 s8, s23;
	v19 =	vld [tilespmem:s15+$0x16200];
	v11 =	vadd.f32 v11, v6;
	[tilespmem:s17+$0x0] =	vst v2  }
0x282: {  	v15 =	vld [tilespmem:s11+$0x16200];
	v2 =	vadd.f32 v3, v13;
	[tilespmem:s20+$0x0] =	vst v10  }
0x283: {  	v4 =	vld [tilespmem:s26+$0x4200];
	v9 =	vmul.f32 $3.200000000e+01, v9;
	[tilespmem:s22+$0x0] =	vst v11  }
0x284: {  	v10 =	vmul.f32 $3.200000000e+01, v12;
	v3 =	vld [tilespmem:s15+$0x4200];
	[tilespmem:s12+$0x0] =	vst v2  }
0x285: {  	s9 =	sadd.s32 s19, s9;
	v12 =	vmul.f32 $3.200000000e+01, v14;
	v9 =	vadd.f32 v9, v5;
	v2 =	vld [tilespmem:s11+$0x4200];
	[dreg:$0x10] =	wrdreg s14  }
0x286: {  	v6 =	vadd.f32 v10, v6;
	s12 =	sadd.s32 s19, s21;
	v10 =	vmul.f32 $3.200000000e+01, v17;
	s14 =	sadd.s32 s30, s14;
	v11 =	vld [tilespmem:s9+$0x0]  }
0x287: {  	s23 =	sadd.s32 s30, s18;
	v7 =	vmul.f32 $3.200000000e+01, v7;
	v12 =	vadd.f32 v12, v8;
	[tilespmem:s25+$0x16200] =	vst v9;
	s1 =	sadd.s32 s24, s14;
	v14 =	vld [tilespmem:s12+$0x0]  }
0x288: {  	s0 =	sadd.s32 s24, s23;
	s30 =	sadd.s32 s30, s28;
	v9 =	vmul.f32 $3.200000000e+01, v16;
	[tilespmem:s6+$0x0] =	vst v6;
	v6 =	vadd.f32 v10, v4;
	v61 =	vld [tilespmem:s1+$0x0]  }
0x289: {  	v7 =	vadd.f32 v7, v8;
	s25 =	sadd.s32 s24, s30;
	[tilespmem:s5+$0x0] =	vst v12;
	v12 =	vmul.f32 $3.200000000e+01, v19;
	v62 =	vld [tilespmem:s0+$0x0]  }
0x28a: {  	s31 =	sadd.s32 s3, s23;
	s19 =	smov.u32 s18;
	v15 =	vmul.f32 $3.200000000e+01, v15;
	v10 =	vld [tilespmem:s25+$0x0];
	v8 =	vadd.f32 v9, v8;
	[tilespmem:s26+$0x16200] =	vst v6  }
0x28b: {  	s21 =	smov.u32 s28;
	s5 =	simm.s32 $0x4;
	s29 =	sadd.s32 s3, s14;
	[tilespmem:s2+$0x0] =	vst v7;
	v6 =	vadd.f32 v12, v3;
	v9 =	vld [tilespmem:s31+$0x0]  }
0x28c: {  	s10 =	sadd.s32 s3, s30;
	s6 =	sadd.s32 s7, s23;
	s22 =	sadd.s32 s7, s30;
	v15 =	vadd.f32 v15, v2;
	v7 =	vld [tilespmem:s29+$0x0];
	[tilespmem:s4+$0x0] =	vst v8;
	v11 =	vmul.f32 $3.200000000e+01, v11;
	v63 =	vmul.f32 $3.200000000e+01, v14  }
0x28d: {  	s20 =	sadd.s32 s8, s30;
	s17 =	sadd.s32 s8, s14;
	s2 =	simm.s32 $0x400;
	v8 =	vld [tilespmem:s10+$0x0];
	[tilespmem:s15+$0x16200] =	vst v6;
	v12 =	vmul.f32 $3.200000000e+01, v61  }
0x28e: {  	s4 =	sadd.s32 s8, s23;
	s15 =	sadd.s32 s7, s14;
	s8 =	simm.s32 $0x80;
	[tilespmem:s11+$0x16200] =	vst v15;
	v6 =	vld [tilespmem:s6+$0x0];
	v14 =	vadd.f32 v11, v13;
	v11 =	vmul.f32 $3.200000000e+01, v62;
	v13 =	vadd.f32 v63, v13  }
.LBB2_11:
0x28f: {  	_ = 	snop  }
0x290: {  	s16 =	sand.u32 $0x40, s8;
	s3 =	sand.u32 $0x1C00, s2;
	v15 =	vld [tilespmem:s22+$0x0];
	s7 =	rddreg [dreg:$0x8];
	v12 =	vadd.f32 v12, v5;
	[tilespmem:s9+$0x0] =	vst v14;
	v10 =	vmul.f32 $3.200000000e+01, v10  }
0x291: {  	s14 =	sor.u32 s7, s3;
	s30 =	sor.u32 $0x30, s16;
	v14 =	vld [tilespmem:s15+$0x0];
	v11 =	vadd.f32 v11, v5;
	[tilespmem:s12+$0x0] =	vst v13;
	v9 =	vmul.f32 $3.200000000e+01, v9  }
0x292: {  	v13 =	vld [tilespmem:s4+$0x0];
	s13 =	sor.u32 s30, s14;
	[tilespmem:s1+$0x0] =	vst v12;
	v8 =	vmul.f32 $3.200000000e+01, v8;
	v5 =	vadd.f32 v10, v5  }
0x293: {  	s26 =	sor.u32 s16, s14;
	v7 =	vmul.f32 $3.200000000e+01, v7;
	v10 =	vld [tilespmem:s13+$0x16200];
	v9 =	vadd.f32 v9, v4;
	[tilespmem:s0+$0x0] =	vst v11  }
0x294: {  	s24 =	sor.u32 $0x20, s16;
	v6 =	vmul.f32 $3.200000000e+01, v6;
	v11 =	vld [tilespmem:s26+$0x16200];
	v8 =	vadd.f32 v8, v4;
	[tilespmem:s25+$0x0] =	vst v5  }
0x295: {  	s28 =	sor.u32 $0x10, s16;
	s23 =	sor.u32 s24, s14;
	v4 =	vadd.f32 v7, v4;
	v7 =	vmul.f32 $3.200000000e+01, v15;
	[tilespmem:s31+$0x0] =	vst v9;
	v5 =	vld [tilespmem:s13+$0x4200]  }
0x296: {  	s7 =	sor.u32 s28, s14;
	v12 =	vld [tilespmem:s23+$0x16200];
	v6 =	vadd.f32 v6, v3;
	[tilespmem:s10+$0x0] =	vst v8;
	v8 =	vmul.f32 $3.200000000e+01, v14  }
0x297: {  	v13 =	vmul.f32 $3.200000000e+01, v13;
	v9 =	vld [tilespmem:s7+$0x16200];
	[tilespmem:s29+$0x0] =	vst v4;
	v7 =	vadd.f32 v7, v3  }
0x298: {  	s5 =	sadd.s32 $0x4, s5;
	s1 =	sadd.s32 s3, s21;
	[tilespmem:s6+$0x0] =	vst v6;
	v4 =	vld [tilespmem:s26+$0x4200];
	v6 =	vadd.f32 v8, v3;
	v10 =	vmul.f32 $3.200000000e+01, v10  }
0x299: {  	s9 =	smov.u32 s20;
	s12 =	sadd.s32 s16, s1;
	s11 =	sadd.s32 s28, s1;
	v3 =	vld [tilespmem:s7+$0x4200];
	[tilespmem:s22+$0x0] =	vst v7;
	v7 =	vadd.f32 v13, v2  }
0x29a: {  	v15 =	vld [tilespmem:s23+$0x4200];
	s10 =	smov.u32 s12;
	s12 =	smov.u32 s17;
	s17 =	rddreg [dreg:$0x10];
	[tilespmem:s15+$0x0] =	vst v6;
	v10 =	vadd.f32 v10, v5  }
0x29b: {  	s20 =	sadd.s32 s24, s1;
	s0 =	sadd.s32 s3, s19;
	s3 =	sadd.s32 s3, s17;
	v8 =	vmul.f32 $3.200000000e+01, v11;
	[tilespmem:s4+$0x0] =	vst v7;
	v7 =	vld [tilespmem:s9+$0x0]  }
0x29c: {  	s14 =	sadd.s32 s28, s0;
	s25 =	sadd.s32 s30, s1;
	s1 =	sadd.s32 s30, s3;
	v11 =	vld [tilespmem:s12+$0x0];
	v6 =	vmul.f32 $3.200000000e+01, v9;
	[tilespmem:s13+$0x16200] =	vst v10  }
0x29d: {  	s18 =	sadd.s32 s24, s0;
	s31 =	sadd.s32 s16, s0;
	s0 =	sadd.s32 s30, s0;
	v9 =	vmul.f32 $3.200000000e+01, v12;
	v8 =	vadd.f32 v8, v4;
	v12 =	vld [tilespmem:s1+$0x0]  }
0x29e: {  	p0 =	slt.u32 s5, $0x3C;
	v6 =	vadd.f32 v6, v3;
	v13 =	vld [tilespmem:s0+$0x0]  }
.Ltmp4:
0x29f: {  	[tilespmem:s26+$0x16200] =	vst v8;
	v10 =	vld [tilespmem:s25+$0x0];
	(pc) =	sbr.rel @p0 .LBB2_11-.Ltmp4, $4  }
0x2a0: {  	v14 =	vadd.f32 v9, v15;
	v9 =	vld [tilespmem:s31+$0x0];
	[tilespmem:s7+$0x16200] =	vst v6;
	v6 =	vmul.f32 $3.200000000e+01, v7  }
0x2a1: {  	s2 =	sadd.s32 $0x200, s2;
	s29 =	sadd.s32 s16, s3;
	v16 =	vmul.f32 $3.200000000e+01, v11;
	v8 =	vld [tilespmem:s10+$0x0]  }
0x2a2: {  	s8 =	sadd.s32 $0x40, s8;
	s6 =	smov.u32 s14;
	s22 =	smov.u32 s11;
	[tilespmem:s23+$0x16200] =	vst v14;
	v7 =	vld [tilespmem:s29+$0x0];
	v14 =	vadd.f32 v6, v2  }
0x2a3: {  	s17 =	sadd.s32 s24, s3;
	s4 =	smov.u32 s18;
	s15 =	sadd.s32 s28, s3;
	v6 =	vld [tilespmem:s6+$0x0];
	v12 =	vmul.f32 $3.200000000e+01, v12;
	v11 =	vmul.f32 $3.200000000e+01, v13;
	v13 =	vadd.f32 v16, v2;
	v2 =	vmovc v15  }
0x2a4: {  	_ = 	snop  }
0x2a5: {  	v15 =	vld [tilespmem:s4+$0x0];
	[tilespmem:s9+$0x0] =	vst v14;
	v10 =	vmul.f32 $3.200000000e+01, v10;
	v12 =	vadd.f32 v12, v5  }
0x2a6: {  	v52 =	vld [tilespmem:s22+$0x0];
	[tilespmem:s12+$0x0] =	vst v13;
	v9 =	vmul.f32 $3.200000000e+01, v9;
	v11 =	vadd.f32 v11, v5  }
0x2a7: {  	v53 =	vld [tilespmem:s15+$0x0];
	v8 =	vmul.f32 $3.200000000e+01, v8;
	v54 =	vadd.f32 v10, v5;
	[tilespmem:s1+$0x0] =	vst v12  }
0x2a8: {  	v9 =	vadd.f32 v9, v4;
	v7 =	vmul.f32 $3.200000000e+01, v7;
	[tilespmem:s0+$0x0] =	vst v11  }
0x2a9: {  	v8 =	vadd.f32 v8, v4;
	v6 =	vmul.f32 $3.200000000e+01, v6;
	[tilespmem:s25+$0x0] =	vst v54  }
0x2aa: {  	v15 =	vmul.f32 $3.200000000e+01, v15;
	[tilespmem:s31+$0x0] =	vst v9;
	v57 =	vadd.f32 v7, v4  }
0x2ab: {  	v58 =	vmul.f32 $3.200000000e+01, v52;
	[tilespmem:s10+$0x0] =	vst v8;
	v6 =	vadd.f32 v6, v3  }
0x2ac: {  	v59 =	vmul.f32 $3.200000000e+01, v53;
	v51 =	vadd.f32 v15, v2;
	[tilespmem:s29+$0x0] =	vst v57  }
0x2ad: {  	v60 =	vadd.f32 v58, v3;
	[tilespmem:s6+$0x0] =	vst v6  }
0x2ae: {  	v3 =	vadd.f32 v59, v3;
	[tilespmem:s4+$0x0] =	vst v51  }
0x2af: {  	[tilespmem:s22+$0x0] =	vst v60  }
0x2b0: {  	v55 =	vld [tilespmem:s20+$0x0];
	[tilespmem:s15+$0x0] =	vst v3  }
0x2b1: {  	v56 =	vld [tilespmem:s17+$0x0];
	s0 =	sld [smem:$0x7D4];
	_ =	sdelay $0x2  }
0x2b2: {  	s0 =	sadd.s32 $0x1, s0  }
0x2b3: {  	v61 =	vmul.f32 $3.200000000e+01, v55;
	p0 =	sne.s32 s0, $0x8  }
.Ltmp5:
0x2b4: {  	v62 =	vmul.f32 $3.200000000e+01, v56;
	(pc) =	sbr.rel @p0 .LBB2_10-.Ltmp5, $4  }
0x2b5: {  	v63 =	vadd.f32 v61, v2  }
0x2b6: {  	v2 =	vadd.f32 v62, v2  }
0x2b7: {  	[tilespmem:s20+$0x0] =	vst v63  }
0x2b8: {  	[tilespmem:s17+$0x0] =	vst v2  }
0x2b9: {  	s0 =	sld [smem:$0x7D9];
	_ =	sdelay $0x1  }
0x2ba: {  	s8 =	simm.s32 $0x0;
	s2 =	simm.s32 $0x16200;
	s10 =	sld [smem:$0x7EC]  }
0x2bb: {  	[hbm4b:s0+s8] =	stream.linear.scatter [tilespmem:s2], [sflag:$0x9], $0x2000, $0x38;
	[tilespmem:$0x1E200] =	vst v63  }
0x2bc: {  	s5 =	simm.s32 $0x18200;
	s11 =	sld [smem:$0x7ED]  }
0x2bd: {  	[hbm4b:s10+s8] =	stream.linear.scatter [tilespmem:s5], [sflag:$0x9], $0x2000, $0x38;
	[tilespmem:$0x1E200] =	vst v63  }
0x2be: {  	s6 =	simm.s32 $0x1A200;
	s12 =	sld [smem:$0x7EE]  }
0x2bf: {  	[hbm4b:s11+s8] =	stream.linear.scatter [tilespmem:s6], [sflag:$0x9], $0x2000, $0x38;
	[tilespmem:$0x1E200] =	vst v63  }
0x2c0: {  	s7 =	simm.s32 $0x1C200;
	s13 =	simm.s32 $0x1  }
0x2c1: {  	[hbm4b:s12+s8] =	stream.linear.scatter [tilespmem:s7], [sflag:$0x9], $0x2000, $0x38;
	[tilespmem:$0x1E200] =	vst v63  }
0x2c2: {  	_ =	swait.ge [sflag:s13], $0x2000  }
0x2c3: {  	[sflag:s13] =	ssyncset.done $0x0  }
0x2c4: {  	[sflag:s13] =	ssyncadd.s32 $0xFFFFE000  }
0x2c5: {  	_ =	swait.ge [sflag:s13], $0x2000  }
0x2c6: {  	[sflag:s13] =	ssyncset.done $0x0  }
0x2c7: {  	[sflag:s13] =	ssyncadd.s32 $0xFFFFE000  }
0x2c8: {  	_ =	swait.ge [sflag:s13], $0x2000  }
0x2c9: {  	[sflag:s13] =	ssyncset.done $0x0  }
0x2ca: {  	[sflag:s13] =	ssyncadd.s32 $0xFFFFE000  }
0x2cb: {  	_ =	swait.ge [sflag:s13], $0x2000  }
0x2cc: {  	[sflag:s13] =	ssyncset.done $0x0  }
0x2cd: {  	s14 =	simm.s32 $0x4;
	[sflag:s13] =	ssyncadd.s32 $0xFFFFE000  }
0x2ce: {  	_ =	swait.ge [sflag:s14], $0x2000  }
0x2cf: {  	[sflag:s14] =	ssyncset.done $0x0  }
0x2d0: {  	s15 =	simm.s32 $0x9;
	[sflag:s14] =	ssyncadd.s32 $0xFFFFE000  }
0x2d1: {  	_ =	swait.ge [sflag:s15], $0x2000  }
0x2d2: {  	[sflag:s15] =	ssyncset.done $0x0  }
0x2d3: {  	[sflag:s15] =	ssyncadd.s32 $0xFFFFE000  }
0x2d4: {  	_ =	swait.ge [sflag:s15], $0x2000  }
0x2d5: {  	[sflag:s15] =	ssyncset.done $0x0  }
0x2d6: {  	[sflag:s15] =	ssyncadd.s32 $0xFFFFE000  }
0x2d7: {  	_ =	swait.ge [sflag:s15], $0x2000  }
0x2d8: {  	[sflag:s15] =	ssyncset.done $0x0  }
0x2d9: {  	[sflag:s15] =	ssyncadd.s32 $0xFFFFE000  }
0x2da: {  	_ =	swait.ge [sflag:s15], $0x2000  }
0x2db: {  	s16 =	sld [smem:$0x7DA]  }
0x2dc: {  	[sflag:s15] =	ssyncset.done $0x0  }
0x2dd: {  	s1 =	simm.s32 $0x4200;
	[sflag:s15] =	ssyncadd.s32 $0xFFFFE000  }
0x2de: {  	[tilespmem:s1], [sflag:$0x6] =	stream.linear.gather [hbm4b:s16+s8], $0x2000, $0x38;
	[tilespmem:$0x1E200] =	vst v63  }
0x2df: {  	v2 =	vld.msk [tilespmem:$0x28], $0xff;
	_ =	sdelay $0x4  }
0x2e0: {  	v3 =	vshll.u32 v2, $0x3  }
0x2e1: {  	v2 =	vand.u32 $0x7, v2;
	v3 =	vand.u32 $0xFFFFFFC0, v3  }
0x2e2: {  	v2 =	vor.u32 v2, v3  }
0x2e3: {  	v2 =	vperm.xlane v2, v0;
	_ =	sdelay $0x1  }
0x2e4: {  	v2 =	vadd.s32 v1, v2;
	_ =	sdelay $0x2  }
0x2e5: {  	s18 =	sld [smem:$0x7E2]  }
0x2e6: {  	s17 =	rddreg [dreg:$0x1]  }
0x2e7: {  	[tilespmem:s2], [sflag:$0x3] =	stream.indirect_vreg.gather [hbm4b:s17+s8], $0x80, v2, vm0, $0xb8;
	[tilespmem:$0x1E200] =	vst v63  }
0x2e8: {  	s19 =	simm.s32 $0x16A00;
	s20 =	sld [smem:$0x7E4]  }
0x2e9: {  	[tilespmem:s19], [sflag:$0x3] =	stream.indirect_vreg.gather [hbm4b:s18+s8], $0x80, v2, vm0, $0xb8;
	[tilespmem:$0x1E200] =	vst v63  }
0x2ea: {  	s3 =	simm.s32 $0x17200;
	s21 =	sld [smem:$0x7E5]  }
0x2eb: {  	[tilespmem:s3], [sflag:$0x3] =	stream.indirect_vreg.gather [hbm4b:s20+s8], $0x80, v2, vm0, $0xb8;
	[tilespmem:$0x1E200] =	vst v63  }
0x2ec: {  	s4 =	simm.s32 $0x17A00  }
0x2ed: {  	[tilespmem:s4], [sflag:$0x3] =	stream.indirect_vreg.gather [hbm4b:s21+s8], $0x80, v2, vm0, $0xb8;
	[tilespmem:$0x1E200] =	vst v63  }
0x2ee: {  	v2 =	vld.msk [tilespmem:$0xA8], $0xff;
	_ =	sdelay $0x4  }
0x2ef: {  	v3 =	vshll.u32 v2, $0x3  }
0x2f0: {  	v2 =	vand.u32 $0x7, v2;
	v3 =	vand.u32 $0xFFFFFFC0, v3  }
0x2f1: {  	v2 =	vor.u32 v2, v3  }
0x2f2: {  	v2 =	vperm.xlane v2, v0;
	_ =	sdelay $0x1  }
0x2f3: {  	v2 =	vadd.s32 v1, v2;
	_ =	sdelay $0x4  }
0x2f4: {  	[tilespmem:s5], [sflag:$0x3] =	stream.indirect_vreg.gather [hbm4b:s17+s8], $0x80, v2, vm0, $0xb8;
	[tilespmem:$0x1E200] =	vst v63  }
0x2f5: {  	s22 =	simm.s32 $0x18A00  }
0x2f6: {  	[tilespmem:s22], [sflag:$0x3] =	stream.indirect_vreg.gather [hbm4b:s18+s8], $0x80, v2, vm0, $0xb8;
	[tilespmem:$0x1E200] =	vst v63  }
0x2f7: {  	s23 =	simm.s32 $0x19200  }
0x2f8: {  	[tilespmem:s23], [sflag:$0x3] =	stream.indirect_vreg.gather [hbm4b:s20+s8], $0x80, v2, vm0, $0xb8;
	[tilespmem:$0x1E200] =	vst v63  }
0x2f9: {  	s24 =	simm.s32 $0x19A00  }
0x2fa: {  	[tilespmem:s24], [sflag:$0x3] =	stream.indirect_vreg.gather [hbm4b:s21+s8], $0x80, v2, vm0, $0xb8;
	[tilespmem:$0x1E200] =	vst v63  }
0x2fb: {  	v2 =	vld.msk [tilespmem:$0x128], $0xff;
	_ =	sdelay $0x4  }
0x2fc: {  	v3 =	vshll.u32 v2, $0x3  }
0x2fd: {  	v2 =	vand.u32 $0x7, v2;
	v3 =	vand.u32 $0xFFFFFFC0, v3  }
0x2fe: {  	v2 =	vor.u32 v2, v3  }
0x2ff: {  	v2 =	vperm.xlane v2, v0;
	_ =	sdelay $0x1  }
0x300: {  	v2 =	vadd.s32 v1, v2;
	_ =	sdelay $0x4  }
0x301: {  	[tilespmem:s6], [sflag:$0x3] =	stream.indirect_vreg.gather [hbm4b:s17+s8], $0x80, v2, vm0, $0xb8;
	[tilespmem:$0x1E200] =	vst v63  }
0x302: {  	s25 =	simm.s32 $0x1AA00  }
0x303: {  	[tilespmem:s25], [sflag:$0x3] =	stream.indirect_vreg.gather [hbm4b:s18+s8], $0x80, v2, vm0, $0xb8;
	[tilespmem:$0x1E200] =	vst v63  }
0x304: {  	s26 =	simm.s32 $0x1B200  }
0x305: {  	[tilespmem:s26], [sflag:$0x3] =	stream.indirect_vreg.gather [hbm4b:s20+s8], $0x80, v2, vm0, $0xb8;
	[tilespmem:$0x1E200] =	vst v63  }
0x306: {  	s28 =	simm.s32 $0x1BA00  }
0x307: {  	[tilespmem:s28], [sflag:$0x3] =	stream.indirect_vreg.gather [hbm4b:s21+s8], $0x80, v2, vm0, $0xb8;
	[tilespmem:$0x1E200] =	vst v63  }
0x308: {  	v2 =	vld.msk [tilespmem:$0x1A8], $0xff;
	_ =	sdelay $0x4  }
0x309: {  	v3 =	vshll.u32 v2, $0x3  }
0x30a: {  	v2 =	vand.u32 $0x7, v2;
	v3 =	vand.u32 $0xFFFFFFC0, v3  }
0x30b: {  	v2 =	vor.u32 v2, v3  }
0x30c: {  	v2 =	vperm.xlane v2, v0;
	_ =	sdelay $0x1  }
0x30d: {  	v2 =	vadd.s32 v1, v2;
	_ =	sdelay $0x4  }
0x30e: {  	[tilespmem:s7], [sflag:$0x3] =	stream.indirect_vreg.gather [hbm4b:s17+s8], $0x80, v2, vm0, $0xb8;
	[tilespmem:$0x1E200] =	vst v63  }
0x30f: {  	s29 =	simm.s32 $0x1CA00  }
0x310: {  	[tilespmem:s29], [sflag:$0x3] =	stream.indirect_vreg.gather [hbm4b:s18+s8], $0x80, v2, vm0, $0xb8;
	[tilespmem:$0x1E200] =	vst v63  }
0x311: {  	s30 =	simm.s32 $0x1D200  }
0x312: {  	[tilespmem:s30], [sflag:$0x3] =	stream.indirect_vreg.gather [hbm4b:s20+s8], $0x80, v2, vm0, $0xb8;
	[tilespmem:$0x1E200] =	vst v63  }
0x313: {  	s31 =	simm.s32 $0x1DA00;
	s0 =	simm.s32 $0x0  }
0x314: {  	[tilespmem:s31], [sflag:$0x3] =	stream.indirect_vreg.gather [hbm4b:s21+s8], $0x80, v2, vm0, $0xb8;
	[tilespmem:$0x1E200] =	vst v63  }
.LBB2_14:
0x315: {  	s18 =	simm.s32 $0x0  }
0x316: {  	s11 =	sshll.u32 s0, $0x7;
	s2 =	sand.u32 $0x40, s18;
	s3 =	sand.u32 $0x1C00, s18  }
0x317: {  	s1 =	sor.u32 s11, s3;
	s4 =	sor.u32 $0x30, s2  }
0x318: {  	[smem:$0x7D3] =	sst s0;
	s5 =	sor.u32 s4, s1  }
0x319: {  	s7 =	sor.u32 $0x10, s2;
	v2 =	vld [tilespmem:s5+$0x6200]  }
0x31a: {  	s8 =	sor.u32 s7, s1;
	v3 =	vld [tilespmem:s5+$0x200]  }
0x31b: {  	s6 =	sor.u32 s2, s1;
	v5 =	vld [tilespmem:s8+$0x6200]  }
0x31c: {  	v4 =	vld [tilespmem:s6+$0x6200]  }
0x31d: {  	v8 =	vld [tilespmem:s8+$0x200]  }
0x31e: {  	s19 =	sor.u32 $0x20, s2;
	v6 =	vld [tilespmem:s6+$0x200];
	v2 =	vmul.f32 $3.200000000e+01, v2  }
0x31f: {  	s10 =	sor.u32 s19, s1  }
0x320: {  	s14 =	sadd.s32 $0xC200, s11;
	v7 =	vld [tilespmem:s10+$0x6200];
	v5 =	vmul.f32 $3.200000000e+01, v5;
	v2 =	vadd.f32 v2, v3  }
0x321: {  	s18 =	sadd.s32 $0x8200, s11;
	s21 =	sadd.s32 s3, s14;
	v4 =	vmul.f32 $3.200000000e+01, v4  }
0x322: {  	s12 =	sadd.s32 s3, s18;
	s13 =	sadd.s32 s4, s21;
	v13 =	vld [tilespmem:s10+$0x200];
	v5 =	vadd.f32 v5, v8;
	[tilespmem:s5+$0x6200] =	vst v2  }
0x323: {  	s28 =	sadd.s32 $0xA200, s11;
	s16 =	sadd.s32 s4, s12;
	v2 =	vadd.f32 v4, v6;
	v4 =	vld [tilespmem:s13+$0x0]  }
0x324: {  	s9 =	sadd.s32 s3, s28;
	s5 =	sadd.s32 s7, s12;
	[tilespmem:s8+$0x6200] =	vst v5;
	v9 =	vld [tilespmem:s16+$0x0]  }
0x325: {  	s17 =	sadd.s32 s4, s9;
	v7 =	vmul.f32 $3.200000000e+01, v7;
	v14 =	vld [tilespmem:s5+$0x0]  }
0x326: {  	s20 =	sadd.s32 s2, s12;
	[tilespmem:s6+$0x6200] =	vst v2;
	v2 =	vld [tilespmem:s17+$0x0]  }
0x327: {  	s22 =	sadd.s32 s2, s9;
	v7 =	vadd.f32 v7, v13;
	v10 =	vld [tilespmem:s20+$0x0]  }
0x328: {  	s6 =	sadd.s32 s2, s21;
	v11 =	vld [tilespmem:s22+$0x0]  }
0x329: {  	s25 =	simm.s32 $0x200;
	[tilespmem:s10+$0x6200] =	vst v7;
	s2 =	sadd.s32 s7, s9;
	v12 =	vld [tilespmem:s6+$0x0]  }
0x32a: {  	s26 =	simm.s32 $0x40;
	s12 =	sadd.s32 s19, s12;
	v7 =	vld [tilespmem:s2+$0x0];
	[dreg:$0x9] =	wrdreg s11  }
0x32b: {  	s30 =	sand.u32 $0x1C00, s25;
	s3 =	sand.u32 $0x40, s26;
	v15 =	vld [tilespmem:s12+$0x0];
	v4 =	vmul.f32 $3.200000000e+01, v4  }
0x32c: {  	s23 =	sor.u32 s11, s30;
	s4 =	sadd.s32 s7, s21;
	s24 =	sor.u32 $0x30, s3;
	v5 =	vmul.f32 $3.200000000e+01, v9  }
0x32d: {  	s25 =	sor.u32 s24, s23;
	v16 =	vld [tilespmem:s4+$0x0];
	v2 =	vmul.f32 $3.200000000e+01, v2;
	v4 =	vadd.f32 v4, v3  }
0x32e: {  	s26 =	sor.u32 s3, s23;
	v9 =	vld [tilespmem:s25+$0x6200];
	v10 =	vmul.f32 $3.200000000e+01, v10;
	v18 =	vadd.f32 v5, v3  }
0x32f: {  	s7 =	sor.u32 $0x10, s3;
	v17 =	vld [tilespmem:s26+$0x6200];
	v11 =	vmul.f32 $3.200000000e+01, v11;
	v2 =	vadd.f32 v2, v3;
	[tilespmem:s13+$0x0] =	vst v4  }
0x330: {  	s8 =	sor.u32 $0x20, s3;
	s15 =	sor.u32 s7, s23;
	v5 =	vld [tilespmem:s25+$0x200];
	v3 =	vmul.f32 $3.200000000e+01, v15;
	v10 =	vadd.f32 v10, v6;
	[tilespmem:s16+$0x0] =	vst v18  }
0x331: {  	s11 =	sor.u32 s8, s23;
	v19 =	vld [tilespmem:s15+$0x6200];
	v11 =	vadd.f32 v11, v6;
	[tilespmem:s17+$0x0] =	vst v2  }
0x332: {  	v15 =	vld [tilespmem:s11+$0x6200];
	v2 =	vadd.f32 v3, v13;
	[tilespmem:s20+$0x0] =	vst v10  }
0x333: {  	v4 =	vld [tilespmem:s26+$0x200];
	v9 =	vmul.f32 $3.200000000e+01, v9;
	[tilespmem:s22+$0x0] =	vst v11  }
0x334: {  	v10 =	vmul.f32 $3.200000000e+01, v12;
	v3 =	vld [tilespmem:s15+$0x200];
	[tilespmem:s12+$0x0] =	vst v2  }
0x335: {  	s9 =	sadd.s32 s19, s9;
	v12 =	vmul.f32 $3.200000000e+01, v14;
	v9 =	vadd.f32 v9, v5;
	v2 =	vld [tilespmem:s11+$0x200];
	[dreg:$0x11] =	wrdreg s14  }
0x336: {  	v6 =	vadd.f32 v10, v6;
	s12 =	sadd.s32 s19, s21;
	v10 =	vmul.f32 $3.200000000e+01, v17;
	s14 =	sadd.s32 s30, s14;
	v11 =	vld [tilespmem:s9+$0x0]  }
0x337: {  	s23 =	sadd.s32 s30, s18;
	v7 =	vmul.f32 $3.200000000e+01, v7;
	v12 =	vadd.f32 v12, v8;
	[tilespmem:s25+$0x6200] =	vst v9;
	s1 =	sadd.s32 s24, s14;
	v14 =	vld [tilespmem:s12+$0x0]  }
0x338: {  	s0 =	sadd.s32 s24, s23;
	s30 =	sadd.s32 s30, s28;
	v9 =	vmul.f32 $3.200000000e+01, v16;
	[tilespmem:s6+$0x0] =	vst v6;
	v6 =	vadd.f32 v10, v4;
	v61 =	vld [tilespmem:s1+$0x0]  }
0x339: {  	v7 =	vadd.f32 v7, v8;
	s25 =	sadd.s32 s24, s30;
	[tilespmem:s5+$0x0] =	vst v12;
	v12 =	vmul.f32 $3.200000000e+01, v19;
	v62 =	vld [tilespmem:s0+$0x0]  }
0x33a: {  	s31 =	sadd.s32 s3, s23;
	s19 =	smov.u32 s18;
	v15 =	vmul.f32 $3.200000000e+01, v15;
	v10 =	vld [tilespmem:s25+$0x0];
	v8 =	vadd.f32 v9, v8;
	[tilespmem:s26+$0x6200] =	vst v6  }
0x33b: {  	s21 =	smov.u32 s28;
	s5 =	simm.s32 $0x4;
	s29 =	sadd.s32 s3, s14;
	[tilespmem:s2+$0x0] =	vst v7;
	v6 =	vadd.f32 v12, v3;
	v9 =	vld [tilespmem:s31+$0x0]  }
0x33c: {  	s10 =	sadd.s32 s3, s30;
	s6 =	sadd.s32 s7, s23;
	s22 =	sadd.s32 s7, s30;
	v15 =	vadd.f32 v15, v2;
	v7 =	vld [tilespmem:s29+$0x0];
	[tilespmem:s4+$0x0] =	vst v8;
	v11 =	vmul.f32 $3.200000000e+01, v11;
	v63 =	vmul.f32 $3.200000000e+01, v14  }
0x33d: {  	s20 =	sadd.s32 s8, s30;
	s17 =	sadd.s32 s8, s14;
	s2 =	simm.s32 $0x400;
	v8 =	vld [tilespmem:s10+$0x0];
	[tilespmem:s15+$0x6200] =	vst v6;
	v12 =	vmul.f32 $3.200000000e+01, v61  }
0x33e: {  	s4 =	sadd.s32 s8, s23;
	s15 =	sadd.s32 s7, s14;
	s8 =	simm.s32 $0x80;
	[tilespmem:s11+$0x6200] =	vst v15;
	v6 =	vld [tilespmem:s6+$0x0];
	v14 =	vadd.f32 v11, v13;
	v11 =	vmul.f32 $3.200000000e+01, v62;
	v13 =	vadd.f32 v63, v13  }
.LBB2_15:
0x33f: {  	_ = 	snop  }
0x340: {  	s16 =	sand.u32 $0x40, s8;
	s3 =	sand.u32 $0x1C00, s2;
	v15 =	vld [tilespmem:s22+$0x0];
	s7 =	rddreg [dreg:$0x9];
	v12 =	vadd.f32 v12, v5;
	[tilespmem:s9+$0x0] =	vst v14;
	v10 =	vmul.f32 $3.200000000e+01, v10  }
0x341: {  	s14 =	sor.u32 s7, s3;
	s30 =	sor.u32 $0x30, s16;
	v14 =	vld [tilespmem:s15+$0x0];
	v11 =	vadd.f32 v11, v5;
	[tilespmem:s12+$0x0] =	vst v13;
	v9 =	vmul.f32 $3.200000000e+01, v9  }
0x342: {  	v13 =	vld [tilespmem:s4+$0x0];
	s13 =	sor.u32 s30, s14;
	[tilespmem:s1+$0x0] =	vst v12;
	v8 =	vmul.f32 $3.200000000e+01, v8;
	v5 =	vadd.f32 v10, v5  }
0x343: {  	s26 =	sor.u32 s16, s14;
	v7 =	vmul.f32 $3.200000000e+01, v7;
	v10 =	vld [tilespmem:s13+$0x6200];
	v9 =	vadd.f32 v9, v4;
	[tilespmem:s0+$0x0] =	vst v11  }
0x344: {  	s24 =	sor.u32 $0x20, s16;
	v6 =	vmul.f32 $3.200000000e+01, v6;
	v11 =	vld [tilespmem:s26+$0x6200];
	v8 =	vadd.f32 v8, v4;
	[tilespmem:s25+$0x0] =	vst v5  }
0x345: {  	s28 =	sor.u32 $0x10, s16;
	s23 =	sor.u32 s24, s14;
	v4 =	vadd.f32 v7, v4;
	v7 =	vmul.f32 $3.200000000e+01, v15;
	[tilespmem:s31+$0x0] =	vst v9;
	v5 =	vld [tilespmem:s13+$0x200]  }
0x346: {  	s7 =	sor.u32 s28, s14;
	v12 =	vld [tilespmem:s23+$0x6200];
	v6 =	vadd.f32 v6, v3;
	[tilespmem:s10+$0x0] =	vst v8;
	v8 =	vmul.f32 $3.200000000e+01, v14  }
0x347: {  	v13 =	vmul.f32 $3.200000000e+01, v13;
	v9 =	vld [tilespmem:s7+$0x6200];
	[tilespmem:s29+$0x0] =	vst v4;
	v7 =	vadd.f32 v7, v3  }
0x348: {  	s5 =	sadd.s32 $0x4, s5;
	s1 =	sadd.s32 s3, s21;
	[tilespmem:s6+$0x0] =	vst v6;
	v4 =	vld [tilespmem:s26+$0x200];
	v6 =	vadd.f32 v8, v3;
	v10 =	vmul.f32 $3.200000000e+01, v10  }
0x349: {  	s9 =	smov.u32 s20;
	s12 =	sadd.s32 s16, s1;
	s11 =	sadd.s32 s28, s1;
	v3 =	vld [tilespmem:s7+$0x200];
	[tilespmem:s22+$0x0] =	vst v7;
	v7 =	vadd.f32 v13, v2  }
0x34a: {  	v15 =	vld [tilespmem:s23+$0x200];
	s10 =	smov.u32 s12;
	s12 =	smov.u32 s17;
	s17 =	rddreg [dreg:$0x11];
	[tilespmem:s15+$0x0] =	vst v6;
	v10 =	vadd.f32 v10, v5  }
0x34b: {  	s20 =	sadd.s32 s24, s1;
	s0 =	sadd.s32 s3, s19;
	s3 =	sadd.s32 s3, s17;
	v8 =	vmul.f32 $3.200000000e+01, v11;
	[tilespmem:s4+$0x0] =	vst v7;
	v7 =	vld [tilespmem:s9+$0x0]  }
0x34c: {  	s14 =	sadd.s32 s28, s0;
	s25 =	sadd.s32 s30, s1;
	s1 =	sadd.s32 s30, s3;
	v11 =	vld [tilespmem:s12+$0x0];
	v6 =	vmul.f32 $3.200000000e+01, v9;
	[tilespmem:s13+$0x6200] =	vst v10  }
0x34d: {  	s18 =	sadd.s32 s24, s0;
	s31 =	sadd.s32 s16, s0;
	s0 =	sadd.s32 s30, s0;
	v9 =	vmul.f32 $3.200000000e+01, v12;
	v8 =	vadd.f32 v8, v4;
	v12 =	vld [tilespmem:s1+$0x0]  }
0x34e: {  	p0 =	slt.u32 s5, $0x3C;
	v6 =	vadd.f32 v6, v3;
	v13 =	vld [tilespmem:s0+$0x0]  }
.Ltmp6:
0x34f: {  	[tilespmem:s26+$0x6200] =	vst v8;
	v10 =	vld [tilespmem:s25+$0x0];
	(pc) =	sbr.rel @p0 .LBB2_15-.Ltmp6, $4  }
0x350: {  	v14 =	vadd.f32 v9, v15;
	v9 =	vld [tilespmem:s31+$0x0];
	[tilespmem:s7+$0x6200] =	vst v6;
	v6 =	vmul.f32 $3.200000000e+01, v7  }
0x351: {  	s2 =	sadd.s32 $0x200, s2;
	s29 =	sadd.s32 s16, s3;
	v16 =	vmul.f32 $3.200000000e+01, v11;
	v8 =	vld [tilespmem:s10+$0x0]  }
0x352: {  	s8 =	sadd.s32 $0x40, s8;
	s6 =	smov.u32 s14;
	s22 =	smov.u32 s11;
	[tilespmem:s23+$0x6200] =	vst v14;
	v7 =	vld [tilespmem:s29+$0x0];
	v14 =	vadd.f32 v6, v2  }
0x353: {  	s17 =	sadd.s32 s24, s3;
	s4 =	smov.u32 s18;
	s15 =	sadd.s32 s28, s3;
	v6 =	vld [tilespmem:s6+$0x0];
	v12 =	vmul.f32 $3.200000000e+01, v12;
	v11 =	vmul.f32 $3.200000000e+01, v13;
	v13 =	vadd.f32 v16, v2;
	v2 =	vmovc v15  }
0x354: {  	_ = 	snop  }
0x355: {  	v15 =	vld [tilespmem:s4+$0x0];
	[tilespmem:s9+$0x0] =	vst v14;
	v10 =	vmul.f32 $3.200000000e+01, v10;
	v12 =	vadd.f32 v12, v5  }
0x356: {  	v52 =	vld [tilespmem:s22+$0x0];
	[tilespmem:s12+$0x0] =	vst v13;
	v9 =	vmul.f32 $3.200000000e+01, v9;
	v11 =	vadd.f32 v11, v5  }
0x357: {  	v53 =	vld [tilespmem:s15+$0x0];
	v8 =	vmul.f32 $3.200000000e+01, v8;
	v54 =	vadd.f32 v10, v5;
	[tilespmem:s1+$0x0] =	vst v12  }
0x358: {  	v9 =	vadd.f32 v9, v4;
	v7 =	vmul.f32 $3.200000000e+01, v7;
	[tilespmem:s0+$0x0] =	vst v11  }
0x359: {  	v8 =	vadd.f32 v8, v4;
	v6 =	vmul.f32 $3.200000000e+01, v6;
	[tilespmem:s25+$0x0] =	vst v54  }
0x35a: {  	v15 =	vmul.f32 $3.200000000e+01, v15;
	[tilespmem:s31+$0x0] =	vst v9;
	v57 =	vadd.f32 v7, v4  }
0x35b: {  	v58 =	vmul.f32 $3.200000000e+01, v52;
	[tilespmem:s10+$0x0] =	vst v8;
	v6 =	vadd.f32 v6, v3  }
0x35c: {  	v59 =	vmul.f32 $3.200000000e+01, v53;
	v51 =	vadd.f32 v15, v2;
	[tilespmem:s29+$0x0] =	vst v57  }
0x35d: {  	v60 =	vadd.f32 v58, v3;
	[tilespmem:s6+$0x0] =	vst v6  }
0x35e: {  	v3 =	vadd.f32 v59, v3;
	[tilespmem:s4+$0x0] =	vst v51  }
0x35f: {  	[tilespmem:s22+$0x0] =	vst v60  }
0x360: {  	v55 =	vld [tilespmem:s20+$0x0];
	[tilespmem:s15+$0x0] =	vst v3  }
0x361: {  	v56 =	vld [tilespmem:s17+$0x0];
	s0 =	sld [smem:$0x7D3];
	_ =	sdelay $0x2  }
0x362: {  	s0 =	sadd.s32 $0x1, s0  }
0x363: {  	v61 =	vmul.f32 $3.200000000e+01, v55;
	p0 =	sne.s32 s0, $0x8  }
.Ltmp7:
0x364: {  	v62 =	vmul.f32 $3.200000000e+01, v56;
	(pc) =	sbr.rel @p0 .LBB2_14-.Ltmp7, $4  }
0x365: {  	v63 =	vadd.f32 v61, v2  }
0x366: {  	v2 =	vadd.f32 v62, v2  }
0x367: {  	[tilespmem:s20+$0x0] =	vst v63  }
0x368: {  	[tilespmem:s17+$0x0] =	vst v2  }
0x369: {  	s0 =	sld [smem:$0x7DB];
	_ =	sdelay $0x1  }
0x36a: {  	s8 =	simm.s32 $0x0;
	s2 =	simm.s32 $0x6200;
	s10 =	sld [smem:$0x7EF]  }
0x36b: {  	[hbm4b:s0+s8] =	stream.linear.scatter [tilespmem:s2], [sflag:$0x7], $0x2000, $0x38;
	[tilespmem:$0x1E200] =	vst v63  }
0x36c: {  	s5 =	simm.s32 $0x8200;
	s11 =	sld [smem:$0x7F0]  }
0x36d: {  	[hbm4b:s10+s8] =	stream.linear.scatter [tilespmem:s5], [sflag:$0x7], $0x2000, $0x38;
	[tilespmem:$0x1E200] =	vst v63  }
0x36e: {  	s6 =	simm.s32 $0xA200;
	s12 =	sld [smem:$0x7F1]  }
0x36f: {  	[hbm4b:s11+s8] =	stream.linear.scatter [tilespmem:s6], [sflag:$0x7], $0x2000, $0x38;
	[tilespmem:$0x1E200] =	vst v63  }
0x370: {  	s7 =	simm.s32 $0xC200;
	s13 =	simm.s32 $0x2  }
0x371: {  	[hbm4b:s12+s8] =	stream.linear.scatter [tilespmem:s7], [sflag:$0x7], $0x2000, $0x38;
	[tilespmem:$0x1E200] =	vst v63  }
0x372: {  	_ =	swait.ge [sflag:s13], $0x2000  }
0x373: {  	[sflag:s13] =	ssyncset.done $0x0  }
0x374: {  	[sflag:s13] =	ssyncadd.s32 $0xFFFFE000  }
0x375: {  	_ =	swait.ge [sflag:s13], $0x2000  }
0x376: {  	[sflag:s13] =	ssyncset.done $0x0  }
0x377: {  	[sflag:s13] =	ssyncadd.s32 $0xFFFFE000  }
0x378: {  	_ =	swait.ge [sflag:s13], $0x2000  }
0x379: {  	[sflag:s13] =	ssyncset.done $0x0  }
0x37a: {  	[sflag:s13] =	ssyncadd.s32 $0xFFFFE000  }
0x37b: {  	_ =	swait.ge [sflag:s13], $0x2000  }
0x37c: {  	[sflag:s13] =	ssyncset.done $0x0  }
0x37d: {  	s14 =	simm.s32 $0x5;
	[sflag:s13] =	ssyncadd.s32 $0xFFFFE000  }
0x37e: {  	_ =	swait.ge [sflag:s14], $0x2000  }
0x37f: {  	[sflag:s14] =	ssyncset.done $0x0  }
0x380: {  	s15 =	simm.s32 $0x7;
	[sflag:s14] =	ssyncadd.s32 $0xFFFFE000  }
0x381: {  	_ =	swait.ge [sflag:s15], $0x2000  }
0x382: {  	[sflag:s15] =	ssyncset.done $0x0  }
0x383: {  	[sflag:s15] =	ssyncadd.s32 $0xFFFFE000  }
0x384: {  	_ =	swait.ge [sflag:s15], $0x2000  }
0x385: {  	[sflag:s15] =	ssyncset.done $0x0  }
0x386: {  	[sflag:s15] =	ssyncadd.s32 $0xFFFFE000  }
0x387: {  	_ =	swait.ge [sflag:s15], $0x2000  }
0x388: {  	[sflag:s15] =	ssyncset.done $0x0  }
0x389: {  	[sflag:s15] =	ssyncadd.s32 $0xFFFFE000  }
0x38a: {  	_ =	swait.ge [sflag:s15], $0x2000  }
0x38b: {  	s16 =	sld [smem:$0x7DC]  }
0x38c: {  	[sflag:s15] =	ssyncset.done $0x0  }
0x38d: {  	s1 =	simm.s32 $0x200;
	[sflag:s15] =	ssyncadd.s32 $0xFFFFE000  }
0x38e: {  	[tilespmem:s1], [sflag:$0x4] =	stream.linear.gather [hbm4b:s16+s8], $0x2000, $0x38;
	[tilespmem:$0x1E200] =	vst v63  }
0x38f: {  	v2 =	vld.msk [tilespmem:$0x30], $0xff;
	_ =	sdelay $0x4  }
0x390: {  	v3 =	vshll.u32 v2, $0x3  }
0x391: {  	v2 =	vand.u32 $0x7, v2;
	v3 =	vand.u32 $0xFFFFFFC0, v3  }
0x392: {  	v2 =	vor.u32 v2, v3  }
0x393: {  	v2 =	vperm.xlane v2, v0;
	_ =	sdelay $0x1  }
0x394: {  	v2 =	vadd.s32 v1, v2;
	_ =	sdelay $0x2  }
0x395: {  	s18 =	sld [smem:$0x7E2]  }
0x396: {  	s17 =	rddreg [dreg:$0x1]  }
0x397: {  	[tilespmem:s2], [sflag:$0x1] =	stream.indirect_vreg.gather [hbm4b:s17+s8], $0x80, v2, vm0, $0xb8;
	[tilespmem:$0x1E200] =	vst v63  }
0x398: {  	s19 =	simm.s32 $0x6A00;
	s20 =	sld [smem:$0x7E4]  }
0x399: {  	[tilespmem:s19], [sflag:$0x1] =	stream.indirect_vreg.gather [hbm4b:s18+s8], $0x80, v2, vm0, $0xb8;
	[tilespmem:$0x1E200] =	vst v63  }
0x39a: {  	s3 =	simm.s32 $0x7200;
	s21 =	sld [smem:$0x7E5]  }
0x39b: {  	[tilespmem:s3], [sflag:$0x1] =	stream.indirect_vreg.gather [hbm4b:s20+s8], $0x80, v2, vm0, $0xb8;
	[tilespmem:$0x1E200] =	vst v63  }
0x39c: {  	s4 =	simm.s32 $0x7A00  }
0x39d: {  	[tilespmem:s4], [sflag:$0x1] =	stream.indirect_vreg.gather [hbm4b:s21+s8], $0x80, v2, vm0, $0xb8;
	[tilespmem:$0x1E200] =	vst v63  }
0x39e: {  	v2 =	vld.msk [tilespmem:$0xB0], $0xff;
	_ =	sdelay $0x4  }
0x39f: {  	v3 =	vshll.u32 v2, $0x3  }
0x3a0: {  	v2 =	vand.u32 $0x7, v2;
	v3 =	vand.u32 $0xFFFFFFC0, v3  }
0x3a1: {  	v2 =	vor.u32 v2, v3  }
0x3a2: {  	v2 =	vperm.xlane v2, v0;
	_ =	sdelay $0x1  }
0x3a3: {  	v2 =	vadd.s32 v1, v2;
	_ =	sdelay $0x4  }
0x3a4: {  	[tilespmem:s5], [sflag:$0x1] =	stream.indirect_vreg.gather [hbm4b:s17+s8], $0x80, v2, vm0, $0xb8;
	[tilespmem:$0x1E200] =	vst v63  }
0x3a5: {  	s22 =	simm.s32 $0x8A00  }
0x3a6: {  	[tilespmem:s22], [sflag:$0x1] =	stream.indirect_vreg.gather [hbm4b:s18+s8], $0x80, v2, vm0, $0xb8;
	[tilespmem:$0x1E200] =	vst v63  }
0x3a7: {  	s23 =	simm.s32 $0x9200  }
0x3a8: {  	[tilespmem:s23], [sflag:$0x1] =	stream.indirect_vreg.gather [hbm4b:s20+s8], $0x80, v2, vm0, $0xb8;
	[tilespmem:$0x1E200] =	vst v63  }
0x3a9: {  	s24 =	simm.s32 $0x9A00  }
0x3aa: {  	[tilespmem:s24], [sflag:$0x1] =	stream.indirect_vreg.gather [hbm4b:s21+s8], $0x80, v2, vm0, $0xb8;
	[tilespmem:$0x1E200] =	vst v63  }
0x3ab: {  	v2 =	vld.msk [tilespmem:$0x130], $0xff;
	_ =	sdelay $0x4  }
0x3ac: {  	v3 =	vshll.u32 v2, $0x3  }
0x3ad: {  	v2 =	vand.u32 $0x7, v2;
	v3 =	vand.u32 $0xFFFFFFC0, v3  }
0x3ae: {  	v2 =	vor.u32 v2, v3  }
0x3af: {  	v2 =	vperm.xlane v2, v0;
	_ =	sdelay $0x1  }
0x3b0: {  	v2 =	vadd.s32 v1, v2;
	_ =	sdelay $0x4  }
0x3b1: {  	[tilespmem:s6], [sflag:$0x1] =	stream.indirect_vreg.gather [hbm4b:s17+s8], $0x80, v2, vm0, $0xb8;
	[tilespmem:$0x1E200] =	vst v63  }
0x3b2: {  	s25 =	simm.s32 $0xAA00  }
0x3b3: {  	[tilespmem:s25], [sflag:$0x1] =	stream.indirect_vreg.gather [hbm4b:s18+s8], $0x80, v2, vm0, $0xb8;
	[tilespmem:$0x1E200] =	vst v63  }
0x3b4: {  	s26 =	simm.s32 $0xB200  }
0x3b5: {  	[tilespmem:s26], [sflag:$0x1] =	stream.indirect_vreg.gather [hbm4b:s20+s8], $0x80, v2, vm0, $0xb8;
	[tilespmem:$0x1E200] =	vst v63  }
0x3b6: {  	s28 =	simm.s32 $0xBA00  }
0x3b7: {  	[tilespmem:s28], [sflag:$0x1] =	stream.indirect_vreg.gather [hbm4b:s21+s8], $0x80, v2, vm0, $0xb8;
	[tilespmem:$0x1E200] =	vst v63  }
0x3b8: {  	v2 =	vld.msk [tilespmem:$0x1B0], $0xff;
	_ =	sdelay $0x4  }
0x3b9: {  	v3 =	vshll.u32 v2, $0x3  }
0x3ba: {  	v2 =	vand.u32 $0x7, v2;
	v3 =	vand.u32 $0xFFFFFFC0, v3  }
0x3bb: {  	v2 =	vor.u32 v2, v3  }
0x3bc: {  	v2 =	vperm.xlane v2, v0;
	_ =	sdelay $0x1  }
0x3bd: {  	v2 =	vadd.s32 v1, v2;
	_ =	sdelay $0x4  }
0x3be: {  	[tilespmem:s7], [sflag:$0x1] =	stream.indirect_vreg.gather [hbm4b:s17+s8], $0x80, v2, vm0, $0xb8;
	[tilespmem:$0x1E200] =	vst v63  }
0x3bf: {  	s29 =	simm.s32 $0xCA00  }
0x3c0: {  	[tilespmem:s29], [sflag:$0x1] =	stream.indirect_vreg.gather [hbm4b:s18+s8], $0x80, v2, vm0, $0xb8;
	[tilespmem:$0x1E200] =	vst v63  }
0x3c1: {  	s30 =	simm.s32 $0xD200  }
0x3c2: {  	[tilespmem:s30], [sflag:$0x1] =	stream.indirect_vreg.gather [hbm4b:s20+s8], $0x80, v2, vm0, $0xb8;
	[tilespmem:$0x1E200] =	vst v63  }
0x3c3: {  	s31 =	simm.s32 $0xDA00;
	s0 =	simm.s32 $0x0  }
0x3c4: {  	[tilespmem:s31], [sflag:$0x1] =	stream.indirect_vreg.gather [hbm4b:s21+s8], $0x80, v2, vm0, $0xb8;
	[tilespmem:$0x1E200] =	vst v63  }
.LBB2_18:
0x3c5: {  	s18 =	simm.s32 $0x0  }
0x3c6: {  	s11 =	sshll.u32 s0, $0x7;
	s2 =	sand.u32 $0x40, s18;
	s3 =	sand.u32 $0x1C00, s18  }
0x3c7: {  	s1 =	sor.u32 s11, s3;
	s4 =	sor.u32 $0x30, s2  }
0x3c8: {  	[smem:$0x7D2] =	sst s0;
	s5 =	sor.u32 s4, s1  }
0x3c9: {  	s7 =	sor.u32 $0x10, s2;
	v2 =	vld [tilespmem:s5+$0xE200]  }
0x3ca: {  	s8 =	sor.u32 s7, s1;
	v3 =	vld [tilespmem:s5+$0x2200]  }
0x3cb: {  	s6 =	sor.u32 s2, s1;
	v5 =	vld [tilespmem:s8+$0xE200]  }
0x3cc: {  	v4 =	vld [tilespmem:s6+$0xE200]  }
0x3cd: {  	v8 =	vld [tilespmem:s8+$0x2200]  }
0x3ce: {  	s19 =	sor.u32 $0x20, s2;
	v6 =	vld [tilespmem:s6+$0x2200];
	v2 =	vmul.f32 $3.200000000e+01, v2  }
0x3cf: {  	s10 =	sor.u32 s19, s1  }
0x3d0: {  	s14 =	sadd.s32 $0x14200, s11;
	v7 =	vld [tilespmem:s10+$0xE200];
	v5 =	vmul.f32 $3.200000000e+01, v5;
	v2 =	vadd.f32 v2, v3  }
0x3d1: {  	s18 =	sadd.s32 $0x10200, s11;
	s21 =	sadd.s32 s3, s14;
	v4 =	vmul.f32 $3.200000000e+01, v4  }
0x3d2: {  	s12 =	sadd.s32 s3, s18;
	s13 =	sadd.s32 s4, s21;
	v13 =	vld [tilespmem:s10+$0x2200];
	v5 =	vadd.f32 v5, v8;
	[tilespmem:s5+$0xE200] =	vst v2  }
0x3d3: {  	s28 =	sadd.s32 $0x12200, s11;
	s16 =	sadd.s32 s4, s12;
	v2 =	vadd.f32 v4, v6;
	v4 =	vld [tilespmem:s13+$0x0]  }
0x3d4: {  	s9 =	sadd.s32 s3, s28;
	s5 =	sadd.s32 s7, s12;
	[tilespmem:s8+$0xE200] =	vst v5;
	v9 =	vld [tilespmem:s16+$0x0]  }
0x3d5: {  	s17 =	sadd.s32 s4, s9;
	v7 =	vmul.f32 $3.200000000e+01, v7;
	v14 =	vld [tilespmem:s5+$0x0]  }
0x3d6: {  	s20 =	sadd.s32 s2, s12;
	[tilespmem:s6+$0xE200] =	vst v2;
	v2 =	vld [tilespmem:s17+$0x0]  }
0x3d7: {  	s22 =	sadd.s32 s2, s9;
	v7 =	vadd.f32 v7, v13;
	v10 =	vld [tilespmem:s20+$0x0]  }
0x3d8: {  	s6 =	sadd.s32 s2, s21;
	v11 =	vld [tilespmem:s22+$0x0]  }
0x3d9: {  	s25 =	simm.s32 $0x200;
	[tilespmem:s10+$0xE200] =	vst v7;
	s2 =	sadd.s32 s7, s9;
	v12 =	vld [tilespmem:s6+$0x0]  }
0x3da: {  	s26 =	simm.s32 $0x40;
	s12 =	sadd.s32 s19, s12;
	v7 =	vld [tilespmem:s2+$0x0];
	[dreg:$0xa] =	wrdreg s11  }
0x3db: {  	s30 =	sand.u32 $0x1C00, s25;
	s3 =	sand.u32 $0x40, s26;
	v15 =	vld [tilespmem:s12+$0x0];
	v4 =	vmul.f32 $3.200000000e+01, v4  }
0x3dc: {  	s23 =	sor.u32 s11, s30;
	s4 =	sadd.s32 s7, s21;
	s24 =	sor.u32 $0x30, s3;
	v5 =	vmul.f32 $3.200000000e+01, v9  }
0x3dd: {  	s25 =	sor.u32 s24, s23;
	v16 =	vld [tilespmem:s4+$0x0];
	v2 =	vmul.f32 $3.200000000e+01, v2;
	v4 =	vadd.f32 v4, v3  }
0x3de: {  	s26 =	sor.u32 s3, s23;
	v9 =	vld [tilespmem:s25+$0xE200];
	v10 =	vmul.f32 $3.200000000e+01, v10;
	v18 =	vadd.f32 v5, v3  }
0x3df: {  	s7 =	sor.u32 $0x10, s3;
	v17 =	vld [tilespmem:s26+$0xE200];
	v11 =	vmul.f32 $3.200000000e+01, v11;
	v2 =	vadd.f32 v2, v3;
	[tilespmem:s13+$0x0] =	vst v4  }
0x3e0: {  	s8 =	sor.u32 $0x20, s3;
	s15 =	sor.u32 s7, s23;
	v5 =	vld [tilespmem:s25+$0x2200];
	v3 =	vmul.f32 $3.200000000e+01, v15;
	v10 =	vadd.f32 v10, v6;
	[tilespmem:s16+$0x0] =	vst v18  }
0x3e1: {  	s11 =	sor.u32 s8, s23;
	v19 =	vld [tilespmem:s15+$0xE200];
	v11 =	vadd.f32 v11, v6;
	[tilespmem:s17+$0x0] =	vst v2  }
0x3e2: {  	v15 =	vld [tilespmem:s11+$0xE200];
	v2 =	vadd.f32 v3, v13;
	[tilespmem:s20+$0x0] =	vst v10  }
0x3e3: {  	v4 =	vld [tilespmem:s26+$0x2200];
	v9 =	vmul.f32 $3.200000000e+01, v9;
	[tilespmem:s22+$0x0] =	vst v11  }
0x3e4: {  	v10 =	vmul.f32 $3.200000000e+01, v12;
	v3 =	vld [tilespmem:s15+$0x2200];
	[tilespmem:s12+$0x0] =	vst v2  }
0x3e5: {  	s9 =	sadd.s32 s19, s9;
	v12 =	vmul.f32 $3.200000000e+01, v14;
	v9 =	vadd.f32 v9, v5;
	v2 =	vld [tilespmem:s11+$0x2200];
	[dreg:$0x12] =	wrdreg s14  }
0x3e6: {  	v6 =	vadd.f32 v10, v6;
	s12 =	sadd.s32 s19, s21;
	v10 =	vmul.f32 $3.200000000e+01, v17;
	s14 =	sadd.s32 s30, s14;
	v11 =	vld [tilespmem:s9+$0x0]  }
0x3e7: {  	s23 =	sadd.s32 s30, s18;
	v7 =	vmul.f32 $3.200000000e+01, v7;
	v12 =	vadd.f32 v12, v8;
	[tilespmem:s25+$0xE200] =	vst v9;
	s1 =	sadd.s32 s24, s14;
	v14 =	vld [tilespmem:s12+$0x0]  }
0x3e8: {  	s0 =	sadd.s32 s24, s23;
	s30 =	sadd.s32 s30, s28;
	v9 =	vmul.f32 $3.200000000e+01, v16;
	[tilespmem:s6+$0x0] =	vst v6;
	v6 =	vadd.f32 v10, v4;
	v61 =	vld [tilespmem:s1+$0x0]  }
0x3e9: {  	v7 =	vadd.f32 v7, v8;
	s25 =	sadd.s32 s24, s30;
	[tilespmem:s5+$0x0] =	vst v12;
	v12 =	vmul.f32 $3.200000000e+01, v19;
	v62 =	vld [tilespmem:s0+$0x0]  }
0x3ea: {  	s31 =	sadd.s32 s3, s23;
	s19 =	smov.u32 s18;
	v15 =	vmul.f32 $3.200000000e+01, v15;
	v10 =	vld [tilespmem:s25+$0x0];
	v8 =	vadd.f32 v9, v8;
	[tilespmem:s26+$0xE200] =	vst v6  }
0x3eb: {  	s21 =	smov.u32 s28;
	s5 =	simm.s32 $0x4;
	s29 =	sadd.s32 s3, s14;
	[tilespmem:s2+$0x0] =	vst v7;
	v6 =	vadd.f32 v12, v3;
	v9 =	vld [tilespmem:s31+$0x0]  }
0x3ec: {  	s10 =	sadd.s32 s3, s30;
	s6 =	sadd.s32 s7, s23;
	s22 =	sadd.s32 s7, s30;
	v15 =	vadd.f32 v15, v2;
	v7 =	vld [tilespmem:s29+$0x0];
	[tilespmem:s4+$0x0] =	vst v8;
	v11 =	vmul.f32 $3.200000000e+01, v11;
	v63 =	vmul.f32 $3.200000000e+01, v14  }
0x3ed: {  	s20 =	sadd.s32 s8, s30;
	s17 =	sadd.s32 s8, s14;
	s2 =	simm.s32 $0x400;
	v8 =	vld [tilespmem:s10+$0x0];
	[tilespmem:s15+$0xE200] =	vst v6;
	v12 =	vmul.f32 $3.200000000e+01, v61  }
0x3ee: {  	s4 =	sadd.s32 s8, s23;
	s15 =	sadd.s32 s7, s14;
	s8 =	simm.s32 $0x80;
	[tilespmem:s11+$0xE200] =	vst v15;
	v6 =	vld [tilespmem:s6+$0x0];
	v14 =	vadd.f32 v11, v13;
	v11 =	vmul.f32 $3.200000000e+01, v62;
	v13 =	vadd.f32 v63, v13  }
.LBB2_19:
0x3ef: {  	_ = 	snop  }
0x3f0: {  	s16 =	sand.u32 $0x40, s8;
	s3 =	sand.u32 $0x1C00, s2;
	v15 =	vld [tilespmem:s22+$0x0];
	s7 =	rddreg [dreg:$0xa];
	v12 =	vadd.f32 v12, v5;
	[tilespmem:s9+$0x0] =	vst v14;
	v10 =	vmul.f32 $3.200000000e+01, v10  }
0x3f1: {  	s14 =	sor.u32 s7, s3;
	s30 =	sor.u32 $0x30, s16;
	v14 =	vld [tilespmem:s15+$0x0];
	v11 =	vadd.f32 v11, v5;
	[tilespmem:s12+$0x0] =	vst v13;
	v9 =	vmul.f32 $3.200000000e+01, v9  }
0x3f2: {  	v13 =	vld [tilespmem:s4+$0x0];
	s13 =	sor.u32 s30, s14;
	[tilespmem:s1+$0x0] =	vst v12;
	v8 =	vmul.f32 $3.200000000e+01, v8;
	v5 =	vadd.f32 v10, v5  }
0x3f3: {  	s26 =	sor.u32 s16, s14;
	v7 =	vmul.f32 $3.200000000e+01, v7;
	v10 =	vld [tilespmem:s13+$0xE200];
	v9 =	vadd.f32 v9, v4;
	[tilespmem:s0+$0x0] =	vst v11  }
0x3f4: {  	s24 =	sor.u32 $0x20, s16;
	v6 =	vmul.f32 $3.200000000e+01, v6;
	v11 =	vld [tilespmem:s26+$0xE200];
	v8 =	vadd.f32 v8, v4;
	[tilespmem:s25+$0x0] =	vst v5  }
0x3f5: {  	s28 =	sor.u32 $0x10, s16;
	s23 =	sor.u32 s24, s14;
	v4 =	vadd.f32 v7, v4;
	v7 =	vmul.f32 $3.200000000e+01, v15;
	[tilespmem:s31+$0x0] =	vst v9;
	v5 =	vld [tilespmem:s13+$0x2200]  }
0x3f6: {  	s7 =	sor.u32 s28, s14;
	v12 =	vld [tilespmem:s23+$0xE200];
	v6 =	vadd.f32 v6, v3;
	[tilespmem:s10+$0x0] =	vst v8;
	v8 =	vmul.f32 $3.200000000e+01, v14  }
0x3f7: {  	v13 =	vmul.f32 $3.200000000e+01, v13;
	v9 =	vld [tilespmem:s7+$0xE200];
	[tilespmem:s29+$0x0] =	vst v4;
	v7 =	vadd.f32 v7, v3  }
0x3f8: {  	s5 =	sadd.s32 $0x4, s5;
	s1 =	sadd.s32 s3, s21;
	[tilespmem:s6+$0x0] =	vst v6;
	v4 =	vld [tilespmem:s26+$0x2200];
	v6 =	vadd.f32 v8, v3;
	v10 =	vmul.f32 $3.200000000e+01, v10  }
0x3f9: {  	s9 =	smov.u32 s20;
	s12 =	sadd.s32 s16, s1;
	s11 =	sadd.s32 s28, s1;
	v3 =	vld [tilespmem:s7+$0x2200];
	[tilespmem:s22+$0x0] =	vst v7;
	v7 =	vadd.f32 v13, v2  }
0x3fa: {  	v15 =	vld [tilespmem:s23+$0x2200];
	s10 =	smov.u32 s12;
	s12 =	smov.u32 s17;
	s17 =	rddreg [dreg:$0x12];
	[tilespmem:s15+$0x0] =	vst v6;
	v10 =	vadd.f32 v10, v5  }
0x3fb: {  	s20 =	sadd.s32 s24, s1;
	s0 =	sadd.s32 s3, s19;
	s3 =	sadd.s32 s3, s17;
	v8 =	vmul.f32 $3.200000000e+01, v11;
	[tilespmem:s4+$0x0] =	vst v7;
	v7 =	vld [tilespmem:s9+$0x0]  }
0x3fc: {  	s14 =	sadd.s32 s28, s0;
	s25 =	sadd.s32 s30, s1;
	s1 =	sadd.s32 s30, s3;
	v11 =	vld [tilespmem:s12+$0x0];
	v6 =	vmul.f32 $3.200000000e+01, v9;
	[tilespmem:s13+$0xE200] =	vst v10  }
0x3fd: {  	s18 =	sadd.s32 s24, s0;
	s31 =	sadd.s32 s16, s0;
	s0 =	sadd.s32 s30, s0;
	v9 =	vmul.f32 $3.200000000e+01, v12;
	v8 =	vadd.f32 v8, v4;
	v12 =	vld [tilespmem:s1+$0x0]  }
0x3fe: {  	p0 =	slt.u32 s5, $0x3C;
	v6 =	vadd.f32 v6, v3;
	v13 =	vld [tilespmem:s0+$0x0]  }
.Ltmp8:
0x3ff: {  	[tilespmem:s26+$0xE200] =	vst v8;
	v10 =	vld [tilespmem:s25+$0x0];
	(pc) =	sbr.rel @p0 .LBB2_19-.Ltmp8, $4  }
0x400: {  	v14 =	vadd.f32 v9, v15;
	v9 =	vld [tilespmem:s31+$0x0];
	[tilespmem:s7+$0xE200] =	vst v6;
	v6 =	vmul.f32 $3.200000000e+01, v7  }
0x401: {  	s2 =	sadd.s32 $0x200, s2;
	s29 =	sadd.s32 s16, s3;
	v16 =	vmul.f32 $3.200000000e+01, v11;
	v8 =	vld [tilespmem:s10+$0x0]  }
0x402: {  	s8 =	sadd.s32 $0x40, s8;
	s6 =	smov.u32 s14;
	s22 =	smov.u32 s11;
	[tilespmem:s23+$0xE200] =	vst v14;
	v7 =	vld [tilespmem:s29+$0x0];
	v14 =	vadd.f32 v6, v2  }
0x403: {  	s17 =	sadd.s32 s24, s3;
	s4 =	smov.u32 s18;
	s15 =	sadd.s32 s28, s3;
	v6 =	vld [tilespmem:s6+$0x0];
	v12 =	vmul.f32 $3.200000000e+01, v12;
	v11 =	vmul.f32 $3.200000000e+01, v13;
	v13 =	vadd.f32 v16, v2;
	v2 =	vmovc v15  }
0x404: {  	_ = 	snop  }
0x405: {  	v15 =	vld [tilespmem:s4+$0x0];
	[tilespmem:s9+$0x0] =	vst v14;
	v10 =	vmul.f32 $3.200000000e+01, v10;
	v12 =	vadd.f32 v12, v5  }
0x406: {  	v52 =	vld [tilespmem:s22+$0x0];
	[tilespmem:s12+$0x0] =	vst v13;
	v9 =	vmul.f32 $3.200000000e+01, v9;
	v11 =	vadd.f32 v11, v5  }
0x407: {  	v53 =	vld [tilespmem:s15+$0x0];
	v8 =	vmul.f32 $3.200000000e+01, v8;
	v54 =	vadd.f32 v10, v5;
	[tilespmem:s1+$0x0] =	vst v12  }
0x408: {  	v9 =	vadd.f32 v9, v4;
	v7 =	vmul.f32 $3.200000000e+01, v7;
	[tilespmem:s0+$0x0] =	vst v11  }
0x409: {  	v8 =	vadd.f32 v8, v4;
	v6 =	vmul.f32 $3.200000000e+01, v6;
	[tilespmem:s25+$0x0] =	vst v54  }
0x40a: {  	v15 =	vmul.f32 $3.200000000e+01, v15;
	[tilespmem:s31+$0x0] =	vst v9;
	v57 =	vadd.f32 v7, v4  }
0x40b: {  	v58 =	vmul.f32 $3.200000000e+01, v52;
	[tilespmem:s10+$0x0] =	vst v8;
	v6 =	vadd.f32 v6, v3  }
0x40c: {  	v59 =	vmul.f32 $3.200000000e+01, v53;
	v51 =	vadd.f32 v15, v2;
	[tilespmem:s29+$0x0] =	vst v57  }
0x40d: {  	v60 =	vadd.f32 v58, v3;
	[tilespmem:s6+$0x0] =	vst v6  }
0x40e: {  	v3 =	vadd.f32 v59, v3;
	[tilespmem:s4+$0x0] =	vst v51  }
0x40f: {  	[tilespmem:s22+$0x0] =	vst v60  }
0x410: {  	v55 =	vld [tilespmem:s20+$0x0];
	[tilespmem:s15+$0x0] =	vst v3  }
0x411: {  	v56 =	vld [tilespmem:s17+$0x0];
	s0 =	sld [smem:$0x7D2];
	_ =	sdelay $0x2  }
0x412: {  	s0 =	sadd.s32 $0x1, s0  }
0x413: {  	v61 =	vmul.f32 $3.200000000e+01, v55;
	p0 =	sne.s32 s0, $0x8  }
.Ltmp9:
0x414: {  	v62 =	vmul.f32 $3.200000000e+01, v56;
	(pc) =	sbr.rel @p0 .LBB2_18-.Ltmp9, $4  }
0x415: {  	v63 =	vadd.f32 v61, v2  }
0x416: {  	v2 =	vadd.f32 v62, v2  }
0x417: {  	[tilespmem:s20+$0x0] =	vst v63  }
0x418: {  	[tilespmem:s17+$0x0] =	vst v2  }
0x419: {  	s0 =	sld [smem:$0x7DD];
	_ =	sdelay $0x1  }
0x41a: {  	s8 =	simm.s32 $0x0;
	s2 =	simm.s32 $0xE200;
	s10 =	sld [smem:$0x7F2]  }
0x41b: {  	[hbm4b:s0+s8] =	stream.linear.scatter [tilespmem:s2], [sflag:$0x8], $0x2000, $0x38;
	[tilespmem:$0x1E200] =	vst v63  }
0x41c: {  	s5 =	simm.s32 $0x10200;
	s11 =	sld [smem:$0x7F3]  }
0x41d: {  	[hbm4b:s10+s8] =	stream.linear.scatter [tilespmem:s5], [sflag:$0x8], $0x2000, $0x38;
	[tilespmem:$0x1E200] =	vst v63  }
0x41e: {  	s6 =	simm.s32 $0x12200;
	s12 =	sld [smem:$0x7F4]  }
0x41f: {  	[hbm4b:s11+s8] =	stream.linear.scatter [tilespmem:s6], [sflag:$0x8], $0x2000, $0x38;
	[tilespmem:$0x1E200] =	vst v63  }
0x420: {  	s7 =	simm.s32 $0x14200;
	s13 =	simm.s32 $0x3  }
0x421: {  	[hbm4b:s12+s8] =	stream.linear.scatter [tilespmem:s7], [sflag:$0x8], $0x2000, $0x38;
	[tilespmem:$0x1E200] =	vst v63  }
0x422: {  	_ =	swait.ge [sflag:s13], $0x2000  }
0x423: {  	[sflag:s13] =	ssyncset.done $0x0  }
0x424: {  	[sflag:s13] =	ssyncadd.s32 $0xFFFFE000  }
0x425: {  	_ =	swait.ge [sflag:s13], $0x2000  }
0x426: {  	[sflag:s13] =	ssyncset.done $0x0  }
0x427: {  	[sflag:s13] =	ssyncadd.s32 $0xFFFFE000  }
0x428: {  	_ =	swait.ge [sflag:s13], $0x2000  }
0x429: {  	[sflag:s13] =	ssyncset.done $0x0  }
0x42a: {  	[sflag:s13] =	ssyncadd.s32 $0xFFFFE000  }
0x42b: {  	_ =	swait.ge [sflag:s13], $0x2000  }
0x42c: {  	[sflag:s13] =	ssyncset.done $0x0  }
0x42d: {  	s14 =	simm.s32 $0x6;
	[sflag:s13] =	ssyncadd.s32 $0xFFFFE000  }
0x42e: {  	_ =	swait.ge [sflag:s14], $0x2000  }
0x42f: {  	[sflag:s14] =	ssyncset.done $0x0  }
0x430: {  	s15 =	simm.s32 $0x8;
	[sflag:s14] =	ssyncadd.s32 $0xFFFFE000  }
0x431: {  	_ =	swait.ge [sflag:s15], $0x2000  }
0x432: {  	[sflag:s15] =	ssyncset.done $0x0  }
0x433: {  	[sflag:s15] =	ssyncadd.s32 $0xFFFFE000  }
0x434: {  	_ =	swait.ge [sflag:s15], $0x2000  }
0x435: {  	[sflag:s15] =	ssyncset.done $0x0  }
0x436: {  	[sflag:s15] =	ssyncadd.s32 $0xFFFFE000  }
0x437: {  	_ =	swait.ge [sflag:s15], $0x2000  }
0x438: {  	[sflag:s15] =	ssyncset.done $0x0  }
0x439: {  	[sflag:s15] =	ssyncadd.s32 $0xFFFFE000  }
0x43a: {  	_ =	swait.ge [sflag:s15], $0x2000  }
0x43b: {  	s16 =	sld [smem:$0x7DE]  }
0x43c: {  	[sflag:s15] =	ssyncset.done $0x0  }
0x43d: {  	s1 =	simm.s32 $0x2200;
	[sflag:s15] =	ssyncadd.s32 $0xFFFFE000  }
0x43e: {  	[tilespmem:s1], [sflag:$0x5] =	stream.linear.gather [hbm4b:s16+s8], $0x2000, $0x38;
	[tilespmem:$0x1E200] =	vst v63  }
0x43f: {  	v2 =	vld.msk [tilespmem:$0x38], $0xff;
	_ =	sdelay $0x4  }
0x440: {  	v3 =	vshll.u32 v2, $0x3  }
0x441: {  	v2 =	vand.u32 $0x7, v2;
	v3 =	vand.u32 $0xFFFFFFC0, v3  }
0x442: {  	v2 =	vor.u32 v2, v3  }
0x443: {  	v2 =	vperm.xlane v2, v0;
	_ =	sdelay $0x1  }
0x444: {  	v2 =	vadd.s32 v1, v2;
	_ =	sdelay $0x2  }
0x445: {  	s18 =	sld [smem:$0x7E2]  }
0x446: {  	s17 =	rddreg [dreg:$0x1]  }
0x447: {  	[tilespmem:s2], [sflag:$0x2] =	stream.indirect_vreg.gather [hbm4b:s17+s8], $0x80, v2, vm0, $0xb8;
	[tilespmem:$0x1E200] =	vst v63  }
0x448: {  	s19 =	simm.s32 $0xEA00;
	s20 =	sld [smem:$0x7E4]  }
0x449: {  	[tilespmem:s19], [sflag:$0x2] =	stream.indirect_vreg.gather [hbm4b:s18+s8], $0x80, v2, vm0, $0xb8;
	[tilespmem:$0x1E200] =	vst v63  }
0x44a: {  	s3 =	simm.s32 $0xF200;
	s21 =	sld [smem:$0x7E5]  }
0x44b: {  	[tilespmem:s3], [sflag:$0x2] =	stream.indirect_vreg.gather [hbm4b:s20+s8], $0x80, v2, vm0, $0xb8;
	[tilespmem:$0x1E200] =	vst v63  }
0x44c: {  	s4 =	simm.s32 $0xFA00  }
0x44d: {  	[tilespmem:s4], [sflag:$0x2] =	stream.indirect_vreg.gather [hbm4b:s21+s8], $0x80, v2, vm0, $0xb8;
	[tilespmem:$0x1E200] =	vst v63  }
0x44e: {  	v2 =	vld.msk [tilespmem:$0xB8], $0xff;
	_ =	sdelay $0x4  }
0x44f: {  	v3 =	vshll.u32 v2, $0x3  }
0x450: {  	v2 =	vand.u32 $0x7, v2;
	v3 =	vand.u32 $0xFFFFFFC0, v3  }
0x451: {  	v2 =	vor.u32 v2, v3  }
0x452: {  	v2 =	vperm.xlane v2, v0;
	_ =	sdelay $0x1  }
0x453: {  	v2 =	vadd.s32 v1, v2;
	_ =	sdelay $0x4  }
0x454: {  	[tilespmem:s5], [sflag:$0x2] =	stream.indirect_vreg.gather [hbm4b:s17+s8], $0x80, v2, vm0, $0xb8;
	[tilespmem:$0x1E200] =	vst v63  }
0x455: {  	s22 =	simm.s32 $0x10A00  }
0x456: {  	[tilespmem:s22], [sflag:$0x2] =	stream.indirect_vreg.gather [hbm4b:s18+s8], $0x80, v2, vm0, $0xb8;
	[tilespmem:$0x1E200] =	vst v63  }
0x457: {  	s23 =	simm.s32 $0x11200  }
0x458: {  	[tilespmem:s23], [sflag:$0x2] =	stream.indirect_vreg.gather [hbm4b:s20+s8], $0x80, v2, vm0, $0xb8;
	[tilespmem:$0x1E200] =	vst v63  }
0x459: {  	s24 =	simm.s32 $0x11A00  }
0x45a: {  	[tilespmem:s24], [sflag:$0x2] =	stream.indirect_vreg.gather [hbm4b:s21+s8], $0x80, v2, vm0, $0xb8;
	[tilespmem:$0x1E200] =	vst v63  }
0x45b: {  	v2 =	vld.msk [tilespmem:$0x138], $0xff;
	_ =	sdelay $0x4  }
0x45c: {  	v3 =	vshll.u32 v2, $0x3  }
0x45d: {  	v2 =	vand.u32 $0x7, v2;
	v3 =	vand.u32 $0xFFFFFFC0, v3  }
0x45e: {  	v2 =	vor.u32 v2, v3  }
0x45f: {  	v2 =	vperm.xlane v2, v0;
	_ =	sdelay $0x1  }
0x460: {  	v2 =	vadd.s32 v1, v2;
	_ =	sdelay $0x4  }
0x461: {  	[tilespmem:s6], [sflag:$0x2] =	stream.indirect_vreg.gather [hbm4b:s17+s8], $0x80, v2, vm0, $0xb8;
	[tilespmem:$0x1E200] =	vst v63  }
0x462: {  	s25 =	simm.s32 $0x12A00  }
0x463: {  	[tilespmem:s25], [sflag:$0x2] =	stream.indirect_vreg.gather [hbm4b:s18+s8], $0x80, v2, vm0, $0xb8;
	[tilespmem:$0x1E200] =	vst v63  }
0x464: {  	s26 =	simm.s32 $0x13200  }
0x465: {  	[tilespmem:s26], [sflag:$0x2] =	stream.indirect_vreg.gather [hbm4b:s20+s8], $0x80, v2, vm0, $0xb8;
	[tilespmem:$0x1E200] =	vst v63  }
0x466: {  	s28 =	simm.s32 $0x13A00  }
0x467: {  	[tilespmem:s28], [sflag:$0x2] =	stream.indirect_vreg.gather [hbm4b:s21+s8], $0x80, v2, vm0, $0xb8;
	[tilespmem:$0x1E200] =	vst v63  }
0x468: {  	v2 =	vld.msk [tilespmem:$0x1B8], $0xff;
	_ =	sdelay $0x4  }
0x469: {  	v3 =	vshll.u32 v2, $0x3  }
0x46a: {  	v2 =	vand.u32 $0x7, v2;
	v3 =	vand.u32 $0xFFFFFFC0, v3  }
0x46b: {  	v2 =	vor.u32 v2, v3  }
0x46c: {  	v2 =	vperm.xlane v2, v0;
	_ =	sdelay $0x1  }
0x46d: {  	v2 =	vadd.s32 v1, v2;
	_ =	sdelay $0x4  }
0x46e: {  	[tilespmem:s7], [sflag:$0x2] =	stream.indirect_vreg.gather [hbm4b:s17+s8], $0x80, v2, vm0, $0xb8;
	[tilespmem:$0x1E200] =	vst v63  }
0x46f: {  	s29 =	simm.s32 $0x14A00  }
0x470: {  	[tilespmem:s29], [sflag:$0x2] =	stream.indirect_vreg.gather [hbm4b:s18+s8], $0x80, v2, vm0, $0xb8;
	[tilespmem:$0x1E200] =	vst v63  }
0x471: {  	s30 =	simm.s32 $0x15200  }
0x472: {  	[tilespmem:s30], [sflag:$0x2] =	stream.indirect_vreg.gather [hbm4b:s20+s8], $0x80, v2, vm0, $0xb8;
	[tilespmem:$0x1E200] =	vst v63  }
0x473: {  	s31 =	simm.s32 $0x15A00;
	s0 =	simm.s32 $0x0  }
0x474: {  	[tilespmem:s31], [sflag:$0x2] =	stream.indirect_vreg.gather [hbm4b:s21+s8], $0x80, v2, vm0, $0xb8;
	[tilespmem:$0x1E200] =	vst v63  }
.LBB2_22:
0x475: {  	s18 =	simm.s32 $0x0  }
0x476: {  	s11 =	sshll.u32 s0, $0x7;
	s2 =	sand.u32 $0x40, s18;
	s3 =	sand.u32 $0x1C00, s18  }
0x477: {  	s1 =	sor.u32 s11, s3;
	s4 =	sor.u32 $0x30, s2  }
0x478: {  	[smem:$0x7D1] =	sst s0;
	s5 =	sor.u32 s4, s1  }
0x479: {  	s7 =	sor.u32 $0x10, s2;
	v2 =	vld [tilespmem:s5+$0x16200]  }
0x47a: {  	s8 =	sor.u32 s7, s1;
	v3 =	vld [tilespmem:s5+$0x4200]  }
0x47b: {  	s6 =	sor.u32 s2, s1;
	v5 =	vld [tilespmem:s8+$0x16200]  }
0x47c: {  	v4 =	vld [tilespmem:s6+$0x16200]  }
0x47d: {  	v8 =	vld [tilespmem:s8+$0x4200]  }
0x47e: {  	s19 =	sor.u32 $0x20, s2;
	v6 =	vld [tilespmem:s6+$0x4200];
	v2 =	vmul.f32 $3.200000000e+01, v2  }
0x47f: {  	s10 =	sor.u32 s19, s1  }
0x480: {  	s14 =	sadd.s32 $0x1C200, s11;
	v7 =	vld [tilespmem:s10+$0x16200];
	v5 =	vmul.f32 $3.200000000e+01, v5;
	v2 =	vadd.f32 v2, v3  }
0x481: {  	s18 =	sadd.s32 $0x18200, s11;
	s21 =	sadd.s32 s3, s14;
	v4 =	vmul.f32 $3.200000000e+01, v4  }
0x482: {  	s12 =	sadd.s32 s3, s18;
	s13 =	sadd.s32 s4, s21;
	v13 =	vld [tilespmem:s10+$0x4200];
	v5 =	vadd.f32 v5, v8;
	[tilespmem:s5+$0x16200] =	vst v2  }
0x483: {  	s28 =	sadd.s32 $0x1A200, s11;
	s16 =	sadd.s32 s4, s12;
	v2 =	vadd.f32 v4, v6;
	v4 =	vld [tilespmem:s13+$0x0]  }
0x484: {  	s9 =	sadd.s32 s3, s28;
	s5 =	sadd.s32 s7, s12;
	[tilespmem:s8+$0x16200] =	vst v5;
	v9 =	vld [tilespmem:s16+$0x0]  }
0x485: {  	s17 =	sadd.s32 s4, s9;
	v7 =	vmul.f32 $3.200000000e+01, v7;
	v14 =	vld [tilespmem:s5+$0x0]  }
0x486: {  	s20 =	sadd.s32 s2, s12;
	[tilespmem:s6+$0x16200] =	vst v2;
	v2 =	vld [tilespmem:s17+$0x0]  }
0x487: {  	s22 =	sadd.s32 s2, s9;
	v7 =	vadd.f32 v7, v13;
	v10 =	vld [tilespmem:s20+$0x0]  }
0x488: {  	s6 =	sadd.s32 s2, s21;
	v11 =	vld [tilespmem:s22+$0x0]  }
0x489: {  	s25 =	simm.s32 $0x200;
	[tilespmem:s10+$0x16200] =	vst v7;
	s2 =	sadd.s32 s7, s9;
	v12 =	vld [tilespmem:s6+$0x0]  }
0x48a: {  	s26 =	simm.s32 $0x40;
	s12 =	sadd.s32 s19, s12;
	v7 =	vld [tilespmem:s2+$0x0];
	[dreg:$0xb] =	wrdreg s11  }
0x48b: {  	s30 =	sand.u32 $0x1C00, s25;
	s3 =	sand.u32 $0x40, s26;
	v15 =	vld [tilespmem:s12+$0x0];
	v4 =	vmul.f32 $3.200000000e+01, v4  }
0x48c: {  	s23 =	sor.u32 s11, s30;
	s4 =	sadd.s32 s7, s21;
	s24 =	sor.u32 $0x30, s3;
	v5 =	vmul.f32 $3.200000000e+01, v9  }
0x48d: {  	s25 =	sor.u32 s24, s23;
	v16 =	vld [tilespmem:s4+$0x0];
	v2 =	vmul.f32 $3.200000000e+01, v2;
	v4 =	vadd.f32 v4, v3  }
0x48e: {  	s26 =	sor.u32 s3, s23;
	v9 =	vld [tilespmem:s25+$0x16200];
	v10 =	vmul.f32 $3.200000000e+01, v10;
	v18 =	vadd.f32 v5, v3  }
0x48f: {  	s7 =	sor.u32 $0x10, s3;
	v17 =	vld [tilespmem:s26+$0x16200];
	v11 =	vmul.f32 $3.200000000e+01, v11;
	v2 =	vadd.f32 v2, v3;
	[tilespmem:s13+$0x0] =	vst v4  }
0x490: {  	s8 =	sor.u32 $0x20, s3;
	s15 =	sor.u32 s7, s23;
	v5 =	vld [tilespmem:s25+$0x4200];
	v3 =	vmul.f32 $3.200000000e+01, v15;
	v10 =	vadd.f32 v10, v6;
	[tilespmem:s16+$0x0] =	vst v18  }
0x491: {  	s11 =	sor.u32 s8, s23;
	v19 =	vld [tilespmem:s15+$0x16200];
	v11 =	vadd.f32 v11, v6;
	[tilespmem:s17+$0x0] =	vst v2  }
0x492: {  	v15 =	vld [tilespmem:s11+$0x16200];
	v2 =	vadd.f32 v3, v13;
	[tilespmem:s20+$0x0] =	vst v10  }
0x493: {  	v4 =	vld [tilespmem:s26+$0x4200];
	v9 =	vmul.f32 $3.200000000e+01, v9;
	[tilespmem:s22+$0x0] =	vst v11  }
0x494: {  	v10 =	vmul.f32 $3.200000000e+01, v12;
	v3 =	vld [tilespmem:s15+$0x4200];
	[tilespmem:s12+$0x0] =	vst v2  }
0x495: {  	s9 =	sadd.s32 s19, s9;
	v12 =	vmul.f32 $3.200000000e+01, v14;
	v9 =	vadd.f32 v9, v5;
	v2 =	vld [tilespmem:s11+$0x4200];
	[dreg:$0x13] =	wrdreg s14  }
0x496: {  	v6 =	vadd.f32 v10, v6;
	s12 =	sadd.s32 s19, s21;
	v10 =	vmul.f32 $3.200000000e+01, v17;
	s14 =	sadd.s32 s30, s14;
	v11 =	vld [tilespmem:s9+$0x0]  }
0x497: {  	s23 =	sadd.s32 s30, s18;
	v7 =	vmul.f32 $3.200000000e+01, v7;
	v12 =	vadd.f32 v12, v8;
	[tilespmem:s25+$0x16200] =	vst v9;
	s1 =	sadd.s32 s24, s14;
	v14 =	vld [tilespmem:s12+$0x0]  }
0x498: {  	s0 =	sadd.s32 s24, s23;
	s30 =	sadd.s32 s30, s28;
	v9 =	vmul.f32 $3.200000000e+01, v16;
	[tilespmem:s6+$0x0] =	vst v6;
	v6 =	vadd.f32 v10, v4;
	v61 =	vld [tilespmem:s1+$0x0]  }
0x499: {  	v7 =	vadd.f32 v7, v8;
	s25 =	sadd.s32 s24, s30;
	[tilespmem:s5+$0x0] =	vst v12;
	v12 =	vmul.f32 $3.200000000e+01, v19;
	v62 =	vld [tilespmem:s0+$0x0]  }
0x49a: {  	s31 =	sadd.s32 s3, s23;
	s19 =	smov.u32 s18;
	v15 =	vmul.f32 $3.200000000e+01, v15;
	v10 =	vld [tilespmem:s25+$0x0];
	v8 =	vadd.f32 v9, v8;
	[tilespmem:s26+$0x16200] =	vst v6  }
0x49b: {  	s21 =	smov.u32 s28;
	s5 =	simm.s32 $0x4;
	s29 =	sadd.s32 s3, s14;
	[tilespmem:s2+$0x0] =	vst v7;
	v6 =	vadd.f32 v12, v3;
	v9 =	vld [tilespmem:s31+$0x0]  }
0x49c: {  	s10 =	sadd.s32 s3, s30;
	s6 =	sadd.s32 s7, s23;
	s22 =	sadd.s32 s7, s30;
	v15 =	vadd.f32 v15, v2;
	v7 =	vld [tilespmem:s29+$0x0];
	[tilespmem:s4+$0x0] =	vst v8;
	v11 =	vmul.f32 $3.200000000e+01, v11;
	v63 =	vmul.f32 $3.200000000e+01, v14  }
0x49d: {  	s20 =	sadd.s32 s8, s30;
	s17 =	sadd.s32 s8, s14;
	s2 =	simm.s32 $0x400;
	v8 =	vld [tilespmem:s10+$0x0];
	[tilespmem:s15+$0x16200] =	vst v6;
	v12 =	vmul.f32 $3.200000000e+01, v61  }
0x49e: {  	s4 =	sadd.s32 s8, s23;
	s15 =	sadd.s32 s7, s14;
	s8 =	simm.s32 $0x80;
	[tilespmem:s11+$0x16200] =	vst v15;
	v6 =	vld [tilespmem:s6+$0x0];
	v14 =	vadd.f32 v11, v13;
	v11 =	vmul.f32 $3.200000000e+01, v62;
	v13 =	vadd.f32 v63, v13  }
.LBB2_23:
0x49f: {  	_ = 	snop  }
0x4a0: {  	s16 =	sand.u32 $0x40, s8;
	s3 =	sand.u32 $0x1C00, s2;
	v15 =	vld [tilespmem:s22+$0x0];
	s7 =	rddreg [dreg:$0xb];
	v12 =	vadd.f32 v12, v5;
	[tilespmem:s9+$0x0] =	vst v14;
	v10 =	vmul.f32 $3.200000000e+01, v10  }
0x4a1: {  	s14 =	sor.u32 s7, s3;
	s30 =	sor.u32 $0x30, s16;
	v14 =	vld [tilespmem:s15+$0x0];
	v11 =	vadd.f32 v11, v5;
	[tilespmem:s12+$0x0] =	vst v13;
	v9 =	vmul.f32 $3.200000000e+01, v9  }
0x4a2: {  	v13 =	vld [tilespmem:s4+$0x0];
	s13 =	sor.u32 s30, s14;
	[tilespmem:s1+$0x0] =	vst v12;
	v8 =	vmul.f32 $3.200000000e+01, v8;
	v5 =	vadd.f32 v10, v5  }
0x4a3: {  	s26 =	sor.u32 s16, s14;
	v7 =	vmul.f32 $3.200000000e+01, v7;
	v10 =	vld [tilespmem:s13+$0x16200];
	v9 =	vadd.f32 v9, v4;
	[tilespmem:s0+$0x0] =	vst v11  }
0x4a4: {  	s24 =	sor.u32 $0x20, s16;
	v6 =	vmul.f32 $3.200000000e+01, v6;
	v11 =	vld [tilespmem:s26+$0x16200];
	v8 =	vadd.f32 v8, v4;
	[tilespmem:s25+$0x0] =	vst v5  }
0x4a5: {  	s28 =	sor.u32 $0x10, s16;
	s23 =	sor.u32 s24, s14;
	v4 =	vadd.f32 v7, v4;
	v7 =	vmul.f32 $3.200000000e+01, v15;
	[tilespmem:s31+$0x0] =	vst v9;
	v5 =	vld [tilespmem:s13+$0x4200]  }
0x4a6: {  	s7 =	sor.u32 s28, s14;
	v12 =	vld [tilespmem:s23+$0x16200];
	v6 =	vadd.f32 v6, v3;
	[tilespmem:s10+$0x0] =	vst v8;
	v8 =	vmul.f32 $3.200000000e+01, v14  }
0x4a7: {  	v13 =	vmul.f32 $3.200000000e+01, v13;
	v9 =	vld [tilespmem:s7+$0x16200];
	[tilespmem:s29+$0x0] =	vst v4;
	v7 =	vadd.f32 v7, v3  }
0x4a8: {  	s5 =	sadd.s32 $0x4, s5;
	s1 =	sadd.s32 s3, s21;
	[tilespmem:s6+$0x0] =	vst v6;
	v4 =	vld [tilespmem:s26+$0x4200];
	v6 =	vadd.f32 v8, v3;
	v10 =	vmul.f32 $3.200000000e+01, v10  }
0x4a9: {  	s9 =	smov.u32 s20;
	s12 =	sadd.s32 s16, s1;
	s11 =	sadd.s32 s28, s1;
	v3 =	vld [tilespmem:s7+$0x4200];
	[tilespmem:s22+$0x0] =	vst v7;
	v7 =	vadd.f32 v13, v2  }
0x4aa: {  	v15 =	vld [tilespmem:s23+$0x4200];
	s10 =	smov.u32 s12;
	s12 =	smov.u32 s17;
	s17 =	rddreg [dreg:$0x13];
	[tilespmem:s15+$0x0] =	vst v6;
	v10 =	vadd.f32 v10, v5  }
0x4ab: {  	s20 =	sadd.s32 s24, s1;
	s0 =	sadd.s32 s3, s19;
	s3 =	sadd.s32 s3, s17;
	v8 =	vmul.f32 $3.200000000e+01, v11;
	[tilespmem:s4+$0x0] =	vst v7;
	v7 =	vld [tilespmem:s9+$0x0]  }
0x4ac: {  	s14 =	sadd.s32 s28, s0;
	s25 =	sadd.s32 s30, s1;
	s1 =	sadd.s32 s30, s3;
	v11 =	vld [tilespmem:s12+$0x0];
	v6 =	vmul.f32 $3.200000000e+01, v9;
	[tilespmem:s13+$0x16200] =	vst v10  }
0x4ad: {  	s18 =	sadd.s32 s24, s0;
	s31 =	sadd.s32 s16, s0;
	s0 =	sadd.s32 s30, s0;
	v9 =	vmul.f32 $3.200000000e+01, v12;
	v8 =	vadd.f32 v8, v4;
	v12 =	vld [tilespmem:s1+$0x0]  }
0x4ae: {  	p0 =	slt.u32 s5, $0x3C;
	v6 =	vadd.f32 v6, v3;
	v13 =	vld [tilespmem:s0+$0x0]  }
.Ltmp10:
0x4af: {  	[tilespmem:s26+$0x16200] =	vst v8;
	v10 =	vld [tilespmem:s25+$0x0];
	(pc) =	sbr.rel @p0 .LBB2_23-.Ltmp10, $4  }
0x4b0: {  	v14 =	vadd.f32 v9, v15;
	v9 =	vld [tilespmem:s31+$0x0];
	[tilespmem:s7+$0x16200] =	vst v6;
	v6 =	vmul.f32 $3.200000000e+01, v7  }
0x4b1: {  	s2 =	sadd.s32 $0x200, s2;
	s29 =	sadd.s32 s16, s3;
	v16 =	vmul.f32 $3.200000000e+01, v11;
	v8 =	vld [tilespmem:s10+$0x0]  }
0x4b2: {  	s8 =	sadd.s32 $0x40, s8;
	s6 =	smov.u32 s14;
	s22 =	smov.u32 s11;
	[tilespmem:s23+$0x16200] =	vst v14;
	v7 =	vld [tilespmem:s29+$0x0];
	v14 =	vadd.f32 v6, v2  }
0x4b3: {  	s17 =	sadd.s32 s24, s3;
	s4 =	smov.u32 s18;
	s15 =	sadd.s32 s28, s3;
	v6 =	vld [tilespmem:s6+$0x0];
	v12 =	vmul.f32 $3.200000000e+01, v12;
	v11 =	vmul.f32 $3.200000000e+01, v13;
	v13 =	vadd.f32 v16, v2;
	v2 =	vmovc v15  }
0x4b4: {  	_ = 	snop  }
0x4b5: {  	v15 =	vld [tilespmem:s4+$0x0];
	[tilespmem:s9+$0x0] =	vst v14;
	v10 =	vmul.f32 $3.200000000e+01, v10;
	v12 =	vadd.f32 v12, v5  }
0x4b6: {  	v52 =	vld [tilespmem:s22+$0x0];
	[tilespmem:s12+$0x0] =	vst v13;
	v9 =	vmul.f32 $3.200000000e+01, v9;
	v11 =	vadd.f32 v11, v5  }
0x4b7: {  	v53 =	vld [tilespmem:s15+$0x0];
	v8 =	vmul.f32 $3.200000000e+01, v8;
	v54 =	vadd.f32 v10, v5;
	[tilespmem:s1+$0x0] =	vst v12  }
0x4b8: {  	v9 =	vadd.f32 v9, v4;
	v7 =	vmul.f32 $3.200000000e+01, v7;
	[tilespmem:s0+$0x0] =	vst v11  }
0x4b9: {  	v8 =	vadd.f32 v8, v4;
	v6 =	vmul.f32 $3.200000000e+01, v6;
	[tilespmem:s25+$0x0] =	vst v54  }
0x4ba: {  	v15 =	vmul.f32 $3.200000000e+01, v15;
	[tilespmem:s31+$0x0] =	vst v9;
	v57 =	vadd.f32 v7, v4  }
0x4bb: {  	v58 =	vmul.f32 $3.200000000e+01, v52;
	[tilespmem:s10+$0x0] =	vst v8;
	v6 =	vadd.f32 v6, v3  }
0x4bc: {  	v59 =	vmul.f32 $3.200000000e+01, v53;
	v51 =	vadd.f32 v15, v2;
	[tilespmem:s29+$0x0] =	vst v57  }
0x4bd: {  	v60 =	vadd.f32 v58, v3;
	[tilespmem:s6+$0x0] =	vst v6  }
0x4be: {  	v3 =	vadd.f32 v59, v3;
	[tilespmem:s4+$0x0] =	vst v51  }
0x4bf: {  	[tilespmem:s22+$0x0] =	vst v60  }
0x4c0: {  	v55 =	vld [tilespmem:s20+$0x0];
	[tilespmem:s15+$0x0] =	vst v3  }
0x4c1: {  	v56 =	vld [tilespmem:s17+$0x0];
	s0 =	sld [smem:$0x7D1];
	_ =	sdelay $0x2  }
0x4c2: {  	s0 =	sadd.s32 $0x1, s0  }
0x4c3: {  	v61 =	vmul.f32 $3.200000000e+01, v55;
	p0 =	sne.s32 s0, $0x8  }
.Ltmp11:
0x4c4: {  	v62 =	vmul.f32 $3.200000000e+01, v56;
	(pc) =	sbr.rel @p0 .LBB2_22-.Ltmp11, $4  }
0x4c5: {  	v63 =	vadd.f32 v61, v2  }
0x4c6: {  	v2 =	vadd.f32 v62, v2  }
0x4c7: {  	[tilespmem:s20+$0x0] =	vst v63  }
0x4c8: {  	[tilespmem:s17+$0x0] =	vst v2  }
0x4c9: {  	s0 =	sld [smem:$0x7DF];
	_ =	sdelay $0x1  }
0x4ca: {  	s2 =	simm.s32 $0x0;
	s1 =	simm.s32 $0x16200;
	s23 =	sld [smem:$0x7F5]  }
0x4cb: {  	[hbm4b:s0+s2] =	stream.linear.scatter [tilespmem:s1], [sflag:$0x9], $0x2000, $0x38;
	[tilespmem:$0x1E200] =	vst v63  }
0x4cc: {  	s24 =	simm.s32 $0x18200;
	s25 =	sld [smem:$0x7F6]  }
0x4cd: {  	[hbm4b:s23+s2] =	stream.linear.scatter [tilespmem:s24], [sflag:$0x9], $0x2000, $0x38;
	[tilespmem:$0x1E200] =	vst v63  }
0x4ce: {  	s26 =	simm.s32 $0x1A200;
	s28 =	sld [smem:$0x7F7]  }
0x4cf: {  	[hbm4b:s25+s2] =	stream.linear.scatter [tilespmem:s26], [sflag:$0x9], $0x2000, $0x38;
	[tilespmem:$0x1E200] =	vst v63  }
0x4d0: {  	s29 =	simm.s32 $0x1C200;
	s30 =	simm.s32 $0x1  }
0x4d1: {  	[hbm4b:s28+s2] =	stream.linear.scatter [tilespmem:s29], [sflag:$0x9], $0x2000, $0x38;
	[tilespmem:$0x1E200] =	vst v63  }
0x4d2: {  	_ =	swait.ge [sflag:s30], $0x2000  }
0x4d3: {  	[sflag:s30] =	ssyncset.done $0x0  }
0x4d4: {  	[sflag:s30] =	ssyncadd.s32 $0xFFFFE000  }
0x4d5: {  	_ =	swait.ge [sflag:s30], $0x2000  }
0x4d6: {  	[sflag:s30] =	ssyncset.done $0x0  }
0x4d7: {  	[sflag:s30] =	ssyncadd.s32 $0xFFFFE000  }
0x4d8: {  	_ =	swait.ge [sflag:s30], $0x2000  }
0x4d9: {  	[sflag:s30] =	ssyncset.done $0x0  }
0x4da: {  	[sflag:s30] =	ssyncadd.s32 $0xFFFFE000  }
0x4db: {  	_ =	swait.ge [sflag:s30], $0x2000  }
0x4dc: {  	[sflag:s30] =	ssyncset.done $0x0  }
0x4dd: {  	s31 =	simm.s32 $0x4;
	[sflag:s30] =	ssyncadd.s32 $0xFFFFE000  }
0x4de: {  	_ =	swait.ge [sflag:s31], $0x2000  }
0x4df: {  	[sflag:s31] =	ssyncset.done $0x0  }
0x4e0: {  	s0 =	simm.s32 $0x0;
	[sflag:s31] =	ssyncadd.s32 $0xFFFFE000  }
.LBB2_26:
0x4e1: {  	s18 =	simm.s32 $0x0  }
0x4e2: {  	s11 =	sshll.u32 s0, $0x7;
	s2 =	sand.u32 $0x40, s18;
	s3 =	sand.u32 $0x1C00, s18  }
0x4e3: {  	s1 =	sor.u32 s11, s3;
	s4 =	sor.u32 $0x30, s2  }
0x4e4: {  	[smem:$0x7D0] =	sst s0;
	s5 =	sor.u32 s4, s1  }
0x4e5: {  	s7 =	sor.u32 $0x10, s2;
	v2 =	vld [tilespmem:s5+$0x6200]  }
0x4e6: {  	s8 =	sor.u32 s7, s1;
	v3 =	vld [tilespmem:s5+$0x200]  }
0x4e7: {  	s6 =	sor.u32 s2, s1;
	v5 =	vld [tilespmem:s8+$0x6200]  }
0x4e8: {  	v4 =	vld [tilespmem:s6+$0x6200]  }
0x4e9: {  	v8 =	vld [tilespmem:s8+$0x200]  }
0x4ea: {  	s19 =	sor.u32 $0x20, s2;
	v6 =	vld [tilespmem:s6+$0x200];
	v2 =	vmul.f32 $3.200000000e+01, v2  }
0x4eb: {  	s10 =	sor.u32 s19, s1  }
0x4ec: {  	s14 =	sadd.s32 $0xC200, s11;
	v7 =	vld [tilespmem:s10+$0x6200];
	v5 =	vmul.f32 $3.200000000e+01, v5;
	v2 =	vadd.f32 v2, v3  }
0x4ed: {  	s18 =	sadd.s32 $0x8200, s11;
	s21 =	sadd.s32 s3, s14;
	v4 =	vmul.f32 $3.200000000e+01, v4  }
0x4ee: {  	s12 =	sadd.s32 s3, s18;
	s13 =	sadd.s32 s4, s21;
	v13 =	vld [tilespmem:s10+$0x200];
	v5 =	vadd.f32 v5, v8;
	[tilespmem:s5+$0x6200] =	vst v2  }
0x4ef: {  	s28 =	sadd.s32 $0xA200, s11;
	s16 =	sadd.s32 s4, s12;
	v2 =	vadd.f32 v4, v6;
	v4 =	vld [tilespmem:s13+$0x0]  }
0x4f0: {  	s9 =	sadd.s32 s3, s28;
	s5 =	sadd.s32 s7, s12;
	[tilespmem:s8+$0x6200] =	vst v5;
	v9 =	vld [tilespmem:s16+$0x0]  }
0x4f1: {  	s17 =	sadd.s32 s4, s9;
	v7 =	vmul.f32 $3.200000000e+01, v7;
	v14 =	vld [tilespmem:s5+$0x0]  }
0x4f2: {  	s20 =	sadd.s32 s2, s12;
	[tilespmem:s6+$0x6200] =	vst v2;
	v2 =	vld [tilespmem:s17+$0x0]  }
0x4f3: {  	s22 =	sadd.s32 s2, s9;
	v7 =	vadd.f32 v7, v13;
	v10 =	vld [tilespmem:s20+$0x0]  }
0x4f4: {  	s6 =	sadd.s32 s2, s21;
	v11 =	vld [tilespmem:s22+$0x0]  }
0x4f5: {  	s25 =	simm.s32 $0x200;
	[tilespmem:s10+$0x6200] =	vst v7;
	s2 =	sadd.s32 s7, s9;
	v12 =	vld [tilespmem:s6+$0x0]  }
0x4f6: {  	s26 =	simm.s32 $0x40;
	s12 =	sadd.s32 s19, s12;
	v7 =	vld [tilespmem:s2+$0x0];
	[dreg:$0xc] =	wrdreg s11  }
0x4f7: {  	s30 =	sand.u32 $0x1C00, s25;
	s3 =	sand.u32 $0x40, s26;
	v15 =	vld [tilespmem:s12+$0x0];
	v4 =	vmul.f32 $3.200000000e+01, v4  }
0x4f8: {  	s23 =	sor.u32 s11, s30;
	s4 =	sadd.s32 s7, s21;
	s24 =	sor.u32 $0x30, s3;
	v5 =	vmul.f32 $3.200000000e+01, v9  }
0x4f9: {  	s25 =	sor.u32 s24, s23;
	v16 =	vld [tilespmem:s4+$0x0];
	v2 =	vmul.f32 $3.200000000e+01, v2;
	v4 =	vadd.f32 v4, v3  }
0x4fa: {  	s26 =	sor.u32 s3, s23;
	v9 =	vld [tilespmem:s25+$0x6200];
	v10 =	vmul.f32 $3.200000000e+01, v10;
	v18 =	vadd.f32 v5, v3  }
0x4fb: {  	s7 =	sor.u32 $0x10, s3;
	v17 =	vld [tilespmem:s26+$0x6200];
	v11 =	vmul.f32 $3.200000000e+01, v11;
	v2 =	vadd.f32 v2, v3;
	[tilespmem:s13+$0x0] =	vst v4  }
0x4fc: {  	s8 =	sor.u32 $0x20, s3;
	s15 =	sor.u32 s7, s23;
	v5 =	vld [tilespmem:s25+$0x200];
	v3 =	vmul.f32 $3.200000000e+01, v15;
	v10 =	vadd.f32 v10, v6;
	[tilespmem:s16+$0x0] =	vst v18  }
0x4fd: {  	s11 =	sor.u32 s8, s23;
	v19 =	vld [tilespmem:s15+$0x6200];
	v11 =	vadd.f32 v11, v6;
	[tilespmem:s17+$0x0] =	vst v2  }
0x4fe: {  	v15 =	vld [tilespmem:s11+$0x6200];
	v2 =	vadd.f32 v3, v13;
	[tilespmem:s20+$0x0] =	vst v10  }
0x4ff: {  	v4 =	vld [tilespmem:s26+$0x200];
	v9 =	vmul.f32 $3.200000000e+01, v9;
	[tilespmem:s22+$0x0] =	vst v11  }
0x500: {  	v10 =	vmul.f32 $3.200000000e+01, v12;
	v3 =	vld [tilespmem:s15+$0x200];
	[tilespmem:s12+$0x0] =	vst v2  }
0x501: {  	s9 =	sadd.s32 s19, s9;
	v12 =	vmul.f32 $3.200000000e+01, v14;
	v9 =	vadd.f32 v9, v5;
	v2 =	vld [tilespmem:s11+$0x200];
	[dreg:$0x14] =	wrdreg s14  }
0x502: {  	v6 =	vadd.f32 v10, v6;
	s12 =	sadd.s32 s19, s21;
	v10 =	vmul.f32 $3.200000000e+01, v17;
	s14 =	sadd.s32 s30, s14;
	v11 =	vld [tilespmem:s9+$0x0]  }
0x503: {  	s23 =	sadd.s32 s30, s18;
	v7 =	vmul.f32 $3.200000000e+01, v7;
	v12 =	vadd.f32 v12, v8;
	[tilespmem:s25+$0x6200] =	vst v9;
	s1 =	sadd.s32 s24, s14;
	v14 =	vld [tilespmem:s12+$0x0]  }
0x504: {  	s0 =	sadd.s32 s24, s23;
	s30 =	sadd.s32 s30, s28;
	v9 =	vmul.f32 $3.200000000e+01, v16;
	[tilespmem:s6+$0x0] =	vst v6;
	v6 =	vadd.f32 v10, v4;
	v61 =	vld [tilespmem:s1+$0x0]  }
0x505: {  	v7 =	vadd.f32 v7, v8;
	s25 =	sadd.s32 s24, s30;
	[tilespmem:s5+$0x0] =	vst v12;
	v12 =	vmul.f32 $3.200000000e+01, v19;
	v62 =	vld [tilespmem:s0+$0x0]  }
0x506: {  	s31 =	sadd.s32 s3, s23;
	s19 =	smov.u32 s18;
	v15 =	vmul.f32 $3.200000000e+01, v15;
	v10 =	vld [tilespmem:s25+$0x0];
	v8 =	vadd.f32 v9, v8;
	[tilespmem:s26+$0x6200] =	vst v6  }
0x507: {  	s21 =	smov.u32 s28;
	s5 =	simm.s32 $0x4;
	s29 =	sadd.s32 s3, s14;
	[tilespmem:s2+$0x0] =	vst v7;
	v6 =	vadd.f32 v12, v3;
	v9 =	vld [tilespmem:s31+$0x0]  }
0x508: {  	s10 =	sadd.s32 s3, s30;
	s6 =	sadd.s32 s7, s23;
	s22 =	sadd.s32 s7, s30;
	v15 =	vadd.f32 v15, v2;
	v7 =	vld [tilespmem:s29+$0x0];
	[tilespmem:s4+$0x0] =	vst v8;
	v11 =	vmul.f32 $3.200000000e+01, v11;
	v63 =	vmul.f32 $3.200000000e+01, v14  }
0x509: {  	s20 =	sadd.s32 s8, s30;
	s17 =	sadd.s32 s8, s14;
	s2 =	simm.s32 $0x400;
	v8 =	vld [tilespmem:s10+$0x0];
	[tilespmem:s15+$0x6200] =	vst v6;
	v12 =	vmul.f32 $3.200000000e+01, v61  }
0x50a: {  	s4 =	sadd.s32 s8, s23;
	s15 =	sadd.s32 s7, s14;
	s8 =	simm.s32 $0x80;
	[tilespmem:s11+$0x6200] =	vst v15;
	v6 =	vld [tilespmem:s6+$0x0];
	v14 =	vadd.f32 v11, v13;
	v11 =	vmul.f32 $3.200000000e+01, v62;
	v13 =	vadd.f32 v63, v13  }
.LBB2_27:
0x50b: {  	_ = 	snop  }
0x50c: {  	s16 =	sand.u32 $0x40, s8;
	s3 =	sand.u32 $0x1C00, s2;
	v15 =	vld [tilespmem:s22+$0x0];
	s7 =	rddreg [dreg:$0xc];
	v12 =	vadd.f32 v12, v5;
	[tilespmem:s9+$0x0] =	vst v14;
	v10 =	vmul.f32 $3.200000000e+01, v10  }
0x50d: {  	s14 =	sor.u32 s7, s3;
	s30 =	sor.u32 $0x30, s16;
	v14 =	vld [tilespmem:s15+$0x0];
	v11 =	vadd.f32 v11, v5;
	[tilespmem:s12+$0x0] =	vst v13;
	v9 =	vmul.f32 $3.200000000e+01, v9  }
0x50e: {  	v13 =	vld [tilespmem:s4+$0x0];
	s13 =	sor.u32 s30, s14;
	[tilespmem:s1+$0x0] =	vst v12;
	v8 =	vmul.f32 $3.200000000e+01, v8;
	v5 =	vadd.f32 v10, v5  }
0x50f: {  	s26 =	sor.u32 s16, s14;
	v7 =	vmul.f32 $3.200000000e+01, v7;
	v10 =	vld [tilespmem:s13+$0x6200];
	v9 =	vadd.f32 v9, v4;
	[tilespmem:s0+$0x0] =	vst v11  }
0x510: {  	s24 =	sor.u32 $0x20, s16;
	v6 =	vmul.f32 $3.200000000e+01, v6;
	v11 =	vld [tilespmem:s26+$0x6200];
	v8 =	vadd.f32 v8, v4;
	[tilespmem:s25+$0x0] =	vst v5  }
0x511: {  	s28 =	sor.u32 $0x10, s16;
	s23 =	sor.u32 s24, s14;
	v4 =	vadd.f32 v7, v4;
	v7 =	vmul.f32 $3.200000000e+01, v15;
	[tilespmem:s31+$0x0] =	vst v9;
	v5 =	vld [tilespmem:s13+$0x200]  }
0x512: {  	s7 =	sor.u32 s28, s14;
	v12 =	vld [tilespmem:s23+$0x6200];
	v6 =	vadd.f32 v6, v3;
	[tilespmem:s10+$0x0] =	vst v8;
	v8 =	vmul.f32 $3.200000000e+01, v14  }
0x513: {  	v13 =	vmul.f32 $3.200000000e+01, v13;
	v9 =	vld [tilespmem:s7+$0x6200];
	[tilespmem:s29+$0x0] =	vst v4;
	v7 =	vadd.f32 v7, v3  }
0x514: {  	s5 =	sadd.s32 $0x4, s5;
	s1 =	sadd.s32 s3, s21;
	[tilespmem:s6+$0x0] =	vst v6;
	v4 =	vld [tilespmem:s26+$0x200];
	v6 =	vadd.f32 v8, v3;
	v10 =	vmul.f32 $3.200000000e+01, v10  }
0x515: {  	s9 =	smov.u32 s20;
	s12 =	sadd.s32 s16, s1;
	s11 =	sadd.s32 s28, s1;
	v3 =	vld [tilespmem:s7+$0x200];
	[tilespmem:s22+$0x0] =	vst v7;
	v7 =	vadd.f32 v13, v2  }
0x516: {  	v15 =	vld [tilespmem:s23+$0x200];
	s10 =	smov.u32 s12;
	s12 =	smov.u32 s17;
	s17 =	rddreg [dreg:$0x14];
	[tilespmem:s15+$0x0] =	vst v6;
	v10 =	vadd.f32 v10, v5  }
0x517: {  	s20 =	sadd.s32 s24, s1;
	s0 =	sadd.s32 s3, s19;
	s3 =	sadd.s32 s3, s17;
	v8 =	vmul.f32 $3.200000000e+01, v11;
	[tilespmem:s4+$0x0] =	vst v7;
	v7 =	vld [tilespmem:s9+$0x0]  }
0x518: {  	s14 =	sadd.s32 s28, s0;
	s25 =	sadd.s32 s30, s1;
	s1 =	sadd.s32 s30, s3;
	v11 =	vld [tilespmem:s12+$0x0];
	v6 =	vmul.f32 $3.200000000e+01, v9;
	[tilespmem:s13+$0x6200] =	vst v10  }
0x519: {  	s18 =	sadd.s32 s24, s0;
	s31 =	sadd.s32 s16, s0;
	s0 =	sadd.s32 s30, s0;
	v9 =	vmul.f32 $3.200000000e+01, v12;
	v8 =	vadd.f32 v8, v4;
	v12 =	vld [tilespmem:s1+$0x0]  }
0x51a: {  	p0 =	slt.u32 s5, $0x3C;
	v6 =	vadd.f32 v6, v3;
	v13 =	vld [tilespmem:s0+$0x0]  }
.Ltmp12:
0x51b: {  	[tilespmem:s26+$0x6200] =	vst v8;
	v10 =	vld [tilespmem:s25+$0x0];
	(pc) =	sbr.rel @p0 .LBB2_27-.Ltmp12, $4  }
0x51c: {  	v14 =	vadd.f32 v9, v15;
	v9 =	vld [tilespmem:s31+$0x0];
	[tilespmem:s7+$0x6200] =	vst v6;
	v6 =	vmul.f32 $3.200000000e+01, v7  }
0x51d: {  	s2 =	sadd.s32 $0x200, s2;
	s29 =	sadd.s32 s16, s3;
	v16 =	vmul.f32 $3.200000000e+01, v11;
	v8 =	vld [tilespmem:s10+$0x0]  }
0x51e: {  	s8 =	sadd.s32 $0x40, s8;
	s6 =	smov.u32 s14;
	s22 =	smov.u32 s11;
	[tilespmem:s23+$0x6200] =	vst v14;
	v7 =	vld [tilespmem:s29+$0x0];
	v14 =	vadd.f32 v6, v2  }
0x51f: {  	s17 =	sadd.s32 s24, s3;
	s4 =	smov.u32 s18;
	s15 =	sadd.s32 s28, s3;
	v6 =	vld [tilespmem:s6+$0x0];
	v12 =	vmul.f32 $3.200000000e+01, v12;
	v11 =	vmul.f32 $3.200000000e+01, v13;
	v13 =	vadd.f32 v16, v2;
	v2 =	vmovc v15  }
0x520: {  	_ = 	snop  }
0x521: {  	v15 =	vld [tilespmem:s4+$0x0];
	[tilespmem:s9+$0x0] =	vst v14;
	v10 =	vmul.f32 $3.200000000e+01, v10;
	v12 =	vadd.f32 v12, v5  }
0x522: {  	v52 =	vld [tilespmem:s22+$0x0];
	[tilespmem:s12+$0x0] =	vst v13;
	v9 =	vmul.f32 $3.200000000e+01, v9;
	v11 =	vadd.f32 v11, v5  }
0x523: {  	v53 =	vld [tilespmem:s15+$0x0];
	v8 =	vmul.f32 $3.200000000e+01, v8;
	v54 =	vadd.f32 v10, v5;
	[tilespmem:s1+$0x0] =	vst v12  }
0x524: {  	v9 =	vadd.f32 v9, v4;
	v7 =	vmul.f32 $3.200000000e+01, v7;
	[tilespmem:s0+$0x0] =	vst v11  }
0x525: {  	v8 =	vadd.f32 v8, v4;
	v6 =	vmul.f32 $3.200000000e+01, v6;
	[tilespmem:s25+$0x0] =	vst v54  }
0x526: {  	v15 =	vmul.f32 $3.200000000e+01, v15;
	[tilespmem:s31+$0x0] =	vst v9;
	v57 =	vadd.f32 v7, v4  }
0x527: {  	v58 =	vmul.f32 $3.200000000e+01, v52;
	[tilespmem:s10+$0x0] =	vst v8;
	v6 =	vadd.f32 v6, v3  }
0x528: {  	v59 =	vmul.f32 $3.200000000e+01, v53;
	v51 =	vadd.f32 v15, v2;
	[tilespmem:s29+$0x0] =	vst v57  }
0x529: {  	v60 =	vadd.f32 v58, v3;
	[tilespmem:s6+$0x0] =	vst v6  }
0x52a: {  	v3 =	vadd.f32 v59, v3;
	[tilespmem:s4+$0x0] =	vst v51  }
0x52b: {  	[tilespmem:s22+$0x0] =	vst v60  }
0x52c: {  	v55 =	vld [tilespmem:s20+$0x0];
	[tilespmem:s15+$0x0] =	vst v3  }
0x52d: {  	v56 =	vld [tilespmem:s17+$0x0];
	s0 =	sld [smem:$0x7D0];
	_ =	sdelay $0x2  }
0x52e: {  	s0 =	sadd.s32 $0x1, s0  }
0x52f: {  	v61 =	vmul.f32 $3.200000000e+01, v55;
	p0 =	sne.s32 s0, $0x8  }
.Ltmp13:
0x530: {  	v62 =	vmul.f32 $3.200000000e+01, v56;
	(pc) =	sbr.rel @p0 .LBB2_26-.Ltmp13, $4  }
0x531: {  	v63 =	vadd.f32 v61, v2  }
0x532: {  	v2 =	vadd.f32 v62, v2  }
0x533: {  	[tilespmem:s20+$0x0] =	vst v63  }
0x534: {  	[tilespmem:s17+$0x0] =	vst v2  }
0x535: {  	s0 =	sld [smem:$0x7E0];
	_ =	sdelay $0x1  }
0x536: {  	s2 =	simm.s32 $0x0;
	s1 =	simm.s32 $0x6200;
	s23 =	sld [smem:$0x7F8]  }
0x537: {  	[hbm4b:s0+s2] =	stream.linear.scatter [tilespmem:s1], [sflag:$0x7], $0x2000, $0x38;
	[tilespmem:$0x1E200] =	vst v63  }
0x538: {  	s24 =	simm.s32 $0x8200;
	s25 =	sld [smem:$0x7F9]  }
0x539: {  	[hbm4b:s23+s2] =	stream.linear.scatter [tilespmem:s24], [sflag:$0x7], $0x2000, $0x38;
	[tilespmem:$0x1E200] =	vst v63  }
0x53a: {  	s26 =	simm.s32 $0xA200;
	s28 =	sld [smem:$0x7FA]  }
0x53b: {  	[hbm4b:s25+s2] =	stream.linear.scatter [tilespmem:s26], [sflag:$0x7], $0x2000, $0x38;
	[tilespmem:$0x1E200] =	vst v63  }
0x53c: {  	s29 =	simm.s32 $0xC200;
	s30 =	simm.s32 $0x2  }
0x53d: {  	[hbm4b:s28+s2] =	stream.linear.scatter [tilespmem:s29], [sflag:$0x7], $0x2000, $0x38;
	[tilespmem:$0x1E200] =	vst v63  }
0x53e: {  	_ =	swait.ge [sflag:s30], $0x2000  }
0x53f: {  	[sflag:s30] =	ssyncset.done $0x0  }
0x540: {  	[sflag:s30] =	ssyncadd.s32 $0xFFFFE000  }
0x541: {  	_ =	swait.ge [sflag:s30], $0x2000  }
0x542: {  	[sflag:s30] =	ssyncset.done $0x0  }
0x543: {  	[sflag:s30] =	ssyncadd.s32 $0xFFFFE000  }
0x544: {  	_ =	swait.ge [sflag:s30], $0x2000  }
0x545: {  	[sflag:s30] =	ssyncset.done $0x0  }
0x546: {  	[sflag:s30] =	ssyncadd.s32 $0xFFFFE000  }
0x547: {  	_ =	swait.ge [sflag:s30], $0x2000  }
0x548: {  	[sflag:s30] =	ssyncset.done $0x0  }
0x549: {  	s31 =	simm.s32 $0x5;
	[sflag:s30] =	ssyncadd.s32 $0xFFFFE000  }
0x54a: {  	_ =	swait.ge [sflag:s31], $0x2000  }
0x54b: {  	[sflag:s31] =	ssyncset.done $0x0  }
0x54c: {  	s0 =	simm.s32 $0x0;
	[sflag:s31] =	ssyncadd.s32 $0xFFFFE000  }
.LBB2_30:
0x54d: {  	s18 =	simm.s32 $0x0  }
0x54e: {  	s11 =	sshll.u32 s0, $0x7;
	s2 =	sand.u32 $0x40, s18;
	s3 =	sand.u32 $0x1C00, s18  }
0x54f: {  	s1 =	sor.u32 s11, s3;
	s4 =	sor.u32 $0x30, s2  }
0x550: {  	[smem:$0x7CF] =	sst s0;
	s5 =	sor.u32 s4, s1  }
0x551: {  	s7 =	sor.u32 $0x10, s2;
	v2 =	vld [tilespmem:s5+$0xE200]  }
0x552: {  	s8 =	sor.u32 s7, s1;
	v3 =	vld [tilespmem:s5+$0x2200]  }
0x553: {  	s6 =	sor.u32 s2, s1;
	v5 =	vld [tilespmem:s8+$0xE200]  }
0x554: {  	v4 =	vld [tilespmem:s6+$0xE200]  }
0x555: {  	v8 =	vld [tilespmem:s8+$0x2200]  }
0x556: {  	s19 =	sor.u32 $0x20, s2;
	v6 =	vld [tilespmem:s6+$0x2200];
	v2 =	vmul.f32 $3.200000000e+01, v2  }
0x557: {  	s10 =	sor.u32 s19, s1  }
0x558: {  	s14 =	sadd.s32 $0x14200, s11;
	v7 =	vld [tilespmem:s10+$0xE200];
	v5 =	vmul.f32 $3.200000000e+01, v5;
	v2 =	vadd.f32 v2, v3  }
0x559: {  	s18 =	sadd.s32 $0x10200, s11;
	s21 =	sadd.s32 s3, s14;
	v4 =	vmul.f32 $3.200000000e+01, v4  }
0x55a: {  	s12 =	sadd.s32 s3, s18;
	s13 =	sadd.s32 s4, s21;
	v13 =	vld [tilespmem:s10+$0x2200];
	v5 =	vadd.f32 v5, v8;
	[tilespmem:s5+$0xE200] =	vst v2  }
0x55b: {  	s28 =	sadd.s32 $0x12200, s11;
	s16 =	sadd.s32 s4, s12;
	v2 =	vadd.f32 v4, v6;
	v4 =	vld [tilespmem:s13+$0x0]  }
0x55c: {  	s9 =	sadd.s32 s3, s28;
	s5 =	sadd.s32 s7, s12;
	[tilespmem:s8+$0xE200] =	vst v5;
	v9 =	vld [tilespmem:s16+$0x0]  }
0x55d: {  	s17 =	sadd.s32 s4, s9;
	v7 =	vmul.f32 $3.200000000e+01, v7;
	v14 =	vld [tilespmem:s5+$0x0]  }
0x55e: {  	s20 =	sadd.s32 s2, s12;
	[tilespmem:s6+$0xE200] =	vst v2;
	v2 =	vld [tilespmem:s17+$0x0]  }
0x55f: {  	s22 =	sadd.s32 s2, s9;
	v7 =	vadd.f32 v7, v13;
	v10 =	vld [tilespmem:s20+$0x0]  }
0x560: {  	s6 =	sadd.s32 s2, s21;
	v11 =	vld [tilespmem:s22+$0x0]  }
0x561: {  	s25 =	simm.s32 $0x200;
	[tilespmem:s10+$0xE200] =	vst v7;
	s2 =	sadd.s32 s7, s9;
	v12 =	vld [tilespmem:s6+$0x0]  }
0x562: {  	s26 =	simm.s32 $0x40;
	s12 =	sadd.s32 s19, s12;
	v7 =	vld [tilespmem:s2+$0x0];
	[dreg:$0xd] =	wrdreg s11  }
0x563: {  	s30 =	sand.u32 $0x1C00, s25;
	s3 =	sand.u32 $0x40, s26;
	v15 =	vld [tilespmem:s12+$0x0];
	v4 =	vmul.f32 $3.200000000e+01, v4  }
0x564: {  	s23 =	sor.u32 s11, s30;
	s4 =	sadd.s32 s7, s21;
	s24 =	sor.u32 $0x30, s3;
	v5 =	vmul.f32 $3.200000000e+01, v9  }
0x565: {  	s25 =	sor.u32 s24, s23;
	v16 =	vld [tilespmem:s4+$0x0];
	v2 =	vmul.f32 $3.200000000e+01, v2;
	v4 =	vadd.f32 v4, v3  }
0x566: {  	s26 =	sor.u32 s3, s23;
	v9 =	vld [tilespmem:s25+$0xE200];
	v10 =	vmul.f32 $3.200000000e+01, v10;
	v18 =	vadd.f32 v5, v3  }
0x567: {  	s7 =	sor.u32 $0x10, s3;
	v17 =	vld [tilespmem:s26+$0xE200];
	v11 =	vmul.f32 $3.200000000e+01, v11;
	v2 =	vadd.f32 v2, v3;
	[tilespmem:s13+$0x0] =	vst v4  }
0x568: {  	s8 =	sor.u32 $0x20, s3;
	s15 =	sor.u32 s7, s23;
	v5 =	vld [tilespmem:s25+$0x2200];
	v3 =	vmul.f32 $3.200000000e+01, v15;
	v10 =	vadd.f32 v10, v6;
	[tilespmem:s16+$0x0] =	vst v18  }
0x569: {  	s11 =	sor.u32 s8, s23;
	v19 =	vld [tilespmem:s15+$0xE200];
	v11 =	vadd.f32 v11, v6;
	[tilespmem:s17+$0x0] =	vst v2  }
0x56a: {  	v15 =	vld [tilespmem:s11+$0xE200];
	v2 =	vadd.f32 v3, v13;
	[tilespmem:s20+$0x0] =	vst v10  }
0x56b: {  	v4 =	vld [tilespmem:s26+$0x2200];
	v9 =	vmul.f32 $3.200000000e+01, v9;
	[tilespmem:s22+$0x0] =	vst v11  }
0x56c: {  	v10 =	vmul.f32 $3.200000000e+01, v12;
	v3 =	vld [tilespmem:s15+$0x2200];
	[tilespmem:s12+$0x0] =	vst v2  }
0x56d: {  	s9 =	sadd.s32 s19, s9;
	v12 =	vmul.f32 $3.200000000e+01, v14;
	v9 =	vadd.f32 v9, v5;
	v2 =	vld [tilespmem:s11+$0x2200];
	[dreg:$0x15] =	wrdreg s14  }
0x56e: {  	v6 =	vadd.f32 v10, v6;
	s12 =	sadd.s32 s19, s21;
	v10 =	vmul.f32 $3.200000000e+01, v17;
	s14 =	sadd.s32 s30, s14;
	v11 =	vld [tilespmem:s9+$0x0]  }
0x56f: {  	s23 =	sadd.s32 s30, s18;
	v7 =	vmul.f32 $3.200000000e+01, v7;
	v12 =	vadd.f32 v12, v8;
	[tilespmem:s25+$0xE200] =	vst v9;
	s1 =	sadd.s32 s24, s14;
	v14 =	vld [tilespmem:s12+$0x0]  }
0x570: {  	s0 =	sadd.s32 s24, s23;
	s30 =	sadd.s32 s30, s28;
	v9 =	vmul.f32 $3.200000000e+01, v16;
	[tilespmem:s6+$0x0] =	vst v6;
	v6 =	vadd.f32 v10, v4;
	v61 =	vld [tilespmem:s1+$0x0]  }
0x571: {  	v7 =	vadd.f32 v7, v8;
	s25 =	sadd.s32 s24, s30;
	[tilespmem:s5+$0x0] =	vst v12;
	v12 =	vmul.f32 $3.200000000e+01, v19;
	v62 =	vld [tilespmem:s0+$0x0]  }
0x572: {  	s31 =	sadd.s32 s3, s23;
	s19 =	smov.u32 s18;
	v15 =	vmul.f32 $3.200000000e+01, v15;
	v10 =	vld [tilespmem:s25+$0x0];
	v8 =	vadd.f32 v9, v8;
	[tilespmem:s26+$0xE200] =	vst v6  }
0x573: {  	s21 =	smov.u32 s28;
	s5 =	simm.s32 $0x4;
	s29 =	sadd.s32 s3, s14;
	[tilespmem:s2+$0x0] =	vst v7;
	v6 =	vadd.f32 v12, v3;
	v9 =	vld [tilespmem:s31+$0x0]  }
0x574: {  	s10 =	sadd.s32 s3, s30;
	s6 =	sadd.s32 s7, s23;
	s22 =	sadd.s32 s7, s30;
	v15 =	vadd.f32 v15, v2;
	v7 =	vld [tilespmem:s29+$0x0];
	[tilespmem:s4+$0x0] =	vst v8;
	v11 =	vmul.f32 $3.200000000e+01, v11;
	v63 =	vmul.f32 $3.200000000e+01, v14  }
0x575: {  	s20 =	sadd.s32 s8, s30;
	s17 =	sadd.s32 s8, s14;
	s2 =	simm.s32 $0x400;
	v8 =	vld [tilespmem:s10+$0x0];
	[tilespmem:s15+$0xE200] =	vst v6;
	v12 =	vmul.f32 $3.200000000e+01, v61  }
0x576: {  	s4 =	sadd.s32 s8, s23;
	s15 =	sadd.s32 s7, s14;
	s8 =	simm.s32 $0x80;
	[tilespmem:s11+$0xE200] =	vst v15;
	v6 =	vld [tilespmem:s6+$0x0];
	v14 =	vadd.f32 v11, v13;
	v11 =	vmul.f32 $3.200000000e+01, v62;
	v13 =	vadd.f32 v63, v13  }
.LBB2_31:
0x577: {  	_ = 	snop  }
0x578: {  	s16 =	sand.u32 $0x40, s8;
	s3 =	sand.u32 $0x1C00, s2;
	v15 =	vld [tilespmem:s22+$0x0];
	s7 =	rddreg [dreg:$0xd];
	v12 =	vadd.f32 v12, v5;
	[tilespmem:s9+$0x0] =	vst v14;
	v10 =	vmul.f32 $3.200000000e+01, v10  }
0x579: {  	s14 =	sor.u32 s7, s3;
	s30 =	sor.u32 $0x30, s16;
	v14 =	vld [tilespmem:s15+$0x0];
	v11 =	vadd.f32 v11, v5;
	[tilespmem:s12+$0x0] =	vst v13;
	v9 =	vmul.f32 $3.200000000e+01, v9  }
0x57a: {  	v13 =	vld [tilespmem:s4+$0x0];
	s13 =	sor.u32 s30, s14;
	[tilespmem:s1+$0x0] =	vst v12;
	v8 =	vmul.f32 $3.200000000e+01, v8;
	v5 =	vadd.f32 v10, v5  }
0x57b: {  	s26 =	sor.u32 s16, s14;
	v7 =	vmul.f32 $3.200000000e+01, v7;
	v10 =	vld [tilespmem:s13+$0xE200];
	v9 =	vadd.f32 v9, v4;
	[tilespmem:s0+$0x0] =	vst v11  }
0x57c: {  	s24 =	sor.u32 $0x20, s16;
	v6 =	vmul.f32 $3.200000000e+01, v6;
	v11 =	vld [tilespmem:s26+$0xE200];
	v8 =	vadd.f32 v8, v4;
	[tilespmem:s25+$0x0] =	vst v5  }
0x57d: {  	s28 =	sor.u32 $0x10, s16;
	s23 =	sor.u32 s24, s14;
	v4 =	vadd.f32 v7, v4;
	v7 =	vmul.f32 $3.200000000e+01, v15;
	[tilespmem:s31+$0x0] =	vst v9;
	v5 =	vld [tilespmem:s13+$0x2200]  }
0x57e: {  	s7 =	sor.u32 s28, s14;
	v12 =	vld [tilespmem:s23+$0xE200];
	v6 =	vadd.f32 v6, v3;
	[tilespmem:s10+$0x0] =	vst v8;
	v8 =	vmul.f32 $3.200000000e+01, v14  }
0x57f: {  	v13 =	vmul.f32 $3.200000000e+01, v13;
	v9 =	vld [tilespmem:s7+$0xE200];
	[tilespmem:s29+$0x0] =	vst v4;
	v7 =	vadd.f32 v7, v3  }
0x580: {  	s5 =	sadd.s32 $0x4, s5;
	s1 =	sadd.s32 s3, s21;
	[tilespmem:s6+$0x0] =	vst v6;
	v4 =	vld [tilespmem:s26+$0x2200];
	v6 =	vadd.f32 v8, v3;
	v10 =	vmul.f32 $3.200000000e+01, v10  }
0x581: {  	s9 =	smov.u32 s20;
	s12 =	sadd.s32 s16, s1;
	s11 =	sadd.s32 s28, s1;
	v3 =	vld [tilespmem:s7+$0x2200];
	[tilespmem:s22+$0x0] =	vst v7;
	v7 =	vadd.f32 v13, v2  }
0x582: {  	v15 =	vld [tilespmem:s23+$0x2200];
	s10 =	smov.u32 s12;
	s12 =	smov.u32 s17;
	s17 =	rddreg [dreg:$0x15];
	[tilespmem:s15+$0x0] =	vst v6;
	v10 =	vadd.f32 v10, v5  }
0x583: {  	s20 =	sadd.s32 s24, s1;
	s0 =	sadd.s32 s3, s19;
	s3 =	sadd.s32 s3, s17;
	v8 =	vmul.f32 $3.200000000e+01, v11;
	[tilespmem:s4+$0x0] =	vst v7;
	v7 =	vld [tilespmem:s9+$0x0]  }
0x584: {  	s14 =	sadd.s32 s28, s0;
	s25 =	sadd.s32 s30, s1;
	s1 =	sadd.s32 s30, s3;
	v11 =	vld [tilespmem:s12+$0x0];
	v6 =	vmul.f32 $3.200000000e+01, v9;
	[tilespmem:s13+$0xE200] =	vst v10  }
0x585: {  	s18 =	sadd.s32 s24, s0;
	s31 =	sadd.s32 s16, s0;
	s0 =	sadd.s32 s30, s0;
	v9 =	vmul.f32 $3.200000000e+01, v12;
	v8 =	vadd.f32 v8, v4;
	v12 =	vld [tilespmem:s1+$0x0]  }
0x586: {  	p0 =	slt.u32 s5, $0x3C;
	v6 =	vadd.f32 v6, v3;
	v13 =	vld [tilespmem:s0+$0x0]  }
.Ltmp14:
0x587: {  	[tilespmem:s26+$0xE200] =	vst v8;
	v10 =	vld [tilespmem:s25+$0x0];
	(pc) =	sbr.rel @p0 .LBB2_31-.Ltmp14, $4  }
0x588: {  	v14 =	vadd.f32 v9, v15;
	v9 =	vld [tilespmem:s31+$0x0];
	[tilespmem:s7+$0xE200] =	vst v6;
	v6 =	vmul.f32 $3.200000000e+01, v7  }
0x589: {  	s2 =	sadd.s32 $0x200, s2;
	s29 =	sadd.s32 s16, s3;
	v16 =	vmul.f32 $3.200000000e+01, v11;
	v8 =	vld [tilespmem:s10+$0x0]  }
0x58a: {  	s8 =	sadd.s32 $0x40, s8;
	s6 =	smov.u32 s14;
	s22 =	smov.u32 s11;
	[tilespmem:s23+$0xE200] =	vst v14;
	v7 =	vld [tilespmem:s29+$0x0];
	v14 =	vadd.f32 v6, v2  }
0x58b: {  	s17 =	sadd.s32 s24, s3;
	s4 =	smov.u32 s18;
	s15 =	sadd.s32 s28, s3;
	v6 =	vld [tilespmem:s6+$0x0];
	v12 =	vmul.f32 $3.200000000e+01, v12;
	v11 =	vmul.f32 $3.200000000e+01, v13;
	v13 =	vadd.f32 v16, v2;
	v2 =	vmovc v15  }
0x58c: {  	_ = 	snop  }
0x58d: {  	v15 =	vld [tilespmem:s4+$0x0];
	[tilespmem:s9+$0x0] =	vst v14;
	v10 =	vmul.f32 $3.200000000e+01, v10;
	v12 =	vadd.f32 v12, v5  }
0x58e: {  	v52 =	vld [tilespmem:s22+$0x0];
	[tilespmem:s12+$0x0] =	vst v13;
	v9 =	vmul.f32 $3.200000000e+01, v9;
	v11 =	vadd.f32 v11, v5  }
0x58f: {  	v53 =	vld [tilespmem:s15+$0x0];
	v8 =	vmul.f32 $3.200000000e+01, v8;
	v54 =	vadd.f32 v10, v5;
	[tilespmem:s1+$0x0] =	vst v12  }
0x590: {  	v9 =	vadd.f32 v9, v4;
	v7 =	vmul.f32 $3.200000000e+01, v7;
	[tilespmem:s0+$0x0] =	vst v11  }
0x591: {  	v8 =	vadd.f32 v8, v4;
	v6 =	vmul.f32 $3.200000000e+01, v6;
	[tilespmem:s25+$0x0] =	vst v54  }
0x592: {  	v15 =	vmul.f32 $3.200000000e+01, v15;
	[tilespmem:s31+$0x0] =	vst v9;
	v57 =	vadd.f32 v7, v4  }
0x593: {  	v58 =	vmul.f32 $3.200000000e+01, v52;
	[tilespmem:s10+$0x0] =	vst v8;
	v6 =	vadd.f32 v6, v3  }
0x594: {  	v59 =	vmul.f32 $3.200000000e+01, v53;
	v51 =	vadd.f32 v15, v2;
	[tilespmem:s29+$0x0] =	vst v57  }
0x595: {  	v60 =	vadd.f32 v58, v3;
	[tilespmem:s6+$0x0] =	vst v6  }
0x596: {  	v3 =	vadd.f32 v59, v3;
	[tilespmem:s4+$0x0] =	vst v51  }
0x597: {  	[tilespmem:s22+$0x0] =	vst v60  }
0x598: {  	v55 =	vld [tilespmem:s20+$0x0];
	[tilespmem:s15+$0x0] =	vst v3  }
0x599: {  	v56 =	vld [tilespmem:s17+$0x0];
	s0 =	sld [smem:$0x7CF];
	_ =	sdelay $0x2  }
0x59a: {  	s0 =	sadd.s32 $0x1, s0  }
0x59b: {  	v61 =	vmul.f32 $3.200000000e+01, v55;
	p0 =	sne.s32 s0, $0x8  }
.Ltmp15:
0x59c: {  	v62 =	vmul.f32 $3.200000000e+01, v56;
	(pc) =	sbr.rel @p0 .LBB2_30-.Ltmp15, $4  }
0x59d: {  	v63 =	vadd.f32 v61, v2  }
0x59e: {  	v2 =	vadd.f32 v62, v2  }
0x59f: {  	[tilespmem:s20+$0x0] =	vst v63  }
0x5a0: {  	[tilespmem:s17+$0x0] =	vst v2  }
0x5a1: {  	s0 =	sld [smem:$0x7E1];
	_ =	sdelay $0x1  }
0x5a2: {  	s9 =	simm.s32 $0x0;
	s6 =	simm.s32 $0xE200;
	s25 =	sld [smem:$0x7FB]  }
0x5a3: {  	[hbm4b:s0+s9] =	stream.linear.scatter [tilespmem:s6], [sflag:$0x8], $0x2000, $0x38;
	[tilespmem:$0x1E200] =	vst v63  }
0x5a4: {  	s7 =	simm.s32 $0x10200;
	s26 =	sld [smem:$0x7FC]  }
0x5a5: {  	[hbm4b:s25+s9] =	stream.linear.scatter [tilespmem:s7], [sflag:$0x8], $0x2000, $0x38;
	[tilespmem:$0x1E200] =	vst v63  }
0x5a6: {  	s8 =	simm.s32 $0x12200;
	s28 =	sld [smem:$0x7FD]  }
0x5a7: {  	[hbm4b:s26+s9] =	stream.linear.scatter [tilespmem:s8], [sflag:$0x8], $0x2000, $0x38;
	[tilespmem:$0x1E200] =	vst v63  }
0x5a8: {  	s10 =	simm.s32 $0x14200;
	s29 =	simm.s32 $0x7  }
0x5a9: {  	[hbm4b:s28+s9] =	stream.linear.scatter [tilespmem:s10], [sflag:$0x8], $0x2000, $0x38;
	[tilespmem:$0x1E200] =	vst v63  }
0x5aa: {  	_ =	swait.ge [sflag:s29], $0x2000  }
0x5ab: {  	[sflag:s29] =	ssyncset.done $0x0  }
0x5ac: {  	[sflag:s29] =	ssyncadd.s32 $0xFFFFE000  }
0x5ad: {  	_ =	swait.ge [sflag:s29], $0x2000  }
0x5ae: {  	[sflag:s29] =	ssyncset.done $0x0  }
0x5af: {  	[sflag:s29] =	ssyncadd.s32 $0xFFFFE000  }
0x5b0: {  	_ =	swait.ge [sflag:s29], $0x2000  }
0x5b1: {  	[sflag:s29] =	ssyncset.done $0x0  }
0x5b2: {  	[sflag:s29] =	ssyncadd.s32 $0xFFFFE000  }
0x5b3: {  	_ =	swait.ge [sflag:s29], $0x2000  }
0x5b4: {  	[sflag:s29] =	ssyncset.done $0x0  }
0x5b5: {  	s30 =	simm.s32 $0x8;
	[sflag:s29] =	ssyncadd.s32 $0xFFFFE000  }
0x5b6: {  	_ =	swait.ge [sflag:s30], $0x2000  }
0x5b7: {  	[sflag:s30] =	ssyncset.done $0x0  }
0x5b8: {  	[sflag:s30] =	ssyncadd.s32 $0xFFFFE000  }
0x5b9: {  	_ =	swait.ge [sflag:s30], $0x2000  }
0x5ba: {  	[sflag:s30] =	ssyncset.done $0x0  }
0x5bb: {  	[sflag:s30] =	ssyncadd.s32 $0xFFFFE000  }
0x5bc: {  	_ =	swait.ge [sflag:s30], $0x2000  }
0x5bd: {  	[sflag:s30] =	ssyncset.done $0x0  }
0x5be: {  	[sflag:s30] =	ssyncadd.s32 $0xFFFFE000  }
0x5bf: {  	_ =	swait.ge [sflag:s30], $0x2000  }
0x5c0: {  	[sflag:s30] =	ssyncset.done $0x0  }
0x5c1: {  	s1 =	simm.s32 $0x9;
	[sflag:s30] =	ssyncadd.s32 $0xFFFFE000  }
0x5c2: {  	_ =	swait.ge [sflag:s1], $0x2000  }
0x5c3: {  	[sflag:s1] =	ssyncset.done $0x0  }
0x5c4: {  	[sflag:s1] =	ssyncadd.s32 $0xFFFFE000  }
0x5c5: {  	_ =	swait.ge [sflag:s1], $0x2000  }
0x5c6: {  	[sflag:s1] =	ssyncset.done $0x0  }
0x5c7: {  	[sflag:s1] =	ssyncadd.s32 $0xFFFFE000  }
0x5c8: {  	_ =	swait.ge [sflag:s1], $0x2000  }
0x5c9: {  	[sflag:s1] =	ssyncset.done $0x0  }
0x5ca: {  	[sflag:s1] =	ssyncadd.s32 $0xFFFFE000  }
0x5cb: {  	_ =	swait.ge [sflag:s1], $0x2000  }
0x5cc: {  	s2 =	sld [smem:$0x7D7]  }
0x5cd: {  	s31 =	sld [smem:$0x7E3];
	_ =	sdelay $0x1  }
0x5ce: {  	s2 =	sadd.s32 $0x1, s2  }
0x5cf: {  	p0 =	sne.s32 s2, s31  }
.Ltmp16:
0x5d0: {  	_ = 	snop;
	(pc) =	sbr.rel @p0 .LBB2_1-.Ltmp16, $3  }
0x5d1: {  	_ =	sdelay $0x1  }
0x5d2: {  	[sflag:s1] =	ssyncset.done $0x0  }
0x5d3: {  	[sflag:s1] =	ssyncadd.s32 $0xFFFFE000  }
0x5d4: {  	_ =	sfence.sel $0x180000  }
0x5d5: {  	[bflag:$0x0] =	sbarrier.arrive $0xFFFF  }
0x5d6: {  	_ =	strace $0x90000047  }
0x5d7: {  	s0 =	stileid.u32;
	[bflag:$0x2] =	sbarrier.arrive $0xFFFF  }
0x5d8: {  	p0 =	sne.s32 s0, $0x0;
	s0 =	rddreg [dreg:$0x4]  }
0x5d9: {  	s0 =	sadd.s32 @!p0 $0x100000, s0  }
0x5da: {  	[sflag:s0] =	ssyncadd.tile.s32 @!p0 $0x1;
	_ =	shalt  }
.Lfunc_end2:
_tile_overlayer_lowered:
.L_overlay_start_2:
0x5db: {  	(tag) =	ssettag $0x2  }
0x5dc: {  	s0 =	rddreg [dreg:$0x0];
	s2 =	stileid.u32  }
0x5dd: {  	s1 =	rddreg [dreg:$0x1];
	p0 =	sne.s32 s2, $0x0  }
0x5de: {  	s3 =	rddreg [dreg:$0x2];
	[bflag:$0x3] =	sbarrier.arrive $0xFFFF;
	s2 =	simm.s32 @!p0 $0x1C0A  }
0x5df: {  	[timem:s3], [sflag:s2] =	dma.local @!p0 [hbm:s0], s1  }
0x5e0: {  	s0 =	simm.s32 @!p0 $0xA  }
0x5e1: {  	_ =	swait.ge @!p0 [sflag:s0], s1  }
0x5e2: {  	s1 =	ssub.s32 @!p0 $0x0, s1;
	[sflag:s0] =	ssyncset.done @!p0 $0x0  }
0x5e3: {  	[sflag:s0] =	ssyncadd.s32 @!p0 s1  }
0x5e4: {  	[bflag:$0x3] =	sbarrier.arrive $0xFFFF  }
0x5e5: {  	_ =	shalt  }

</sc_bundles>
